<compile_context>
chip_gen: v7x
topology: tpu7x:2x2x1
jax: 0.10.2.dev20260603
libtpu: 0.0.44.dev20260713+nightly
codegen_flags: <defaults>
</compile_context>

<pallas_src>
import functools

import jax
import jax.numpy as jnp
from jax import lax
from jax.experimental import pallas as pl
from jax.experimental.pallas import tpu as pltpu
from jax.experimental.pallas import tpu_sc as plsc

_L = 16
_N = 32768
_NCHUNK = _N // _L
_NPAIR = _NCHUNK // 2
_R = 128
_NW = 32
_RPW = _R // _NW
_T = 30
_EPS = 6e-7
_FEPS = 3e-5
_U1 = 8
_U3 = 4
_GP = 8


def _splat(v):
    return jnp.full((_L,), v, dtype=jnp.float32)


def _bfly_max(v):
    idx = lax.iota(jnp.int32, _L)
    for sh in (8, 4, 2, 1):
        v = jnp.maximum(v, v[idx ^ sh])
    return v


def _bfly_sum(v):
    idx = lax.iota(jnp.int32, _L)
    for sh in (8, 4, 2, 1):
        v = v + v[idx ^ sh]
    return v


def _entmax_row(xbuf, obuf, cbuf, clist):
    lanes = lax.iota(jnp.int32, _L)
    pow2 = jnp.left_shift(jnp.ones((_L,), jnp.int32), lanes)

    def max_body(i, acc):
        for k in range(_U1):
            v = xbuf[pl.ds((i * _U1 + k) * _L, _L)] * 0.5
            xbuf[pl.ds((i * _U1 + k) * _L, _L)] = v
            acc = jnp.maximum(acc, v)
        return acc

    macc = lax.fori_loop(0, _NCHUNK // _U1, max_body, _splat(-jnp.inf))
    m = _bfly_max(macc)[0]
    thr = m - 1.0
    thrv = jnp.full((_L,), thr, dtype=jnp.float32)

    def filt_body(g, nl):
        vs = []
        cmv = _splat(-jnp.inf)
        for k in range(_GP):
            c0 = (g * _GP + k) * 2
            v0 = xbuf[pl.ds(c0 * _L, _L)]
            v1 = xbuf[pl.ds((c0 + 1) * _L, _L)]
            pm = _bfly_max(jnp.maximum(v0, v1))
            cmv = jnp.where(lanes == k, pm, cmv)
            vs.append((v0, v1))
        dirty = jnp.where(cmv > thrv, pow2, 0)
        bits = _bfly_sum(dirty)[0]
        for k in range(_GP):
            off = nl * (2 * _L)
            clist[pl.ds(nl, _L)] = jnp.full(
                (_L,), g * _GP + k, dtype=jnp.int32
            )
            cbuf[pl.ds(off, _L)] = vs[k][0]
            cbuf[pl.ds(off + _L, _L)] = vs[k][1]
            nl = nl + jnp.bitwise_and(jnp.right_shift(bits, k), 1)
        return nl

    nlist = lax.fori_loop(0, _NPAIR // _GP, filt_body, 0)
    clist[pl.ds(nlist, _L)] = jnp.full((_L,), _NPAIR, dtype=jnp.int32)
    for k in range(_U3):
        off = (nlist + k) * (2 * _L)
        cbuf[pl.ds(off, _L)] = _splat(-1e9)
        cbuf[pl.ds(off + _L, _L)] = _splat(-1e9)
    ntrip = (nlist + _U3 - 1) // _U3

    def newton_body(_, carry):
        lo, hi, tau, fdev = carry
        live_w = jnp.minimum(
            jnp.where((hi - lo)[0] > _EPS, 1.0, 0.0),
            jnp.where(fdev[0] > _FEPS, 1.0, 0.0),
        )
        live = live_w > 0.5
        ntrip_eff = jnp.where(live, ntrip, 0)

        def acc_body(i, ac):
            f0, f1, f2, f3, s0, s1 = ac
            off = i * (_U3 * 2 * _L)
            y0 = jnp.maximum(cbuf[pl.ds(off, _L)] - tau, 0.0)
            y1 = jnp.maximum(cbuf[pl.ds(off + _L, _L)] - tau, 0.0)
            y2 = jnp.maximum(cbuf[pl.ds(off + 2 * _L, _L)] - tau, 0.0)
            y3 = jnp.maximum(cbuf[pl.ds(off + 3 * _L, _L)] - tau, 0.0)
            y4 = jnp.maximum(cbuf[pl.ds(off + 4 * _L, _L)] - tau, 0.0)
            y5 = jnp.maximum(cbuf[pl.ds(off + 5 * _L, _L)] - tau, 0.0)
            y6 = jnp.maximum(cbuf[pl.ds(off + 6 * _L, _L)] - tau, 0.0)
            y7 = jnp.maximum(cbuf[pl.ds(off + 7 * _L, _L)] - tau, 0.0)
            f0 = f0 + y0 * y0 + y4 * y4
            f1 = f1 + y1 * y1 + y5 * y5
            f2 = f2 + y2 * y2 + y6 * y6
            f3 = f3 + y3 * y3 + y7 * y7
            s0 = s0 + y0 + y1 + y2 + y3
            s1 = s1 + y4 + y5 + y6 + y7
            return f0, f1, f2, f3, s0, s1

        z = _splat(0.0)
        f0, f1, f2, f3, s0, s1 = lax.fori_loop(
            0, ntrip_eff, acc_body, (z, z, z, z, z, z)
        )
        fv = _bfly_sum((f0 + f1) + (f2 + f3))
        sv = _bfly_sum(s0 + s1)
        gt = fv > 1.0
        lo2 = jnp.where(gt, tau, lo)
        hi2 = jnp.where(gt, hi, tau)
        tn = tau + (fv - 1.0) / (2.0 * sv)
        mid = 0.5 * (lo2 + hi2)
        tn = jnp.where((tn > lo2) & (tn < hi2), tn, mid)
        fd = jnp.abs(fv - 1.0)
        tn = jnp.where(fd < _FEPS, tau, tn)
        g = jnp.full((_L,), jnp.where(live, 1.0, 0.0), dtype=jnp.float32)
        return (
            lo + g * (lo2 - lo),
            hi + g * (hi2 - hi),
            tau + g * (tn - tau),
            fdev + g * (fd - fdev),
        )

    mv = jnp.full((_L,), m, dtype=jnp.float32)
    _, _, tau, _ = lax.fori_loop(
        0, _T, newton_body, (mv - 1.0, mv, mv - 0.5, _splat(1.0))
    )

    def out_body(g2, c):
        civ = clist[pl.ds(g2 * _L, _L)]
        for k in range(_L):
            j = g2 * _L + k
            ci = civ[k]
            off = j * (2 * _L)
            y0 = jnp.maximum(cbuf[pl.ds(off, _L)] - tau, 0.0)
            y1 = jnp.maximum(cbuf[pl.ds(off + _L, _L)] - tau, 0.0)
            obuf[pl.ds(ci * (2 * _L), _L)] = y0 * y0
            obuf[pl.ds(ci * (2 * _L) + _L, _L)] = y1 * y1
        return c

    p4trip = (nlist + _L - 1) // _L
    lax.fori_loop(0, p4trip, out_body, 0)
    return nlist


def _make_sc_kernel():
    mesh = plsc.VectorSubcoreMesh(core_axis_name="c", subcore_axis_name="s")

    @functools.partial(
        pl.kernel,
        mesh=mesh,
        out_type=jax.ShapeDtypeStruct((_R, _N), jnp.float32),
        scratch_types=[
            pltpu.VMEM((_N,), jnp.float32),
            pltpu.VMEM((_N + 2 * _L,), jnp.float32),
            pltpu.VMEM((_N + _L * (2 * _L),), jnp.float32),
            pltpu.VMEM((_NPAIR + _L,), jnp.int32),
        ],
    )
    def entmax_sc(scores, out, xbuf, obuf, cbuf, clist):
        wid = lax.axis_index("s") * 2 + lax.axis_index("c")

        def zero_body(i, c):
            for k in range(_U1):
                obuf[pl.ds((i * _U1 + k) * _L, _L)] = _splat(0.0)
            return c

        lax.fori_loop(0, (_N + 2 * _L) // (_U1 * _L), zero_body, 0)

        def row_body(r, c):
            row = wid * _RPW + r
            pltpu.sync_copy(scores.at[row], xbuf)
            nlist = _entmax_row(xbuf, obuf, cbuf, clist)
            pltpu.sync_copy(obuf.at[pl.ds(0, _N)], out.at[row])

            def rezero_body(g2, c2):
                civ = clist[pl.ds(g2 * _L, _L)]
                for k in range(_L):
                    ci = civ[k]
                    obuf[pl.ds(ci * (2 * _L), _L)] = _splat(0.0)
                    obuf[pl.ds(ci * (2 * _L) + _L, _L)] = _splat(0.0)
                return c2

            lax.fori_loop(0, (nlist + _L - 1) // _L, rezero_body, 0)
            return c

        lax.fori_loop(0, _RPW, row_body, 0)

    return entmax_sc


_entmax_sc = _make_sc_kernel()


def kernel(scores):
    return _entmax_sc(scores)

# --- scband reference (transcript-rebuilt; emitter-appended) ---
"""Pipeline reference for scband-grad-tree-54322746360310 (READ-ONLY COPY).

The authoritative reference and input builder live on the scoring server;
editing this copy changes nothing except your own understanding.
"""

import jax, jax.numpy as jnp
import numpy as np


def _entmax15_impl(inputs, axis=-1):
    # inputs: logits. Faithful port of the TF entmax15 forward.
    x = inputs / 2.0
    x = x - jnp.max(x, axis=axis, keepdims=True)
    n = x.shape[axis]
    # descending sort along axis (top_k over full axis)
    xs = jnp.flip(jnp.sort(x, axis=axis), axis=axis)
    rho = jnp.arange(1, n + 1, dtype=x.dtype)
    view = [1] * x.ndim
    view[axis] = -1
    rho = rho.reshape(view)
    mean = jnp.cumsum(xs, axis=axis) / rho
    mean_sq = jnp.cumsum(jnp.square(xs), axis=axis) / rho
    delta = (1.0 - rho * (mean_sq - jnp.square(mean))) / rho
    delta_nz = jax.nn.relu(delta)
    tau = mean - jnp.sqrt(delta_nz)
    support_size = jnp.sum((tau <= xs).astype(jnp.int32), axis=axis, keepdims=True)
    tau_star = jnp.take_along_axis(tau, support_size - 1, axis=axis)
    outputs_sqrt = jax.nn.relu(x - tau_star)
    outputs = jnp.square(outputs_sqrt)
    return outputs, outputs_sqrt


def setup_inputs(seed: int = 0) -> dict:
    key = jax.random.key(seed)
    scores = jax.random.normal(key, (128, 32768), dtype=jnp.float32)
    return {"scores": scores}


def reference(scores):
    # GradTree's sparse feature/split selection uses entmax15 as the top-k-style
    # masking activation over the score axis.
    out, _ = _entmax15_impl(scores, axis=-1)
    return out

if __name__ == "__main__":
    import jax
    _d = setup_inputs()
    print(jax.jit(kernel)(*tuple(_d.values())))

</pallas_src>

<mosaic_0001>
#map = affine_map<(d0, d1) -> (0, 0)>
module attributes {stable_mosaic.version = 14 : i64} {
  func.func @entmax_sc(%arg0: i32, %arg1: i32, %arg2: memref<128x32768xf32, #tpu.memory_space<hbm>>, %arg3: memref<128x32768xf32, #tpu.memory_space<hbm>>, %arg4: memref<32768xf32, #tpu.memory_space<vmem>>, %arg5: memref<32800xf32, #tpu.memory_space<vmem>>, %arg6: memref<33280xf32, #tpu.memory_space<vmem>>, %arg7: memref<1040xi32, #tpu.memory_space<vmem>>) attributes {dimension_semantics = [#tpu.dimension_semantics<core_parallel>, #tpu.dimension_semantics<subcore_parallel>], iteration_bounds = array<i64: 2, 16>, scalar_prefetch = 0 : i64, scratch_operands = 4 : i64, tpu.core_type = #tpu.core_type<sc_vector_subcore>, window_params = [{transform_indices = #map}, {transform_indices = #map}]} {
    %mul3A = arith.constant 2 : i32
    %mul3A_0 = arith.muli %arg1, %mul3A : i32
    %add3A = arith.addi %mul3A_0, %arg0 : i32
    %scan3A = arith.constant 0 : i32
    %scan3A_1 = arith.constant 0 : i32
    %scan3A_2 = arith.constant 256 : i32
    %scan3A_3 = arith.addi %scan3A_1, %scan3A_2 : i32
    %scan3A_4 = arith.constant 1 : i32
    scf.for %scan3A_12 = %scan3A_1 to %scan3A_3 step %scan3A_4  : i32 {
      %broadcast_in_dim3A = arith.constant 0.000000e+00 : f32
      %broadcast_in_dim3A_13 = vector.broadcast %broadcast_in_dim3A : f32 to vector<16xf32>
      %mul3A_14 = arith.constant 8 : i32
      %mul3A_15 = arith.muli %scan3A_12, %mul3A_14 : i32
      %add3A_16 = arith.constant 0 : i32
      %add3A_17 = arith.addi %mul3A_15, %add3A_16 : i32
      %mul3A_18 = arith.constant 16 : i32
      %mul3A_19 = arith.muli %add3A_17, %mul3A_18 : i32
      %swap3A = arith.index_cast %mul3A_19 : i32 to index
      %swap3A_20 = tpu.vector_load %arg5[%swap3A] {strides = array<i32>} : memref<32800xf32, #tpu.memory_space<vmem>>, vector<16xf32>,
      %swap3A_21 = vector.shape_cast %swap3A_20 : vector<16xf32> to vector<16xf32>
      %swap3A_22 = vector.shape_cast %broadcast_in_dim3A_13 : vector<16xf32> to vector<16xf32>
      tpu.vector_store %arg5[%swap3A], %swap3A_22 {strides = array<i32>} : memref<32800xf32, #tpu.memory_space<vmem>>, vector<16xf32>,
      %broadcast_in_dim3A_23 = arith.constant 0.000000e+00 : f32
      %broadcast_in_dim3A_24 = vector.broadcast %broadcast_in_dim3A_23 : f32 to vector<16xf32>
      %mul3A_25 = arith.constant 8 : i32
      %mul3A_26 = arith.muli %scan3A_12, %mul3A_25 : i32
      %add3A_27 = arith.constant 1 : i32
      %add3A_28 = arith.addi %mul3A_26, %add3A_27 : i32
      %mul3A_29 = arith.constant 16 : i32
      %mul3A_30 = arith.muli %add3A_28, %mul3A_29 : i32
      %swap3A_31 = arith.index_cast %mul3A_30 : i32 to index
      %swap3A_32 = tpu.vector_load %arg5[%swap3A_31] {strides = array<i32>} : memref<32800xf32, #tpu.memory_space<vmem>>, vector<16xf32>,
      %swap3A_33 = vector.shape_cast %swap3A_32 : vector<16xf32> to vector<16xf32>
      %swap3A_34 = vector.shape_cast %broadcast_in_dim3A_24 : vector<16xf32> to vector<16xf32>
      tpu.vector_store %arg5[%swap3A_31], %swap3A_34 {strides = array<i32>} : memref<32800xf32, #tpu.memory_space<vmem>>, vector<16xf32>,
      %broadcast_in_dim3A_35 = arith.constant 0.000000e+00 : f32
      %broadcast_in_dim3A_36 = vector.broadcast %broadcast_in_dim3A_35 : f32 to vector<16xf32>
      %mul3A_37 = arith.constant 8 : i32
      %mul3A_38 = arith.muli %scan3A_12, %mul3A_37 : i32
      %add3A_39 = arith.constant 2 : i32
      %add3A_40 = arith.addi %mul3A_38, %add3A_39 : i32
      %mul3A_41 = arith.constant 16 : i32
      %mul3A_42 = arith.muli %add3A_40, %mul3A_41 : i32
      %swap3A_43 = arith.index_cast %mul3A_42 : i32 to index
      %swap3A_44 = tpu.vector_load %arg5[%swap3A_43] {strides = array<i32>} : memref<32800xf32, #tpu.memory_space<vmem>>, vector<16xf32>,
      %swap3A_45 = vector.shape_cast %swap3A_44 : vector<16xf32> to vector<16xf32>
      %swap3A_46 = vector.shape_cast %broadcast_in_dim3A_36 : vector<16xf32> to vector<16xf32>
      tpu.vector_store %arg5[%swap3A_43], %swap3A_46 {strides = array<i32>} : memref<32800xf32, #tpu.memory_space<vmem>>, vector<16xf32>,
      %broadcast_in_dim3A_47 = arith.constant 0.000000e+00 : f32
      %broadcast_in_dim3A_48 = vector.broadcast %broadcast_in_dim3A_47 : f32 to vector<16xf32>
      %mul3A_49 = arith.constant 8 : i32
      %mul3A_50 = arith.muli %scan3A_12, %mul3A_49 : i32
      %add3A_51 = arith.constant 3 : i32
      %add3A_52 = arith.addi %mul3A_50, %add3A_51 : i32
      %mul3A_53 = arith.constant 16 : i32
      %mul3A_54 = arith.muli %add3A_52, %mul3A_53 : i32
      %swap3A_55 = arith.index_cast %mul3A_54 : i32 to index
      %swap3A_56 = tpu.vector_load %arg5[%swap3A_55] {strides = array<i32>} : memref<32800xf32, #tpu.memory_space<vmem>>, vector<16xf32>,
      %swap3A_57 = vector.shape_cast %swap3A_56 : vector<16xf32> to vector<16xf32>
      %swap3A_58 = vector.shape_cast %broadcast_in_dim3A_48 : vector<16xf32> to vector<16xf32>
      tpu.vector_store %arg5[%swap3A_55], %swap3A_58 {strides = array<i32>} : memref<32800xf32, #tpu.memory_space<vmem>>, vector<16xf32>,
      %broadcast_in_dim3A_59 = arith.constant 0.000000e+00 : f32
      %broadcast_in_dim3A_60 = vector.broadcast %broadcast_in_dim3A_59 : f32 to vector<16xf32>
      %mul3A_61 = arith.constant 8 : i32
      %mul3A_62 = arith.muli %scan3A_12, %mul3A_61 : i32
      %add3A_63 = arith.constant 4 : i32
      %add3A_64 = arith.addi %mul3A_62, %add3A_63 : i32
      %mul3A_65 = arith.constant 16 : i32
      %mul3A_66 = arith.muli %add3A_64, %mul3A_65 : i32
      %swap3A_67 = arith.index_cast %mul3A_66 : i32 to index
      %swap3A_68 = tpu.vector_load %arg5[%swap3A_67] {strides = array<i32>} : memref<32800xf32, #tpu.memory_space<vmem>>, vector<16xf32>,
      %swap3A_69 = vector.shape_cast %swap3A_68 : vector<16xf32> to vector<16xf32>
      %swap3A_70 = vector.shape_cast %broadcast_in_dim3A_60 : vector<16xf32> to vector<16xf32>
      tpu.vector_store %arg5[%swap3A_67], %swap3A_70 {strides = array<i32>} : memref<32800xf32, #tpu.memory_space<vmem>>, vector<16xf32>,
      %broadcast_in_dim3A_71 = arith.constant 0.000000e+00 : f32
      %broadcast_in_dim3A_72 = vector.broadcast %broadcast_in_dim3A_71 : f32 to vector<16xf32>
      %mul3A_73 = arith.constant 8 : i32
      %mul3A_74 = arith.muli %scan3A_12, %mul3A_73 : i32
      %add3A_75 = arith.constant 5 : i32
      %add3A_76 = arith.addi %mul3A_74, %add3A_75 : i32
      %mul3A_77 = arith.constant 16 : i32
      %mul3A_78 = arith.muli %add3A_76, %mul3A_77 : i32
      %swap3A_79 = arith.index_cast %mul3A_78 : i32 to index
      %swap3A_80 = tpu.vector_load %arg5[%swap3A_79] {strides = array<i32>} : memref<32800xf32, #tpu.memory_space<vmem>>, vector<16xf32>,
      %swap3A_81 = vector.shape_cast %swap3A_80 : vector<16xf32> to vector<16xf32>
      %swap3A_82 = vector.shape_cast %broadcast_in_dim3A_72 : vector<16xf32> to vector<16xf32>
      tpu.vector_store %arg5[%swap3A_79], %swap3A_82 {strides = array<i32>} : memref<32800xf32, #tpu.memory_space<vmem>>, vector<16xf32>,
      %broadcast_in_dim3A_83 = arith.constant 0.000000e+00 : f32
      %broadcast_in_dim3A_84 = vector.broadcast %broadcast_in_dim3A_83 : f32 to vector<16xf32>
      %mul3A_85 = arith.constant 8 : i32
      %mul3A_86 = arith.muli %scan3A_12, %mul3A_85 : i32
      %add3A_87 = arith.constant 6 : i32
      %add3A_88 = arith.addi %mul3A_86, %add3A_87 : i32
      %mul3A_89 = arith.constant 16 : i32
      %mul3A_90 = arith.muli %add3A_88, %mul3A_89 : i32
      %swap3A_91 = arith.index_cast %mul3A_90 : i32 to index
      %swap3A_92 = tpu.vector_load %arg5[%swap3A_91] {strides = array<i32>} : memref<32800xf32, #tpu.memory_space<vmem>>, vector<16xf32>,
      %swap3A_93 = vector.shape_cast %swap3A_92 : vector<16xf32> to vector<16xf32>
      %swap3A_94 = vector.shape_cast %broadcast_in_dim3A_84 : vector<16xf32> to vector<16xf32>
      tpu.vector_store %arg5[%swap3A_91], %swap3A_94 {strides = array<i32>} : memref<32800xf32, #tpu.memory_space<vmem>>, vector<16xf32>,
      %broadcast_in_dim3A_95 = arith.constant 0.000000e+00 : f32
      %broadcast_in_dim3A_96 = vector.broadcast %broadcast_in_dim3A_95 : f32 to vector<16xf32>
      %mul3A_97 = arith.constant 8 : i32
      %mul3A_98 = arith.muli %scan3A_12, %mul3A_97 : i32
      %add3A_99 = arith.constant 7 : i32
      %add3A_100 = arith.addi %mul3A_98, %add3A_99 : i32
      %mul3A_101 = arith.constant 16 : i32
      %mul3A_102 = arith.muli %add3A_100, %mul3A_101 : i32
      %swap3A_103 = arith.index_cast %mul3A_102 : i32 to index
      %swap3A_104 = tpu.vector_load %arg5[%swap3A_103] {strides = array<i32>} : memref<32800xf32, #tpu.memory_space<vmem>>, vector<16xf32>,
      %swap3A_105 = vector.shape_cast %swap3A_104 : vector<16xf32> to vector<16xf32>
      %swap3A_106 = vector.shape_cast %broadcast_in_dim3A_96 : vector<16xf32> to vector<16xf32>
      tpu.vector_store %arg5[%swap3A_103], %swap3A_106 {strides = array<i32>} : memref<32800xf32, #tpu.memory_space<vmem>>, vector<16xf32>,
    }
    %scan3A_5 = arith.constant 256 : i32
    %scan3A_6 = arith.constant 0 : i32
    %scan3A_7 = arith.constant 0 : i32
    %scan3A_8 = arith.constant 4 : i32
    %scan3A_9 = arith.addi %scan3A_7, %scan3A_8 : i32
    %scan3A_10 = arith.constant 1 : i32
    scf.for %scan3A_12 = %scan3A_7 to %scan3A_9 step %scan3A_10  : i32 {
      %mul3A_13 = arith.constant 4 : i32
      %mul3A_14 = arith.muli %add3A, %mul3A_13 : i32
      %add3A_15 = arith.addi %mul3A_14, %scan3A_12 : i32
      "tpu.region"() ({
        %run_scoped3A = tpu.sem_alloc : memref<!tpu.dma_semaphore, #tpu.memory_space<semaphore_mem>>
        %dma_start3A = arith.constant 0 : i32
        %dma_start3A_275 = tpu.memref_slice %arg2[%add3A_15, %dma_start3A] : memref<128x32768xf32, #tpu.memory_space<hbm>> -> memref<1x32768xf32, #tpu.memory_space<hbm>>
        %dma_start3A_276 = tpu.memref_squeeze %dma_start3A_275 : memref<1x32768xf32, #tpu.memory_space<hbm>> -> memref<32768xf32, #tpu.memory_space<hbm>>
        %dma_start3A_277 = arith.constant 0 : i32
        %dma_start3A_278 = tpu.memref_slice %arg2[%add3A_15, %dma_start3A_277] : memref<128x32768xf32, #tpu.memory_space<hbm>> -> memref<1x32768xf32, #tpu.memory_space<hbm>>
        %dma_start3A_279 = tpu.memref_squeeze %dma_start3A_278 : memref<1x32768xf32, #tpu.memory_space<hbm>> -> memref<32768xf32, #tpu.memory_space<hbm>>
        tpu.enqueue_dma source(%dma_start3A_279 : memref<32768xf32, #tpu.memory_space<hbm>>) target(%arg4 : memref<32768xf32, #tpu.memory_space<vmem>>) target_semaphore(%run_scoped3A : memref<!tpu.dma_semaphore, #tpu.memory_space<semaphore_mem>>)
        %dma_wait3A = arith.constant 0 : i32
        %dma_wait3A_280 = tpu.memref_slice %arg2[%add3A_15, %dma_wait3A] : memref<128x32768xf32, #tpu.memory_space<hbm>> -> memref<1x32768xf32, #tpu.memory_space<hbm>>
        %dma_wait3A_281 = tpu.memref_squeeze %dma_wait3A_280 : memref<1x32768xf32, #tpu.memory_space<hbm>> -> memref<32768xf32, #tpu.memory_space<hbm>>
        %dma_wait3A_282 = arith.constant 0 : i32
        %dma_wait3A_283 = tpu.memref_slice %arg2[%add3A_15, %dma_wait3A_282] : memref<128x32768xf32, #tpu.memory_space<hbm>> -> memref<1x32768xf32, #tpu.memory_space<hbm>>
        %dma_wait3A_284 = tpu.memref_squeeze %dma_wait3A_283 : memref<1x32768xf32, #tpu.memory_space<hbm>> -> memref<32768xf32, #tpu.memory_space<hbm>>
        tpu.wait_dma2 semaphore(%run_scoped3A : memref<!tpu.dma_semaphore, #tpu.memory_space<semaphore_mem>>) src(%dma_wait3A_284 : memref<32768xf32, #tpu.memory_space<hbm>>) dst(%arg4 : memref<32768xf32, #tpu.memory_space<vmem>>)
        tpu.yield
      }) : () -> ()
      %iota3A = tpu.iota {dimensions = array<i32: 0>} : vector<16xi32>
      %broadcast_in_dim3A = arith.constant 1 : i32
      %broadcast_in_dim3A_16 = vector.broadcast %broadcast_in_dim3A : i32 to vector<16xi32>
      %shift_left3A = arith.shli %broadcast_in_dim3A_16, %iota3A : vector<16xi32>
      %broadcast_in_dim3A_17 = arith.constant 0xFF800000 : f32
      %broadcast_in_dim3A_18 = vector.broadcast %broadcast_in_dim3A_17 : f32 to vector<16xf32>
      %scan3A_19 = arith.constant 0 : i32
      %scan3A_20 = arith.constant 256 : i32
      %scan3A_21 = arith.addi %scan3A_19, %scan3A_20 : i32
      %scan3A_22 = arith.constant 1 : i32
      %scan3A_23 = scf.for %scan3A_275 = %scan3A_19 to %scan3A_21 step %scan3A_22 iter_args(%scan3A_276 = %broadcast_in_dim3A_18) -> (vector<16xf32>)  : i32 {
        %mul3A_277 = arith.constant 8 : i32
        %mul3A_278 = arith.muli %scan3A_275, %mul3A_277 : i32
        %add3A_279 = arith.constant 0 : i32
        %add3A_280 = arith.addi %mul3A_278, %add3A_279 : i32
        %mul3A_281 = arith.constant 16 : i32
        %mul3A_282 = arith.muli %add3A_280, %mul3A_281 : i32
        %get3A = arith.index_cast %mul3A_282 : i32 to index
        %get3A_283 = tpu.vector_load %arg4[%get3A] {strides = array<i32>} : memref<32768xf32, #tpu.memory_space<vmem>>, vector<16xf32>,
        %get3A_284 = vector.shape_cast %get3A_283 : vector<16xf32> to vector<16xf32>
        %mul3A_285 = arith.constant 5.000000e-01 : f32
        %mul3A_286 = vector.broadcast %mul3A_285 : f32 to vector<16xf32>
        %mul3A_287 = arith.mulf %get3A_284, %mul3A_286 : vector<16xf32>
        %mul3A_288 = arith.constant 8 : i32
        %mul3A_289 = arith.muli %scan3A_275, %mul3A_288 : i32
        %add3A_290 = arith.constant 0 : i32
        %add3A_291 = arith.addi %mul3A_289, %add3A_290 : i32
        %mul3A_292 = arith.constant 16 : i32
        %mul3A_293 = arith.muli %add3A_291, %mul3A_292 : i32
        %swap3A_294 = arith.index_cast %mul3A_293 : i32 to index
        %swap3A_295 = tpu.vector_load %arg4[%swap3A_294] {strides = array<i32>} : memref<32768xf32, #tpu.memory_space<vmem>>, vector<16xf32>,
        %swap3A_296 = vector.shape_cast %swap3A_295 : vector<16xf32> to vector<16xf32>
        %swap3A_297 = vector.shape_cast %mul3A_287 : vector<16xf32> to vector<16xf32>
        tpu.vector_store %arg4[%swap3A_294], %swap3A_297 {strides = array<i32>} : memref<32768xf32, #tpu.memory_space<vmem>>, vector<16xf32>,
        %max3A_298 = arith.maximumf %scan3A_276, %mul3A_287 : vector<16xf32>
        %mul3A_299 = arith.constant 8 : i32
        %mul3A_300 = arith.muli %scan3A_275, %mul3A_299 : i32
        %add3A_301 = arith.constant 1 : i32
        %add3A_302 = arith.addi %mul3A_300, %add3A_301 : i32
        %mul3A_303 = arith.constant 16 : i32
        %mul3A_304 = arith.muli %add3A_302, %mul3A_303 : i32
        %get3A_305 = arith.index_cast %mul3A_304 : i32 to index
        %get3A_306 = tpu.vector_load %arg4[%get3A_305] {strides = array<i32>} : memref<32768xf32, #tpu.memory_space<vmem>>, vector<16xf32>,
        %get3A_307 = vector.shape_cast %get3A_306 : vector<16xf32> to vector<16xf32>
        %mul3A_308 = arith.constant 5.000000e-01 : f32
        %mul3A_309 = vector.broadcast %mul3A_308 : f32 to vector<16xf32>
        %mul3A_310 = arith.mulf %get3A_307, %mul3A_309 : vector<16xf32>
        %mul3A_311 = arith.constant 8 : i32
        %mul3A_312 = arith.muli %scan3A_275, %mul3A_311 : i32
        %add3A_313 = arith.constant 1 : i32
        %add3A_314 = arith.addi %mul3A_312, %add3A_313 : i32
        %mul3A_315 = arith.constant 16 : i32
        %mul3A_316 = arith.muli %add3A_314, %mul3A_315 : i32
        %swap3A_317 = arith.index_cast %mul3A_316 : i32 to index
        %swap3A_318 = tpu.vector_load %arg4[%swap3A_317] {strides = array<i32>} : memref<32768xf32, #tpu.memory_space<vmem>>, vector<16xf32>,
        %swap3A_319 = vector.shape_cast %swap3A_318 : vector<16xf32> to vector<16xf32>
        %swap3A_320 = vector.shape_cast %mul3A_310 : vector<16xf32> to vector<16xf32>
        tpu.vector_store %arg4[%swap3A_317], %swap3A_320 {strides = array<i32>} : memref<32768xf32, #tpu.memory_space<vmem>>, vector<16xf32>,
        %max3A_321 = arith.maximumf %max3A_298, %mul3A_310 : vector<16xf32>
        %mul3A_322 = arith.constant 8 : i32
        %mul3A_323 = arith.muli %scan3A_275, %mul3A_322 : i32
        %add3A_324 = arith.constant 2 : i32
        %add3A_325 = arith.addi %mul3A_323, %add3A_324 : i32
        %mul3A_326 = arith.constant 16 : i32
        %mul3A_327 = arith.muli %add3A_325, %mul3A_326 : i32
        %get3A_328 = arith.index_cast %mul3A_327 : i32 to index
        %get3A_329 = tpu.vector_load %arg4[%get3A_328] {strides = array<i32>} : memref<32768xf32, #tpu.memory_space<vmem>>, vector<16xf32>,
        %get3A_330 = vector.shape_cast %get3A_329 : vector<16xf32> to vector<16xf32>
        %mul3A_331 = arith.constant 5.000000e-01 : f32
        %mul3A_332 = vector.broadcast %mul3A_331 : f32 to vector<16xf32>
        %mul3A_333 = arith.mulf %get3A_330, %mul3A_332 : vector<16xf32>
        %mul3A_334 = arith.constant 8 : i32
        %mul3A_335 = arith.muli %scan3A_275, %mul3A_334 : i32
        %add3A_336 = arith.constant 2 : i32
        %add3A_337 = arith.addi %mul3A_335, %add3A_336 : i32
        %mul3A_338 = arith.constant 16 : i32
        %mul3A_339 = arith.muli %add3A_337, %mul3A_338 : i32
        %swap3A_340 = arith.index_cast %mul3A_339 : i32 to index
        %swap3A_341 = tpu.vector_load %arg4[%swap3A_340] {strides = array<i32>} : memref<32768xf32, #tpu.memory_space<vmem>>, vector<16xf32>,
        %swap3A_342 = vector.shape_cast %swap3A_341 : vector<16xf32> to vector<16xf32>
        %swap3A_343 = vector.shape_cast %mul3A_333 : vector<16xf32> to vector<16xf32>
        tpu.vector_store %arg4[%swap3A_340], %swap3A_343 {strides = array<i32>} : memref<32768xf32, #tpu.memory_space<vmem>>, vector<16xf32>,
        %max3A_344 = arith.maximumf %max3A_321, %mul3A_333 : vector<16xf32>
        %mul3A_345 = arith.constant 8 : i32
        %mul3A_346 = arith.muli %scan3A_275, %mul3A_345 : i32
        %add3A_347 = arith.constant 3 : i32
        %add3A_348 = arith.addi %mul3A_346, %add3A_347 : i32
        %mul3A_349 = arith.constant 16 : i32
        %mul3A_350 = arith.muli %add3A_348, %mul3A_349 : i32
        %get3A_351 = arith.index_cast %mul3A_350 : i32 to index
        %get3A_352 = tpu.vector_load %arg4[%get3A_351] {strides = array<i32>} : memref<32768xf32, #tpu.memory_space<vmem>>, vector<16xf32>,
        %get3A_353 = vector.shape_cast %get3A_352 : vector<16xf32> to vector<16xf32>
        %mul3A_354 = arith.constant 5.000000e-01 : f32
        %mul3A_355 = vector.broadcast %mul3A_354 : f32 to vector<16xf32>
        %mul3A_356 = arith.mulf %get3A_353, %mul3A_355 : vector<16xf32>
        %mul3A_357 = arith.constant 8 : i32
        %mul3A_358 = arith.muli %scan3A_275, %mul3A_357 : i32
        %add3A_359 = arith.constant 3 : i32
        %add3A_360 = arith.addi %mul3A_358, %add3A_359 : i32
        %mul3A_361 = arith.constant 16 : i32
        %mul3A_362 = arith.muli %add3A_360, %mul3A_361 : i32
        %swap3A_363 = arith.index_cast %mul3A_362 : i32 to index
        %swap3A_364 = tpu.vector_load %arg4[%swap3A_363] {strides = array<i32>} : memref<32768xf32, #tpu.memory_space<vmem>>, vector<16xf32>,
        %swap3A_365 = vector.shape_cast %swap3A_364 : vector<16xf32> to vector<16xf32>
        %swap3A_366 = vector.shape_cast %mul3A_356 : vector<16xf32> to vector<16xf32>
        tpu.vector_store %arg4[%swap3A_363], %swap3A_366 {strides = array<i32>} : memref<32768xf32, #tpu.memory_space<vmem>>, vector<16xf32>,
        %max3A_367 = arith.maximumf %max3A_344, %mul3A_356 : vector<16xf32>
        %mul3A_368 = arith.constant 8 : i32
        %mul3A_369 = arith.muli %scan3A_275, %mul3A_368 : i32
        %add3A_370 = arith.constant 4 : i32
        %add3A_371 = arith.addi %mul3A_369, %add3A_370 : i32
        %mul3A_372 = arith.constant 16 : i32
        %mul3A_373 = arith.muli %add3A_371, %mul3A_372 : i32
        %get3A_374 = arith.index_cast %mul3A_373 : i32 to index
        %get3A_375 = tpu.vector_load %arg4[%get3A_374] {strides = array<i32>} : memref<32768xf32, #tpu.memory_space<vmem>>, vector<16xf32>,
        %get3A_376 = vector.shape_cast %get3A_375 : vector<16xf32> to vector<16xf32>
        %mul3A_377 = arith.constant 5.000000e-01 : f32
        %mul3A_378 = vector.broadcast %mul3A_377 : f32 to vector<16xf32>
        %mul3A_379 = arith.mulf %get3A_376, %mul3A_378 : vector<16xf32>
        %mul3A_380 = arith.constant 8 : i32
        %mul3A_381 = arith.muli %scan3A_275, %mul3A_380 : i32
        %add3A_382 = arith.constant 4 : i32
        %add3A_383 = arith.addi %mul3A_381, %add3A_382 : i32
        %mul3A_384 = arith.constant 16 : i32
        %mul3A_385 = arith.muli %add3A_383, %mul3A_384 : i32
        %swap3A_386 = arith.index_cast %mul3A_385 : i32 to index
        %swap3A_387 = tpu.vector_load %arg4[%swap3A_386] {strides = array<i32>} : memref<32768xf32, #tpu.memory_space<vmem>>, vector<16xf32>,
        %swap3A_388 = vector.shape_cast %swap3A_387 : vector<16xf32> to vector<16xf32>
        %swap3A_389 = vector.shape_cast %mul3A_379 : vector<16xf32> to vector<16xf32>
        tpu.vector_store %arg4[%swap3A_386], %swap3A_389 {strides = array<i32>} : memref<32768xf32, #tpu.memory_space<vmem>>, vector<16xf32>,
        %max3A_390 = arith.maximumf %max3A_367, %mul3A_379 : vector<16xf32>
        %mul3A_391 = arith.constant 8 : i32
        %mul3A_392 = arith.muli %scan3A_275, %mul3A_391 : i32
        %add3A_393 = arith.constant 5 : i32
        %add3A_394 = arith.addi %mul3A_392, %add3A_393 : i32
        %mul3A_395 = arith.constant 16 : i32
        %mul3A_396 = arith.muli %add3A_394, %mul3A_395 : i32
        %get3A_397 = arith.index_cast %mul3A_396 : i32 to index
        %get3A_398 = tpu.vector_load %arg4[%get3A_397] {strides = array<i32>} : memref<32768xf32, #tpu.memory_space<vmem>>, vector<16xf32>,
        %get3A_399 = vector.shape_cast %get3A_398 : vector<16xf32> to vector<16xf32>
        %mul3A_400 = arith.constant 5.000000e-01 : f32
        %mul3A_401 = vector.broadcast %mul3A_400 : f32 to vector<16xf32>
        %mul3A_402 = arith.mulf %get3A_399, %mul3A_401 : vector<16xf32>
        %mul3A_403 = arith.constant 8 : i32
        %mul3A_404 = arith.muli %scan3A_275, %mul3A_403 : i32
        %add3A_405 = arith.constant 5 : i32
        %add3A_406 = arith.addi %mul3A_404, %add3A_405 : i32
        %mul3A_407 = arith.constant 16 : i32
        %mul3A_408 = arith.muli %add3A_406, %mul3A_407 : i32
        %swap3A_409 = arith.index_cast %mul3A_408 : i32 to index
        %swap3A_410 = tpu.vector_load %arg4[%swap3A_409] {strides = array<i32>} : memref<32768xf32, #tpu.memory_space<vmem>>, vector<16xf32>,
        %swap3A_411 = vector.shape_cast %swap3A_410 : vector<16xf32> to vector<16xf32>
        %swap3A_412 = vector.shape_cast %mul3A_402 : vector<16xf32> to vector<16xf32>
        tpu.vector_store %arg4[%swap3A_409], %swap3A_412 {strides = array<i32>} : memref<32768xf32, #tpu.memory_space<vmem>>, vector<16xf32>,
        %max3A_413 = arith.maximumf %max3A_390, %mul3A_402 : vector<16xf32>
        %mul3A_414 = arith.constant 8 : i32
        %mul3A_415 = arith.muli %scan3A_275, %mul3A_414 : i32
        %add3A_416 = arith.constant 6 : i32
        %add3A_417 = arith.addi %mul3A_415, %add3A_416 : i32
        %mul3A_418 = arith.constant 16 : i32
        %mul3A_419 = arith.muli %add3A_417, %mul3A_418 : i32
        %get3A_420 = arith.index_cast %mul3A_419 : i32 to index
        %get3A_421 = tpu.vector_load %arg4[%get3A_420] {strides = array<i32>} : memref<32768xf32, #tpu.memory_space<vmem>>, vector<16xf32>,
        %get3A_422 = vector.shape_cast %get3A_421 : vector<16xf32> to vector<16xf32>
        %mul3A_423 = arith.constant 5.000000e-01 : f32
        %mul3A_424 = vector.broadcast %mul3A_423 : f32 to vector<16xf32>
        %mul3A_425 = arith.mulf %get3A_422, %mul3A_424 : vector<16xf32>
        %mul3A_426 = arith.constant 8 : i32
        %mul3A_427 = arith.muli %scan3A_275, %mul3A_426 : i32
        %add3A_428 = arith.constant 6 : i32
        %add3A_429 = arith.addi %mul3A_427, %add3A_428 : i32
        %mul3A_430 = arith.constant 16 : i32
        %mul3A_431 = arith.muli %add3A_429, %mul3A_430 : i32
        %swap3A_432 = arith.index_cast %mul3A_431 : i32 to index
        %swap3A_433 = tpu.vector_load %arg4[%swap3A_432] {strides = array<i32>} : memref<32768xf32, #tpu.memory_space<vmem>>, vector<16xf32>,
        %swap3A_434 = vector.shape_cast %swap3A_433 : vector<16xf32> to vector<16xf32>
        %swap3A_435 = vector.shape_cast %mul3A_425 : vector<16xf32> to vector<16xf32>
        tpu.vector_store %arg4[%swap3A_432], %swap3A_435 {strides = array<i32>} : memref<32768xf32, #tpu.memory_space<vmem>>, vector<16xf32>,
        %max3A_436 = arith.maximumf %max3A_413, %mul3A_425 : vector<16xf32>
        %mul3A_437 = arith.constant 8 : i32
        %mul3A_438 = arith.muli %scan3A_275, %mul3A_437 : i32
        %add3A_439 = arith.constant 7 : i32
        %add3A_440 = arith.addi %mul3A_438, %add3A_439 : i32
        %mul3A_441 = arith.constant 16 : i32
        %mul3A_442 = arith.muli %add3A_440, %mul3A_441 : i32
        %get3A_443 = arith.index_cast %mul3A_442 : i32 to index
        %get3A_444 = tpu.vector_load %arg4[%get3A_443] {strides = array<i32>} : memref<32768xf32, #tpu.memory_space<vmem>>, vector<16xf32>,
        %get3A_445 = vector.shape_cast %get3A_444 : vector<16xf32> to vector<16xf32>
        %mul3A_446 = arith.constant 5.000000e-01 : f32
        %mul3A_447 = vector.broadcast %mul3A_446 : f32 to vector<16xf32>
        %mul3A_448 = arith.mulf %get3A_445, %mul3A_447 : vector<16xf32>
        %mul3A_449 = arith.constant 8 : i32
        %mul3A_450 = arith.muli %scan3A_275, %mul3A_449 : i32
        %add3A_451 = arith.constant 7 : i32
        %add3A_452 = arith.addi %mul3A_450, %add3A_451 : i32
        %mul3A_453 = arith.constant 16 : i32
        %mul3A_454 = arith.muli %add3A_452, %mul3A_453 : i32
        %swap3A_455 = arith.index_cast %mul3A_454 : i32 to index
        %swap3A_456 = tpu.vector_load %arg4[%swap3A_455] {strides = array<i32>} : memref<32768xf32, #tpu.memory_space<vmem>>, vector<16xf32>,
        %swap3A_457 = vector.shape_cast %swap3A_456 : vector<16xf32> to vector<16xf32>
        %swap3A_458 = vector.shape_cast %mul3A_448 : vector<16xf32> to vector<16xf32>
        tpu.vector_store %arg4[%swap3A_455], %swap3A_458 {strides = array<i32>} : memref<32768xf32, #tpu.memory_space<vmem>>, vector<16xf32>,
        %max3A_459 = arith.maximumf %max3A_436, %mul3A_448 : vector<16xf32>
        scf.yield %max3A_459 : vector<16xf32>
      }
      %scan3A_24 = arith.constant 256 : i32
      %iota3A_25 = tpu.iota {dimensions = array<i32: 0>} : vector<16xi32>
      %xor3A = arith.constant 8 : i32
      %xor3A_26 = vector.broadcast %xor3A : i32 to vector<16xi32>
      %xor3A_27 = arith.xori %iota3A_25, %xor3A_26 : vector<16xi32>
      %lt3A = arith.constant 0 : i32
      %lt3A_28 = vector.broadcast %lt3A : i32 to vector<16xi32>
      %lt3A_29 = arith.cmpi slt, %xor3A_27, %lt3A_28 : vector<16xi32>
      %add3A_30 = arith.constant 16 : i32
      %add3A_31 = vector.broadcast %add3A_30 : i32 to vector<16xi32>
      %add3A_32 = arith.addi %xor3A_27, %add3A_31 : vector<16xi32>
      %select_n3A = arith.select %lt3A_29, %add3A_32, %xor3A_27 : vector<16xi1>, vector<16xi32>
      %broadcast_in_dim3A_33 = vector.shape_cast %select_n3A : vector<16xi32> to vector<16x1xi32>
      %gather3A = vector.shape_cast %broadcast_in_dim3A_33 : vector<16x1xi32> to vector<16xi32>
      %gather3A_34 = tpu.dynamic_gather %scan3A_23[%gather3A] in [0] : vector<16xf32>, vector<16xi32> -> vector<16xf32>
      %max3A = arith.maximumf %scan3A_23, %gather3A_34 : vector<16xf32>
      %xor3A_35 = arith.constant 4 : i32
      %xor3A_36 = vector.broadcast %xor3A_35 : i32 to vector<16xi32>
      %xor3A_37 = arith.xori %iota3A_25, %xor3A_36 : vector<16xi32>
      %lt3A_38 = arith.constant 0 : i32
      %lt3A_39 = vector.broadcast %lt3A_38 : i32 to vector<16xi32>
      %lt3A_40 = arith.cmpi slt, %xor3A_37, %lt3A_39 : vector<16xi32>
      %add3A_41 = arith.constant 16 : i32
      %add3A_42 = vector.broadcast %add3A_41 : i32 to vector<16xi32>
      %add3A_43 = arith.addi %xor3A_37, %add3A_42 : vector<16xi32>
      %select_n3A_44 = arith.select %lt3A_40, %add3A_43, %xor3A_37 : vector<16xi1>, vector<16xi32>
      %broadcast_in_dim3A_45 = vector.shape_cast %select_n3A_44 : vector<16xi32> to vector<16x1xi32>
      %gather3A_46 = vector.shape_cast %broadcast_in_dim3A_45 : vector<16x1xi32> to vector<16xi32>
      %gather3A_47 = tpu.dynamic_gather %max3A[%gather3A_46] in [0] : vector<16xf32>, vector<16xi32> -> vector<16xf32>
      %max3A_48 = arith.maximumf %max3A, %gather3A_47 : vector<16xf32>
      %xor3A_49 = arith.constant 2 : i32
      %xor3A_50 = vector.broadcast %xor3A_49 : i32 to vector<16xi32>
      %xor3A_51 = arith.xori %iota3A_25, %xor3A_50 : vector<16xi32>
      %lt3A_52 = arith.constant 0 : i32
      %lt3A_53 = vector.broadcast %lt3A_52 : i32 to vector<16xi32>
      %lt3A_54 = arith.cmpi slt, %xor3A_51, %lt3A_53 : vector<16xi32>
      %add3A_55 = arith.constant 16 : i32
      %add3A_56 = vector.broadcast %add3A_55 : i32 to vector<16xi32>
      %add3A_57 = arith.addi %xor3A_51, %add3A_56 : vector<16xi32>
      %select_n3A_58 = arith.select %lt3A_54, %add3A_57, %xor3A_51 : vector<16xi1>, vector<16xi32>
      %broadcast_in_dim3A_59 = vector.shape_cast %select_n3A_58 : vector<16xi32> to vector<16x1xi32>
      %gather3A_60 = vector.shape_cast %broadcast_in_dim3A_59 : vector<16x1xi32> to vector<16xi32>
      %gather3A_61 = tpu.dynamic_gather %max3A_48[%gather3A_60] in [0] : vector<16xf32>, vector<16xi32> -> vector<16xf32>
      %max3A_62 = arith.maximumf %max3A_48, %gather3A_61 : vector<16xf32>
      %xor3A_63 = arith.constant 1 : i32
      %xor3A_64 = vector.broadcast %xor3A_63 : i32 to vector<16xi32>
      %xor3A_65 = arith.xori %iota3A_25, %xor3A_64 : vector<16xi32>
      %lt3A_66 = arith.constant 0 : i32
      %lt3A_67 = vector.broadcast %lt3A_66 : i32 to vector<16xi32>
      %lt3A_68 = arith.cmpi slt, %xor3A_65, %lt3A_67 : vector<16xi32>
      %add3A_69 = arith.constant 16 : i32
      %add3A_70 = vector.broadcast %add3A_69 : i32 to vector<16xi32>
      %add3A_71 = arith.addi %xor3A_65, %add3A_70 : vector<16xi32>
      %select_n3A_72 = arith.select %lt3A_68, %add3A_71, %xor3A_65 : vector<16xi1>, vector<16xi32>
      %broadcast_in_dim3A_73 = vector.shape_cast %select_n3A_72 : vector<16xi32> to vector<16x1xi32>
      %gather3A_74 = vector.shape_cast %broadcast_in_dim3A_73 : vector<16x1xi32> to vector<16xi32>
      %gather3A_75 = tpu.dynamic_gather %max3A_62[%gather3A_74] in [0] : vector<16xf32>, vector<16xi32> -> vector<16xf32>
      %max3A_76 = arith.maximumf %max3A_62, %gather3A_75 : vector<16xf32>
      %slice3A = vector.extract_strided_slice %max3A_76 {offsets = [0], sizes = [1], strides = [1]} : vector<16xf32> to vector<1xf32>
      %squeeze3A = vector.extract %slice3A[0] : f32 from vector<1xf32>
      %sub3A = arith.constant 1.000000e+00 : f32
      %sub3A_77 = arith.subf %squeeze3A, %sub3A : f32
      %broadcast_in_dim3A_78 = vector.broadcast %sub3A_77 : f32 to vector<16xf32>
      %scan3A_79 = arith.constant 0 : i32
      %scan3A_80 = arith.constant 0 : i32
      %scan3A_81 = arith.constant 128 : i32
      %scan3A_82 = arith.addi %scan3A_80, %scan3A_81 : i32
      %scan3A_83 = arith.constant 1 : i32
      %scan3A_84 = scf.for %scan3A_275 = %scan3A_80 to %scan3A_82 step %scan3A_83 iter_args(%scan3A_276 = %scan3A_79) -> (i32)  : i32 {
        %broadcast_in_dim3A_277 = arith.constant 0xFF800000 : f32
        %broadcast_in_dim3A_278 = vector.broadcast %broadcast_in_dim3A_277 : f32 to vector<16xf32>
        %mul3A_279 = arith.constant 8 : i32
        %mul3A_280 = arith.muli %scan3A_275, %mul3A_279 : i32
        %add3A_281 = arith.constant 0 : i32
        %add3A_282 = arith.addi %mul3A_280, %add3A_281 : i32
        %mul3A_283 = arith.constant 2 : i32
        %mul3A_284 = arith.muli %add3A_282, %mul3A_283 : i32
        %mul3A_285 = arith.constant 16 : i32
        %mul3A_286 = arith.muli %mul3A_284, %mul3A_285 : i32
        %get3A = arith.index_cast %mul3A_286 : i32 to index
        %get3A_287 = tpu.vector_load %arg4[%get3A] {strides = array<i32>} : memref<32768xf32, #tpu.memory_space<vmem>>, vector<16xf32>,
        %get3A_288 = vector.shape_cast %get3A_287 : vector<16xf32> to vector<16xf32>
        %add3A_289 = arith.constant 1 : i32
        %add3A_290 = arith.addi %mul3A_284, %add3A_289 : i32
        %mul3A_291 = arith.constant 16 : i32
        %mul3A_292 = arith.muli %add3A_290, %mul3A_291 : i32
        %get3A_293 = arith.index_cast %mul3A_292 : i32 to index
        %get3A_294 = tpu.vector_load %arg4[%get3A_293] {strides = array<i32>} : memref<32768xf32, #tpu.memory_space<vmem>>, vector<16xf32>,
        %get3A_295 = vector.shape_cast %get3A_294 : vector<16xf32> to vector<16xf32>
        %max3A_296 = arith.maximumf %get3A_288, %get3A_295 : vector<16xf32>
        %iota3A_297 = tpu.iota {dimensions = array<i32: 0>} : vector<16xi32>
        %xor3A_298 = arith.constant 8 : i32
        %xor3A_299 = vector.broadcast %xor3A_298 : i32 to vector<16xi32>
        %xor3A_300 = arith.xori %iota3A_297, %xor3A_299 : vector<16xi32>
        %lt3A_301 = arith.constant 0 : i32
        %lt3A_302 = vector.broadcast %lt3A_301 : i32 to vector<16xi32>
        %lt3A_303 = arith.cmpi slt, %xor3A_300, %lt3A_302 : vector<16xi32>
        %add3A_304 = arith.constant 16 : i32
        %add3A_305 = vector.broadcast %add3A_304 : i32 to vector<16xi32>
        %add3A_306 = arith.addi %xor3A_300, %add3A_305 : vector<16xi32>
        %select_n3A_307 = arith.select %lt3A_303, %add3A_306, %xor3A_300 : vector<16xi1>, vector<16xi32>
        %broadcast_in_dim3A_308 = vector.shape_cast %select_n3A_307 : vector<16xi32> to vector<16x1xi32>
        %gather3A_309 = vector.shape_cast %broadcast_in_dim3A_308 : vector<16x1xi32> to vector<16xi32>
        %gather3A_310 = tpu.dynamic_gather %max3A_296[%gather3A_309] in [0] : vector<16xf32>, vector<16xi32> -> vector<16xf32>
        %max3A_311 = arith.maximumf %max3A_296, %gather3A_310 : vector<16xf32>
        %xor3A_312 = arith.constant 4 : i32
        %xor3A_313 = vector.broadcast %xor3A_312 : i32 to vector<16xi32>
        %xor3A_314 = arith.xori %iota3A_297, %xor3A_313 : vector<16xi32>
        %lt3A_315 = arith.constant 0 : i32
        %lt3A_316 = vector.broadcast %lt3A_315 : i32 to vector<16xi32>
        %lt3A_317 = arith.cmpi slt, %xor3A_314, %lt3A_316 : vector<16xi32>
        %add3A_318 = arith.constant 16 : i32
        %add3A_319 = vector.broadcast %add3A_318 : i32 to vector<16xi32>
        %add3A_320 = arith.addi %xor3A_314, %add3A_319 : vector<16xi32>
        %select_n3A_321 = arith.select %lt3A_317, %add3A_320, %xor3A_314 : vector<16xi1>, vector<16xi32>
        %broadcast_in_dim3A_322 = vector.shape_cast %select_n3A_321 : vector<16xi32> to vector<16x1xi32>
        %gather3A_323 = vector.shape_cast %broadcast_in_dim3A_322 : vector<16x1xi32> to vector<16xi32>
        %gather3A_324 = tpu.dynamic_gather %max3A_311[%gather3A_323] in [0] : vector<16xf32>, vector<16xi32> -> vector<16xf32>
        %max3A_325 = arith.maximumf %max3A_311, %gather3A_324 : vector<16xf32>
        %xor3A_326 = arith.constant 2 : i32
        %xor3A_327 = vector.broadcast %xor3A_326 : i32 to vector<16xi32>
        %xor3A_328 = arith.xori %iota3A_297, %xor3A_327 : vector<16xi32>
        %lt3A_329 = arith.constant 0 : i32
        %lt3A_330 = vector.broadcast %lt3A_329 : i32 to vector<16xi32>
        %lt3A_331 = arith.cmpi slt, %xor3A_328, %lt3A_330 : vector<16xi32>
        %add3A_332 = arith.constant 16 : i32
        %add3A_333 = vector.broadcast %add3A_332 : i32 to vector<16xi32>
        %add3A_334 = arith.addi %xor3A_328, %add3A_333 : vector<16xi32>
        %select_n3A_335 = arith.select %lt3A_331, %add3A_334, %xor3A_328 : vector<16xi1>, vector<16xi32>
        %broadcast_in_dim3A_336 = vector.shape_cast %select_n3A_335 : vector<16xi32> to vector<16x1xi32>
        %gather3A_337 = vector.shape_cast %broadcast_in_dim3A_336 : vector<16x1xi32> to vector<16xi32>
        %gather3A_338 = tpu.dynamic_gather %max3A_325[%gather3A_337] in [0] : vector<16xf32>, vector<16xi32> -> vector<16xf32>
        %max3A_339 = arith.maximumf %max3A_325, %gather3A_338 : vector<16xf32>
        %xor3A_340 = arith.constant 1 : i32
        %xor3A_341 = vector.broadcast %xor3A_340 : i32 to vector<16xi32>
        %xor3A_342 = arith.xori %iota3A_297, %xor3A_341 : vector<16xi32>
        %lt3A_343 = arith.constant 0 : i32
        %lt3A_344 = vector.broadcast %lt3A_343 : i32 to vector<16xi32>
        %lt3A_345 = arith.cmpi slt, %xor3A_342, %lt3A_344 : vector<16xi32>
        %add3A_346 = arith.constant 16 : i32
        %add3A_347 = vector.broadcast %add3A_346 : i32 to vector<16xi32>
        %add3A_348 = arith.addi %xor3A_342, %add3A_347 : vector<16xi32>
        %select_n3A_349 = arith.select %lt3A_345, %add3A_348, %xor3A_342 : vector<16xi1>, vector<16xi32>
        %broadcast_in_dim3A_350 = vector.shape_cast %select_n3A_349 : vector<16xi32> to vector<16x1xi32>
        %gather3A_351 = vector.shape_cast %broadcast_in_dim3A_350 : vector<16x1xi32> to vector<16xi32>
        %gather3A_352 = tpu.dynamic_gather %max3A_339[%gather3A_351] in [0] : vector<16xf32>, vector<16xi32> -> vector<16xf32>
        %max3A_353 = arith.maximumf %max3A_339, %gather3A_352 : vector<16xf32>
        %eq3A = arith.constant 0 : i32
        %eq3A_354 = vector.broadcast %eq3A : i32 to vector<16xi32>
        %eq3A_355 = arith.cmpi eq, %iota3A, %eq3A_354 : vector<16xi32>
        %select_n3A_356 = arith.select %eq3A_355, %max3A_353, %broadcast_in_dim3A_278 : vector<16xi1>, vector<16xf32>
        %mul3A_357 = arith.constant 8 : i32
        %mul3A_358 = arith.muli %scan3A_275, %mul3A_357 : i32
        %add3A_359 = arith.constant 1 : i32
        %add3A_360 = arith.addi %mul3A_358, %add3A_359 : i32
        %mul3A_361 = arith.constant 2 : i32
        %mul3A_362 = arith.muli %add3A_360, %mul3A_361 : i32
        %mul3A_363 = arith.constant 16 : i32
        %mul3A_364 = arith.muli %mul3A_362, %mul3A_363 : i32
        %get3A_365 = arith.index_cast %mul3A_364 : i32 to index
        %get3A_366 = tpu.vector_load %arg4[%get3A_365] {strides = array<i32>} : memref<32768xf32, #tpu.memory_space<vmem>>, vector<16xf32>,
        %get3A_367 = vector.shape_cast %get3A_366 : vector<16xf32> to vector<16xf32>
        %add3A_368 = arith.constant 1 : i32
        %add3A_369 = arith.addi %mul3A_362, %add3A_368 : i32
        %mul3A_370 = arith.constant 16 : i32
        %mul3A_371 = arith.muli %add3A_369, %mul3A_370 : i32
        %get3A_372 = arith.index_cast %mul3A_371 : i32 to index
        %get3A_373 = tpu.vector_load %arg4[%get3A_372] {strides = array<i32>} : memref<32768xf32, #tpu.memory_space<vmem>>, vector<16xf32>,
        %get3A_374 = vector.shape_cast %get3A_373 : vector<16xf32> to vector<16xf32>
        %max3A_375 = arith.maximumf %get3A_367, %get3A_374 : vector<16xf32>
        %iota3A_376 = tpu.iota {dimensions = array<i32: 0>} : vector<16xi32>
        %xor3A_377 = arith.constant 8 : i32
        %xor3A_378 = vector.broadcast %xor3A_377 : i32 to vector<16xi32>
        %xor3A_379 = arith.xori %iota3A_376, %xor3A_378 : vector<16xi32>
        %lt3A_380 = arith.constant 0 : i32
        %lt3A_381 = vector.broadcast %lt3A_380 : i32 to vector<16xi32>
        %lt3A_382 = arith.cmpi slt, %xor3A_379, %lt3A_381 : vector<16xi32>
        %add3A_383 = arith.constant 16 : i32
        %add3A_384 = vector.broadcast %add3A_383 : i32 to vector<16xi32>
        %add3A_385 = arith.addi %xor3A_379, %add3A_384 : vector<16xi32>
        %select_n3A_386 = arith.select %lt3A_382, %add3A_385, %xor3A_379 : vector<16xi1>, vector<16xi32>
        %broadcast_in_dim3A_387 = vector.shape_cast %select_n3A_386 : vector<16xi32> to vector<16x1xi32>
        %gather3A_388 = vector.shape_cast %broadcast_in_dim3A_387 : vector<16x1xi32> to vector<16xi32>
        %gather3A_389 = tpu.dynamic_gather %max3A_375[%gather3A_388] in [0] : vector<16xf32>, vector<16xi32> -> vector<16xf32>
        %max3A_390 = arith.maximumf %max3A_375, %gather3A_389 : vector<16xf32>
        %xor3A_391 = arith.constant 4 : i32
        %xor3A_392 = vector.broadcast %xor3A_391 : i32 to vector<16xi32>
        %xor3A_393 = arith.xori %iota3A_376, %xor3A_392 : vector<16xi32>
        %lt3A_394 = arith.constant 0 : i32
        %lt3A_395 = vector.broadcast %lt3A_394 : i32 to vector<16xi32>
        %lt3A_396 = arith.cmpi slt, %xor3A_393, %lt3A_395 : vector<16xi32>
        %add3A_397 = arith.constant 16 : i32
        %add3A_398 = vector.broadcast %add3A_397 : i32 to vector<16xi32>
        %add3A_399 = arith.addi %xor3A_393, %add3A_398 : vector<16xi32>
        %select_n3A_400 = arith.select %lt3A_396, %add3A_399, %xor3A_393 : vector<16xi1>, vector<16xi32>
        %broadcast_in_dim3A_401 = vector.shape_cast %select_n3A_400 : vector<16xi32> to vector<16x1xi32>
        %gather3A_402 = vector.shape_cast %broadcast_in_dim3A_401 : vector<16x1xi32> to vector<16xi32>
        %gather3A_403 = tpu.dynamic_gather %max3A_390[%gather3A_402] in [0] : vector<16xf32>, vector<16xi32> -> vector<16xf32>
        %max3A_404 = arith.maximumf %max3A_390, %gather3A_403 : vector<16xf32>
        %xor3A_405 = arith.constant 2 : i32
        %xor3A_406 = vector.broadcast %xor3A_405 : i32 to vector<16xi32>
        %xor3A_407 = arith.xori %iota3A_376, %xor3A_406 : vector<16xi32>
        %lt3A_408 = arith.constant 0 : i32
        %lt3A_409 = vector.broadcast %lt3A_408 : i32 to vector<16xi32>
        %lt3A_410 = arith.cmpi slt, %xor3A_407, %lt3A_409 : vector<16xi32>
        %add3A_411 = arith.constant 16 : i32
        %add3A_412 = vector.broadcast %add3A_411 : i32 to vector<16xi32>
        %add3A_413 = arith.addi %xor3A_407, %add3A_412 : vector<16xi32>
        %select_n3A_414 = arith.select %lt3A_410, %add3A_413, %xor3A_407 : vector<16xi1>, vector<16xi32>
        %broadcast_in_dim3A_415 = vector.shape_cast %select_n3A_414 : vector<16xi32> to vector<16x1xi32>
        %gather3A_416 = vector.shape_cast %broadcast_in_dim3A_415 : vector<16x1xi32> to vector<16xi32>
        %gather3A_417 = tpu.dynamic_gather %max3A_404[%gather3A_416] in [0] : vector<16xf32>, vector<16xi32> -> vector<16xf32>
        %max3A_418 = arith.maximumf %max3A_404, %gather3A_417 : vector<16xf32>
        %xor3A_419 = arith.constant 1 : i32
        %xor3A_420 = vector.broadcast %xor3A_419 : i32 to vector<16xi32>
        %xor3A_421 = arith.xori %iota3A_376, %xor3A_420 : vector<16xi32>
        %lt3A_422 = arith.constant 0 : i32
        %lt3A_423 = vector.broadcast %lt3A_422 : i32 to vector<16xi32>
        %lt3A_424 = arith.cmpi slt, %xor3A_421, %lt3A_423 : vector<16xi32>
        %add3A_425 = arith.constant 16 : i32
        %add3A_426 = vector.broadcast %add3A_425 : i32 to vector<16xi32>
        %add3A_427 = arith.addi %xor3A_421, %add3A_426 : vector<16xi32>
        %select_n3A_428 = arith.select %lt3A_424, %add3A_427, %xor3A_421 : vector<16xi1>, vector<16xi32>
        %broadcast_in_dim3A_429 = vector.shape_cast %select_n3A_428 : vector<16xi32> to vector<16x1xi32>
        %gather3A_430 = vector.shape_cast %broadcast_in_dim3A_429 : vector<16x1xi32> to vector<16xi32>
        %gather3A_431 = tpu.dynamic_gather %max3A_418[%gather3A_430] in [0] : vector<16xf32>, vector<16xi32> -> vector<16xf32>
        %max3A_432 = arith.maximumf %max3A_418, %gather3A_431 : vector<16xf32>
        %eq3A_433 = arith.constant 1 : i32
        %eq3A_434 = vector.broadcast %eq3A_433 : i32 to vector<16xi32>
        %eq3A_435 = arith.cmpi eq, %iota3A, %eq3A_434 : vector<16xi32>
        %select_n3A_436 = arith.select %eq3A_435, %max3A_432, %select_n3A_356 : vector<16xi1>, vector<16xf32>
        %mul3A_437 = arith.constant 8 : i32
        %mul3A_438 = arith.muli %scan3A_275, %mul3A_437 : i32
        %add3A_439 = arith.constant 2 : i32
        %add3A_440 = arith.addi %mul3A_438, %add3A_439 : i32
        %mul3A_441 = arith.constant 2 : i32
        %mul3A_442 = arith.muli %add3A_440, %mul3A_441 : i32
        %mul3A_443 = arith.constant 16 : i32
        %mul3A_444 = arith.muli %mul3A_442, %mul3A_443 : i32
        %get3A_445 = arith.index_cast %mul3A_444 : i32 to index
        %get3A_446 = tpu.vector_load %arg4[%get3A_445] {strides = array<i32>} : memref<32768xf32, #tpu.memory_space<vmem>>, vector<16xf32>,
        %get3A_447 = vector.shape_cast %get3A_446 : vector<16xf32> to vector<16xf32>
        %add3A_448 = arith.constant 1 : i32
        %add3A_449 = arith.addi %mul3A_442, %add3A_448 : i32
        %mul3A_450 = arith.constant 16 : i32
        %mul3A_451 = arith.muli %add3A_449, %mul3A_450 : i32
        %get3A_452 = arith.index_cast %mul3A_451 : i32 to index
        %get3A_453 = tpu.vector_load %arg4[%get3A_452] {strides = array<i32>} : memref<32768xf32, #tpu.memory_space<vmem>>, vector<16xf32>,
        %get3A_454 = vector.shape_cast %get3A_453 : vector<16xf32> to vector<16xf32>
        %max3A_455 = arith.maximumf %get3A_447, %get3A_454 : vector<16xf32>
        %iota3A_456 = tpu.iota {dimensions = array<i32: 0>} : vector<16xi32>
        %xor3A_457 = arith.constant 8 : i32
        %xor3A_458 = vector.broadcast %xor3A_457 : i32 to vector<16xi32>
        %xor3A_459 = arith.xori %iota3A_456, %xor3A_458 : vector<16xi32>
        %lt3A_460 = arith.constant 0 : i32
        %lt3A_461 = vector.broadcast %lt3A_460 : i32 to vector<16xi32>
        %lt3A_462 = arith.cmpi slt, %xor3A_459, %lt3A_461 : vector<16xi32>
        %add3A_463 = arith.constant 16 : i32
        %add3A_464 = vector.broadcast %add3A_463 : i32 to vector<16xi32>
        %add3A_465 = arith.addi %xor3A_459, %add3A_464 : vector<16xi32>
        %select_n3A_466 = arith.select %lt3A_462, %add3A_465, %xor3A_459 : vector<16xi1>, vector<16xi32>
        %broadcast_in_dim3A_467 = vector.shape_cast %select_n3A_466 : vector<16xi32> to vector<16x1xi32>
        %gather3A_468 = vector.shape_cast %broadcast_in_dim3A_467 : vector<16x1xi32> to vector<16xi32>
        %gather3A_469 = tpu.dynamic_gather %max3A_455[%gather3A_468] in [0] : vector<16xf32>, vector<16xi32> -> vector<16xf32>
        %max3A_470 = arith.maximumf %max3A_455, %gather3A_469 : vector<16xf32>
        %xor3A_471 = arith.constant 4 : i32
        %xor3A_472 = vector.broadcast %xor3A_471 : i32 to vector<16xi32>
        %xor3A_473 = arith.xori %iota3A_456, %xor3A_472 : vector<16xi32>
        %lt3A_474 = arith.constant 0 : i32
        %lt3A_475 = vector.broadcast %lt3A_474 : i32 to vector<16xi32>
        %lt3A_476 = arith.cmpi slt, %xor3A_473, %lt3A_475 : vector<16xi32>
        %add3A_477 = arith.constant 16 : i32
        %add3A_478 = vector.broadcast %add3A_477 : i32 to vector<16xi32>
        %add3A_479 = arith.addi %xor3A_473, %add3A_478 : vector<16xi32>
        %select_n3A_480 = arith.select %lt3A_476, %add3A_479, %xor3A_473 : vector<16xi1>, vector<16xi32>
        %broadcast_in_dim3A_481 = vector.shape_cast %select_n3A_480 : vector<16xi32> to vector<16x1xi32>
        %gather3A_482 = vector.shape_cast %broadcast_in_dim3A_481 : vector<16x1xi32> to vector<16xi32>
        %gather3A_483 = tpu.dynamic_gather %max3A_470[%gather3A_482] in [0] : vector<16xf32>, vector<16xi32> -> vector<16xf32>
        %max3A_484 = arith.maximumf %max3A_470, %gather3A_483 : vector<16xf32>
        %xor3A_485 = arith.constant 2 : i32
        %xor3A_486 = vector.broadcast %xor3A_485 : i32 to vector<16xi32>
        %xor3A_487 = arith.xori %iota3A_456, %xor3A_486 : vector<16xi32>
        %lt3A_488 = arith.constant 0 : i32
        %lt3A_489 = vector.broadcast %lt3A_488 : i32 to vector<16xi32>
        %lt3A_490 = arith.cmpi slt, %xor3A_487, %lt3A_489 : vector<16xi32>
        %add3A_491 = arith.constant 16 : i32
        %add3A_492 = vector.broadcast %add3A_491 : i32 to vector<16xi32>
        %add3A_493 = arith.addi %xor3A_487, %add3A_492 : vector<16xi32>
        %select_n3A_494 = arith.select %lt3A_490, %add3A_493, %xor3A_487 : vector<16xi1>, vector<16xi32>
        %broadcast_in_dim3A_495 = vector.shape_cast %select_n3A_494 : vector<16xi32> to vector<16x1xi32>
        %gather3A_496 = vector.shape_cast %broadcast_in_dim3A_495 : vector<16x1xi32> to vector<16xi32>
        %gather3A_497 = tpu.dynamic_gather %max3A_484[%gather3A_496] in [0] : vector<16xf32>, vector<16xi32> -> vector<16xf32>
        %max3A_498 = arith.maximumf %max3A_484, %gather3A_497 : vector<16xf32>
        %xor3A_499 = arith.constant 1 : i32
        %xor3A_500 = vector.broadcast %xor3A_499 : i32 to vector<16xi32>
        %xor3A_501 = arith.xori %iota3A_456, %xor3A_500 : vector<16xi32>
        %lt3A_502 = arith.constant 0 : i32
        %lt3A_503 = vector.broadcast %lt3A_502 : i32 to vector<16xi32>
        %lt3A_504 = arith.cmpi slt, %xor3A_501, %lt3A_503 : vector<16xi32>
        %add3A_505 = arith.constant 16 : i32
        %add3A_506 = vector.broadcast %add3A_505 : i32 to vector<16xi32>
        %add3A_507 = arith.addi %xor3A_501, %add3A_506 : vector<16xi32>
        %select_n3A_508 = arith.select %lt3A_504, %add3A_507, %xor3A_501 : vector<16xi1>, vector<16xi32>
        %broadcast_in_dim3A_509 = vector.shape_cast %select_n3A_508 : vector<16xi32> to vector<16x1xi32>
        %gather3A_510 = vector.shape_cast %broadcast_in_dim3A_509 : vector<16x1xi32> to vector<16xi32>
        %gather3A_511 = tpu.dynamic_gather %max3A_498[%gather3A_510] in [0] : vector<16xf32>, vector<16xi32> -> vector<16xf32>
        %max3A_512 = arith.maximumf %max3A_498, %gather3A_511 : vector<16xf32>
        %eq3A_513 = arith.constant 2 : i32
        %eq3A_514 = vector.broadcast %eq3A_513 : i32 to vector<16xi32>
        %eq3A_515 = arith.cmpi eq, %iota3A, %eq3A_514 : vector<16xi32>
        %select_n3A_516 = arith.select %eq3A_515, %max3A_512, %select_n3A_436 : vector<16xi1>, vector<16xf32>
        %mul3A_517 = arith.constant 8 : i32
        %mul3A_518 = arith.muli %scan3A_275, %mul3A_517 : i32
        %add3A_519 = arith.constant 3 : i32
        %add3A_520 = arith.addi %mul3A_518, %add3A_519 : i32
        %mul3A_521 = arith.constant 2 : i32
        %mul3A_522 = arith.muli %add3A_520, %mul3A_521 : i32
        %mul3A_523 = arith.constant 16 : i32
        %mul3A_524 = arith.muli %mul3A_522, %mul3A_523 : i32
        %get3A_525 = arith.index_cast %mul3A_524 : i32 to index
        %get3A_526 = tpu.vector_load %arg4[%get3A_525] {strides = array<i32>} : memref<32768xf32, #tpu.memory_space<vmem>>, vector<16xf32>,
        %get3A_527 = vector.shape_cast %get3A_526 : vector<16xf32> to vector<16xf32>
        %add3A_528 = arith.constant 1 : i32
        %add3A_529 = arith.addi %mul3A_522, %add3A_528 : i32
        %mul3A_530 = arith.constant 16 : i32
        %mul3A_531 = arith.muli %add3A_529, %mul3A_530 : i32
        %get3A_532 = arith.index_cast %mul3A_531 : i32 to index
        %get3A_533 = tpu.vector_load %arg4[%get3A_532] {strides = array<i32>} : memref<32768xf32, #tpu.memory_space<vmem>>, vector<16xf32>,
        %get3A_534 = vector.shape_cast %get3A_533 : vector<16xf32> to vector<16xf32>
        %max3A_535 = arith.maximumf %get3A_527, %get3A_534 : vector<16xf32>
        %iota3A_536 = tpu.iota {dimensions = array<i32: 0>} : vector<16xi32>
        %xor3A_537 = arith.constant 8 : i32
        %xor3A_538 = vector.broadcast %xor3A_537 : i32 to vector<16xi32>
        %xor3A_539 = arith.xori %iota3A_536, %xor3A_538 : vector<16xi32>
        %lt3A_540 = arith.constant 0 : i32
        %lt3A_541 = vector.broadcast %lt3A_540 : i32 to vector<16xi32>
        %lt3A_542 = arith.cmpi slt, %xor3A_539, %lt3A_541 : vector<16xi32>
        %add3A_543 = arith.constant 16 : i32
        %add3A_544 = vector.broadcast %add3A_543 : i32 to vector<16xi32>
        %add3A_545 = arith.addi %xor3A_539, %add3A_544 : vector<16xi32>
        %select_n3A_546 = arith.select %lt3A_542, %add3A_545, %xor3A_539 : vector<16xi1>, vector<16xi32>
        %broadcast_in_dim3A_547 = vector.shape_cast %select_n3A_546 : vector<16xi32> to vector<16x1xi32>
        %gather3A_548 = vector.shape_cast %broadcast_in_dim3A_547 : vector<16x1xi32> to vector<16xi32>
        %gather3A_549 = tpu.dynamic_gather %max3A_535[%gather3A_548] in [0] : vector<16xf32>, vector<16xi32> -> vector<16xf32>
        %max3A_550 = arith.maximumf %max3A_535, %gather3A_549 : vector<16xf32>
        %xor3A_551 = arith.constant 4 : i32
        %xor3A_552 = vector.broadcast %xor3A_551 : i32 to vector<16xi32>
        %xor3A_553 = arith.xori %iota3A_536, %xor3A_552 : vector<16xi32>
        %lt3A_554 = arith.constant 0 : i32
        %lt3A_555 = vector.broadcast %lt3A_554 : i32 to vector<16xi32>
        %lt3A_556 = arith.cmpi slt, %xor3A_553, %lt3A_555 : vector<16xi32>
        %add3A_557 = arith.constant 16 : i32
        %add3A_558 = vector.broadcast %add3A_557 : i32 to vector<16xi32>
        %add3A_559 = arith.addi %xor3A_553, %add3A_558 : vector<16xi32>
        %select_n3A_560 = arith.select %lt3A_556, %add3A_559, %xor3A_553 : vector<16xi1>, vector<16xi32>
        %broadcast_in_dim3A_561 = vector.shape_cast %select_n3A_560 : vector<16xi32> to vector<16x1xi32>
        %gather3A_562 = vector.shape_cast %broadcast_in_dim3A_561 : vector<16x1xi32> to vector<16xi32>
        %gather3A_563 = tpu.dynamic_gather %max3A_550[%gather3A_562] in [0] : vector<16xf32>, vector<16xi32> -> vector<16xf32>
        %max3A_564 = arith.maximumf %max3A_550, %gather3A_563 : vector<16xf32>
        %xor3A_565 = arith.constant 2 : i32
        %xor3A_566 = vector.broadcast %xor3A_565 : i32 to vector<16xi32>
        %xor3A_567 = arith.xori %iota3A_536, %xor3A_566 : vector<16xi32>
        %lt3A_568 = arith.constant 0 : i32
        %lt3A_569 = vector.broadcast %lt3A_568 : i32 to vector<16xi32>
        %lt3A_570 = arith.cmpi slt, %xor3A_567, %lt3A_569 : vector<16xi32>
        %add3A_571 = arith.constant 16 : i32
        %add3A_572 = vector.broadcast %add3A_571 : i32 to vector<16xi32>
        %add3A_573 = arith.addi %xor3A_567, %add3A_572 : vector<16xi32>
        %select_n3A_574 = arith.select %lt3A_570, %add3A_573, %xor3A_567 : vector<16xi1>, vector<16xi32>
        %broadcast_in_dim3A_575 = vector.shape_cast %select_n3A_574 : vector<16xi32> to vector<16x1xi32>
        %gather3A_576 = vector.shape_cast %broadcast_in_dim3A_575 : vector<16x1xi32> to vector<16xi32>
        %gather3A_577 = tpu.dynamic_gather %max3A_564[%gather3A_576] in [0] : vector<16xf32>, vector<16xi32> -> vector<16xf32>
        %max3A_578 = arith.maximumf %max3A_564, %gather3A_577 : vector<16xf32>
        %xor3A_579 = arith.constant 1 : i32
        %xor3A_580 = vector.broadcast %xor3A_579 : i32 to vector<16xi32>
        %xor3A_581 = arith.xori %iota3A_536, %xor3A_580 : vector<16xi32>
        %lt3A_582 = arith.constant 0 : i32
        %lt3A_583 = vector.broadcast %lt3A_582 : i32 to vector<16xi32>
        %lt3A_584 = arith.cmpi slt, %xor3A_581, %lt3A_583 : vector<16xi32>
        %add3A_585 = arith.constant 16 : i32
        %add3A_586 = vector.broadcast %add3A_585 : i32 to vector<16xi32>
        %add3A_587 = arith.addi %xor3A_581, %add3A_586 : vector<16xi32>
        %select_n3A_588 = arith.select %lt3A_584, %add3A_587, %xor3A_581 : vector<16xi1>, vector<16xi32>
        %broadcast_in_dim3A_589 = vector.shape_cast %select_n3A_588 : vector<16xi32> to vector<16x1xi32>
        %gather3A_590 = vector.shape_cast %broadcast_in_dim3A_589 : vector<16x1xi32> to vector<16xi32>
        %gather3A_591 = tpu.dynamic_gather %max3A_578[%gather3A_590] in [0] : vector<16xf32>, vector<16xi32> -> vector<16xf32>
        %max3A_592 = arith.maximumf %max3A_578, %gather3A_591 : vector<16xf32>
        %eq3A_593 = arith.constant 3 : i32
        %eq3A_594 = vector.broadcast %eq3A_593 : i32 to vector<16xi32>
        %eq3A_595 = arith.cmpi eq, %iota3A, %eq3A_594 : vector<16xi32>
        %select_n3A_596 = arith.select %eq3A_595, %max3A_592, %select_n3A_516 : vector<16xi1>, vector<16xf32>
        %mul3A_597 = arith.constant 8 : i32
        %mul3A_598 = arith.muli %scan3A_275, %mul3A_597 : i32
        %add3A_599 = arith.constant 4 : i32
        %add3A_600 = arith.addi %mul3A_598, %add3A_599 : i32
        %mul3A_601 = arith.constant 2 : i32
        %mul3A_602 = arith.muli %add3A_600, %mul3A_601 : i32
        %mul3A_603 = arith.constant 16 : i32
        %mul3A_604 = arith.muli %mul3A_602, %mul3A_603 : i32
        %get3A_605 = arith.index_cast %mul3A_604 : i32 to index
        %get3A_606 = tpu.vector_load %arg4[%get3A_605] {strides = array<i32>} : memref<32768xf32, #tpu.memory_space<vmem>>, vector<16xf32>,
        %get3A_607 = vector.shape_cast %get3A_606 : vector<16xf32> to vector<16xf32>
        %add3A_608 = arith.constant 1 : i32
        %add3A_609 = arith.addi %mul3A_602, %add3A_608 : i32
        %mul3A_610 = arith.constant 16 : i32
        %mul3A_611 = arith.muli %add3A_609, %mul3A_610 : i32
        %get3A_612 = arith.index_cast %mul3A_611 : i32 to index
        %get3A_613 = tpu.vector_load %arg4[%get3A_612] {strides = array<i32>} : memref<32768xf32, #tpu.memory_space<vmem>>, vector<16xf32>,
        %get3A_614 = vector.shape_cast %get3A_613 : vector<16xf32> to vector<16xf32>
        %max3A_615 = arith.maximumf %get3A_607, %get3A_614 : vector<16xf32>
        %iota3A_616 = tpu.iota {dimensions = array<i32: 0>} : vector<16xi32>
        %xor3A_617 = arith.constant 8 : i32
        %xor3A_618 = vector.broadcast %xor3A_617 : i32 to vector<16xi32>
        %xor3A_619 = arith.xori %iota3A_616, %xor3A_618 : vector<16xi32>
        %lt3A_620 = arith.constant 0 : i32
        %lt3A_621 = vector.broadcast %lt3A_620 : i32 to vector<16xi32>
        %lt3A_622 = arith.cmpi slt, %xor3A_619, %lt3A_621 : vector<16xi32>
        %add3A_623 = arith.constant 16 : i32
        %add3A_624 = vector.broadcast %add3A_623 : i32 to vector<16xi32>
        %add3A_625 = arith.addi %xor3A_619, %add3A_624 : vector<16xi32>
        %select_n3A_626 = arith.select %lt3A_622, %add3A_625, %xor3A_619 : vector<16xi1>, vector<16xi32>
        %broadcast_in_dim3A_627 = vector.shape_cast %select_n3A_626 : vector<16xi32> to vector<16x1xi32>
        %gather3A_628 = vector.shape_cast %broadcast_in_dim3A_627 : vector<16x1xi32> to vector<16xi32>
        %gather3A_629 = tpu.dynamic_gather %max3A_615[%gather3A_628] in [0] : vector<16xf32>, vector<16xi32> -> vector<16xf32>
        %max3A_630 = arith.maximumf %max3A_615, %gather3A_629 : vector<16xf32>
        %xor3A_631 = arith.constant 4 : i32
        %xor3A_632 = vector.broadcast %xor3A_631 : i32 to vector<16xi32>
        %xor3A_633 = arith.xori %iota3A_616, %xor3A_632 : vector<16xi32>
        %lt3A_634 = arith.constant 0 : i32
        %lt3A_635 = vector.broadcast %lt3A_634 : i32 to vector<16xi32>
        %lt3A_636 = arith.cmpi slt, %xor3A_633, %lt3A_635 : vector<16xi32>
        %add3A_637 = arith.constant 16 : i32
        %add3A_638 = vector.broadcast %add3A_637 : i32 to vector<16xi32>
        %add3A_639 = arith.addi %xor3A_633, %add3A_638 : vector<16xi32>
        %select_n3A_640 = arith.select %lt3A_636, %add3A_639, %xor3A_633 : vector<16xi1>, vector<16xi32>
        %broadcast_in_dim3A_641 = vector.shape_cast %select_n3A_640 : vector<16xi32> to vector<16x1xi32>
        %gather3A_642 = vector.shape_cast %broadcast_in_dim3A_641 : vector<16x1xi32> to vector<16xi32>
        %gather3A_643 = tpu.dynamic_gather %max3A_630[%gather3A_642] in [0] : vector<16xf32>, vector<16xi32> -> vector<16xf32>
        %max3A_644 = arith.maximumf %max3A_630, %gather3A_643 : vector<16xf32>
        %xor3A_645 = arith.constant 2 : i32
        %xor3A_646 = vector.broadcast %xor3A_645 : i32 to vector<16xi32>
        %xor3A_647 = arith.xori %iota3A_616, %xor3A_646 : vector<16xi32>
        %lt3A_648 = arith.constant 0 : i32
        %lt3A_649 = vector.broadcast %lt3A_648 : i32 to vector<16xi32>
        %lt3A_650 = arith.cmpi slt, %xor3A_647, %lt3A_649 : vector<16xi32>
        %add3A_651 = arith.constant 16 : i32
        %add3A_652 = vector.broadcast %add3A_651 : i32 to vector<16xi32>
        %add3A_653 = arith.addi %xor3A_647, %add3A_652 : vector<16xi32>
        %select_n3A_654 = arith.select %lt3A_650, %add3A_653, %xor3A_647 : vector<16xi1>, vector<16xi32>
        %broadcast_in_dim3A_655 = vector.shape_cast %select_n3A_654 : vector<16xi32> to vector<16x1xi32>
        %gather3A_656 = vector.shape_cast %broadcast_in_dim3A_655 : vector<16x1xi32> to vector<16xi32>
        %gather3A_657 = tpu.dynamic_gather %max3A_644[%gather3A_656] in [0] : vector<16xf32>, vector<16xi32> -> vector<16xf32>
        %max3A_658 = arith.maximumf %max3A_644, %gather3A_657 : vector<16xf32>
        %xor3A_659 = arith.constant 1 : i32
        %xor3A_660 = vector.broadcast %xor3A_659 : i32 to vector<16xi32>
        %xor3A_661 = arith.xori %iota3A_616, %xor3A_660 : vector<16xi32>
        %lt3A_662 = arith.constant 0 : i32
        %lt3A_663 = vector.broadcast %lt3A_662 : i32 to vector<16xi32>
        %lt3A_664 = arith.cmpi slt, %xor3A_661, %lt3A_663 : vector<16xi32>
        %add3A_665 = arith.constant 16 : i32
        %add3A_666 = vector.broadcast %add3A_665 : i32 to vector<16xi32>
        %add3A_667 = arith.addi %xor3A_661, %add3A_666 : vector<16xi32>
        %select_n3A_668 = arith.select %lt3A_664, %add3A_667, %xor3A_661 : vector<16xi1>, vector<16xi32>
        %broadcast_in_dim3A_669 = vector.shape_cast %select_n3A_668 : vector<16xi32> to vector<16x1xi32>
        %gather3A_670 = vector.shape_cast %broadcast_in_dim3A_669 : vector<16x1xi32> to vector<16xi32>
        %gather3A_671 = tpu.dynamic_gather %max3A_658[%gather3A_670] in [0] : vector<16xf32>, vector<16xi32> -> vector<16xf32>
        %max3A_672 = arith.maximumf %max3A_658, %gather3A_671 : vector<16xf32>
        %eq3A_673 = arith.constant 4 : i32
        %eq3A_674 = vector.broadcast %eq3A_673 : i32 to vector<16xi32>
        %eq3A_675 = arith.cmpi eq, %iota3A, %eq3A_674 : vector<16xi32>
        %select_n3A_676 = arith.select %eq3A_675, %max3A_672, %select_n3A_596 : vector<16xi1>, vector<16xf32>
        %mul3A_677 = arith.constant 8 : i32
        %mul3A_678 = arith.muli %scan3A_275, %mul3A_677 : i32
        %add3A_679 = arith.constant 5 : i32
        %add3A_680 = arith.addi %mul3A_678, %add3A_679 : i32
        %mul3A_681 = arith.constant 2 : i32
        %mul3A_682 = arith.muli %add3A_680, %mul3A_681 : i32
        %mul3A_683 = arith.constant 16 : i32
        %mul3A_684 = arith.muli %mul3A_682, %mul3A_683 : i32
        %get3A_685 = arith.index_cast %mul3A_684 : i32 to index
        %get3A_686 = tpu.vector_load %arg4[%get3A_685] {strides = array<i32>} : memref<32768xf32, #tpu.memory_space<vmem>>, vector<16xf32>,
        %get3A_687 = vector.shape_cast %get3A_686 : vector<16xf32> to vector<16xf32>
        %add3A_688 = arith.constant 1 : i32
        %add3A_689 = arith.addi %mul3A_682, %add3A_688 : i32
        %mul3A_690 = arith.constant 16 : i32
        %mul3A_691 = arith.muli %add3A_689, %mul3A_690 : i32
        %get3A_692 = arith.index_cast %mul3A_691 : i32 to index
        %get3A_693 = tpu.vector_load %arg4[%get3A_692] {strides = array<i32>} : memref<32768xf32, #tpu.memory_space<vmem>>, vector<16xf32>,
        %get3A_694 = vector.shape_cast %get3A_693 : vector<16xf32> to vector<16xf32>
        %max3A_695 = arith.maximumf %get3A_687, %get3A_694 : vector<16xf32>
        %iota3A_696 = tpu.iota {dimensions = array<i32: 0>} : vector<16xi32>
        %xor3A_697 = arith.constant 8 : i32
        %xor3A_698 = vector.broadcast %xor3A_697 : i32 to vector<16xi32>
        %xor3A_699 = arith.xori %iota3A_696, %xor3A_698 : vector<16xi32>
        %lt3A_700 = arith.constant 0 : i32
        %lt3A_701 = vector.broadcast %lt3A_700 : i32 to vector<16xi32>
        %lt3A_702 = arith.cmpi slt, %xor3A_699, %lt3A_701 : vector<16xi32>
        %add3A_703 = arith.constant 16 : i32
        %add3A_704 = vector.broadcast %add3A_703 : i32 to vector<16xi32>
        %add3A_705 = arith.addi %xor3A_699, %add3A_704 : vector<16xi32>
        %select_n3A_706 = arith.select %lt3A_702, %add3A_705, %xor3A_699 : vector<16xi1>, vector<16xi32>
        %broadcast_in_dim3A_707 = vector.shape_cast %select_n3A_706 : vector<16xi32> to vector<16x1xi32>
        %gather3A_708 = vector.shape_cast %broadcast_in_dim3A_707 : vector<16x1xi32> to vector<16xi32>
        %gather3A_709 = tpu.dynamic_gather %max3A_695[%gather3A_708] in [0] : vector<16xf32>, vector<16xi32> -> vector<16xf32>
        %max3A_710 = arith.maximumf %max3A_695, %gather3A_709 : vector<16xf32>
        %xor3A_711 = arith.constant 4 : i32
        %xor3A_712 = vector.broadcast %xor3A_711 : i32 to vector<16xi32>
        %xor3A_713 = arith.xori %iota3A_696, %xor3A_712 : vector<16xi32>
        %lt3A_714 = arith.constant 0 : i32
        %lt3A_715 = vector.broadcast %lt3A_714 : i32 to vector<16xi32>
        %lt3A_716 = arith.cmpi slt, %xor3A_713, %lt3A_715 : vector<16xi32>
        %add3A_717 = arith.constant 16 : i32
        %add3A_718 = vector.broadcast %add3A_717 : i32 to vector<16xi32>
        %add3A_719 = arith.addi %xor3A_713, %add3A_718 : vector<16xi32>
        %select_n3A_720 = arith.select %lt3A_716, %add3A_719, %xor3A_713 : vector<16xi1>, vector<16xi32>
        %broadcast_in_dim3A_721 = vector.shape_cast %select_n3A_720 : vector<16xi32> to vector<16x1xi32>
        %gather3A_722 = vector.shape_cast %broadcast_in_dim3A_721 : vector<16x1xi32> to vector<16xi32>
        %gather3A_723 = tpu.dynamic_gather %max3A_710[%gather3A_722] in [0] : vector<16xf32>, vector<16xi32> -> vector<16xf32>
        %max3A_724 = arith.maximumf %max3A_710, %gather3A_723 : vector<16xf32>
        %xor3A_725 = arith.constant 2 : i32
        %xor3A_726 = vector.broadcast %xor3A_725 : i32 to vector<16xi32>
        %xor3A_727 = arith.xori %iota3A_696, %xor3A_726 : vector<16xi32>
        %lt3A_728 = arith.constant 0 : i32
        %lt3A_729 = vector.broadcast %lt3A_728 : i32 to vector<16xi32>
        %lt3A_730 = arith.cmpi slt, %xor3A_727, %lt3A_729 : vector<16xi32>
        %add3A_731 = arith.constant 16 : i32
        %add3A_732 = vector.broadcast %add3A_731 : i32 to vector<16xi32>
        %add3A_733 = arith.addi %xor3A_727, %add3A_732 : vector<16xi32>
        %select_n3A_734 = arith.select %lt3A_730, %add3A_733, %xor3A_727 : vector<16xi1>, vector<16xi32>
        %broadcast_in_dim3A_735 = vector.shape_cast %select_n3A_734 : vector<16xi32> to vector<16x1xi32>
        %gather3A_736 = vector.shape_cast %broadcast_in_dim3A_735 : vector<16x1xi32> to vector<16xi32>
        %gather3A_737 = tpu.dynamic_gather %max3A_724[%gather3A_736] in [0] : vector<16xf32>, vector<16xi32> -> vector<16xf32>
        %max3A_738 = arith.maximumf %max3A_724, %gather3A_737 : vector<16xf32>
        %xor3A_739 = arith.constant 1 : i32
        %xor3A_740 = vector.broadcast %xor3A_739 : i32 to vector<16xi32>
        %xor3A_741 = arith.xori %iota3A_696, %xor3A_740 : vector<16xi32>
        %lt3A_742 = arith.constant 0 : i32
        %lt3A_743 = vector.broadcast %lt3A_742 : i32 to vector<16xi32>
        %lt3A_744 = arith.cmpi slt, %xor3A_741, %lt3A_743 : vector<16xi32>
        %add3A_745 = arith.constant 16 : i32
        %add3A_746 = vector.broadcast %add3A_745 : i32 to vector<16xi32>
        %add3A_747 = arith.addi %xor3A_741, %add3A_746 : vector<16xi32>
        %select_n3A_748 = arith.select %lt3A_744, %add3A_747, %xor3A_741 : vector<16xi1>, vector<16xi32>
        %broadcast_in_dim3A_749 = vector.shape_cast %select_n3A_748 : vector<16xi32> to vector<16x1xi32>
        %gather3A_750 = vector.shape_cast %broadcast_in_dim3A_749 : vector<16x1xi32> to vector<16xi32>
        %gather3A_751 = tpu.dynamic_gather %max3A_738[%gather3A_750] in [0] : vector<16xf32>, vector<16xi32> -> vector<16xf32>
        %max3A_752 = arith.maximumf %max3A_738, %gather3A_751 : vector<16xf32>
        %eq3A_753 = arith.constant 5 : i32
        %eq3A_754 = vector.broadcast %eq3A_753 : i32 to vector<16xi32>
        %eq3A_755 = arith.cmpi eq, %iota3A, %eq3A_754 : vector<16xi32>
        %select_n3A_756 = arith.select %eq3A_755, %max3A_752, %select_n3A_676 : vector<16xi1>, vector<16xf32>
        %mul3A_757 = arith.constant 8 : i32
        %mul3A_758 = arith.muli %scan3A_275, %mul3A_757 : i32
        %add3A_759 = arith.constant 6 : i32
        %add3A_760 = arith.addi %mul3A_758, %add3A_759 : i32
        %mul3A_761 = arith.constant 2 : i32
        %mul3A_762 = arith.muli %add3A_760, %mul3A_761 : i32
        %mul3A_763 = arith.constant 16 : i32
        %mul3A_764 = arith.muli %mul3A_762, %mul3A_763 : i32
        %get3A_765 = arith.index_cast %mul3A_764 : i32 to index
        %get3A_766 = tpu.vector_load %arg4[%get3A_765] {strides = array<i32>} : memref<32768xf32, #tpu.memory_space<vmem>>, vector<16xf32>,
        %get3A_767 = vector.shape_cast %get3A_766 : vector<16xf32> to vector<16xf32>
        %add3A_768 = arith.constant 1 : i32
        %add3A_769 = arith.addi %mul3A_762, %add3A_768 : i32
        %mul3A_770 = arith.constant 16 : i32
        %mul3A_771 = arith.muli %add3A_769, %mul3A_770 : i32
        %get3A_772 = arith.index_cast %mul3A_771 : i32 to index
        %get3A_773 = tpu.vector_load %arg4[%get3A_772] {strides = array<i32>} : memref<32768xf32, #tpu.memory_space<vmem>>, vector<16xf32>,
        %get3A_774 = vector.shape_cast %get3A_773 : vector<16xf32> to vector<16xf32>
        %max3A_775 = arith.maximumf %get3A_767, %get3A_774 : vector<16xf32>
        %iota3A_776 = tpu.iota {dimensions = array<i32: 0>} : vector<16xi32>
        %xor3A_777 = arith.constant 8 : i32
        %xor3A_778 = vector.broadcast %xor3A_777 : i32 to vector<16xi32>
        %xor3A_779 = arith.xori %iota3A_776, %xor3A_778 : vector<16xi32>
        %lt3A_780 = arith.constant 0 : i32
        %lt3A_781 = vector.broadcast %lt3A_780 : i32 to vector<16xi32>
        %lt3A_782 = arith.cmpi slt, %xor3A_779, %lt3A_781 : vector<16xi32>
        %add3A_783 = arith.constant 16 : i32
        %add3A_784 = vector.broadcast %add3A_783 : i32 to vector<16xi32>
        %add3A_785 = arith.addi %xor3A_779, %add3A_784 : vector<16xi32>
        %select_n3A_786 = arith.select %lt3A_782, %add3A_785, %xor3A_779 : vector<16xi1>, vector<16xi32>
        %broadcast_in_dim3A_787 = vector.shape_cast %select_n3A_786 : vector<16xi32> to vector<16x1xi32>
        %gather3A_788 = vector.shape_cast %broadcast_in_dim3A_787 : vector<16x1xi32> to vector<16xi32>
        %gather3A_789 = tpu.dynamic_gather %max3A_775[%gather3A_788] in [0] : vector<16xf32>, vector<16xi32> -> vector<16xf32>
        %max3A_790 = arith.maximumf %max3A_775, %gather3A_789 : vector<16xf32>
        %xor3A_791 = arith.constant 4 : i32
        %xor3A_792 = vector.broadcast %xor3A_791 : i32 to vector<16xi32>
        %xor3A_793 = arith.xori %iota3A_776, %xor3A_792 : vector<16xi32>
        %lt3A_794 = arith.constant 0 : i32
        %lt3A_795 = vector.broadcast %lt3A_794 : i32 to vector<16xi32>
        %lt3A_796 = arith.cmpi slt, %xor3A_793, %lt3A_795 : vector<16xi32>
        %add3A_797 = arith.constant 16 : i32
        %add3A_798 = vector.broadcast %add3A_797 : i32 to vector<16xi32>
        %add3A_799 = arith.addi %xor3A_793, %add3A_798 : vector<16xi32>
        %select_n3A_800 = arith.select %lt3A_796, %add3A_799, %xor3A_793 : vector<16xi1>, vector<16xi32>
        %broadcast_in_dim3A_801 = vector.shape_cast %select_n3A_800 : vector<16xi32> to vector<16x1xi32>
        %gather3A_802 = vector.shape_cast %broadcast_in_dim3A_801 : vector<16x1xi32> to vector<16xi32>
        %gather3A_803 = tpu.dynamic_gather %max3A_790[%gather3A_802] in [0] : vector<16xf32>, vector<16xi32> -> vector<16xf32>
        %max3A_804 = arith.maximumf %max3A_790, %gather3A_803 : vector<16xf32>
        %xor3A_805 = arith.constant 2 : i32
        %xor3A_806 = vector.broadcast %xor3A_805 : i32 to vector<16xi32>
        %xor3A_807 = arith.xori %iota3A_776, %xor3A_806 : vector<16xi32>
        %lt3A_808 = arith.constant 0 : i32
        %lt3A_809 = vector.broadcast %lt3A_808 : i32 to vector<16xi32>
        %lt3A_810 = arith.cmpi slt, %xor3A_807, %lt3A_809 : vector<16xi32>
        %add3A_811 = arith.constant 16 : i32
        %add3A_812 = vector.broadcast %add3A_811 : i32 to vector<16xi32>
        %add3A_813 = arith.addi %xor3A_807, %add3A_812 : vector<16xi32>
        %select_n3A_814 = arith.select %lt3A_810, %add3A_813, %xor3A_807 : vector<16xi1>, vector<16xi32>
        %broadcast_in_dim3A_815 = vector.shape_cast %select_n3A_814 : vector<16xi32> to vector<16x1xi32>
        %gather3A_816 = vector.shape_cast %broadcast_in_dim3A_815 : vector<16x1xi32> to vector<16xi32>
        %gather3A_817 = tpu.dynamic_gather %max3A_804[%gather3A_816] in [0] : vector<16xf32>, vector<16xi32> -> vector<16xf32>
        %max3A_818 = arith.maximumf %max3A_804, %gather3A_817 : vector<16xf32>
        %xor3A_819 = arith.constant 1 : i32
        %xor3A_820 = vector.broadcast %xor3A_819 : i32 to vector<16xi32>
        %xor3A_821 = arith.xori %iota3A_776, %xor3A_820 : vector<16xi32>
        %lt3A_822 = arith.constant 0 : i32
        %lt3A_823 = vector.broadcast %lt3A_822 : i32 to vector<16xi32>
        %lt3A_824 = arith.cmpi slt, %xor3A_821, %lt3A_823 : vector<16xi32>
        %add3A_825 = arith.constant 16 : i32
        %add3A_826 = vector.broadcast %add3A_825 : i32 to vector<16xi32>
        %add3A_827 = arith.addi %xor3A_821, %add3A_826 : vector<16xi32>
        %select_n3A_828 = arith.select %lt3A_824, %add3A_827, %xor3A_821 : vector<16xi1>, vector<16xi32>
        %broadcast_in_dim3A_829 = vector.shape_cast %select_n3A_828 : vector<16xi32> to vector<16x1xi32>
        %gather3A_830 = vector.shape_cast %broadcast_in_dim3A_829 : vector<16x1xi32> to vector<16xi32>
        %gather3A_831 = tpu.dynamic_gather %max3A_818[%gather3A_830] in [0] : vector<16xf32>, vector<16xi32> -> vector<16xf32>
        %max3A_832 = arith.maximumf %max3A_818, %gather3A_831 : vector<16xf32>
        %eq3A_833 = arith.constant 6 : i32
        %eq3A_834 = vector.broadcast %eq3A_833 : i32 to vector<16xi32>
        %eq3A_835 = arith.cmpi eq, %iota3A, %eq3A_834 : vector<16xi32>
        %select_n3A_836 = arith.select %eq3A_835, %max3A_832, %select_n3A_756 : vector<16xi1>, vector<16xf32>
        %mul3A_837 = arith.constant 8 : i32
        %mul3A_838 = arith.muli %scan3A_275, %mul3A_837 : i32
        %add3A_839 = arith.constant 7 : i32
        %add3A_840 = arith.addi %mul3A_838, %add3A_839 : i32
        %mul3A_841 = arith.constant 2 : i32
        %mul3A_842 = arith.muli %add3A_840, %mul3A_841 : i32
        %mul3A_843 = arith.constant 16 : i32
        %mul3A_844 = arith.muli %mul3A_842, %mul3A_843 : i32
        %get3A_845 = arith.index_cast %mul3A_844 : i32 to index
        %get3A_846 = tpu.vector_load %arg4[%get3A_845] {strides = array<i32>} : memref<32768xf32, #tpu.memory_space<vmem>>, vector<16xf32>,
        %get3A_847 = vector.shape_cast %get3A_846 : vector<16xf32> to vector<16xf32>
        %add3A_848 = arith.constant 1 : i32
        %add3A_849 = arith.addi %mul3A_842, %add3A_848 : i32
        %mul3A_850 = arith.constant 16 : i32
        %mul3A_851 = arith.muli %add3A_849, %mul3A_850 : i32
        %get3A_852 = arith.index_cast %mul3A_851 : i32 to index
        %get3A_853 = tpu.vector_load %arg4[%get3A_852] {strides = array<i32>} : memref<32768xf32, #tpu.memory_space<vmem>>, vector<16xf32>,
        %get3A_854 = vector.shape_cast %get3A_853 : vector<16xf32> to vector<16xf32>
        %max3A_855 = arith.maximumf %get3A_847, %get3A_854 : vector<16xf32>
        %iota3A_856 = tpu.iota {dimensions = array<i32: 0>} : vector<16xi32>
        %xor3A_857 = arith.constant 8 : i32
        %xor3A_858 = vector.broadcast %xor3A_857 : i32 to vector<16xi32>
        %xor3A_859 = arith.xori %iota3A_856, %xor3A_858 : vector<16xi32>
        %lt3A_860 = arith.constant 0 : i32
        %lt3A_861 = vector.broadcast %lt3A_860 : i32 to vector<16xi32>
        %lt3A_862 = arith.cmpi slt, %xor3A_859, %lt3A_861 : vector<16xi32>
        %add3A_863 = arith.constant 16 : i32
        %add3A_864 = vector.broadcast %add3A_863 : i32 to vector<16xi32>
        %add3A_865 = arith.addi %xor3A_859, %add3A_864 : vector<16xi32>
        %select_n3A_866 = arith.select %lt3A_862, %add3A_865, %xor3A_859 : vector<16xi1>, vector<16xi32>
        %broadcast_in_dim3A_867 = vector.shape_cast %select_n3A_866 : vector<16xi32> to vector<16x1xi32>
        %gather3A_868 = vector.shape_cast %broadcast_in_dim3A_867 : vector<16x1xi32> to vector<16xi32>
        %gather3A_869 = tpu.dynamic_gather %max3A_855[%gather3A_868] in [0] : vector<16xf32>, vector<16xi32> -> vector<16xf32>
        %max3A_870 = arith.maximumf %max3A_855, %gather3A_869 : vector<16xf32>
        %xor3A_871 = arith.constant 4 : i32
        %xor3A_872 = vector.broadcast %xor3A_871 : i32 to vector<16xi32>
        %xor3A_873 = arith.xori %iota3A_856, %xor3A_872 : vector<16xi32>
        %lt3A_874 = arith.constant 0 : i32
        %lt3A_875 = vector.broadcast %lt3A_874 : i32 to vector<16xi32>
        %lt3A_876 = arith.cmpi slt, %xor3A_873, %lt3A_875 : vector<16xi32>
        %add3A_877 = arith.constant 16 : i32
        %add3A_878 = vector.broadcast %add3A_877 : i32 to vector<16xi32>
        %add3A_879 = arith.addi %xor3A_873, %add3A_878 : vector<16xi32>
        %select_n3A_880 = arith.select %lt3A_876, %add3A_879, %xor3A_873 : vector<16xi1>, vector<16xi32>
        %broadcast_in_dim3A_881 = vector.shape_cast %select_n3A_880 : vector<16xi32> to vector<16x1xi32>
        %gather3A_882 = vector.shape_cast %broadcast_in_dim3A_881 : vector<16x1xi32> to vector<16xi32>
        %gather3A_883 = tpu.dynamic_gather %max3A_870[%gather3A_882] in [0] : vector<16xf32>, vector<16xi32> -> vector<16xf32>
        %max3A_884 = arith.maximumf %max3A_870, %gather3A_883 : vector<16xf32>
        %xor3A_885 = arith.constant 2 : i32
        %xor3A_886 = vector.broadcast %xor3A_885 : i32 to vector<16xi32>
        %xor3A_887 = arith.xori %iota3A_856, %xor3A_886 : vector<16xi32>
        %lt3A_888 = arith.constant 0 : i32
        %lt3A_889 = vector.broadcast %lt3A_888 : i32 to vector<16xi32>
        %lt3A_890 = arith.cmpi slt, %xor3A_887, %lt3A_889 : vector<16xi32>
        %add3A_891 = arith.constant 16 : i32
        %add3A_892 = vector.broadcast %add3A_891 : i32 to vector<16xi32>
        %add3A_893 = arith.addi %xor3A_887, %add3A_892 : vector<16xi32>
        %select_n3A_894 = arith.select %lt3A_890, %add3A_893, %xor3A_887 : vector<16xi1>, vector<16xi32>
        %broadcast_in_dim3A_895 = vector.shape_cast %select_n3A_894 : vector<16xi32> to vector<16x1xi32>
        %gather3A_896 = vector.shape_cast %broadcast_in_dim3A_895 : vector<16x1xi32> to vector<16xi32>
        %gather3A_897 = tpu.dynamic_gather %max3A_884[%gather3A_896] in [0] : vector<16xf32>, vector<16xi32> -> vector<16xf32>
        %max3A_898 = arith.maximumf %max3A_884, %gather3A_897 : vector<16xf32>
        %xor3A_899 = arith.constant 1 : i32
        %xor3A_900 = vector.broadcast %xor3A_899 : i32 to vector<16xi32>
        %xor3A_901 = arith.xori %iota3A_856, %xor3A_900 : vector<16xi32>
        %lt3A_902 = arith.constant 0 : i32
        %lt3A_903 = vector.broadcast %lt3A_902 : i32 to vector<16xi32>
        %lt3A_904 = arith.cmpi slt, %xor3A_901, %lt3A_903 : vector<16xi32>
        %add3A_905 = arith.constant 16 : i32
        %add3A_906 = vector.broadcast %add3A_905 : i32 to vector<16xi32>
        %add3A_907 = arith.addi %xor3A_901, %add3A_906 : vector<16xi32>
        %select_n3A_908 = arith.select %lt3A_904, %add3A_907, %xor3A_901 : vector<16xi1>, vector<16xi32>
        %broadcast_in_dim3A_909 = vector.shape_cast %select_n3A_908 : vector<16xi32> to vector<16x1xi32>
        %gather3A_910 = vector.shape_cast %broadcast_in_dim3A_909 : vector<16x1xi32> to vector<16xi32>
        %gather3A_911 = tpu.dynamic_gather %max3A_898[%gather3A_910] in [0] : vector<16xf32>, vector<16xi32> -> vector<16xf32>
        %max3A_912 = arith.maximumf %max3A_898, %gather3A_911 : vector<16xf32>
        %eq3A_913 = arith.constant 7 : i32
        %eq3A_914 = vector.broadcast %eq3A_913 : i32 to vector<16xi32>
        %eq3A_915 = arith.cmpi eq, %iota3A, %eq3A_914 : vector<16xi32>
        %select_n3A_916 = arith.select %eq3A_915, %max3A_912, %select_n3A_836 : vector<16xi1>, vector<16xf32>
        %gt3A = arith.cmpf ogt, %select_n3A_916, %broadcast_in_dim3A_78 : vector<16xf32>
        %jit3A_917 = arith.constant 0 : i32
        %broadcast_in_dim3A_918 = vector.broadcast %jit3A_917 : i32 to vector<16xi32>
        %select_n3A_919 = arith.select %gt3A, %shift_left3A, %broadcast_in_dim3A_918 : vector<16xi1>, vector<16xi32>
        %iota3A_920 = tpu.iota {dimensions = array<i32: 0>} : vector<16xi32>
        %xor3A_921 = arith.constant 8 : i32
        %xor3A_922 = vector.broadcast %xor3A_921 : i32 to vector<16xi32>
        %xor3A_923 = arith.xori %iota3A_920, %xor3A_922 : vector<16xi32>
        %lt3A_924 = arith.constant 0 : i32
        %lt3A_925 = vector.broadcast %lt3A_924 : i32 to vector<16xi32>
        %lt3A_926 = arith.cmpi slt, %xor3A_923, %lt3A_925 : vector<16xi32>
        %add3A_927 = arith.constant 16 : i32
        %add3A_928 = vector.broadcast %add3A_927 : i32 to vector<16xi32>
        %add3A_929 = arith.addi %xor3A_923, %add3A_928 : vector<16xi32>
        %select_n3A_930 = arith.select %lt3A_926, %add3A_929, %xor3A_923 : vector<16xi1>, vector<16xi32>
        %broadcast_in_dim3A_931 = vector.shape_cast %select_n3A_930 : vector<16xi32> to vector<16x1xi32>
        %gather3A_932 = vector.shape_cast %broadcast_in_dim3A_931 : vector<16x1xi32> to vector<16xi32>
        %gather3A_933 = tpu.dynamic_gather %select_n3A_919[%gather3A_932] in [0] : vector<16xi32>, vector<16xi32> -> vector<16xi32>
        %add3A_934 = arith.addi %select_n3A_919, %gather3A_933 : vector<16xi32>
        %xor3A_935 = arith.constant 4 : i32
        %xor3A_936 = vector.broadcast %xor3A_935 : i32 to vector<16xi32>
        %xor3A_937 = arith.xori %iota3A_920, %xor3A_936 : vector<16xi32>
        %lt3A_938 = arith.constant 0 : i32
        %lt3A_939 = vector.broadcast %lt3A_938 : i32 to vector<16xi32>
        %lt3A_940 = arith.cmpi slt, %xor3A_937, %lt3A_939 : vector<16xi32>
        %add3A_941 = arith.constant 16 : i32
        %add3A_942 = vector.broadcast %add3A_941 : i32 to vector<16xi32>
        %add3A_943 = arith.addi %xor3A_937, %add3A_942 : vector<16xi32>
        %select_n3A_944 = arith.select %lt3A_940, %add3A_943, %xor3A_937 : vector<16xi1>, vector<16xi32>
        %broadcast_in_dim3A_945 = vector.shape_cast %select_n3A_944 : vector<16xi32> to vector<16x1xi32>
        %gather3A_946 = vector.shape_cast %broadcast_in_dim3A_945 : vector<16x1xi32> to vector<16xi32>
        %gather3A_947 = tpu.dynamic_gather %add3A_934[%gather3A_946] in [0] : vector<16xi32>, vector<16xi32> -> vector<16xi32>
        %add3A_948 = arith.addi %add3A_934, %gather3A_947 : vector<16xi32>
        %xor3A_949 = arith.constant 2 : i32
        %xor3A_950 = vector.broadcast %xor3A_949 : i32 to vector<16xi32>
        %xor3A_951 = arith.xori %iota3A_920, %xor3A_950 : vector<16xi32>
        %lt3A_952 = arith.constant 0 : i32
        %lt3A_953 = vector.broadcast %lt3A_952 : i32 to vector<16xi32>
        %lt3A_954 = arith.cmpi slt, %xor3A_951, %lt3A_953 : vector<16xi32>
        %add3A_955 = arith.constant 16 : i32
        %add3A_956 = vector.broadcast %add3A_955 : i32 to vector<16xi32>
        %add3A_957 = arith.addi %xor3A_951, %add3A_956 : vector<16xi32>
        %select_n3A_958 = arith.select %lt3A_954, %add3A_957, %xor3A_951 : vector<16xi1>, vector<16xi32>
        %broadcast_in_dim3A_959 = vector.shape_cast %select_n3A_958 : vector<16xi32> to vector<16x1xi32>
        %gather3A_960 = vector.shape_cast %broadcast_in_dim3A_959 : vector<16x1xi32> to vector<16xi32>
        %gather3A_961 = tpu.dynamic_gather %add3A_948[%gather3A_960] in [0] : vector<16xi32>, vector<16xi32> -> vector<16xi32>
        %add3A_962 = arith.addi %add3A_948, %gather3A_961 : vector<16xi32>
        %xor3A_963 = arith.constant 1 : i32
        %xor3A_964 = vector.broadcast %xor3A_963 : i32 to vector<16xi32>
        %xor3A_965 = arith.xori %iota3A_920, %xor3A_964 : vector<16xi32>
        %lt3A_966 = arith.constant 0 : i32
        %lt3A_967 = vector.broadcast %lt3A_966 : i32 to vector<16xi32>
        %lt3A_968 = arith.cmpi slt, %xor3A_965, %lt3A_967 : vector<16xi32>
        %add3A_969 = arith.constant 16 : i32
        %add3A_970 = vector.broadcast %add3A_969 : i32 to vector<16xi32>
        %add3A_971 = arith.addi %xor3A_965, %add3A_970 : vector<16xi32>
        %select_n3A_972 = arith.select %lt3A_968, %add3A_971, %xor3A_965 : vector<16xi1>, vector<16xi32>
        %broadcast_in_dim3A_973 = vector.shape_cast %select_n3A_972 : vector<16xi32> to vector<16x1xi32>
        %gather3A_974 = vector.shape_cast %broadcast_in_dim3A_973 : vector<16x1xi32> to vector<16xi32>
        %gather3A_975 = tpu.dynamic_gather %add3A_962[%gather3A_974] in [0] : vector<16xi32>, vector<16xi32> -> vector<16xi32>
        %add3A_976 = arith.addi %add3A_962, %gather3A_975 : vector<16xi32>
        %slice3A_977 = vector.extract_strided_slice %add3A_976 {offsets = [0], sizes = [1], strides = [1]} : vector<16xi32> to vector<1xi32>
        %squeeze3A_978 = vector.extract %slice3A_977[0] : i32 from vector<1xi32>
        %mul3A_979 = arith.constant 32 : i32
        %mul3A_980 = arith.muli %scan3A_276, %mul3A_979 : i32
        %mul3A_981 = arith.constant 8 : i32
        %mul3A_982 = arith.muli %scan3A_275, %mul3A_981 : i32
        %add3A_983 = arith.constant 0 : i32
        %add3A_984 = arith.addi %mul3A_982, %add3A_983 : i32
        %broadcast_in_dim3A_985 = vector.broadcast %add3A_984 : i32 to vector<16xi32>
        %swap3A_986 = arith.index_cast %scan3A_276 : i32 to index
        %swap3A_987 = tpu.vector_load %arg7[%swap3A_986] {strides = array<i32>} : memref<1040xi32, #tpu.memory_space<vmem>>, vector<16xi32>,
        %swap3A_988 = vector.shape_cast %swap3A_987 : vector<16xi32> to vector<16xi32>
        %swap3A_989 = vector.shape_cast %broadcast_in_dim3A_985 : vector<16xi32> to vector<16xi32>
        tpu.vector_store %arg7[%swap3A_986], %swap3A_989 {strides = array<i32>} : memref<1040xi32, #tpu.memory_space<vmem>>, vector<16xi32>,
        %swap3A_990 = arith.index_cast %mul3A_980 : i32 to index
        %swap3A_991 = tpu.vector_load %arg6[%swap3A_990] {strides = array<i32>} : memref<33280xf32, #tpu.memory_space<vmem>>, vector<16xf32>,
        %swap3A_992 = vector.shape_cast %swap3A_991 : vector<16xf32> to vector<16xf32>
        %swap3A_993 = vector.shape_cast %get3A_288 : vector<16xf32> to vector<16xf32>
        tpu.vector_store %arg6[%swap3A_990], %swap3A_993 {strides = array<i32>} : memref<33280xf32, #tpu.memory_space<vmem>>, vector<16xf32>,
        %add3A_994 = arith.constant 16 : i32
        %add3A_995 = arith.addi %mul3A_980, %add3A_994 : i32
        %swap3A_996 = arith.index_cast %add3A_995 : i32 to index
        %swap3A_997 = tpu.vector_load %arg6[%swap3A_996] {strides = array<i32>} : memref<33280xf32, #tpu.memory_space<vmem>>, vector<16xf32>,
        %swap3A_998 = vector.shape_cast %swap3A_997 : vector<16xf32> to vector<16xf32>
        %swap3A_999 = vector.shape_cast %get3A_295 : vector<16xf32> to vector<16xf32>
        tpu.vector_store %arg6[%swap3A_996], %swap3A_999 {strides = array<i32>} : memref<33280xf32, #tpu.memory_space<vmem>>, vector<16xf32>,
        %shift_right_arithmetic3A = arith.constant 0 : i32
        %shift_right_arithmetic3A_1000 = arith.shrsi %squeeze3A_978, %shift_right_arithmetic3A : i32
        %and3A_1001 = arith.constant 1 : i32
        %and3A_1002 = arith.andi %shift_right_arithmetic3A_1000, %and3A_1001 : i32
        %add3A_1003 = arith.addi %scan3A_276, %and3A_1002 : i32
        %mul3A_1004 = arith.constant 32 : i32
        %mul3A_1005 = arith.muli %add3A_1003, %mul3A_1004 : i32
        %mul3A_1006 = arith.constant 8 : i32
        %mul3A_1007 = arith.muli %scan3A_275, %mul3A_1006 : i32
        %add3A_1008 = arith.constant 1 : i32
        %add3A_1009 = arith.addi %mul3A_1007, %add3A_1008 : i32
        %broadcast_in_dim3A_1010 = vector.broadcast %add3A_1009 : i32 to vector<16xi32>
        %swap3A_1011 = arith.index_cast %add3A_1003 : i32 to index
        %swap3A_1012 = tpu.vector_load %arg7[%swap3A_1011] {strides = array<i32>} : memref<1040xi32, #tpu.memory_space<vmem>>, vector<16xi32>,
        %swap3A_1013 = vector.shape_cast %swap3A_1012 : vector<16xi32> to vector<16xi32>
        %swap3A_1014 = vector.shape_cast %broadcast_in_dim3A_1010 : vector<16xi32> to vector<16xi32>
        tpu.vector_store %arg7[%swap3A_1011], %swap3A_1014 {strides = array<i32>} : memref<1040xi32, #tpu.memory_space<vmem>>, vector<16xi32>,
        %swap3A_1015 = arith.index_cast %mul3A_1005 : i32 to index
        %swap3A_1016 = tpu.vector_load %arg6[%swap3A_1015] {strides = array<i32>} : memref<33280xf32, #tpu.memory_space<vmem>>, vector<16xf32>,
        %swap3A_1017 = vector.shape_cast %swap3A_1016 : vector<16xf32> to vector<16xf32>
        %swap3A_1018 = vector.shape_cast %get3A_367 : vector<16xf32> to vector<16xf32>
        tpu.vector_store %arg6[%swap3A_1015], %swap3A_1018 {strides = array<i32>} : memref<33280xf32, #tpu.memory_space<vmem>>, vector<16xf32>,
        %add3A_1019 = arith.constant 16 : i32
        %add3A_1020 = arith.addi %mul3A_1005, %add3A_1019 : i32
        %swap3A_1021 = arith.index_cast %add3A_1020 : i32 to index
        %swap3A_1022 = tpu.vector_load %arg6[%swap3A_1021] {strides = array<i32>} : memref<33280xf32, #tpu.memory_space<vmem>>, vector<16xf32>,
        %swap3A_1023 = vector.shape_cast %swap3A_1022 : vector<16xf32> to vector<16xf32>
        %swap3A_1024 = vector.shape_cast %get3A_374 : vector<16xf32> to vector<16xf32>
        tpu.vector_store %arg6[%swap3A_1021], %swap3A_1024 {strides = array<i32>} : memref<33280xf32, #tpu.memory_space<vmem>>, vector<16xf32>,
        %shift_right_arithmetic3A_1025 = arith.constant 1 : i32
        %shift_right_arithmetic3A_1026 = arith.shrsi %squeeze3A_978, %shift_right_arithmetic3A_1025 : i32
        %and3A_1027 = arith.constant 1 : i32
        %and3A_1028 = arith.andi %shift_right_arithmetic3A_1026, %and3A_1027 : i32
        %add3A_1029 = arith.addi %add3A_1003, %and3A_1028 : i32
        %mul3A_1030 = arith.constant 32 : i32
        %mul3A_1031 = arith.muli %add3A_1029, %mul3A_1030 : i32
        %mul3A_1032 = arith.constant 8 : i32
        %mul3A_1033 = arith.muli %scan3A_275, %mul3A_1032 : i32
        %add3A_1034 = arith.constant 2 : i32
        %add3A_1035 = arith.addi %mul3A_1033, %add3A_1034 : i32
        %broadcast_in_dim3A_1036 = vector.broadcast %add3A_1035 : i32 to vector<16xi32>
        %swap3A_1037 = arith.index_cast %add3A_1029 : i32 to index
        %swap3A_1038 = tpu.vector_load %arg7[%swap3A_1037] {strides = array<i32>} : memref<1040xi32, #tpu.memory_space<vmem>>, vector<16xi32>,
        %swap3A_1039 = vector.shape_cast %swap3A_1038 : vector<16xi32> to vector<16xi32>
        %swap3A_1040 = vector.shape_cast %broadcast_in_dim3A_1036 : vector<16xi32> to vector<16xi32>
        tpu.vector_store %arg7[%swap3A_1037], %swap3A_1040 {strides = array<i32>} : memref<1040xi32, #tpu.memory_space<vmem>>, vector<16xi32>,
        %swap3A_1041 = arith.index_cast %mul3A_1031 : i32 to index
        %swap3A_1042 = tpu.vector_load %arg6[%swap3A_1041] {strides = array<i32>} : memref<33280xf32, #tpu.memory_space<vmem>>, vector<16xf32>,
        %swap3A_1043 = vector.shape_cast %swap3A_1042 : vector<16xf32> to vector<16xf32>
        %swap3A_1044 = vector.shape_cast %get3A_447 : vector<16xf32> to vector<16xf32>
        tpu.vector_store %arg6[%swap3A_1041], %swap3A_1044 {strides = array<i32>} : memref<33280xf32, #tpu.memory_space<vmem>>, vector<16xf32>,
        %add3A_1045 = arith.constant 16 : i32
        %add3A_1046 = arith.addi %mul3A_1031, %add3A_1045 : i32
        %swap3A_1047 = arith.index_cast %add3A_1046 : i32 to index
        %swap3A_1048 = tpu.vector_load %arg6[%swap3A_1047] {strides = array<i32>} : memref<33280xf32, #tpu.memory_space<vmem>>, vector<16xf32>,
        %swap3A_1049 = vector.shape_cast %swap3A_1048 : vector<16xf32> to vector<16xf32>
        %swap3A_1050 = vector.shape_cast %get3A_454 : vector<16xf32> to vector<16xf32>
        tpu.vector_store %arg6[%swap3A_1047], %swap3A_1050 {strides = array<i32>} : memref<33280xf32, #tpu.memory_space<vmem>>, vector<16xf32>,
        %shift_right_arithmetic3A_1051 = arith.constant 2 : i32
        %shift_right_arithmetic3A_1052 = arith.shrsi %squeeze3A_978, %shift_right_arithmetic3A_1051 : i32
        %and3A_1053 = arith.constant 1 : i32
        %and3A_1054 = arith.andi %shift_right_arithmetic3A_1052, %and3A_1053 : i32
        %add3A_1055 = arith.addi %add3A_1029, %and3A_1054 : i32
        %mul3A_1056 = arith.constant 32 : i32
        %mul3A_1057 = arith.muli %add3A_1055, %mul3A_1056 : i32
        %mul3A_1058 = arith.constant 8 : i32
        %mul3A_1059 = arith.muli %scan3A_275, %mul3A_1058 : i32
        %add3A_1060 = arith.constant 3 : i32
        %add3A_1061 = arith.addi %mul3A_1059, %add3A_1060 : i32
        %broadcast_in_dim3A_1062 = vector.broadcast %add3A_1061 : i32 to vector<16xi32>
        %swap3A_1063 = arith.index_cast %add3A_1055 : i32 to index
        %swap3A_1064 = tpu.vector_load %arg7[%swap3A_1063] {strides = array<i32>} : memref<1040xi32, #tpu.memory_space<vmem>>, vector<16xi32>,
        %swap3A_1065 = vector.shape_cast %swap3A_1064 : vector<16xi32> to vector<16xi32>
        %swap3A_1066 = vector.shape_cast %broadcast_in_dim3A_1062 : vector<16xi32> to vector<16xi32>
        tpu.vector_store %arg7[%swap3A_1063], %swap3A_1066 {strides = array<i32>} : memref<1040xi32, #tpu.memory_space<vmem>>, vector<16xi32>,
        %swap3A_1067 = arith.index_cast %mul3A_1057 : i32 to index
        %swap3A_1068 = tpu.vector_load %arg6[%swap3A_1067] {strides = array<i32>} : memref<33280xf32, #tpu.memory_space<vmem>>, vector<16xf32>,
        %swap3A_1069 = vector.shape_cast %swap3A_1068 : vector<16xf32> to vector<16xf32>
        %swap3A_1070 = vector.shape_cast %get3A_527 : vector<16xf32> to vector<16xf32>
        tpu.vector_store %arg6[%swap3A_1067], %swap3A_1070 {strides = array<i32>} : memref<33280xf32, #tpu.memory_space<vmem>>, vector<16xf32>,
        %add3A_1071 = arith.constant 16 : i32
        %add3A_1072 = arith.addi %mul3A_1057, %add3A_1071 : i32
        %swap3A_1073 = arith.index_cast %add3A_1072 : i32 to index
        %swap3A_1074 = tpu.vector_load %arg6[%swap3A_1073] {strides = array<i32>} : memref<33280xf32, #tpu.memory_space<vmem>>, vector<16xf32>,
        %swap3A_1075 = vector.shape_cast %swap3A_1074 : vector<16xf32> to vector<16xf32>
        %swap3A_1076 = vector.shape_cast %get3A_534 : vector<16xf32> to vector<16xf32>
        tpu.vector_store %arg6[%swap3A_1073], %swap3A_1076 {strides = array<i32>} : memref<33280xf32, #tpu.memory_space<vmem>>, vector<16xf32>,
        %shift_right_arithmetic3A_1077 = arith.constant 3 : i32
        %shift_right_arithmetic3A_1078 = arith.shrsi %squeeze3A_978, %shift_right_arithmetic3A_1077 : i32
        %and3A_1079 = arith.constant 1 : i32
        %and3A_1080 = arith.andi %shift_right_arithmetic3A_1078, %and3A_1079 : i32
        %add3A_1081 = arith.addi %add3A_1055, %and3A_1080 : i32
        %mul3A_1082 = arith.constant 32 : i32
        %mul3A_1083 = arith.muli %add3A_1081, %mul3A_1082 : i32
        %mul3A_1084 = arith.constant 8 : i32
        %mul3A_1085 = arith.muli %scan3A_275, %mul3A_1084 : i32
        %add3A_1086 = arith.constant 4 : i32
        %add3A_1087 = arith.addi %mul3A_1085, %add3A_1086 : i32
        %broadcast_in_dim3A_1088 = vector.broadcast %add3A_1087 : i32 to vector<16xi32>
        %swap3A_1089 = arith.index_cast %add3A_1081 : i32 to index
        %swap3A_1090 = tpu.vector_load %arg7[%swap3A_1089] {strides = array<i32>} : memref<1040xi32, #tpu.memory_space<vmem>>, vector<16xi32>,
        %swap3A_1091 = vector.shape_cast %swap3A_1090 : vector<16xi32> to vector<16xi32>
        %swap3A_1092 = vector.shape_cast %broadcast_in_dim3A_1088 : vector<16xi32> to vector<16xi32>
        tpu.vector_store %arg7[%swap3A_1089], %swap3A_1092 {strides = array<i32>} : memref<1040xi32, #tpu.memory_space<vmem>>, vector<16xi32>,
        %swap3A_1093 = arith.index_cast %mul3A_1083 : i32 to index
        %swap3A_1094 = tpu.vector_load %arg6[%swap3A_1093] {strides = array<i32>} : memref<33280xf32, #tpu.memory_space<vmem>>, vector<16xf32>,
        %swap3A_1095 = vector.shape_cast %swap3A_1094 : vector<16xf32> to vector<16xf32>
        %swap3A_1096 = vector.shape_cast %get3A_607 : vector<16xf32> to vector<16xf32>
        tpu.vector_store %arg6[%swap3A_1093], %swap3A_1096 {strides = array<i32>} : memref<33280xf32, #tpu.memory_space<vmem>>, vector<16xf32>,
        %add3A_1097 = arith.constant 16 : i32
        %add3A_1098 = arith.addi %mul3A_1083, %add3A_1097 : i32
        %swap3A_1099 = arith.index_cast %add3A_1098 : i32 to index
        %swap3A_1100 = tpu.vector_load %arg6[%swap3A_1099] {strides = array<i32>} : memref<33280xf32, #tpu.memory_space<vmem>>, vector<16xf32>,
        %swap3A_1101 = vector.shape_cast %swap3A_1100 : vector<16xf32> to vector<16xf32>
        %swap3A_1102 = vector.shape_cast %get3A_614 : vector<16xf32> to vector<16xf32>
        tpu.vector_store %arg6[%swap3A_1099], %swap3A_1102 {strides = array<i32>} : memref<33280xf32, #tpu.memory_space<vmem>>, vector<16xf32>,
        %shift_right_arithmetic3A_1103 = arith.constant 4 : i32
        %shift_right_arithmetic3A_1104 = arith.shrsi %squeeze3A_978, %shift_right_arithmetic3A_1103 : i32
        %and3A_1105 = arith.constant 1 : i32
        %and3A_1106 = arith.andi %shift_right_arithmetic3A_1104, %and3A_1105 : i32
        %add3A_1107 = arith.addi %add3A_1081, %and3A_1106 : i32
        %mul3A_1108 = arith.constant 32 : i32
        %mul3A_1109 = arith.muli %add3A_1107, %mul3A_1108 : i32
        %mul3A_1110 = arith.constant 8 : i32
        %mul3A_1111 = arith.muli %scan3A_275, %mul3A_1110 : i32
        %add3A_1112 = arith.constant 5 : i32
        %add3A_1113 = arith.addi %mul3A_1111, %add3A_1112 : i32
        %broadcast_in_dim3A_1114 = vector.broadcast %add3A_1113 : i32 to vector<16xi32>
        %swap3A_1115 = arith.index_cast %add3A_1107 : i32 to index
        %swap3A_1116 = tpu.vector_load %arg7[%swap3A_1115] {strides = array<i32>} : memref<1040xi32, #tpu.memory_space<vmem>>, vector<16xi32>,
        %swap3A_1117 = vector.shape_cast %swap3A_1116 : vector<16xi32> to vector<16xi32>
        %swap3A_1118 = vector.shape_cast %broadcast_in_dim3A_1114 : vector<16xi32> to vector<16xi32>
        tpu.vector_store %arg7[%swap3A_1115], %swap3A_1118 {strides = array<i32>} : memref<1040xi32, #tpu.memory_space<vmem>>, vector<16xi32>,
        %swap3A_1119 = arith.index_cast %mul3A_1109 : i32 to index
        %swap3A_1120 = tpu.vector_load %arg6[%swap3A_1119] {strides = array<i32>} : memref<33280xf32, #tpu.memory_space<vmem>>, vector<16xf32>,
        %swap3A_1121 = vector.shape_cast %swap3A_1120 : vector<16xf32> to vector<16xf32>
        %swap3A_1122 = vector.shape_cast %get3A_687 : vector<16xf32> to vector<16xf32>
        tpu.vector_store %arg6[%swap3A_1119], %swap3A_1122 {strides = array<i32>} : memref<33280xf32, #tpu.memory_space<vmem>>, vector<16xf32>,
        %add3A_1123 = arith.constant 16 : i32
        %add3A_1124 = arith.addi %mul3A_1109, %add3A_1123 : i32
        %swap3A_1125 = arith.index_cast %add3A_1124 : i32 to index
        %swap3A_1126 = tpu.vector_load %arg6[%swap3A_1125] {strides = array<i32>} : memref<33280xf32, #tpu.memory_space<vmem>>, vector<16xf32>,
        %swap3A_1127 = vector.shape_cast %swap3A_1126 : vector<16xf32> to vector<16xf32>
        %swap3A_1128 = vector.shape_cast %get3A_694 : vector<16xf32> to vector<16xf32>
        tpu.vector_store %arg6[%swap3A_1125], %swap3A_1128 {strides = array<i32>} : memref<33280xf32, #tpu.memory_space<vmem>>, vector<16xf32>,
        %shift_right_arithmetic3A_1129 = arith.constant 5 : i32
        %shift_right_arithmetic3A_1130 = arith.shrsi %squeeze3A_978, %shift_right_arithmetic3A_1129 : i32
        %and3A_1131 = arith.constant 1 : i32
        %and3A_1132 = arith.andi %shift_right_arithmetic3A_1130, %and3A_1131 : i32
        %add3A_1133 = arith.addi %add3A_1107, %and3A_1132 : i32
        %mul3A_1134 = arith.constant 32 : i32
        %mul3A_1135 = arith.muli %add3A_1133, %mul3A_1134 : i32
        %mul3A_1136 = arith.constant 8 : i32
        %mul3A_1137 = arith.muli %scan3A_275, %mul3A_1136 : i32
        %add3A_1138 = arith.constant 6 : i32
        %add3A_1139 = arith.addi %mul3A_1137, %add3A_1138 : i32
        %broadcast_in_dim3A_1140 = vector.broadcast %add3A_1139 : i32 to vector<16xi32>
        %swap3A_1141 = arith.index_cast %add3A_1133 : i32 to index
        %swap3A_1142 = tpu.vector_load %arg7[%swap3A_1141] {strides = array<i32>} : memref<1040xi32, #tpu.memory_space<vmem>>, vector<16xi32>,
        %swap3A_1143 = vector.shape_cast %swap3A_1142 : vector<16xi32> to vector<16xi32>
        %swap3A_1144 = vector.shape_cast %broadcast_in_dim3A_1140 : vector<16xi32> to vector<16xi32>
        tpu.vector_store %arg7[%swap3A_1141], %swap3A_1144 {strides = array<i32>} : memref<1040xi32, #tpu.memory_space<vmem>>, vector<16xi32>,
        %swap3A_1145 = arith.index_cast %mul3A_1135 : i32 to index
        %swap3A_1146 = tpu.vector_load %arg6[%swap3A_1145] {strides = array<i32>} : memref<33280xf32, #tpu.memory_space<vmem>>, vector<16xf32>,
        %swap3A_1147 = vector.shape_cast %swap3A_1146 : vector<16xf32> to vector<16xf32>
        %swap3A_1148 = vector.shape_cast %get3A_767 : vector<16xf32> to vector<16xf32>
        tpu.vector_store %arg6[%swap3A_1145], %swap3A_1148 {strides = array<i32>} : memref<33280xf32, #tpu.memory_space<vmem>>, vector<16xf32>,
        %add3A_1149 = arith.constant 16 : i32
        %add3A_1150 = arith.addi %mul3A_1135, %add3A_1149 : i32
        %swap3A_1151 = arith.index_cast %add3A_1150 : i32 to index
        %swap3A_1152 = tpu.vector_load %arg6[%swap3A_1151] {strides = array<i32>} : memref<33280xf32, #tpu.memory_space<vmem>>, vector<16xf32>,
        %swap3A_1153 = vector.shape_cast %swap3A_1152 : vector<16xf32> to vector<16xf32>
        %swap3A_1154 = vector.shape_cast %get3A_774 : vector<16xf32> to vector<16xf32>
        tpu.vector_store %arg6[%swap3A_1151], %swap3A_1154 {strides = array<i32>} : memref<33280xf32, #tpu.memory_space<vmem>>, vector<16xf32>,
        %shift_right_arithmetic3A_1155 = arith.constant 6 : i32
        %shift_right_arithmetic3A_1156 = arith.shrsi %squeeze3A_978, %shift_right_arithmetic3A_1155 : i32
        %and3A_1157 = arith.constant 1 : i32
        %and3A_1158 = arith.andi %shift_right_arithmetic3A_1156, %and3A_1157 : i32
        %add3A_1159 = arith.addi %add3A_1133, %and3A_1158 : i32
        %mul3A_1160 = arith.constant 32 : i32
        %mul3A_1161 = arith.muli %add3A_1159, %mul3A_1160 : i32
        %mul3A_1162 = arith.constant 8 : i32
        %mul3A_1163 = arith.muli %scan3A_275, %mul3A_1162 : i32
        %add3A_1164 = arith.constant 7 : i32
        %add3A_1165 = arith.addi %mul3A_1163, %add3A_1164 : i32
        %broadcast_in_dim3A_1166 = vector.broadcast %add3A_1165 : i32 to vector<16xi32>
        %swap3A_1167 = arith.index_cast %add3A_1159 : i32 to index
        %swap3A_1168 = tpu.vector_load %arg7[%swap3A_1167] {strides = array<i32>} : memref<1040xi32, #tpu.memory_space<vmem>>, vector<16xi32>,
        %swap3A_1169 = vector.shape_cast %swap3A_1168 : vector<16xi32> to vector<16xi32>
        %swap3A_1170 = vector.shape_cast %broadcast_in_dim3A_1166 : vector<16xi32> to vector<16xi32>
        tpu.vector_store %arg7[%swap3A_1167], %swap3A_1170 {strides = array<i32>} : memref<1040xi32, #tpu.memory_space<vmem>>, vector<16xi32>,
        %swap3A_1171 = arith.index_cast %mul3A_1161 : i32 to index
        %swap3A_1172 = tpu.vector_load %arg6[%swap3A_1171] {strides = array<i32>} : memref<33280xf32, #tpu.memory_space<vmem>>, vector<16xf32>,
        %swap3A_1173 = vector.shape_cast %swap3A_1172 : vector<16xf32> to vector<16xf32>
        %swap3A_1174 = vector.shape_cast %get3A_847 : vector<16xf32> to vector<16xf32>
        tpu.vector_store %arg6[%swap3A_1171], %swap3A_1174 {strides = array<i32>} : memref<33280xf32, #tpu.memory_space<vmem>>, vector<16xf32>,
        %add3A_1175 = arith.constant 16 : i32
        %add3A_1176 = arith.addi %mul3A_1161, %add3A_1175 : i32
        %swap3A_1177 = arith.index_cast %add3A_1176 : i32 to index
        %swap3A_1178 = tpu.vector_load %arg6[%swap3A_1177] {strides = array<i32>} : memref<33280xf32, #tpu.memory_space<vmem>>, vector<16xf32>,
        %swap3A_1179 = vector.shape_cast %swap3A_1178 : vector<16xf32> to vector<16xf32>
        %swap3A_1180 = vector.shape_cast %get3A_854 : vector<16xf32> to vector<16xf32>
        tpu.vector_store %arg6[%swap3A_1177], %swap3A_1180 {strides = array<i32>} : memref<33280xf32, #tpu.memory_space<vmem>>, vector<16xf32>,
        %shift_right_arithmetic3A_1181 = arith.constant 7 : i32
        %shift_right_arithmetic3A_1182 = arith.shrsi %squeeze3A_978, %shift_right_arithmetic3A_1181 : i32
        %and3A_1183 = arith.constant 1 : i32
        %and3A_1184 = arith.andi %shift_right_arithmetic3A_1182, %and3A_1183 : i32
        %add3A_1185 = arith.addi %add3A_1159, %and3A_1184 : i32
        scf.yield %add3A_1185 : i32
      }
      %scan3A_85 = arith.constant 128 : i32
      %broadcast_in_dim3A_86 = arith.constant 1024 : i32
      %broadcast_in_dim3A_87 = vector.broadcast %broadcast_in_dim3A_86 : i32 to vector<16xi32>
      %swap3A = arith.index_cast %scan3A_84 : i32 to index
      %swap3A_88 = tpu.vector_load %arg7[%swap3A] {strides = array<i32>} : memref<1040xi32, #tpu.memory_space<vmem>>, vector<16xi32>,
      %swap3A_89 = vector.shape_cast %swap3A_88 : vector<16xi32> to vector<16xi32>
      %swap3A_90 = vector.shape_cast %broadcast_in_dim3A_87 : vector<16xi32> to vector<16xi32>
      tpu.vector_store %arg7[%swap3A], %swap3A_90 {strides = array<i32>} : memref<1040xi32, #tpu.memory_space<vmem>>, vector<16xi32>,
      %add3A_91 = arith.constant 0 : i32
      %add3A_92 = arith.addi %scan3A_84, %add3A_91 : i32
      %mul3A_93 = arith.constant 32 : i32
      %mul3A_94 = arith.muli %add3A_92, %mul3A_93 : i32
      %broadcast_in_dim3A_95 = arith.constant -1.000000e+09 : f32
      %broadcast_in_dim3A_96 = vector.broadcast %broadcast_in_dim3A_95 : f32 to vector<16xf32>
      %swap3A_97 = arith.index_cast %mul3A_94 : i32 to index
      %swap3A_98 = tpu.vector_load %arg6[%swap3A_97] {strides = array<i32>} : memref<33280xf32, #tpu.memory_space<vmem>>, vector<16xf32>,
      %swap3A_99 = vector.shape_cast %swap3A_98 : vector<16xf32> to vector<16xf32>
      %swap3A_100 = vector.shape_cast %broadcast_in_dim3A_96 : vector<16xf32> to vector<16xf32>
      tpu.vector_store %arg6[%swap3A_97], %swap3A_100 {strides = array<i32>} : memref<33280xf32, #tpu.memory_space<vmem>>, vector<16xf32>,
      %broadcast_in_dim3A_101 = arith.constant -1.000000e+09 : f32
      %broadcast_in_dim3A_102 = vector.broadcast %broadcast_in_dim3A_101 : f32 to vector<16xf32>
      %add3A_103 = arith.constant 16 : i32
      %add3A_104 = arith.addi %mul3A_94, %add3A_103 : i32
      %swap3A_105 = arith.index_cast %add3A_104 : i32 to index
      %swap3A_106 = tpu.vector_load %arg6[%swap3A_105] {strides = array<i32>} : memref<33280xf32, #tpu.memory_space<vmem>>, vector<16xf32>,
      %swap3A_107 = vector.shape_cast %swap3A_106 : vector<16xf32> to vector<16xf32>
      %swap3A_108 = vector.shape_cast %broadcast_in_dim3A_102 : vector<16xf32> to vector<16xf32>
      tpu.vector_store %arg6[%swap3A_105], %swap3A_108 {strides = array<i32>} : memref<33280xf32, #tpu.memory_space<vmem>>, vector<16xf32>,
      %add3A_109 = arith.constant 1 : i32
      %add3A_110 = arith.addi %scan3A_84, %add3A_109 : i32
      %mul3A_111 = arith.constant 32 : i32
      %mul3A_112 = arith.muli %add3A_110, %mul3A_111 : i32
      %broadcast_in_dim3A_113 = arith.constant -1.000000e+09 : f32
      %broadcast_in_dim3A_114 = vector.broadcast %broadcast_in_dim3A_113 : f32 to vector<16xf32>
      %swap3A_115 = arith.index_cast %mul3A_112 : i32 to index
      %swap3A_116 = tpu.vector_load %arg6[%swap3A_115] {strides = array<i32>} : memref<33280xf32, #tpu.memory_space<vmem>>, vector<16xf32>,
      %swap3A_117 = vector.shape_cast %swap3A_116 : vector<16xf32> to vector<16xf32>
      %swap3A_118 = vector.shape_cast %broadcast_in_dim3A_114 : vector<16xf32> to vector<16xf32>
      tpu.vector_store %arg6[%swap3A_115], %swap3A_118 {strides = array<i32>} : memref<33280xf32, #tpu.memory_space<vmem>>, vector<16xf32>,
      %broadcast_in_dim3A_119 = arith.constant -1.000000e+09 : f32
      %broadcast_in_dim3A_120 = vector.broadcast %broadcast_in_dim3A_119 : f32 to vector<16xf32>
      %add3A_121 = arith.constant 16 : i32
      %add3A_122 = arith.addi %mul3A_112, %add3A_121 : i32
      %swap3A_123 = arith.index_cast %add3A_122 : i32 to index
      %swap3A_124 = tpu.vector_load %arg6[%swap3A_123] {strides = array<i32>} : memref<33280xf32, #tpu.memory_space<vmem>>, vector<16xf32>,
      %swap3A_125 = vector.shape_cast %swap3A_124 : vector<16xf32> to vector<16xf32>
      %swap3A_126 = vector.shape_cast %broadcast_in_dim3A_120 : vector<16xf32> to vector<16xf32>
      tpu.vector_store %arg6[%swap3A_123], %swap3A_126 {strides = array<i32>} : memref<33280xf32, #tpu.memory_space<vmem>>, vector<16xf32>,
      %add3A_127 = arith.constant 2 : i32
      %add3A_128 = arith.addi %scan3A_84, %add3A_127 : i32
      %mul3A_129 = arith.constant 32 : i32
      %mul3A_130 = arith.muli %add3A_128, %mul3A_129 : i32
      %broadcast_in_dim3A_131 = arith.constant -1.000000e+09 : f32
      %broadcast_in_dim3A_132 = vector.broadcast %broadcast_in_dim3A_131 : f32 to vector<16xf32>
      %swap3A_133 = arith.index_cast %mul3A_130 : i32 to index
      %swap3A_134 = tpu.vector_load %arg6[%swap3A_133] {strides = array<i32>} : memref<33280xf32, #tpu.memory_space<vmem>>, vector<16xf32>,
      %swap3A_135 = vector.shape_cast %swap3A_134 : vector<16xf32> to vector<16xf32>
      %swap3A_136 = vector.shape_cast %broadcast_in_dim3A_132 : vector<16xf32> to vector<16xf32>
      tpu.vector_store %arg6[%swap3A_133], %swap3A_136 {strides = array<i32>} : memref<33280xf32, #tpu.memory_space<vmem>>, vector<16xf32>,
      %broadcast_in_dim3A_137 = arith.constant -1.000000e+09 : f32
      %broadcast_in_dim3A_138 = vector.broadcast %broadcast_in_dim3A_137 : f32 to vector<16xf32>
      %add3A_139 = arith.constant 16 : i32
      %add3A_140 = arith.addi %mul3A_130, %add3A_139 : i32
      %swap3A_141 = arith.index_cast %add3A_140 : i32 to index
      %swap3A_142 = tpu.vector_load %arg6[%swap3A_141] {strides = array<i32>} : memref<33280xf32, #tpu.memory_space<vmem>>, vector<16xf32>,
      %swap3A_143 = vector.shape_cast %swap3A_142 : vector<16xf32> to vector<16xf32>
      %swap3A_144 = vector.shape_cast %broadcast_in_dim3A_138 : vector<16xf32> to vector<16xf32>
      tpu.vector_store %arg6[%swap3A_141], %swap3A_144 {strides = array<i32>} : memref<33280xf32, #tpu.memory_space<vmem>>, vector<16xf32>,
      %add3A_145 = arith.constant 3 : i32
      %add3A_146 = arith.addi %scan3A_84, %add3A_145 : i32
      %mul3A_147 = arith.constant 32 : i32
      %mul3A_148 = arith.muli %add3A_146, %mul3A_147 : i32
      %broadcast_in_dim3A_149 = arith.constant -1.000000e+09 : f32
      %broadcast_in_dim3A_150 = vector.broadcast %broadcast_in_dim3A_149 : f32 to vector<16xf32>
      %swap3A_151 = arith.index_cast %mul3A_148 : i32 to index
      %swap3A_152 = tpu.vector_load %arg6[%swap3A_151] {strides = array<i32>} : memref<33280xf32, #tpu.memory_space<vmem>>, vector<16xf32>,
      %swap3A_153 = vector.shape_cast %swap3A_152 : vector<16xf32> to vector<16xf32>
      %swap3A_154 = vector.shape_cast %broadcast_in_dim3A_150 : vector<16xf32> to vector<16xf32>
      tpu.vector_store %arg6[%swap3A_151], %swap3A_154 {strides = array<i32>} : memref<33280xf32, #tpu.memory_space<vmem>>, vector<16xf32>,
      %broadcast_in_dim3A_155 = arith.constant -1.000000e+09 : f32
      %broadcast_in_dim3A_156 = vector.broadcast %broadcast_in_dim3A_155 : f32 to vector<16xf32>
      %add3A_157 = arith.constant 16 : i32
      %add3A_158 = arith.addi %mul3A_148, %add3A_157 : i32
      %swap3A_159 = arith.index_cast %add3A_158 : i32 to index
      %swap3A_160 = tpu.vector_load %arg6[%swap3A_159] {strides = array<i32>} : memref<33280xf32, #tpu.memory_space<vmem>>, vector<16xf32>,
      %swap3A_161 = vector.shape_cast %swap3A_160 : vector<16xf32> to vector<16xf32>
      %swap3A_162 = vector.shape_cast %broadcast_in_dim3A_156 : vector<16xf32> to vector<16xf32>
      tpu.vector_store %arg6[%swap3A_159], %swap3A_162 {strides = array<i32>} : memref<33280xf32, #tpu.memory_space<vmem>>, vector<16xf32>,
      %add3A_163 = arith.constant 4 : i32
      %add3A_164 = arith.addi %scan3A_84, %add3A_163 : i32
      %sub3A_165 = arith.constant 1 : i32
      %sub3A_166 = arith.subi %add3A_164, %sub3A_165 : i32
      %jit3A = arith.constant 4 : i32
      %div3A = arith.divsi %sub3A_166, %jit3A : i32
      %sign3A = arith.constant 0 : i32
      %sign3A_167 = arith.cmpi sgt, %sub3A_166, %sign3A : i32
      %sign3A_168 = arith.extui %sign3A_167 : i1 to i32
      %sign3A_169 = arith.constant 0 : i32
      %sign3A_170 = arith.cmpi slt, %sub3A_166, %sign3A_169 : i32
      %sign3A_171 = arith.extui %sign3A_170 : i1 to i32
      %sign3A_172 = arith.subi %sign3A_168, %sign3A_171 : i32
      %sign3A_173 = arith.constant 0 : i32
      %sign3A_174 = arith.cmpi sgt, %jit3A, %sign3A_173 : i32
      %sign3A_175 = arith.extui %sign3A_174 : i1 to i32
      %sign3A_176 = arith.constant 0 : i32
      %sign3A_177 = arith.cmpi slt, %jit3A, %sign3A_176 : i32
      %sign3A_178 = arith.extui %sign3A_177 : i1 to i32
      %sign3A_179 = arith.subi %sign3A_175, %sign3A_178 : i32
      %ne3A = arith.cmpi ne, %sign3A_172, %sign3A_179 : i32
      %rem3A = arith.remsi %sub3A_166, %jit3A : i32
      %ne3A_180 = arith.constant 0 : i32
      %ne3A_181 = arith.cmpi ne, %rem3A, %ne3A_180 : i32
      %and3A = arith.andi %ne3A, %ne3A_181 : i1
      %sub3A_182 = arith.constant 1 : i32
      %sub3A_183 = arith.subi %div3A, %sub3A_182 : i32
      %select_n3A_184 = arith.select %and3A, %sub3A_183, %div3A : i32
      %broadcast_in_dim3A_185 = vector.broadcast %squeeze3A : f32 to vector<16xf32>
      %sub3A_186 = arith.constant 1.000000e+00 : f32
      %sub3A_187 = vector.broadcast %sub3A_186 : f32 to vector<16xf32>
      %sub3A_188 = arith.subf %broadcast_in_dim3A_185, %sub3A_187 : vector<16xf32>
      %sub3A_189 = arith.constant 5.000000e-01 : f32
      %sub3A_190 = vector.broadcast %sub3A_189 : f32 to vector<16xf32>
      %sub3A_191 = arith.subf %broadcast_in_dim3A_185, %sub3A_190 : vector<16xf32>
      %broadcast_in_dim3A_192 = arith.constant 1.000000e+00 : f32
      %broadcast_in_dim3A_193 = vector.broadcast %broadcast_in_dim3A_192 : f32 to vector<16xf32>
      %scan3A_194 = arith.constant 0 : i32
      %scan3A_195 = arith.constant 30 : i32
      %scan3A_196 = arith.addi %scan3A_194, %scan3A_195 : i32
      %scan3A_197 = arith.constant 1 : i32
      %scan3A_198:4 = scf.for %scan3A_275 = %scan3A_194 to %scan3A_196 step %scan3A_197 iter_args(%scan3A_276 = %sub3A_188, %scan3A_277 = %broadcast_in_dim3A_185, %scan3A_278 = %sub3A_191, %scan3A_279 = %broadcast_in_dim3A_193) -> (vector<16xf32>, vector<16xf32>, vector<16xf32>, vector<16xf32>)  : i32 {
        %sub3A_280 = arith.subf %scan3A_277, %scan3A_276 : vector<16xf32>
        %slice3A_281 = vector.extract_strided_slice %sub3A_280 {offsets = [0], sizes = [1], strides = [1]} : vector<16xf32> to vector<1xf32>
        %squeeze3A_282 = vector.extract %slice3A_281[0] : f32 from vector<1xf32>
        %gt3A = arith.constant 6.000000e-07 : f32
        %gt3A_283 = arith.cmpf ogt, %squeeze3A_282, %gt3A : f32
        %jit3A_284 = arith.constant 1.000000e+00 : f32
        %jit3A_285 = arith.constant 0.000000e+00 : f32
        %select_n3A_286 = arith.select %gt3A_283, %jit3A_284, %jit3A_285 : f32
        %slice3A_287 = vector.extract_strided_slice %scan3A_279 {offsets = [0], sizes = [1], strides = [1]} : vector<16xf32> to vector<1xf32>
        %squeeze3A_288 = vector.extract %slice3A_287[0] : f32 from vector<1xf32>
        %gt3A_289 = arith.constant 3.000000e-05 : f32
        %gt3A_290 = arith.cmpf ogt, %squeeze3A_288, %gt3A_289 : f32
        %jit3A_291 = arith.constant 1.000000e+00 : f32
        %jit3A_292 = arith.constant 0.000000e+00 : f32
        %select_n3A_293 = arith.select %gt3A_290, %jit3A_291, %jit3A_292 : f32
        %min3A = arith.minimumf %select_n3A_286, %select_n3A_293 : f32
        %gt3A_294 = arith.constant 5.000000e-01 : f32
        %gt3A_295 = arith.cmpf ogt, %min3A, %gt3A_294 : f32
        %jit3A_296 = arith.constant 0 : i32
        %select_n3A_297 = arith.select %gt3A_295, %select_n3A_184, %jit3A_296 : i32
        %broadcast_in_dim3A_298 = arith.constant 0.000000e+00 : f32
        %broadcast_in_dim3A_299 = vector.broadcast %broadcast_in_dim3A_298 : f32 to vector<16xf32>
        %while3A_300 = arith.constant 0 : i32
        %while3A_301 = arith.subi %select_n3A_297, %while3A_300 : i32
        %while3A_302 = arith.addi %while3A_300, %while3A_301 : i32
        %while3A_303 = arith.constant 1 : i32
        %while3A_304 = arith.divsi %while3A_301, %while3A_303 : i32
        %while3A_305 = arith.muli %while3A_304, %while3A_303 : i32
        %while3A_306 = arith.addi %while3A_300, %while3A_305 : i32
        %while3A_307 = arith.constant 1 : i32
        %while3A_308:6 = scf.for %while3A_473 = %while3A_300 to %while3A_306 step %while3A_307 iter_args(%while3A_474 = %broadcast_in_dim3A_299, %while3A_475 = %broadcast_in_dim3A_299, %while3A_476 = %broadcast_in_dim3A_299, %while3A_477 = %broadcast_in_dim3A_299, %while3A_478 = %broadcast_in_dim3A_299, %while3A_479 = %broadcast_in_dim3A_299) -> (vector<16xf32>, vector<16xf32>, vector<16xf32>, vector<16xf32>, vector<16xf32>, vector<16xf32>)  : i32 {
          %mul3A_480 = arith.constant 128 : i32
          %mul3A_481 = arith.muli %while3A_473, %mul3A_480 : i32
          %get3A = arith.index_cast %mul3A_481 : i32 to index
          %get3A_482 = tpu.vector_load %arg6[%get3A] {strides = array<i32>} : memref<33280xf32, #tpu.memory_space<vmem>>, vector<16xf32>,
          %get3A_483 = vector.shape_cast %get3A_482 : vector<16xf32> to vector<16xf32>
          %sub3A_484 = arith.subf %get3A_483, %scan3A_278 : vector<16xf32>
          %max3A_485 = arith.constant 0.000000e+00 : f32
          %max3A_486 = vector.broadcast %max3A_485 : f32 to vector<16xf32>
          %max3A_487 = arith.maximumf %sub3A_484, %max3A_486 : vector<16xf32>
          %add3A_488 = arith.constant 16 : i32
          %add3A_489 = arith.addi %mul3A_481, %add3A_488 : i32
          %get3A_490 = arith.index_cast %add3A_489 : i32 to index
          %get3A_491 = tpu.vector_load %arg6[%get3A_490] {strides = array<i32>} : memref<33280xf32, #tpu.memory_space<vmem>>, vector<16xf32>,
          %get3A_492 = vector.shape_cast %get3A_491 : vector<16xf32> to vector<16xf32>
          %sub3A_493 = arith.subf %get3A_492, %scan3A_278 : vector<16xf32>
          %max3A_494 = arith.constant 0.000000e+00 : f32
          %max3A_495 = vector.broadcast %max3A_494 : f32 to vector<16xf32>
          %max3A_496 = arith.maximumf %sub3A_493, %max3A_495 : vector<16xf32>
          %add3A_497 = arith.constant 32 : i32
          %add3A_498 = arith.addi %mul3A_481, %add3A_497 : i32
          %get3A_499 = arith.index_cast %add3A_498 : i32 to index
          %get3A_500 = tpu.vector_load %arg6[%get3A_499] {strides = array<i32>} : memref<33280xf32, #tpu.memory_space<vmem>>, vector<16xf32>,
          %get3A_501 = vector.shape_cast %get3A_500 : vector<16xf32> to vector<16xf32>
          %sub3A_502 = arith.subf %get3A_501, %scan3A_278 : vector<16xf32>
          %max3A_503 = arith.constant 0.000000e+00 : f32
          %max3A_504 = vector.broadcast %max3A_503 : f32 to vector<16xf32>
          %max3A_505 = arith.maximumf %sub3A_502, %max3A_504 : vector<16xf32>
          %add3A_506 = arith.constant 48 : i32
          %add3A_507 = arith.addi %mul3A_481, %add3A_506 : i32
          %get3A_508 = arith.index_cast %add3A_507 : i32 to index
          %get3A_509 = tpu.vector_load %arg6[%get3A_508] {strides = array<i32>} : memref<33280xf32, #tpu.memory_space<vmem>>, vector<16xf32>,
          %get3A_510 = vector.shape_cast %get3A_509 : vector<16xf32> to vector<16xf32>
          %sub3A_511 = arith.subf %get3A_510, %scan3A_278 : vector<16xf32>
          %max3A_512 = arith.constant 0.000000e+00 : f32
          %max3A_513 = vector.broadcast %max3A_512 : f32 to vector<16xf32>
          %max3A_514 = arith.maximumf %sub3A_511, %max3A_513 : vector<16xf32>
          %add3A_515 = arith.constant 64 : i32
          %add3A_516 = arith.addi %mul3A_481, %add3A_515 : i32
          %get3A_517 = arith.index_cast %add3A_516 : i32 to index
          %get3A_518 = tpu.vector_load %arg6[%get3A_517] {strides = array<i32>} : memref<33280xf32, #tpu.memory_space<vmem>>, vector<16xf32>,
          %get3A_519 = vector.shape_cast %get3A_518 : vector<16xf32> to vector<16xf32>
          %sub3A_520 = arith.subf %get3A_519, %scan3A_278 : vector<16xf32>
          %max3A_521 = arith.constant 0.000000e+00 : f32
          %max3A_522 = vector.broadcast %max3A_521 : f32 to vector<16xf32>
          %max3A_523 = arith.maximumf %sub3A_520, %max3A_522 : vector<16xf32>
          %add3A_524 = arith.constant 80 : i32
          %add3A_525 = arith.addi %mul3A_481, %add3A_524 : i32
          %get3A_526 = arith.index_cast %add3A_525 : i32 to index
          %get3A_527 = tpu.vector_load %arg6[%get3A_526] {strides = array<i32>} : memref<33280xf32, #tpu.memory_space<vmem>>, vector<16xf32>,
          %get3A_528 = vector.shape_cast %get3A_527 : vector<16xf32> to vector<16xf32>
          %sub3A_529 = arith.subf %get3A_528, %scan3A_278 : vector<16xf32>
          %max3A_530 = arith.constant 0.000000e+00 : f32
          %max3A_531 = vector.broadcast %max3A_530 : f32 to vector<16xf32>
          %max3A_532 = arith.maximumf %sub3A_529, %max3A_531 : vector<16xf32>
          %add3A_533 = arith.constant 96 : i32
          %add3A_534 = arith.addi %mul3A_481, %add3A_533 : i32
          %get3A_535 = arith.index_cast %add3A_534 : i32 to index
          %get3A_536 = tpu.vector_load %arg6[%get3A_535] {strides = array<i32>} : memref<33280xf32, #tpu.memory_space<vmem>>, vector<16xf32>,
          %get3A_537 = vector.shape_cast %get3A_536 : vector<16xf32> to vector<16xf32>
          %sub3A_538 = arith.subf %get3A_537, %scan3A_278 : vector<16xf32>
          %max3A_539 = arith.constant 0.000000e+00 : f32
          %max3A_540 = vector.broadcast %max3A_539 : f32 to vector<16xf32>
          %max3A_541 = arith.maximumf %sub3A_538, %max3A_540 : vector<16xf32>
          %add3A_542 = arith.constant 112 : i32
          %add3A_543 = arith.addi %mul3A_481, %add3A_542 : i32
          %get3A_544 = arith.index_cast %add3A_543 : i32 to index
          %get3A_545 = tpu.vector_load %arg6[%get3A_544] {strides = array<i32>} : memref<33280xf32, #tpu.memory_space<vmem>>, vector<16xf32>,
          %get3A_546 = vector.shape_cast %get3A_545 : vector<16xf32> to vector<16xf32>
          %sub3A_547 = arith.subf %get3A_546, %scan3A_278 : vector<16xf32>
          %max3A_548 = arith.constant 0.000000e+00 : f32
          %max3A_549 = vector.broadcast %max3A_548 : f32 to vector<16xf32>
          %max3A_550 = arith.maximumf %sub3A_547, %max3A_549 : vector<16xf32>
          %mul3A_551 = arith.mulf %max3A_487, %max3A_487 : vector<16xf32>
          %add3A_552 = arith.addf %while3A_474, %mul3A_551 : vector<16xf32>
          %mul3A_553 = arith.mulf %max3A_523, %max3A_523 : vector<16xf32>
          %add3A_554 = arith.addf %add3A_552, %mul3A_553 : vector<16xf32>
          %mul3A_555 = arith.mulf %max3A_496, %max3A_496 : vector<16xf32>
          %add3A_556 = arith.addf %while3A_475, %mul3A_555 : vector<16xf32>
          %mul3A_557 = arith.mulf %max3A_532, %max3A_532 : vector<16xf32>
          %add3A_558 = arith.addf %add3A_556, %mul3A_557 : vector<16xf32>
          %mul3A_559 = arith.mulf %max3A_505, %max3A_505 : vector<16xf32>
          %add3A_560 = arith.addf %while3A_476, %mul3A_559 : vector<16xf32>
          %mul3A_561 = arith.mulf %max3A_541, %max3A_541 : vector<16xf32>
          %add3A_562 = arith.addf %add3A_560, %mul3A_561 : vector<16xf32>
          %mul3A_563 = arith.mulf %max3A_514, %max3A_514 : vector<16xf32>
          %add3A_564 = arith.addf %while3A_477, %mul3A_563 : vector<16xf32>
          %mul3A_565 = arith.mulf %max3A_550, %max3A_550 : vector<16xf32>
          %add3A_566 = arith.addf %add3A_564, %mul3A_565 : vector<16xf32>
          %add3A_567 = arith.addf %while3A_478, %max3A_487 : vector<16xf32>
          %add3A_568 = arith.addf %add3A_567, %max3A_496 : vector<16xf32>
          %add3A_569 = arith.addf %add3A_568, %max3A_505 : vector<16xf32>
          %add3A_570 = arith.addf %add3A_569, %max3A_514 : vector<16xf32>
          %add3A_571 = arith.addf %while3A_479, %max3A_523 : vector<16xf32>
          %add3A_572 = arith.addf %add3A_571, %max3A_532 : vector<16xf32>
          %add3A_573 = arith.addf %add3A_572, %max3A_541 : vector<16xf32>
          %add3A_574 = arith.addf %add3A_573, %max3A_550 : vector<16xf32>
          scf.yield %add3A_554, %add3A_558, %add3A_562, %add3A_566, %add3A_570, %add3A_574 : vector<16xf32>, vector<16xf32>, vector<16xf32>, vector<16xf32>, vector<16xf32>, vector<16xf32>
        }
        %while3A_309 = arith.constant 1 : i32
        %while3A_310:6 = scf.for %while3A_473 = %while3A_306 to %while3A_302 step %while3A_309 iter_args(%while3A_474 = %while3A_308#0, %while3A_475 = %while3A_308#1, %while3A_476 = %while3A_308#2, %while3A_477 = %while3A_308#3, %while3A_478 = %while3A_308#4, %while3A_479 = %while3A_308#5) -> (vector<16xf32>, vector<16xf32>, vector<16xf32>, vector<16xf32>, vector<16xf32>, vector<16xf32>)  : i32 {
          %mul3A_480 = arith.constant 128 : i32
          %mul3A_481 = arith.muli %while3A_473, %mul3A_480 : i32
          %get3A = arith.index_cast %mul3A_481 : i32 to index
          %get3A_482 = tpu.vector_load %arg6[%get3A] {strides = array<i32>} : memref<33280xf32, #tpu.memory_space<vmem>>, vector<16xf32>,
          %get3A_483 = vector.shape_cast %get3A_482 : vector<16xf32> to vector<16xf32>
          %sub3A_484 = arith.subf %get3A_483, %scan3A_278 : vector<16xf32>
          %max3A_485 = arith.constant 0.000000e+00 : f32
          %max3A_486 = vector.broadcast %max3A_485 : f32 to vector<16xf32>
          %max3A_487 = arith.maximumf %sub3A_484, %max3A_486 : vector<16xf32>
          %add3A_488 = arith.constant 16 : i32
          %add3A_489 = arith.addi %mul3A_481, %add3A_488 : i32
          %get3A_490 = arith.index_cast %add3A_489 : i32 to index
          %get3A_491 = tpu.vector_load %arg6[%get3A_490] {strides = array<i32>} : memref<33280xf32, #tpu.memory_space<vmem>>, vector<16xf32>,
          %get3A_492 = vector.shape_cast %get3A_491 : vector<16xf32> to vector<16xf32>
          %sub3A_493 = arith.subf %get3A_492, %scan3A_278 : vector<16xf32>
          %max3A_494 = arith.constant 0.000000e+00 : f32
          %max3A_495 = vector.broadcast %max3A_494 : f32 to vector<16xf32>
          %max3A_496 = arith.maximumf %sub3A_493, %max3A_495 : vector<16xf32>
          %add3A_497 = arith.constant 32 : i32
          %add3A_498 = arith.addi %mul3A_481, %add3A_497 : i32
          %get3A_499 = arith.index_cast %add3A_498 : i32 to index
          %get3A_500 = tpu.vector_load %arg6[%get3A_499] {strides = array<i32>} : memref<33280xf32, #tpu.memory_space<vmem>>, vector<16xf32>,
          %get3A_501 = vector.shape_cast %get3A_500 : vector<16xf32> to vector<16xf32>
          %sub3A_502 = arith.subf %get3A_501, %scan3A_278 : vector<16xf32>
          %max3A_503 = arith.constant 0.000000e+00 : f32
          %max3A_504 = vector.broadcast %max3A_503 : f32 to vector<16xf32>
          %max3A_505 = arith.maximumf %sub3A_502, %max3A_504 : vector<16xf32>
          %add3A_506 = arith.constant 48 : i32
          %add3A_507 = arith.addi %mul3A_481, %add3A_506 : i32
          %get3A_508 = arith.index_cast %add3A_507 : i32 to index
          %get3A_509 = tpu.vector_load %arg6[%get3A_508] {strides = array<i32>} : memref<33280xf32, #tpu.memory_space<vmem>>, vector<16xf32>,
          %get3A_510 = vector.shape_cast %get3A_509 : vector<16xf32> to vector<16xf32>
          %sub3A_511 = arith.subf %get3A_510, %scan3A_278 : vector<16xf32>
          %max3A_512 = arith.constant 0.000000e+00 : f32
          %max3A_513 = vector.broadcast %max3A_512 : f32 to vector<16xf32>
          %max3A_514 = arith.maximumf %sub3A_511, %max3A_513 : vector<16xf32>
          %add3A_515 = arith.constant 64 : i32
          %add3A_516 = arith.addi %mul3A_481, %add3A_515 : i32
          %get3A_517 = arith.index_cast %add3A_516 : i32 to index
          %get3A_518 = tpu.vector_load %arg6[%get3A_517] {strides = array<i32>} : memref<33280xf32, #tpu.memory_space<vmem>>, vector<16xf32>,
          %get3A_519 = vector.shape_cast %get3A_518 : vector<16xf32> to vector<16xf32>
          %sub3A_520 = arith.subf %get3A_519, %scan3A_278 : vector<16xf32>
          %max3A_521 = arith.constant 0.000000e+00 : f32
          %max3A_522 = vector.broadcast %max3A_521 : f32 to vector<16xf32>
          %max3A_523 = arith.maximumf %sub3A_520, %max3A_522 : vector<16xf32>
          %add3A_524 = arith.constant 80 : i32
          %add3A_525 = arith.addi %mul3A_481, %add3A_524 : i32
          %get3A_526 = arith.index_cast %add3A_525 : i32 to index
          %get3A_527 = tpu.vector_load %arg6[%get3A_526] {strides = array<i32>} : memref<33280xf32, #tpu.memory_space<vmem>>, vector<16xf32>,
          %get3A_528 = vector.shape_cast %get3A_527 : vector<16xf32> to vector<16xf32>
          %sub3A_529 = arith.subf %get3A_528, %scan3A_278 : vector<16xf32>
          %max3A_530 = arith.constant 0.000000e+00 : f32
          %max3A_531 = vector.broadcast %max3A_530 : f32 to vector<16xf32>
          %max3A_532 = arith.maximumf %sub3A_529, %max3A_531 : vector<16xf32>
          %add3A_533 = arith.constant 96 : i32
          %add3A_534 = arith.addi %mul3A_481, %add3A_533 : i32
          %get3A_535 = arith.index_cast %add3A_534 : i32 to index
          %get3A_536 = tpu.vector_load %arg6[%get3A_535] {strides = array<i32>} : memref<33280xf32, #tpu.memory_space<vmem>>, vector<16xf32>,
          %get3A_537 = vector.shape_cast %get3A_536 : vector<16xf32> to vector<16xf32>
          %sub3A_538 = arith.subf %get3A_537, %scan3A_278 : vector<16xf32>
          %max3A_539 = arith.constant 0.000000e+00 : f32
          %max3A_540 = vector.broadcast %max3A_539 : f32 to vector<16xf32>
          %max3A_541 = arith.maximumf %sub3A_538, %max3A_540 : vector<16xf32>
          %add3A_542 = arith.constant 112 : i32
          %add3A_543 = arith.addi %mul3A_481, %add3A_542 : i32
          %get3A_544 = arith.index_cast %add3A_543 : i32 to index
          %get3A_545 = tpu.vector_load %arg6[%get3A_544] {strides = array<i32>} : memref<33280xf32, #tpu.memory_space<vmem>>, vector<16xf32>,
          %get3A_546 = vector.shape_cast %get3A_545 : vector<16xf32> to vector<16xf32>
          %sub3A_547 = arith.subf %get3A_546, %scan3A_278 : vector<16xf32>
          %max3A_548 = arith.constant 0.000000e+00 : f32
          %max3A_549 = vector.broadcast %max3A_548 : f32 to vector<16xf32>
          %max3A_550 = arith.maximumf %sub3A_547, %max3A_549 : vector<16xf32>
          %mul3A_551 = arith.mulf %max3A_487, %max3A_487 : vector<16xf32>
          %add3A_552 = arith.addf %while3A_474, %mul3A_551 : vector<16xf32>
          %mul3A_553 = arith.mulf %max3A_523, %max3A_523 : vector<16xf32>
          %add3A_554 = arith.addf %add3A_552, %mul3A_553 : vector<16xf32>
          %mul3A_555 = arith.mulf %max3A_496, %max3A_496 : vector<16xf32>
          %add3A_556 = arith.addf %while3A_475, %mul3A_555 : vector<16xf32>
          %mul3A_557 = arith.mulf %max3A_532, %max3A_532 : vector<16xf32>
          %add3A_558 = arith.addf %add3A_556, %mul3A_557 : vector<16xf32>
          %mul3A_559 = arith.mulf %max3A_505, %max3A_505 : vector<16xf32>
          %add3A_560 = arith.addf %while3A_476, %mul3A_559 : vector<16xf32>
          %mul3A_561 = arith.mulf %max3A_541, %max3A_541 : vector<16xf32>
          %add3A_562 = arith.addf %add3A_560, %mul3A_561 : vector<16xf32>
          %mul3A_563 = arith.mulf %max3A_514, %max3A_514 : vector<16xf32>
          %add3A_564 = arith.addf %while3A_477, %mul3A_563 : vector<16xf32>
          %mul3A_565 = arith.mulf %max3A_550, %max3A_550 : vector<16xf32>
          %add3A_566 = arith.addf %add3A_564, %mul3A_565 : vector<16xf32>
          %add3A_567 = arith.addf %while3A_478, %max3A_487 : vector<16xf32>
          %add3A_568 = arith.addf %add3A_567, %max3A_496 : vector<16xf32>
          %add3A_569 = arith.addf %add3A_568, %max3A_505 : vector<16xf32>
          %add3A_570 = arith.addf %add3A_569, %max3A_514 : vector<16xf32>
          %add3A_571 = arith.addf %while3A_479, %max3A_523 : vector<16xf32>
          %add3A_572 = arith.addf %add3A_571, %max3A_532 : vector<16xf32>
          %add3A_573 = arith.addf %add3A_572, %max3A_541 : vector<16xf32>
          %add3A_574 = arith.addf %add3A_573, %max3A_550 : vector<16xf32>
          scf.yield %add3A_554, %add3A_558, %add3A_562, %add3A_566, %add3A_570, %add3A_574 : vector<16xf32>, vector<16xf32>, vector<16xf32>, vector<16xf32>, vector<16xf32>, vector<16xf32>
        }
        %add3A_311 = arith.addf %while3A_310#0, %while3A_310#1 : vector<16xf32>
        %add3A_312 = arith.addf %while3A_310#2, %while3A_310#3 : vector<16xf32>
        %add3A_313 = arith.addf %add3A_311, %add3A_312 : vector<16xf32>
        %iota3A_314 = tpu.iota {dimensions = array<i32: 0>} : vector<16xi32>
        %xor3A_315 = arith.constant 8 : i32
        %xor3A_316 = vector.broadcast %xor3A_315 : i32 to vector<16xi32>
        %xor3A_317 = arith.xori %iota3A_314, %xor3A_316 : vector<16xi32>
        %lt3A_318 = arith.constant 0 : i32
        %lt3A_319 = vector.broadcast %lt3A_318 : i32 to vector<16xi32>
        %lt3A_320 = arith.cmpi slt, %xor3A_317, %lt3A_319 : vector<16xi32>
        %add3A_321 = arith.constant 16 : i32
        %add3A_322 = vector.broadcast %add3A_321 : i32 to vector<16xi32>
        %add3A_323 = arith.addi %xor3A_317, %add3A_322 : vector<16xi32>
        %select_n3A_324 = arith.select %lt3A_320, %add3A_323, %xor3A_317 : vector<16xi1>, vector<16xi32>
        %broadcast_in_dim3A_325 = vector.shape_cast %select_n3A_324 : vector<16xi32> to vector<16x1xi32>
        %gather3A_326 = vector.shape_cast %broadcast_in_dim3A_325 : vector<16x1xi32> to vector<16xi32>
        %gather3A_327 = tpu.dynamic_gather %add3A_313[%gather3A_326] in [0] : vector<16xf32>, vector<16xi32> -> vector<16xf32>
        %add3A_328 = arith.addf %add3A_313, %gather3A_327 : vector<16xf32>
        %xor3A_329 = arith.constant 4 : i32
        %xor3A_330 = vector.broadcast %xor3A_329 : i32 to vector<16xi32>
        %xor3A_331 = arith.xori %iota3A_314, %xor3A_330 : vector<16xi32>
        %lt3A_332 = arith.constant 0 : i32
        %lt3A_333 = vector.broadcast %lt3A_332 : i32 to vector<16xi32>
        %lt3A_334 = arith.cmpi slt, %xor3A_331, %lt3A_333 : vector<16xi32>
        %add3A_335 = arith.constant 16 : i32
        %add3A_336 = vector.broadcast %add3A_335 : i32 to vector<16xi32>
        %add3A_337 = arith.addi %xor3A_331, %add3A_336 : vector<16xi32>
        %select_n3A_338 = arith.select %lt3A_334, %add3A_337, %xor3A_331 : vector<16xi1>, vector<16xi32>
        %broadcast_in_dim3A_339 = vector.shape_cast %select_n3A_338 : vector<16xi32> to vector<16x1xi32>
        %gather3A_340 = vector.shape_cast %broadcast_in_dim3A_339 : vector<16x1xi32> to vector<16xi32>
        %gather3A_341 = tpu.dynamic_gather %add3A_328[%gather3A_340] in [0] : vector<16xf32>, vector<16xi32> -> vector<16xf32>
        %add3A_342 = arith.addf %add3A_328, %gather3A_341 : vector<16xf32>
        %xor3A_343 = arith.constant 2 : i32
        %xor3A_344 = vector.broadcast %xor3A_343 : i32 to vector<16xi32>
        %xor3A_345 = arith.xori %iota3A_314, %xor3A_344 : vector<16xi32>
        %lt3A_346 = arith.constant 0 : i32
        %lt3A_347 = vector.broadcast %lt3A_346 : i32 to vector<16xi32>
        %lt3A_348 = arith.cmpi slt, %xor3A_345, %lt3A_347 : vector<16xi32>
        %add3A_349 = arith.constant 16 : i32
        %add3A_350 = vector.broadcast %add3A_349 : i32 to vector<16xi32>
        %add3A_351 = arith.addi %xor3A_345, %add3A_350 : vector<16xi32>
        %select_n3A_352 = arith.select %lt3A_348, %add3A_351, %xor3A_345 : vector<16xi1>, vector<16xi32>
        %broadcast_in_dim3A_353 = vector.shape_cast %select_n3A_352 : vector<16xi32> to vector<16x1xi32>
        %gather3A_354 = vector.shape_cast %broadcast_in_dim3A_353 : vector<16x1xi32> to vector<16xi32>
        %gather3A_355 = tpu.dynamic_gather %add3A_342[%gather3A_354] in [0] : vector<16xf32>, vector<16xi32> -> vector<16xf32>
        %add3A_356 = arith.addf %add3A_342, %gather3A_355 : vector<16xf32>
        %xor3A_357 = arith.constant 1 : i32
        %xor3A_358 = vector.broadcast %xor3A_357 : i32 to vector<16xi32>
        %xor3A_359 = arith.xori %iota3A_314, %xor3A_358 : vector<16xi32>
        %lt3A_360 = arith.constant 0 : i32
        %lt3A_361 = vector.broadcast %lt3A_360 : i32 to vector<16xi32>
        %lt3A_362 = arith.cmpi slt, %xor3A_359, %lt3A_361 : vector<16xi32>
        %add3A_363 = arith.constant 16 : i32
        %add3A_364 = vector.broadcast %add3A_363 : i32 to vector<16xi32>
        %add3A_365 = arith.addi %xor3A_359, %add3A_364 : vector<16xi32>
        %select_n3A_366 = arith.select %lt3A_362, %add3A_365, %xor3A_359 : vector<16xi1>, vector<16xi32>
        %broadcast_in_dim3A_367 = vector.shape_cast %select_n3A_366 : vector<16xi32> to vector<16x1xi32>
        %gather3A_368 = vector.shape_cast %broadcast_in_dim3A_367 : vector<16x1xi32> to vector<16xi32>
        %gather3A_369 = tpu.dynamic_gather %add3A_356[%gather3A_368] in [0] : vector<16xf32>, vector<16xi32> -> vector<16xf32>
        %add3A_370 = arith.addf %add3A_356, %gather3A_369 : vector<16xf32>
        %add3A_371 = arith.addf %while3A_310#4, %while3A_310#5 : vector<16xf32>
        %iota3A_372 = tpu.iota {dimensions = array<i32: 0>} : vector<16xi32>
        %xor3A_373 = arith.constant 8 : i32
        %xor3A_374 = vector.broadcast %xor3A_373 : i32 to vector<16xi32>
        %xor3A_375 = arith.xori %iota3A_372, %xor3A_374 : vector<16xi32>
        %lt3A_376 = arith.constant 0 : i32
        %lt3A_377 = vector.broadcast %lt3A_376 : i32 to vector<16xi32>
        %lt3A_378 = arith.cmpi slt, %xor3A_375, %lt3A_377 : vector<16xi32>
        %add3A_379 = arith.constant 16 : i32
        %add3A_380 = vector.broadcast %add3A_379 : i32 to vector<16xi32>
        %add3A_381 = arith.addi %xor3A_375, %add3A_380 : vector<16xi32>
        %select_n3A_382 = arith.select %lt3A_378, %add3A_381, %xor3A_375 : vector<16xi1>, vector<16xi32>
        %broadcast_in_dim3A_383 = vector.shape_cast %select_n3A_382 : vector<16xi32> to vector<16x1xi32>
        %gather3A_384 = vector.shape_cast %broadcast_in_dim3A_383 : vector<16x1xi32> to vector<16xi32>
        %gather3A_385 = tpu.dynamic_gather %add3A_371[%gather3A_384] in [0] : vector<16xf32>, vector<16xi32> -> vector<16xf32>
        %add3A_386 = arith.addf %add3A_371, %gather3A_385 : vector<16xf32>
        %xor3A_387 = arith.constant 4 : i32
        %xor3A_388 = vector.broadcast %xor3A_387 : i32 to vector<16xi32>
        %xor3A_389 = arith.xori %iota3A_372, %xor3A_388 : vector<16xi32>
        %lt3A_390 = arith.constant 0 : i32
        %lt3A_391 = vector.broadcast %lt3A_390 : i32 to vector<16xi32>
        %lt3A_392 = arith.cmpi slt, %xor3A_389, %lt3A_391 : vector<16xi32>
        %add3A_393 = arith.constant 16 : i32
        %add3A_394 = vector.broadcast %add3A_393 : i32 to vector<16xi32>
        %add3A_395 = arith.addi %xor3A_389, %add3A_394 : vector<16xi32>
        %select_n3A_396 = arith.select %lt3A_392, %add3A_395, %xor3A_389 : vector<16xi1>, vector<16xi32>
        %broadcast_in_dim3A_397 = vector.shape_cast %select_n3A_396 : vector<16xi32> to vector<16x1xi32>
        %gather3A_398 = vector.shape_cast %broadcast_in_dim3A_397 : vector<16x1xi32> to vector<16xi32>
        %gather3A_399 = tpu.dynamic_gather %add3A_386[%gather3A_398] in [0] : vector<16xf32>, vector<16xi32> -> vector<16xf32>
        %add3A_400 = arith.addf %add3A_386, %gather3A_399 : vector<16xf32>
        %xor3A_401 = arith.constant 2 : i32
        %xor3A_402 = vector.broadcast %xor3A_401 : i32 to vector<16xi32>
        %xor3A_403 = arith.xori %iota3A_372, %xor3A_402 : vector<16xi32>
        %lt3A_404 = arith.constant 0 : i32
        %lt3A_405 = vector.broadcast %lt3A_404 : i32 to vector<16xi32>
        %lt3A_406 = arith.cmpi slt, %xor3A_403, %lt3A_405 : vector<16xi32>
        %add3A_407 = arith.constant 16 : i32
        %add3A_408 = vector.broadcast %add3A_407 : i32 to vector<16xi32>
        %add3A_409 = arith.addi %xor3A_403, %add3A_408 : vector<16xi32>
        %select_n3A_410 = arith.select %lt3A_406, %add3A_409, %xor3A_403 : vector<16xi1>, vector<16xi32>
        %broadcast_in_dim3A_411 = vector.shape_cast %select_n3A_410 : vector<16xi32> to vector<16x1xi32>
        %gather3A_412 = vector.shape_cast %broadcast_in_dim3A_411 : vector<16x1xi32> to vector<16xi32>
        %gather3A_413 = tpu.dynamic_gather %add3A_400[%gather3A_412] in [0] : vector<16xf32>, vector<16xi32> -> vector<16xf32>
        %add3A_414 = arith.addf %add3A_400, %gather3A_413 : vector<16xf32>
        %xor3A_415 = arith.constant 1 : i32
        %xor3A_416 = vector.broadcast %xor3A_415 : i32 to vector<16xi32>
        %xor3A_417 = arith.xori %iota3A_372, %xor3A_416 : vector<16xi32>
        %lt3A_418 = arith.constant 0 : i32
        %lt3A_419 = vector.broadcast %lt3A_418 : i32 to vector<16xi32>
        %lt3A_420 = arith.cmpi slt, %xor3A_417, %lt3A_419 : vector<16xi32>
        %add3A_421 = arith.constant 16 : i32
        %add3A_422 = vector.broadcast %add3A_421 : i32 to vector<16xi32>
        %add3A_423 = arith.addi %xor3A_417, %add3A_422 : vector<16xi32>
        %select_n3A_424 = arith.select %lt3A_420, %add3A_423, %xor3A_417 : vector<16xi1>, vector<16xi32>
        %broadcast_in_dim3A_425 = vector.shape_cast %select_n3A_424 : vector<16xi32> to vector<16x1xi32>
        %gather3A_426 = vector.shape_cast %broadcast_in_dim3A_425 : vector<16x1xi32> to vector<16xi32>
        %gather3A_427 = tpu.dynamic_gather %add3A_414[%gather3A_426] in [0] : vector<16xf32>, vector<16xi32> -> vector<16xf32>
        %add3A_428 = arith.addf %add3A_414, %gather3A_427 : vector<16xf32>
        %gt3A_429 = arith.constant 1.000000e+00 : f32
        %gt3A_430 = vector.broadcast %gt3A_429 : f32 to vector<16xf32>
        %gt3A_431 = arith.cmpf ogt, %add3A_370, %gt3A_430 : vector<16xf32>
        %select_n3A_432 = arith.select %gt3A_431, %scan3A_278, %scan3A_276 : vector<16xi1>, vector<16xf32>
        %select_n3A_433 = arith.select %gt3A_431, %scan3A_277, %scan3A_278 : vector<16xi1>, vector<16xf32>
        %sub3A_434 = arith.constant 1.000000e+00 : f32
        %sub3A_435 = vector.broadcast %sub3A_434 : f32 to vector<16xf32>
        %sub3A_436 = arith.subf %add3A_370, %sub3A_435 : vector<16xf32>
        %mul3A_437 = arith.constant 2.000000e+00 : f32
        %mul3A_438 = vector.broadcast %mul3A_437 : f32 to vector<16xf32>
        %mul3A_439 = arith.mulf %mul3A_438, %add3A_428 : vector<16xf32>
        %div3A_440 = arith.divf %sub3A_436, %mul3A_439 : vector<16xf32>
        %add3A_441 = arith.addf %scan3A_278, %div3A_440 : vector<16xf32>
        %add3A_442 = arith.addf %select_n3A_432, %select_n3A_433 : vector<16xf32>
        %mul3A_443 = arith.constant 5.000000e-01 : f32
        %mul3A_444 = vector.broadcast %mul3A_443 : f32 to vector<16xf32>
        %mul3A_445 = arith.mulf %mul3A_444, %add3A_442 : vector<16xf32>
        %gt3A_446 = arith.cmpf ogt, %add3A_441, %select_n3A_432 : vector<16xf32>
        %lt3A_447 = arith.cmpf olt, %add3A_441, %select_n3A_433 : vector<16xf32>
        %and3A_448 = arith.andi %gt3A_446, %lt3A_447 : vector<16xi1>
        %select_n3A_449 = arith.select %and3A_448, %add3A_441, %mul3A_445 : vector<16xi1>, vector<16xf32>
        %sub3A_450 = arith.constant 1.000000e+00 : f32
        %sub3A_451 = vector.broadcast %sub3A_450 : f32 to vector<16xf32>
        %sub3A_452 = arith.subf %add3A_370, %sub3A_451 : vector<16xf32>
        %abs3A = math.absf %sub3A_452 : vector<16xf32>
        %lt3A_453 = arith.constant 3.000000e-05 : f32
        %lt3A_454 = vector.broadcast %lt3A_453 : f32 to vector<16xf32>
        %lt3A_455 = arith.cmpf olt, %abs3A, %lt3A_454 : vector<16xf32>
        %select_n3A_456 = arith.select %lt3A_455, %scan3A_278, %select_n3A_449 : vector<16xi1>, vector<16xf32>
        %jit3A_457 = arith.constant 1.000000e+00 : f32
        %jit3A_458 = arith.constant 0.000000e+00 : f32
        %select_n3A_459 = arith.select %gt3A_295, %jit3A_457, %jit3A_458 : f32
        %broadcast_in_dim3A_460 = vector.broadcast %select_n3A_459 : f32 to vector<16xf32>
        %sub3A_461 = arith.subf %select_n3A_432, %scan3A_276 : vector<16xf32>
        %mul3A_462 = arith.mulf %broadcast_in_dim3A_460, %sub3A_461 : vector<16xf32>
        %add3A_463 = arith.addf %scan3A_276, %mul3A_462 : vector<16xf32>
        %sub3A_464 = arith.subf %select_n3A_433, %scan3A_277 : vector<16xf32>
        %mul3A_465 = arith.mulf %broadcast_in_dim3A_460, %sub3A_464 : vector<16xf32>
        %add3A_466 = arith.addf %scan3A_277, %mul3A_465 : vector<16xf32>
        %sub3A_467 = arith.subf %select_n3A_456, %scan3A_278 : vector<16xf32>
        %mul3A_468 = arith.mulf %broadcast_in_dim3A_460, %sub3A_467 : vector<16xf32>
        %add3A_469 = arith.addf %scan3A_278, %mul3A_468 : vector<16xf32>
        %sub3A_470 = arith.subf %abs3A, %scan3A_279 : vector<16xf32>
        %mul3A_471 = arith.mulf %broadcast_in_dim3A_460, %sub3A_470 : vector<16xf32>
        %add3A_472 = arith.addf %scan3A_279, %mul3A_471 : vector<16xf32>
        scf.yield %add3A_463, %add3A_466, %add3A_469, %add3A_472 : vector<16xf32>, vector<16xf32>, vector<16xf32>, vector<16xf32>
      }
      %scan3A_199 = arith.constant 30 : i32
      %add3A_200 = arith.constant 16 : i32
      %add3A_201 = arith.addi %scan3A_84, %add3A_200 : i32
      %sub3A_202 = arith.constant 1 : i32
      %sub3A_203 = arith.subi %add3A_201, %sub3A_202 : i32
      %jit3A_204 = arith.constant 16 : i32
      %div3A_205 = arith.divsi %sub3A_203, %jit3A_204 : i32
      %sign3A_206 = arith.constant 0 : i32
      %sign3A_207 = arith.cmpi sgt, %sub3A_203, %sign3A_206 : i32
      %sign3A_208 = arith.extui %sign3A_207 : i1 to i32
      %sign3A_209 = arith.constant 0 : i32
      %sign3A_210 = arith.cmpi slt, %sub3A_203, %sign3A_209 : i32
      %sign3A_211 = arith.extui %sign3A_210 : i1 to i32
      %sign3A_212 = arith.subi %sign3A_208, %sign3A_211 : i32
      %sign3A_213 = arith.constant 0 : i32
      %sign3A_214 = arith.cmpi sgt, %jit3A_204, %sign3A_213 : i32
      %sign3A_215 = arith.extui %sign3A_214 : i1 to i32
      %sign3A_216 = arith.constant 0 : i32
      %sign3A_217 = arith.cmpi slt, %jit3A_204, %sign3A_216 : i32
      %sign3A_218 = arith.extui %sign3A_217 : i1 to i32
      %sign3A_219 = arith.subi %sign3A_215, %sign3A_218 : i32
      %ne3A_220 = arith.cmpi ne, %sign3A_212, %sign3A_219 : i32
      %rem3A_221 = arith.remsi %sub3A_203, %jit3A_204 : i32
      %ne3A_222 = arith.constant 0 : i32
      %ne3A_223 = arith.cmpi ne, %rem3A_221, %ne3A_222 : i32
      %and3A_224 = arith.andi %ne3A_220, %ne3A_223 : i1
      %sub3A_225 = arith.constant 1 : i32
      %sub3A_226 = arith.subi %div3A_205, %sub3A_225 : i32
      %select_n3A_227 = arith.select %and3A_224, %sub3A_226, %div3A_205 : i32
      %while3A = arith.constant 0 : i32
      %while3A_228 = arith.constant 0 : i32
      %while3A_229 = arith.subi %select_n3A_227, %while3A_228 : i32
      %while3A_230 = arith.addi %while3A_228, %while3A_229 : i32
      %while3A_231 = arith.constant 1 : i32
      %while3A_232 = arith.divsi %while3A_229, %while3A_231 : i32
      %while3A_233 = arith.muli %while3A_232, %while3A_231 : i32
      %while3A_234 = arith.addi %while3A_228, %while3A_233 : i32
      %while3A_235 = arith.constant 1 : i32
      scf.for %while3A_275 = %while3A_228 to %while3A_234 step %while3A_235  : i32 {
        %mul3A_276 = arith.constant 16 : i32
        %mul3A_277 = arith.muli %while3A_275, %mul3A_276 : i32
        %get3A = arith.index_cast %mul3A_277 : i32 to index
        %get3A_278 = tpu.vector_load %arg7[%get3A] {strides = array<i32>} : memref<1040xi32, #tpu.memory_space<vmem>>, vector<16xi32>,
        %get3A_279 = vector.shape_cast %get3A_278 : vector<16xi32> to vector<16xi32>
        %mul3A_280 = arith.constant 16 : i32
        %mul3A_281 = arith.muli %while3A_275, %mul3A_280 : i32
        %add3A_282 = arith.constant 0 : i32
        %add3A_283 = arith.addi %mul3A_281, %add3A_282 : i32
        %slice3A_284 = vector.extract_strided_slice %get3A_279 {offsets = [0], sizes = [1], strides = [1]} : vector<16xi32> to vector<1xi32>
        %squeeze3A_285 = vector.extract %slice3A_284[0] : i32 from vector<1xi32>
        %mul3A_286 = arith.constant 32 : i32
        %mul3A_287 = arith.muli %add3A_283, %mul3A_286 : i32
        %get3A_288 = arith.index_cast %mul3A_287 : i32 to index
        %get3A_289 = tpu.vector_load %arg6[%get3A_288] {strides = array<i32>} : memref<33280xf32, #tpu.memory_space<vmem>>, vector<16xf32>,
        %get3A_290 = vector.shape_cast %get3A_289 : vector<16xf32> to vector<16xf32>
        %sub3A_291 = arith.subf %get3A_290, %scan3A_198#2 : vector<16xf32>
        %max3A_292 = arith.constant 0.000000e+00 : f32
        %max3A_293 = vector.broadcast %max3A_292 : f32 to vector<16xf32>
        %max3A_294 = arith.maximumf %sub3A_291, %max3A_293 : vector<16xf32>
        %add3A_295 = arith.constant 16 : i32
        %add3A_296 = arith.addi %mul3A_287, %add3A_295 : i32
        %get3A_297 = arith.index_cast %add3A_296 : i32 to index
        %get3A_298 = tpu.vector_load %arg6[%get3A_297] {strides = array<i32>} : memref<33280xf32, #tpu.memory_space<vmem>>, vector<16xf32>,
        %get3A_299 = vector.shape_cast %get3A_298 : vector<16xf32> to vector<16xf32>
        %sub3A_300 = arith.subf %get3A_299, %scan3A_198#2 : vector<16xf32>
        %max3A_301 = arith.constant 0.000000e+00 : f32
        %max3A_302 = vector.broadcast %max3A_301 : f32 to vector<16xf32>
        %max3A_303 = arith.maximumf %sub3A_300, %max3A_302 : vector<16xf32>
        %mul3A_304 = arith.mulf %max3A_294, %max3A_294 : vector<16xf32>
        %mul3A_305 = arith.constant 32 : i32
        %mul3A_306 = arith.muli %squeeze3A_285, %mul3A_305 : i32
        %swap3A_307 = arith.index_cast %mul3A_306 : i32 to index
        %swap3A_308 = tpu.vector_load %arg5[%swap3A_307] {strides = array<i32>} : memref<32800xf32, #tpu.memory_space<vmem>>, vector<16xf32>,
        %swap3A_309 = vector.shape_cast %swap3A_308 : vector<16xf32> to vector<16xf32>
        %swap3A_310 = vector.shape_cast %mul3A_304 : vector<16xf32> to vector<16xf32>
        tpu.vector_store %arg5[%swap3A_307], %swap3A_310 {strides = array<i32>} : memref<32800xf32, #tpu.memory_space<vmem>>, vector<16xf32>,
        %mul3A_311 = arith.mulf %max3A_303, %max3A_303 : vector<16xf32>
        %mul3A_312 = arith.constant 32 : i32
        %mul3A_313 = arith.muli %squeeze3A_285, %mul3A_312 : i32
        %add3A_314 = arith.constant 16 : i32
        %add3A_315 = arith.addi %mul3A_313, %add3A_314 : i32
        %swap3A_316 = arith.index_cast %add3A_315 : i32 to index
        %swap3A_317 = tpu.vector_load %arg5[%swap3A_316] {strides = array<i32>} : memref<32800xf32, #tpu.memory_space<vmem>>, vector<16xf32>,
        %swap3A_318 = vector.shape_cast %swap3A_317 : vector<16xf32> to vector<16xf32>
        %swap3A_319 = vector.shape_cast %mul3A_311 : vector<16xf32> to vector<16xf32>
        tpu.vector_store %arg5[%swap3A_316], %swap3A_319 {strides = array<i32>} : memref<32800xf32, #tpu.memory_space<vmem>>, vector<16xf32>,
        %mul3A_320 = arith.constant 16 : i32
        %mul3A_321 = arith.muli %while3A_275, %mul3A_320 : i32
        %add3A_322 = arith.constant 1 : i32
        %add3A_323 = arith.addi %mul3A_321, %add3A_322 : i32
        %slice3A_324 = vector.extract_strided_slice %get3A_279 {offsets = [1], sizes = [1], strides = [1]} : vector<16xi32> to vector<1xi32>
        %squeeze3A_325 = vector.extract %slice3A_324[0] : i32 from vector<1xi32>
        %mul3A_326 = arith.constant 32 : i32
        %mul3A_327 = arith.muli %add3A_323, %mul3A_326 : i32
        %get3A_328 = arith.index_cast %mul3A_327 : i32 to index
        %get3A_329 = tpu.vector_load %arg6[%get3A_328] {strides = array<i32>} : memref<33280xf32, #tpu.memory_space<vmem>>, vector<16xf32>,
        %get3A_330 = vector.shape_cast %get3A_329 : vector<16xf32> to vector<16xf32>
        %sub3A_331 = arith.subf %get3A_330, %scan3A_198#2 : vector<16xf32>
        %max3A_332 = arith.constant 0.000000e+00 : f32
        %max3A_333 = vector.broadcast %max3A_332 : f32 to vector<16xf32>
        %max3A_334 = arith.maximumf %sub3A_331, %max3A_333 : vector<16xf32>
        %add3A_335 = arith.constant 16 : i32
        %add3A_336 = arith.addi %mul3A_327, %add3A_335 : i32
        %get3A_337 = arith.index_cast %add3A_336 : i32 to index
        %get3A_338 = tpu.vector_load %arg6[%get3A_337] {strides = array<i32>} : memref<33280xf32, #tpu.memory_space<vmem>>, vector<16xf32>,
        %get3A_339 = vector.shape_cast %get3A_338 : vector<16xf32> to vector<16xf32>
        %sub3A_340 = arith.subf %get3A_339, %scan3A_198#2 : vector<16xf32>
        %max3A_341 = arith.constant 0.000000e+00 : f32
        %max3A_342 = vector.broadcast %max3A_341 : f32 to vector<16xf32>
        %max3A_343 = arith.maximumf %sub3A_340, %max3A_342 : vector<16xf32>
        %mul3A_344 = arith.mulf %max3A_334, %max3A_334 : vector<16xf32>
        %mul3A_345 = arith.constant 32 : i32
        %mul3A_346 = arith.muli %squeeze3A_325, %mul3A_345 : i32
        %swap3A_347 = arith.index_cast %mul3A_346 : i32 to index
        %swap3A_348 = tpu.vector_load %arg5[%swap3A_347] {strides = array<i32>} : memref<32800xf32, #tpu.memory_space<vmem>>, vector<16xf32>,
        %swap3A_349 = vector.shape_cast %swap3A_348 : vector<16xf32> to vector<16xf32>
        %swap3A_350 = vector.shape_cast %mul3A_344 : vector<16xf32> to vector<16xf32>
        tpu.vector_store %arg5[%swap3A_347], %swap3A_350 {strides = array<i32>} : memref<32800xf32, #tpu.memory_space<vmem>>, vector<16xf32>,
        %mul3A_351 = arith.mulf %max3A_343, %max3A_343 : vector<16xf32>
        %mul3A_352 = arith.constant 32 : i32
        %mul3A_353 = arith.muli %squeeze3A_325, %mul3A_352 : i32
        %add3A_354 = arith.constant 16 : i32
        %add3A_355 = arith.addi %mul3A_353, %add3A_354 : i32
        %swap3A_356 = arith.index_cast %add3A_355 : i32 to index
        %swap3A_357 = tpu.vector_load %arg5[%swap3A_356] {strides = array<i32>} : memref<32800xf32, #tpu.memory_space<vmem>>, vector<16xf32>,
        %swap3A_358 = vector.shape_cast %swap3A_357 : vector<16xf32> to vector<16xf32>
        %swap3A_359 = vector.shape_cast %mul3A_351 : vector<16xf32> to vector<16xf32>
        tpu.vector_store %arg5[%swap3A_356], %swap3A_359 {strides = array<i32>} : memref<32800xf32, #tpu.memory_space<vmem>>, vector<16xf32>,
        %mul3A_360 = arith.constant 16 : i32
        %mul3A_361 = arith.muli %while3A_275, %mul3A_360 : i32
        %add3A_362 = arith.constant 2 : i32
        %add3A_363 = arith.addi %mul3A_361, %add3A_362 : i32
        %slice3A_364 = vector.extract_strided_slice %get3A_279 {offsets = [2], sizes = [1], strides = [1]} : vector<16xi32> to vector<1xi32>
        %squeeze3A_365 = vector.extract %slice3A_364[0] : i32 from vector<1xi32>
        %mul3A_366 = arith.constant 32 : i32
        %mul3A_367 = arith.muli %add3A_363, %mul3A_366 : i32
        %get3A_368 = arith.index_cast %mul3A_367 : i32 to index
        %get3A_369 = tpu.vector_load %arg6[%get3A_368] {strides = array<i32>} : memref<33280xf32, #tpu.memory_space<vmem>>, vector<16xf32>,
        %get3A_370 = vector.shape_cast %get3A_369 : vector<16xf32> to vector<16xf32>
        %sub3A_371 = arith.subf %get3A_370, %scan3A_198#2 : vector<16xf32>
        %max3A_372 = arith.constant 0.000000e+00 : f32
        %max3A_373 = vector.broadcast %max3A_372 : f32 to vector<16xf32>
        %max3A_374 = arith.maximumf %sub3A_371, %max3A_373 : vector<16xf32>
        %add3A_375 = arith.constant 16 : i32
        %add3A_376 = arith.addi %mul3A_367, %add3A_375 : i32
        %get3A_377 = arith.index_cast %add3A_376 : i32 to index
        %get3A_378 = tpu.vector_load %arg6[%get3A_377] {strides = array<i32>} : memref<33280xf32, #tpu.memory_space<vmem>>, vector<16xf32>,
        %get3A_379 = vector.shape_cast %get3A_378 : vector<16xf32> to vector<16xf32>
        %sub3A_380 = arith.subf %get3A_379, %scan3A_198#2 : vector<16xf32>
        %max3A_381 = arith.constant 0.000000e+00 : f32
        %max3A_382 = vector.broadcast %max3A_381 : f32 to vector<16xf32>
        %max3A_383 = arith.maximumf %sub3A_380, %max3A_382 : vector<16xf32>
        %mul3A_384 = arith.mulf %max3A_374, %max3A_374 : vector<16xf32>
        %mul3A_385 = arith.constant 32 : i32
        %mul3A_386 = arith.muli %squeeze3A_365, %mul3A_385 : i32
        %swap3A_387 = arith.index_cast %mul3A_386 : i32 to index
        %swap3A_388 = tpu.vector_load %arg5[%swap3A_387] {strides = array<i32>} : memref<32800xf32, #tpu.memory_space<vmem>>, vector<16xf32>,
        %swap3A_389 = vector.shape_cast %swap3A_388 : vector<16xf32> to vector<16xf32>
        %swap3A_390 = vector.shape_cast %mul3A_384 : vector<16xf32> to vector<16xf32>
        tpu.vector_store %arg5[%swap3A_387], %swap3A_390 {strides = array<i32>} : memref<32800xf32, #tpu.memory_space<vmem>>, vector<16xf32>,
        %mul3A_391 = arith.mulf %max3A_383, %max3A_383 : vector<16xf32>
        %mul3A_392 = arith.constant 32 : i32
        %mul3A_393 = arith.muli %squeeze3A_365, %mul3A_392 : i32
        %add3A_394 = arith.constant 16 : i32
        %add3A_395 = arith.addi %mul3A_393, %add3A_394 : i32
        %swap3A_396 = arith.index_cast %add3A_395 : i32 to index
        %swap3A_397 = tpu.vector_load %arg5[%swap3A_396] {strides = array<i32>} : memref<32800xf32, #tpu.memory_space<vmem>>, vector<16xf32>,
        %swap3A_398 = vector.shape_cast %swap3A_397 : vector<16xf32> to vector<16xf32>
        %swap3A_399 = vector.shape_cast %mul3A_391 : vector<16xf32> to vector<16xf32>
        tpu.vector_store %arg5[%swap3A_396], %swap3A_399 {strides = array<i32>} : memref<32800xf32, #tpu.memory_space<vmem>>, vector<16xf32>,
        %mul3A_400 = arith.constant 16 : i32
        %mul3A_401 = arith.muli %while3A_275, %mul3A_400 : i32
        %add3A_402 = arith.constant 3 : i32
        %add3A_403 = arith.addi %mul3A_401, %add3A_402 : i32
        %slice3A_404 = vector.extract_strided_slice %get3A_279 {offsets = [3], sizes = [1], strides = [1]} : vector<16xi32> to vector<1xi32>
        %squeeze3A_405 = vector.extract %slice3A_404[0] : i32 from vector<1xi32>
        %mul3A_406 = arith.constant 32 : i32
        %mul3A_407 = arith.muli %add3A_403, %mul3A_406 : i32
        %get3A_408 = arith.index_cast %mul3A_407 : i32 to index
        %get3A_409 = tpu.vector_load %arg6[%get3A_408] {strides = array<i32>} : memref<33280xf32, #tpu.memory_space<vmem>>, vector<16xf32>,
        %get3A_410 = vector.shape_cast %get3A_409 : vector<16xf32> to vector<16xf32>
        %sub3A_411 = arith.subf %get3A_410, %scan3A_198#2 : vector<16xf32>
        %max3A_412 = arith.constant 0.000000e+00 : f32
        %max3A_413 = vector.broadcast %max3A_412 : f32 to vector<16xf32>
        %max3A_414 = arith.maximumf %sub3A_411, %max3A_413 : vector<16xf32>
        %add3A_415 = arith.constant 16 : i32
        %add3A_416 = arith.addi %mul3A_407, %add3A_415 : i32
        %get3A_417 = arith.index_cast %add3A_416 : i32 to index
        %get3A_418 = tpu.vector_load %arg6[%get3A_417] {strides = array<i32>} : memref<33280xf32, #tpu.memory_space<vmem>>, vector<16xf32>,
        %get3A_419 = vector.shape_cast %get3A_418 : vector<16xf32> to vector<16xf32>
        %sub3A_420 = arith.subf %get3A_419, %scan3A_198#2 : vector<16xf32>
        %max3A_421 = arith.constant 0.000000e+00 : f32
        %max3A_422 = vector.broadcast %max3A_421 : f32 to vector<16xf32>
        %max3A_423 = arith.maximumf %sub3A_420, %max3A_422 : vector<16xf32>
        %mul3A_424 = arith.mulf %max3A_414, %max3A_414 : vector<16xf32>
        %mul3A_425 = arith.constant 32 : i32
        %mul3A_426 = arith.muli %squeeze3A_405, %mul3A_425 : i32
        %swap3A_427 = arith.index_cast %mul3A_426 : i32 to index
        %swap3A_428 = tpu.vector_load %arg5[%swap3A_427] {strides = array<i32>} : memref<32800xf32, #tpu.memory_space<vmem>>, vector<16xf32>,
        %swap3A_429 = vector.shape_cast %swap3A_428 : vector<16xf32> to vector<16xf32>
        %swap3A_430 = vector.shape_cast %mul3A_424 : vector<16xf32> to vector<16xf32>
        tpu.vector_store %arg5[%swap3A_427], %swap3A_430 {strides = array<i32>} : memref<32800xf32, #tpu.memory_space<vmem>>, vector<16xf32>,
        %mul3A_431 = arith.mulf %max3A_423, %max3A_423 : vector<16xf32>
        %mul3A_432 = arith.constant 32 : i32
        %mul3A_433 = arith.muli %squeeze3A_405, %mul3A_432 : i32
        %add3A_434 = arith.constant 16 : i32
        %add3A_435 = arith.addi %mul3A_433, %add3A_434 : i32
        %swap3A_436 = arith.index_cast %add3A_435 : i32 to index
        %swap3A_437 = tpu.vector_load %arg5[%swap3A_436] {strides = array<i32>} : memref<32800xf32, #tpu.memory_space<vmem>>, vector<16xf32>,
        %swap3A_438 = vector.shape_cast %swap3A_437 : vector<16xf32> to vector<16xf32>
        %swap3A_439 = vector.shape_cast %mul3A_431 : vector<16xf32> to vector<16xf32>
        tpu.vector_store %arg5[%swap3A_436], %swap3A_439 {strides = array<i32>} : memref<32800xf32, #tpu.memory_space<vmem>>, vector<16xf32>,
        %mul3A_440 = arith.constant 16 : i32
        %mul3A_441 = arith.muli %while3A_275, %mul3A_440 : i32
        %add3A_442 = arith.constant 4 : i32
        %add3A_443 = arith.addi %mul3A_441, %add3A_442 : i32
        %slice3A_444 = vector.extract_strided_slice %get3A_279 {offsets = [4], sizes = [1], strides = [1]} : vector<16xi32> to vector<1xi32>
        %squeeze3A_445 = vector.extract %slice3A_444[0] : i32 from vector<1xi32>
        %mul3A_446 = arith.constant 32 : i32
        %mul3A_447 = arith.muli %add3A_443, %mul3A_446 : i32
        %get3A_448 = arith.index_cast %mul3A_447 : i32 to index
        %get3A_449 = tpu.vector_load %arg6[%get3A_448] {strides = array<i32>} : memref<33280xf32, #tpu.memory_space<vmem>>, vector<16xf32>,
        %get3A_450 = vector.shape_cast %get3A_449 : vector<16xf32> to vector<16xf32>
        %sub3A_451 = arith.subf %get3A_450, %scan3A_198#2 : vector<16xf32>
        %max3A_452 = arith.constant 0.000000e+00 : f32
        %max3A_453 = vector.broadcast %max3A_452 : f32 to vector<16xf32>
        %max3A_454 = arith.maximumf %sub3A_451, %max3A_453 : vector<16xf32>
        %add3A_455 = arith.constant 16 : i32
        %add3A_456 = arith.addi %mul3A_447, %add3A_455 : i32
        %get3A_457 = arith.index_cast %add3A_456 : i32 to index
        %get3A_458 = tpu.vector_load %arg6[%get3A_457] {strides = array<i32>} : memref<33280xf32, #tpu.memory_space<vmem>>, vector<16xf32>,
        %get3A_459 = vector.shape_cast %get3A_458 : vector<16xf32> to vector<16xf32>
        %sub3A_460 = arith.subf %get3A_459, %scan3A_198#2 : vector<16xf32>
        %max3A_461 = arith.constant 0.000000e+00 : f32
        %max3A_462 = vector.broadcast %max3A_461 : f32 to vector<16xf32>
        %max3A_463 = arith.maximumf %sub3A_460, %max3A_462 : vector<16xf32>
        %mul3A_464 = arith.mulf %max3A_454, %max3A_454 : vector<16xf32>
        %mul3A_465 = arith.constant 32 : i32
        %mul3A_466 = arith.muli %squeeze3A_445, %mul3A_465 : i32
        %swap3A_467 = arith.index_cast %mul3A_466 : i32 to index
        %swap3A_468 = tpu.vector_load %arg5[%swap3A_467] {strides = array<i32>} : memref<32800xf32, #tpu.memory_space<vmem>>, vector<16xf32>,
        %swap3A_469 = vector.shape_cast %swap3A_468 : vector<16xf32> to vector<16xf32>
        %swap3A_470 = vector.shape_cast %mul3A_464 : vector<16xf32> to vector<16xf32>
        tpu.vector_store %arg5[%swap3A_467], %swap3A_470 {strides = array<i32>} : memref<32800xf32, #tpu.memory_space<vmem>>, vector<16xf32>,
        %mul3A_471 = arith.mulf %max3A_463, %max3A_463 : vector<16xf32>
        %mul3A_472 = arith.constant 32 : i32
        %mul3A_473 = arith.muli %squeeze3A_445, %mul3A_472 : i32
        %add3A_474 = arith.constant 16 : i32
        %add3A_475 = arith.addi %mul3A_473, %add3A_474 : i32
        %swap3A_476 = arith.index_cast %add3A_475 : i32 to index
        %swap3A_477 = tpu.vector_load %arg5[%swap3A_476] {strides = array<i32>} : memref<32800xf32, #tpu.memory_space<vmem>>, vector<16xf32>,
        %swap3A_478 = vector.shape_cast %swap3A_477 : vector<16xf32> to vector<16xf32>
        %swap3A_479 = vector.shape_cast %mul3A_471 : vector<16xf32> to vector<16xf32>
        tpu.vector_store %arg5[%swap3A_476], %swap3A_479 {strides = array<i32>} : memref<32800xf32, #tpu.memory_space<vmem>>, vector<16xf32>,
        %mul3A_480 = arith.constant 16 : i32
        %mul3A_481 = arith.muli %while3A_275, %mul3A_480 : i32
        %add3A_482 = arith.constant 5 : i32
        %add3A_483 = arith.addi %mul3A_481, %add3A_482 : i32
        %slice3A_484 = vector.extract_strided_slice %get3A_279 {offsets = [5], sizes = [1], strides = [1]} : vector<16xi32> to vector<1xi32>
        %squeeze3A_485 = vector.extract %slice3A_484[0] : i32 from vector<1xi32>
        %mul3A_486 = arith.constant 32 : i32
        %mul3A_487 = arith.muli %add3A_483, %mul3A_486 : i32
        %get3A_488 = arith.index_cast %mul3A_487 : i32 to index
        %get3A_489 = tpu.vector_load %arg6[%get3A_488] {strides = array<i32>} : memref<33280xf32, #tpu.memory_space<vmem>>, vector<16xf32>,
        %get3A_490 = vector.shape_cast %get3A_489 : vector<16xf32> to vector<16xf32>
        %sub3A_491 = arith.subf %get3A_490, %scan3A_198#2 : vector<16xf32>
        %max3A_492 = arith.constant 0.000000e+00 : f32
        %max3A_493 = vector.broadcast %max3A_492 : f32 to vector<16xf32>
        %max3A_494 = arith.maximumf %sub3A_491, %max3A_493 : vector<16xf32>
        %add3A_495 = arith.constant 16 : i32
        %add3A_496 = arith.addi %mul3A_487, %add3A_495 : i32
        %get3A_497 = arith.index_cast %add3A_496 : i32 to index
        %get3A_498 = tpu.vector_load %arg6[%get3A_497] {strides = array<i32>} : memref<33280xf32, #tpu.memory_space<vmem>>, vector<16xf32>,
        %get3A_499 = vector.shape_cast %get3A_498 : vector<16xf32> to vector<16xf32>
        %sub3A_500 = arith.subf %get3A_499, %scan3A_198#2 : vector<16xf32>
        %max3A_501 = arith.constant 0.000000e+00 : f32
        %max3A_502 = vector.broadcast %max3A_501 : f32 to vector<16xf32>
        %max3A_503 = arith.maximumf %sub3A_500, %max3A_502 : vector<16xf32>
        %mul3A_504 = arith.mulf %max3A_494, %max3A_494 : vector<16xf32>
        %mul3A_505 = arith.constant 32 : i32
        %mul3A_506 = arith.muli %squeeze3A_485, %mul3A_505 : i32
        %swap3A_507 = arith.index_cast %mul3A_506 : i32 to index
        %swap3A_508 = tpu.vector_load %arg5[%swap3A_507] {strides = array<i32>} : memref<32800xf32, #tpu.memory_space<vmem>>, vector<16xf32>,
        %swap3A_509 = vector.shape_cast %swap3A_508 : vector<16xf32> to vector<16xf32>
        %swap3A_510 = vector.shape_cast %mul3A_504 : vector<16xf32> to vector<16xf32>
        tpu.vector_store %arg5[%swap3A_507], %swap3A_510 {strides = array<i32>} : memref<32800xf32, #tpu.memory_space<vmem>>, vector<16xf32>,
        %mul3A_511 = arith.mulf %max3A_503, %max3A_503 : vector<16xf32>
        %mul3A_512 = arith.constant 32 : i32
        %mul3A_513 = arith.muli %squeeze3A_485, %mul3A_512 : i32
        %add3A_514 = arith.constant 16 : i32
        %add3A_515 = arith.addi %mul3A_513, %add3A_514 : i32
        %swap3A_516 = arith.index_cast %add3A_515 : i32 to index
        %swap3A_517 = tpu.vector_load %arg5[%swap3A_516] {strides = array<i32>} : memref<32800xf32, #tpu.memory_space<vmem>>, vector<16xf32>,
        %swap3A_518 = vector.shape_cast %swap3A_517 : vector<16xf32> to vector<16xf32>
        %swap3A_519 = vector.shape_cast %mul3A_511 : vector<16xf32> to vector<16xf32>
        tpu.vector_store %arg5[%swap3A_516], %swap3A_519 {strides = array<i32>} : memref<32800xf32, #tpu.memory_space<vmem>>, vector<16xf32>,
        %mul3A_520 = arith.constant 16 : i32
        %mul3A_521 = arith.muli %while3A_275, %mul3A_520 : i32
        %add3A_522 = arith.constant 6 : i32
        %add3A_523 = arith.addi %mul3A_521, %add3A_522 : i32
        %slice3A_524 = vector.extract_strided_slice %get3A_279 {offsets = [6], sizes = [1], strides = [1]} : vector<16xi32> to vector<1xi32>
        %squeeze3A_525 = vector.extract %slice3A_524[0] : i32 from vector<1xi32>
        %mul3A_526 = arith.constant 32 : i32
        %mul3A_527 = arith.muli %add3A_523, %mul3A_526 : i32
        %get3A_528 = arith.index_cast %mul3A_527 : i32 to index
        %get3A_529 = tpu.vector_load %arg6[%get3A_528] {strides = array<i32>} : memref<33280xf32, #tpu.memory_space<vmem>>, vector<16xf32>,
        %get3A_530 = vector.shape_cast %get3A_529 : vector<16xf32> to vector<16xf32>
        %sub3A_531 = arith.subf %get3A_530, %scan3A_198#2 : vector<16xf32>
        %max3A_532 = arith.constant 0.000000e+00 : f32
        %max3A_533 = vector.broadcast %max3A_532 : f32 to vector<16xf32>
        %max3A_534 = arith.maximumf %sub3A_531, %max3A_533 : vector<16xf32>
        %add3A_535 = arith.constant 16 : i32
        %add3A_536 = arith.addi %mul3A_527, %add3A_535 : i32
        %get3A_537 = arith.index_cast %add3A_536 : i32 to index
        %get3A_538 = tpu.vector_load %arg6[%get3A_537] {strides = array<i32>} : memref<33280xf32, #tpu.memory_space<vmem>>, vector<16xf32>,
        %get3A_539 = vector.shape_cast %get3A_538 : vector<16xf32> to vector<16xf32>
        %sub3A_540 = arith.subf %get3A_539, %scan3A_198#2 : vector<16xf32>
        %max3A_541 = arith.constant 0.000000e+00 : f32
        %max3A_542 = vector.broadcast %max3A_541 : f32 to vector<16xf32>
        %max3A_543 = arith.maximumf %sub3A_540, %max3A_542 : vector<16xf32>
        %mul3A_544 = arith.mulf %max3A_534, %max3A_534 : vector<16xf32>
        %mul3A_545 = arith.constant 32 : i32
        %mul3A_546 = arith.muli %squeeze3A_525, %mul3A_545 : i32
        %swap3A_547 = arith.index_cast %mul3A_546 : i32 to index
        %swap3A_548 = tpu.vector_load %arg5[%swap3A_547] {strides = array<i32>} : memref<32800xf32, #tpu.memory_space<vmem>>, vector<16xf32>,
        %swap3A_549 = vector.shape_cast %swap3A_548 : vector<16xf32> to vector<16xf32>
        %swap3A_550 = vector.shape_cast %mul3A_544 : vector<16xf32> to vector<16xf32>
        tpu.vector_store %arg5[%swap3A_547], %swap3A_550 {strides = array<i32>} : memref<32800xf32, #tpu.memory_space<vmem>>, vector<16xf32>,
        %mul3A_551 = arith.mulf %max3A_543, %max3A_543 : vector<16xf32>
        %mul3A_552 = arith.constant 32 : i32
        %mul3A_553 = arith.muli %squeeze3A_525, %mul3A_552 : i32
        %add3A_554 = arith.constant 16 : i32
        %add3A_555 = arith.addi %mul3A_553, %add3A_554 : i32
        %swap3A_556 = arith.index_cast %add3A_555 : i32 to index
        %swap3A_557 = tpu.vector_load %arg5[%swap3A_556] {strides = array<i32>} : memref<32800xf32, #tpu.memory_space<vmem>>, vector<16xf32>,
        %swap3A_558 = vector.shape_cast %swap3A_557 : vector<16xf32> to vector<16xf32>
        %swap3A_559 = vector.shape_cast %mul3A_551 : vector<16xf32> to vector<16xf32>
        tpu.vector_store %arg5[%swap3A_556], %swap3A_559 {strides = array<i32>} : memref<32800xf32, #tpu.memory_space<vmem>>, vector<16xf32>,
        %mul3A_560 = arith.constant 16 : i32
        %mul3A_561 = arith.muli %while3A_275, %mul3A_560 : i32
        %add3A_562 = arith.constant 7 : i32
        %add3A_563 = arith.addi %mul3A_561, %add3A_562 : i32
        %slice3A_564 = vector.extract_strided_slice %get3A_279 {offsets = [7], sizes = [1], strides = [1]} : vector<16xi32> to vector<1xi32>
        %squeeze3A_565 = vector.extract %slice3A_564[0] : i32 from vector<1xi32>
        %mul3A_566 = arith.constant 32 : i32
        %mul3A_567 = arith.muli %add3A_563, %mul3A_566 : i32
        %get3A_568 = arith.index_cast %mul3A_567 : i32 to index
        %get3A_569 = tpu.vector_load %arg6[%get3A_568] {strides = array<i32>} : memref<33280xf32, #tpu.memory_space<vmem>>, vector<16xf32>,
        %get3A_570 = vector.shape_cast %get3A_569 : vector<16xf32> to vector<16xf32>
        %sub3A_571 = arith.subf %get3A_570, %scan3A_198#2 : vector<16xf32>
        %max3A_572 = arith.constant 0.000000e+00 : f32
        %max3A_573 = vector.broadcast %max3A_572 : f32 to vector<16xf32>
        %max3A_574 = arith.maximumf %sub3A_571, %max3A_573 : vector<16xf32>
        %add3A_575 = arith.constant 16 : i32
        %add3A_576 = arith.addi %mul3A_567, %add3A_575 : i32
        %get3A_577 = arith.index_cast %add3A_576 : i32 to index
        %get3A_578 = tpu.vector_load %arg6[%get3A_577] {strides = array<i32>} : memref<33280xf32, #tpu.memory_space<vmem>>, vector<16xf32>,
        %get3A_579 = vector.shape_cast %get3A_578 : vector<16xf32> to vector<16xf32>
        %sub3A_580 = arith.subf %get3A_579, %scan3A_198#2 : vector<16xf32>
        %max3A_581 = arith.constant 0.000000e+00 : f32
        %max3A_582 = vector.broadcast %max3A_581 : f32 to vector<16xf32>
        %max3A_583 = arith.maximumf %sub3A_580, %max3A_582 : vector<16xf32>
        %mul3A_584 = arith.mulf %max3A_574, %max3A_574 : vector<16xf32>
        %mul3A_585 = arith.constant 32 : i32
        %mul3A_586 = arith.muli %squeeze3A_565, %mul3A_585 : i32
        %swap3A_587 = arith.index_cast %mul3A_586 : i32 to index
        %swap3A_588 = tpu.vector_load %arg5[%swap3A_587] {strides = array<i32>} : memref<32800xf32, #tpu.memory_space<vmem>>, vector<16xf32>,
        %swap3A_589 = vector.shape_cast %swap3A_588 : vector<16xf32> to vector<16xf32>
        %swap3A_590 = vector.shape_cast %mul3A_584 : vector<16xf32> to vector<16xf32>
        tpu.vector_store %arg5[%swap3A_587], %swap3A_590 {strides = array<i32>} : memref<32800xf32, #tpu.memory_space<vmem>>, vector<16xf32>,
        %mul3A_591 = arith.mulf %max3A_583, %max3A_583 : vector<16xf32>
        %mul3A_592 = arith.constant 32 : i32
        %mul3A_593 = arith.muli %squeeze3A_565, %mul3A_592 : i32
        %add3A_594 = arith.constant 16 : i32
        %add3A_595 = arith.addi %mul3A_593, %add3A_594 : i32
        %swap3A_596 = arith.index_cast %add3A_595 : i32 to index
        %swap3A_597 = tpu.vector_load %arg5[%swap3A_596] {strides = array<i32>} : memref<32800xf32, #tpu.memory_space<vmem>>, vector<16xf32>,
        %swap3A_598 = vector.shape_cast %swap3A_597 : vector<16xf32> to vector<16xf32>
        %swap3A_599 = vector.shape_cast %mul3A_591 : vector<16xf32> to vector<16xf32>
        tpu.vector_store %arg5[%swap3A_596], %swap3A_599 {strides = array<i32>} : memref<32800xf32, #tpu.memory_space<vmem>>, vector<16xf32>,
        %mul3A_600 = arith.constant 16 : i32
        %mul3A_601 = arith.muli %while3A_275, %mul3A_600 : i32
        %add3A_602 = arith.constant 8 : i32
        %add3A_603 = arith.addi %mul3A_601, %add3A_602 : i32
        %slice3A_604 = vector.extract_strided_slice %get3A_279 {offsets = [8], sizes = [1], strides = [1]} : vector<16xi32> to vector<1xi32>
        %squeeze3A_605 = vector.extract %slice3A_604[0] : i32 from vector<1xi32>
        %mul3A_606 = arith.constant 32 : i32
        %mul3A_607 = arith.muli %add3A_603, %mul3A_606 : i32
        %get3A_608 = arith.index_cast %mul3A_607 : i32 to index
        %get3A_609 = tpu.vector_load %arg6[%get3A_608] {strides = array<i32>} : memref<33280xf32, #tpu.memory_space<vmem>>, vector<16xf32>,
        %get3A_610 = vector.shape_cast %get3A_609 : vector<16xf32> to vector<16xf32>
        %sub3A_611 = arith.subf %get3A_610, %scan3A_198#2 : vector<16xf32>
        %max3A_612 = arith.constant 0.000000e+00 : f32
        %max3A_613 = vector.broadcast %max3A_612 : f32 to vector<16xf32>
        %max3A_614 = arith.maximumf %sub3A_611, %max3A_613 : vector<16xf32>
        %add3A_615 = arith.constant 16 : i32
        %add3A_616 = arith.addi %mul3A_607, %add3A_615 : i32
        %get3A_617 = arith.index_cast %add3A_616 : i32 to index
        %get3A_618 = tpu.vector_load %arg6[%get3A_617] {strides = array<i32>} : memref<33280xf32, #tpu.memory_space<vmem>>, vector<16xf32>,
        %get3A_619 = vector.shape_cast %get3A_618 : vector<16xf32> to vector<16xf32>
        %sub3A_620 = arith.subf %get3A_619, %scan3A_198#2 : vector<16xf32>
        %max3A_621 = arith.constant 0.000000e+00 : f32
        %max3A_622 = vector.broadcast %max3A_621 : f32 to vector<16xf32>
        %max3A_623 = arith.maximumf %sub3A_620, %max3A_622 : vector<16xf32>
        %mul3A_624 = arith.mulf %max3A_614, %max3A_614 : vector<16xf32>
        %mul3A_625 = arith.constant 32 : i32
        %mul3A_626 = arith.muli %squeeze3A_605, %mul3A_625 : i32
        %swap3A_627 = arith.index_cast %mul3A_626 : i32 to index
        %swap3A_628 = tpu.vector_load %arg5[%swap3A_627] {strides = array<i32>} : memref<32800xf32, #tpu.memory_space<vmem>>, vector<16xf32>,
        %swap3A_629 = vector.shape_cast %swap3A_628 : vector<16xf32> to vector<16xf32>
        %swap3A_630 = vector.shape_cast %mul3A_624 : vector<16xf32> to vector<16xf32>
        tpu.vector_store %arg5[%swap3A_627], %swap3A_630 {strides = array<i32>} : memref<32800xf32, #tpu.memory_space<vmem>>, vector<16xf32>,
        %mul3A_631 = arith.mulf %max3A_623, %max3A_623 : vector<16xf32>
        %mul3A_632 = arith.constant 32 : i32
        %mul3A_633 = arith.muli %squeeze3A_605, %mul3A_632 : i32
        %add3A_634 = arith.constant 16 : i32
        %add3A_635 = arith.addi %mul3A_633, %add3A_634 : i32
        %swap3A_636 = arith.index_cast %add3A_635 : i32 to index
        %swap3A_637 = tpu.vector_load %arg5[%swap3A_636] {strides = array<i32>} : memref<32800xf32, #tpu.memory_space<vmem>>, vector<16xf32>,
        %swap3A_638 = vector.shape_cast %swap3A_637 : vector<16xf32> to vector<16xf32>
        %swap3A_639 = vector.shape_cast %mul3A_631 : vector<16xf32> to vector<16xf32>
        tpu.vector_store %arg5[%swap3A_636], %swap3A_639 {strides = array<i32>} : memref<32800xf32, #tpu.memory_space<vmem>>, vector<16xf32>,
        %mul3A_640 = arith.constant 16 : i32
        %mul3A_641 = arith.muli %while3A_275, %mul3A_640 : i32
        %add3A_642 = arith.constant 9 : i32
        %add3A_643 = arith.addi %mul3A_641, %add3A_642 : i32
        %slice3A_644 = vector.extract_strided_slice %get3A_279 {offsets = [9], sizes = [1], strides = [1]} : vector<16xi32> to vector<1xi32>
        %squeeze3A_645 = vector.extract %slice3A_644[0] : i32 from vector<1xi32>
        %mul3A_646 = arith.constant 32 : i32
        %mul3A_647 = arith.muli %add3A_643, %mul3A_646 : i32
        %get3A_648 = arith.index_cast %mul3A_647 : i32 to index
        %get3A_649 = tpu.vector_load %arg6[%get3A_648] {strides = array<i32>} : memref<33280xf32, #tpu.memory_space<vmem>>, vector<16xf32>,
        %get3A_650 = vector.shape_cast %get3A_649 : vector<16xf32> to vector<16xf32>
        %sub3A_651 = arith.subf %get3A_650, %scan3A_198#2 : vector<16xf32>
        %max3A_652 = arith.constant 0.000000e+00 : f32
        %max3A_653 = vector.broadcast %max3A_652 : f32 to vector<16xf32>
        %max3A_654 = arith.maximumf %sub3A_651, %max3A_653 : vector<16xf32>
        %add3A_655 = arith.constant 16 : i32
        %add3A_656 = arith.addi %mul3A_647, %add3A_655 : i32
        %get3A_657 = arith.index_cast %add3A_656 : i32 to index
        %get3A_658 = tpu.vector_load %arg6[%get3A_657] {strides = array<i32>} : memref<33280xf32, #tpu.memory_space<vmem>>, vector<16xf32>,
        %get3A_659 = vector.shape_cast %get3A_658 : vector<16xf32> to vector<16xf32>
        %sub3A_660 = arith.subf %get3A_659, %scan3A_198#2 : vector<16xf32>
        %max3A_661 = arith.constant 0.000000e+00 : f32
        %max3A_662 = vector.broadcast %max3A_661 : f32 to vector<16xf32>
        %max3A_663 = arith.maximumf %sub3A_660, %max3A_662 : vector<16xf32>
        %mul3A_664 = arith.mulf %max3A_654, %max3A_654 : vector<16xf32>
        %mul3A_665 = arith.constant 32 : i32
        %mul3A_666 = arith.muli %squeeze3A_645, %mul3A_665 : i32
        %swap3A_667 = arith.index_cast %mul3A_666 : i32 to index
        %swap3A_668 = tpu.vector_load %arg5[%swap3A_667] {strides = array<i32>} : memref<32800xf32, #tpu.memory_space<vmem>>, vector<16xf32>,
        %swap3A_669 = vector.shape_cast %swap3A_668 : vector<16xf32> to vector<16xf32>
        %swap3A_670 = vector.shape_cast %mul3A_664 : vector<16xf32> to vector<16xf32>
        tpu.vector_store %arg5[%swap3A_667], %swap3A_670 {strides = array<i32>} : memref<32800xf32, #tpu.memory_space<vmem>>, vector<16xf32>,
        %mul3A_671 = arith.mulf %max3A_663, %max3A_663 : vector<16xf32>
        %mul3A_672 = arith.constant 32 : i32
        %mul3A_673 = arith.muli %squeeze3A_645, %mul3A_672 : i32
        %add3A_674 = arith.constant 16 : i32
        %add3A_675 = arith.addi %mul3A_673, %add3A_674 : i32
        %swap3A_676 = arith.index_cast %add3A_675 : i32 to index
        %swap3A_677 = tpu.vector_load %arg5[%swap3A_676] {strides = array<i32>} : memref<32800xf32, #tpu.memory_space<vmem>>, vector<16xf32>,
        %swap3A_678 = vector.shape_cast %swap3A_677 : vector<16xf32> to vector<16xf32>
        %swap3A_679 = vector.shape_cast %mul3A_671 : vector<16xf32> to vector<16xf32>
        tpu.vector_store %arg5[%swap3A_676], %swap3A_679 {strides = array<i32>} : memref<32800xf32, #tpu.memory_space<vmem>>, vector<16xf32>,
        %mul3A_680 = arith.constant 16 : i32
        %mul3A_681 = arith.muli %while3A_275, %mul3A_680 : i32
        %add3A_682 = arith.constant 10 : i32
        %add3A_683 = arith.addi %mul3A_681, %add3A_682 : i32
        %slice3A_684 = vector.extract_strided_slice %get3A_279 {offsets = [10], sizes = [1], strides = [1]} : vector<16xi32> to vector<1xi32>
        %squeeze3A_685 = vector.extract %slice3A_684[0] : i32 from vector<1xi32>
        %mul3A_686 = arith.constant 32 : i32
        %mul3A_687 = arith.muli %add3A_683, %mul3A_686 : i32
        %get3A_688 = arith.index_cast %mul3A_687 : i32 to index
        %get3A_689 = tpu.vector_load %arg6[%get3A_688] {strides = array<i32>} : memref<33280xf32, #tpu.memory_space<vmem>>, vector<16xf32>,
        %get3A_690 = vector.shape_cast %get3A_689 : vector<16xf32> to vector<16xf32>
        %sub3A_691 = arith.subf %get3A_690, %scan3A_198#2 : vector<16xf32>
        %max3A_692 = arith.constant 0.000000e+00 : f32
        %max3A_693 = vector.broadcast %max3A_692 : f32 to vector<16xf32>
        %max3A_694 = arith.maximumf %sub3A_691, %max3A_693 : vector<16xf32>
        %add3A_695 = arith.constant 16 : i32
        %add3A_696 = arith.addi %mul3A_687, %add3A_695 : i32
        %get3A_697 = arith.index_cast %add3A_696 : i32 to index
        %get3A_698 = tpu.vector_load %arg6[%get3A_697] {strides = array<i32>} : memref<33280xf32, #tpu.memory_space<vmem>>, vector<16xf32>,
        %get3A_699 = vector.shape_cast %get3A_698 : vector<16xf32> to vector<16xf32>
        %sub3A_700 = arith.subf %get3A_699, %scan3A_198#2 : vector<16xf32>
        %max3A_701 = arith.constant 0.000000e+00 : f32
        %max3A_702 = vector.broadcast %max3A_701 : f32 to vector<16xf32>
        %max3A_703 = arith.maximumf %sub3A_700, %max3A_702 : vector<16xf32>
        %mul3A_704 = arith.mulf %max3A_694, %max3A_694 : vector<16xf32>
        %mul3A_705 = arith.constant 32 : i32
        %mul3A_706 = arith.muli %squeeze3A_685, %mul3A_705 : i32
        %swap3A_707 = arith.index_cast %mul3A_706 : i32 to index
        %swap3A_708 = tpu.vector_load %arg5[%swap3A_707] {strides = array<i32>} : memref<32800xf32, #tpu.memory_space<vmem>>, vector<16xf32>,
        %swap3A_709 = vector.shape_cast %swap3A_708 : vector<16xf32> to vector<16xf32>
        %swap3A_710 = vector.shape_cast %mul3A_704 : vector<16xf32> to vector<16xf32>
        tpu.vector_store %arg5[%swap3A_707], %swap3A_710 {strides = array<i32>} : memref<32800xf32, #tpu.memory_space<vmem>>, vector<16xf32>,
        %mul3A_711 = arith.mulf %max3A_703, %max3A_703 : vector<16xf32>
        %mul3A_712 = arith.constant 32 : i32
        %mul3A_713 = arith.muli %squeeze3A_685, %mul3A_712 : i32
        %add3A_714 = arith.constant 16 : i32
        %add3A_715 = arith.addi %mul3A_713, %add3A_714 : i32
        %swap3A_716 = arith.index_cast %add3A_715 : i32 to index
        %swap3A_717 = tpu.vector_load %arg5[%swap3A_716] {strides = array<i32>} : memref<32800xf32, #tpu.memory_space<vmem>>, vector<16xf32>,
        %swap3A_718 = vector.shape_cast %swap3A_717 : vector<16xf32> to vector<16xf32>
        %swap3A_719 = vector.shape_cast %mul3A_711 : vector<16xf32> to vector<16xf32>
        tpu.vector_store %arg5[%swap3A_716], %swap3A_719 {strides = array<i32>} : memref<32800xf32, #tpu.memory_space<vmem>>, vector<16xf32>,
        %mul3A_720 = arith.constant 16 : i32
        %mul3A_721 = arith.muli %while3A_275, %mul3A_720 : i32
        %add3A_722 = arith.constant 11 : i32
        %add3A_723 = arith.addi %mul3A_721, %add3A_722 : i32
        %slice3A_724 = vector.extract_strided_slice %get3A_279 {offsets = [11], sizes = [1], strides = [1]} : vector<16xi32> to vector<1xi32>
        %squeeze3A_725 = vector.extract %slice3A_724[0] : i32 from vector<1xi32>
        %mul3A_726 = arith.constant 32 : i32
        %mul3A_727 = arith.muli %add3A_723, %mul3A_726 : i32
        %get3A_728 = arith.index_cast %mul3A_727 : i32 to index
        %get3A_729 = tpu.vector_load %arg6[%get3A_728] {strides = array<i32>} : memref<33280xf32, #tpu.memory_space<vmem>>, vector<16xf32>,
        %get3A_730 = vector.shape_cast %get3A_729 : vector<16xf32> to vector<16xf32>
        %sub3A_731 = arith.subf %get3A_730, %scan3A_198#2 : vector<16xf32>
        %max3A_732 = arith.constant 0.000000e+00 : f32
        %max3A_733 = vector.broadcast %max3A_732 : f32 to vector<16xf32>
        %max3A_734 = arith.maximumf %sub3A_731, %max3A_733 : vector<16xf32>
        %add3A_735 = arith.constant 16 : i32
        %add3A_736 = arith.addi %mul3A_727, %add3A_735 : i32
        %get3A_737 = arith.index_cast %add3A_736 : i32 to index
        %get3A_738 = tpu.vector_load %arg6[%get3A_737] {strides = array<i32>} : memref<33280xf32, #tpu.memory_space<vmem>>, vector<16xf32>,
        %get3A_739 = vector.shape_cast %get3A_738 : vector<16xf32> to vector<16xf32>
        %sub3A_740 = arith.subf %get3A_739, %scan3A_198#2 : vector<16xf32>
        %max3A_741 = arith.constant 0.000000e+00 : f32
        %max3A_742 = vector.broadcast %max3A_741 : f32 to vector<16xf32>
        %max3A_743 = arith.maximumf %sub3A_740, %max3A_742 : vector<16xf32>
        %mul3A_744 = arith.mulf %max3A_734, %max3A_734 : vector<16xf32>
        %mul3A_745 = arith.constant 32 : i32
        %mul3A_746 = arith.muli %squeeze3A_725, %mul3A_745 : i32
        %swap3A_747 = arith.index_cast %mul3A_746 : i32 to index
        %swap3A_748 = tpu.vector_load %arg5[%swap3A_747] {strides = array<i32>} : memref<32800xf32, #tpu.memory_space<vmem>>, vector<16xf32>,
        %swap3A_749 = vector.shape_cast %swap3A_748 : vector<16xf32> to vector<16xf32>
        %swap3A_750 = vector.shape_cast %mul3A_744 : vector<16xf32> to vector<16xf32>
        tpu.vector_store %arg5[%swap3A_747], %swap3A_750 {strides = array<i32>} : memref<32800xf32, #tpu.memory_space<vmem>>, vector<16xf32>,
        %mul3A_751 = arith.mulf %max3A_743, %max3A_743 : vector<16xf32>
        %mul3A_752 = arith.constant 32 : i32
        %mul3A_753 = arith.muli %squeeze3A_725, %mul3A_752 : i32
        %add3A_754 = arith.constant 16 : i32
        %add3A_755 = arith.addi %mul3A_753, %add3A_754 : i32
        %swap3A_756 = arith.index_cast %add3A_755 : i32 to index
        %swap3A_757 = tpu.vector_load %arg5[%swap3A_756] {strides = array<i32>} : memref<32800xf32, #tpu.memory_space<vmem>>, vector<16xf32>,
        %swap3A_758 = vector.shape_cast %swap3A_757 : vector<16xf32> to vector<16xf32>
        %swap3A_759 = vector.shape_cast %mul3A_751 : vector<16xf32> to vector<16xf32>
        tpu.vector_store %arg5[%swap3A_756], %swap3A_759 {strides = array<i32>} : memref<32800xf32, #tpu.memory_space<vmem>>, vector<16xf32>,
        %mul3A_760 = arith.constant 16 : i32
        %mul3A_761 = arith.muli %while3A_275, %mul3A_760 : i32
        %add3A_762 = arith.constant 12 : i32
        %add3A_763 = arith.addi %mul3A_761, %add3A_762 : i32
        %slice3A_764 = vector.extract_strided_slice %get3A_279 {offsets = [12], sizes = [1], strides = [1]} : vector<16xi32> to vector<1xi32>
        %squeeze3A_765 = vector.extract %slice3A_764[0] : i32 from vector<1xi32>
        %mul3A_766 = arith.constant 32 : i32
        %mul3A_767 = arith.muli %add3A_763, %mul3A_766 : i32
        %get3A_768 = arith.index_cast %mul3A_767 : i32 to index
        %get3A_769 = tpu.vector_load %arg6[%get3A_768] {strides = array<i32>} : memref<33280xf32, #tpu.memory_space<vmem>>, vector<16xf32>,
        %get3A_770 = vector.shape_cast %get3A_769 : vector<16xf32> to vector<16xf32>
        %sub3A_771 = arith.subf %get3A_770, %scan3A_198#2 : vector<16xf32>
        %max3A_772 = arith.constant 0.000000e+00 : f32
        %max3A_773 = vector.broadcast %max3A_772 : f32 to vector<16xf32>
        %max3A_774 = arith.maximumf %sub3A_771, %max3A_773 : vector<16xf32>
        %add3A_775 = arith.constant 16 : i32
        %add3A_776 = arith.addi %mul3A_767, %add3A_775 : i32
        %get3A_777 = arith.index_cast %add3A_776 : i32 to index
        %get3A_778 = tpu.vector_load %arg6[%get3A_777] {strides = array<i32>} : memref<33280xf32, #tpu.memory_space<vmem>>, vector<16xf32>,
        %get3A_779 = vector.shape_cast %get3A_778 : vector<16xf32> to vector<16xf32>
        %sub3A_780 = arith.subf %get3A_779, %scan3A_198#2 : vector<16xf32>
        %max3A_781 = arith.constant 0.000000e+00 : f32
        %max3A_782 = vector.broadcast %max3A_781 : f32 to vector<16xf32>
        %max3A_783 = arith.maximumf %sub3A_780, %max3A_782 : vector<16xf32>
        %mul3A_784 = arith.mulf %max3A_774, %max3A_774 : vector<16xf32>
        %mul3A_785 = arith.constant 32 : i32
        %mul3A_786 = arith.muli %squeeze3A_765, %mul3A_785 : i32
        %swap3A_787 = arith.index_cast %mul3A_786 : i32 to index
        %swap3A_788 = tpu.vector_load %arg5[%swap3A_787] {strides = array<i32>} : memref<32800xf32, #tpu.memory_space<vmem>>, vector<16xf32>,
        %swap3A_789 = vector.shape_cast %swap3A_788 : vector<16xf32> to vector<16xf32>
        %swap3A_790 = vector.shape_cast %mul3A_784 : vector<16xf32> to vector<16xf32>
        tpu.vector_store %arg5[%swap3A_787], %swap3A_790 {strides = array<i32>} : memref<32800xf32, #tpu.memory_space<vmem>>, vector<16xf32>,
        %mul3A_791 = arith.mulf %max3A_783, %max3A_783 : vector<16xf32>
        %mul3A_792 = arith.constant 32 : i32
        %mul3A_793 = arith.muli %squeeze3A_765, %mul3A_792 : i32
        %add3A_794 = arith.constant 16 : i32
        %add3A_795 = arith.addi %mul3A_793, %add3A_794 : i32
        %swap3A_796 = arith.index_cast %add3A_795 : i32 to index
        %swap3A_797 = tpu.vector_load %arg5[%swap3A_796] {strides = array<i32>} : memref<32800xf32, #tpu.memory_space<vmem>>, vector<16xf32>,
        %swap3A_798 = vector.shape_cast %swap3A_797 : vector<16xf32> to vector<16xf32>
        %swap3A_799 = vector.shape_cast %mul3A_791 : vector<16xf32> to vector<16xf32>
        tpu.vector_store %arg5[%swap3A_796], %swap3A_799 {strides = array<i32>} : memref<32800xf32, #tpu.memory_space<vmem>>, vector<16xf32>,
        %mul3A_800 = arith.constant 16 : i32
        %mul3A_801 = arith.muli %while3A_275, %mul3A_800 : i32
        %add3A_802 = arith.constant 13 : i32
        %add3A_803 = arith.addi %mul3A_801, %add3A_802 : i32
        %slice3A_804 = vector.extract_strided_slice %get3A_279 {offsets = [13], sizes = [1], strides = [1]} : vector<16xi32> to vector<1xi32>
        %squeeze3A_805 = vector.extract %slice3A_804[0] : i32 from vector<1xi32>
        %mul3A_806 = arith.constant 32 : i32
        %mul3A_807 = arith.muli %add3A_803, %mul3A_806 : i32
        %get3A_808 = arith.index_cast %mul3A_807 : i32 to index
        %get3A_809 = tpu.vector_load %arg6[%get3A_808] {strides = array<i32>} : memref<33280xf32, #tpu.memory_space<vmem>>, vector<16xf32>,
        %get3A_810 = vector.shape_cast %get3A_809 : vector<16xf32> to vector<16xf32>
        %sub3A_811 = arith.subf %get3A_810, %scan3A_198#2 : vector<16xf32>
        %max3A_812 = arith.constant 0.000000e+00 : f32
        %max3A_813 = vector.broadcast %max3A_812 : f32 to vector<16xf32>
        %max3A_814 = arith.maximumf %sub3A_811, %max3A_813 : vector<16xf32>
        %add3A_815 = arith.constant 16 : i32
        %add3A_816 = arith.addi %mul3A_807, %add3A_815 : i32
        %get3A_817 = arith.index_cast %add3A_816 : i32 to index
        %get3A_818 = tpu.vector_load %arg6[%get3A_817] {strides = array<i32>} : memref<33280xf32, #tpu.memory_space<vmem>>, vector<16xf32>,
        %get3A_819 = vector.shape_cast %get3A_818 : vector<16xf32> to vector<16xf32>
        %sub3A_820 = arith.subf %get3A_819, %scan3A_198#2 : vector<16xf32>
        %max3A_821 = arith.constant 0.000000e+00 : f32
        %max3A_822 = vector.broadcast %max3A_821 : f32 to vector<16xf32>
        %max3A_823 = arith.maximumf %sub3A_820, %max3A_822 : vector<16xf32>
        %mul3A_824 = arith.mulf %max3A_814, %max3A_814 : vector<16xf32>
        %mul3A_825 = arith.constant 32 : i32
        %mul3A_826 = arith.muli %squeeze3A_805, %mul3A_825 : i32
        %swap3A_827 = arith.index_cast %mul3A_826 : i32 to index
        %swap3A_828 = tpu.vector_load %arg5[%swap3A_827] {strides = array<i32>} : memref<32800xf32, #tpu.memory_space<vmem>>, vector<16xf32>,
        %swap3A_829 = vector.shape_cast %swap3A_828 : vector<16xf32> to vector<16xf32>
        %swap3A_830 = vector.shape_cast %mul3A_824 : vector<16xf32> to vector<16xf32>
        tpu.vector_store %arg5[%swap3A_827], %swap3A_830 {strides = array<i32>} : memref<32800xf32, #tpu.memory_space<vmem>>, vector<16xf32>,
        %mul3A_831 = arith.mulf %max3A_823, %max3A_823 : vector<16xf32>
        %mul3A_832 = arith.constant 32 : i32
        %mul3A_833 = arith.muli %squeeze3A_805, %mul3A_832 : i32
        %add3A_834 = arith.constant 16 : i32
        %add3A_835 = arith.addi %mul3A_833, %add3A_834 : i32
        %swap3A_836 = arith.index_cast %add3A_835 : i32 to index
        %swap3A_837 = tpu.vector_load %arg5[%swap3A_836] {strides = array<i32>} : memref<32800xf32, #tpu.memory_space<vmem>>, vector<16xf32>,
        %swap3A_838 = vector.shape_cast %swap3A_837 : vector<16xf32> to vector<16xf32>
        %swap3A_839 = vector.shape_cast %mul3A_831 : vector<16xf32> to vector<16xf32>
        tpu.vector_store %arg5[%swap3A_836], %swap3A_839 {strides = array<i32>} : memref<32800xf32, #tpu.memory_space<vmem>>, vector<16xf32>,
        %mul3A_840 = arith.constant 16 : i32
        %mul3A_841 = arith.muli %while3A_275, %mul3A_840 : i32
        %add3A_842 = arith.constant 14 : i32
        %add3A_843 = arith.addi %mul3A_841, %add3A_842 : i32
        %slice3A_844 = vector.extract_strided_slice %get3A_279 {offsets = [14], sizes = [1], strides = [1]} : vector<16xi32> to vector<1xi32>
        %squeeze3A_845 = vector.extract %slice3A_844[0] : i32 from vector<1xi32>
        %mul3A_846 = arith.constant 32 : i32
        %mul3A_847 = arith.muli %add3A_843, %mul3A_846 : i32
        %get3A_848 = arith.index_cast %mul3A_847 : i32 to index
        %get3A_849 = tpu.vector_load %arg6[%get3A_848] {strides = array<i32>} : memref<33280xf32, #tpu.memory_space<vmem>>, vector<16xf32>,
        %get3A_850 = vector.shape_cast %get3A_849 : vector<16xf32> to vector<16xf32>
        %sub3A_851 = arith.subf %get3A_850, %scan3A_198#2 : vector<16xf32>
        %max3A_852 = arith.constant 0.000000e+00 : f32
        %max3A_853 = vector.broadcast %max3A_852 : f32 to vector<16xf32>
        %max3A_854 = arith.maximumf %sub3A_851, %max3A_853 : vector<16xf32>
        %add3A_855 = arith.constant 16 : i32
        %add3A_856 = arith.addi %mul3A_847, %add3A_855 : i32
        %get3A_857 = arith.index_cast %add3A_856 : i32 to index
        %get3A_858 = tpu.vector_load %arg6[%get3A_857] {strides = array<i32>} : memref<33280xf32, #tpu.memory_space<vmem>>, vector<16xf32>,
        %get3A_859 = vector.shape_cast %get3A_858 : vector<16xf32> to vector<16xf32>
        %sub3A_860 = arith.subf %get3A_859, %scan3A_198#2 : vector<16xf32>
        %max3A_861 = arith.constant 0.000000e+00 : f32
        %max3A_862 = vector.broadcast %max3A_861 : f32 to vector<16xf32>
        %max3A_863 = arith.maximumf %sub3A_860, %max3A_862 : vector<16xf32>
        %mul3A_864 = arith.mulf %max3A_854, %max3A_854 : vector<16xf32>
        %mul3A_865 = arith.constant 32 : i32
        %mul3A_866 = arith.muli %squeeze3A_845, %mul3A_865 : i32
        %swap3A_867 = arith.index_cast %mul3A_866 : i32 to index
        %swap3A_868 = tpu.vector_load %arg5[%swap3A_867] {strides = array<i32>} : memref<32800xf32, #tpu.memory_space<vmem>>, vector<16xf32>,
        %swap3A_869 = vector.shape_cast %swap3A_868 : vector<16xf32> to vector<16xf32>
        %swap3A_870 = vector.shape_cast %mul3A_864 : vector<16xf32> to vector<16xf32>
        tpu.vector_store %arg5[%swap3A_867], %swap3A_870 {strides = array<i32>} : memref<32800xf32, #tpu.memory_space<vmem>>, vector<16xf32>,
        %mul3A_871 = arith.mulf %max3A_863, %max3A_863 : vector<16xf32>
        %mul3A_872 = arith.constant 32 : i32
        %mul3A_873 = arith.muli %squeeze3A_845, %mul3A_872 : i32
        %add3A_874 = arith.constant 16 : i32
        %add3A_875 = arith.addi %mul3A_873, %add3A_874 : i32
        %swap3A_876 = arith.index_cast %add3A_875 : i32 to index
        %swap3A_877 = tpu.vector_load %arg5[%swap3A_876] {strides = array<i32>} : memref<32800xf32, #tpu.memory_space<vmem>>, vector<16xf32>,
        %swap3A_878 = vector.shape_cast %swap3A_877 : vector<16xf32> to vector<16xf32>
        %swap3A_879 = vector.shape_cast %mul3A_871 : vector<16xf32> to vector<16xf32>
        tpu.vector_store %arg5[%swap3A_876], %swap3A_879 {strides = array<i32>} : memref<32800xf32, #tpu.memory_space<vmem>>, vector<16xf32>,
        %mul3A_880 = arith.constant 16 : i32
        %mul3A_881 = arith.muli %while3A_275, %mul3A_880 : i32
        %add3A_882 = arith.constant 15 : i32
        %add3A_883 = arith.addi %mul3A_881, %add3A_882 : i32
        %slice3A_884 = vector.extract_strided_slice %get3A_279 {offsets = [15], sizes = [1], strides = [1]} : vector<16xi32> to vector<1xi32>
        %squeeze3A_885 = vector.extract %slice3A_884[0] : i32 from vector<1xi32>
        %mul3A_886 = arith.constant 32 : i32
        %mul3A_887 = arith.muli %add3A_883, %mul3A_886 : i32
        %get3A_888 = arith.index_cast %mul3A_887 : i32 to index
        %get3A_889 = tpu.vector_load %arg6[%get3A_888] {strides = array<i32>} : memref<33280xf32, #tpu.memory_space<vmem>>, vector<16xf32>,
        %get3A_890 = vector.shape_cast %get3A_889 : vector<16xf32> to vector<16xf32>
        %sub3A_891 = arith.subf %get3A_890, %scan3A_198#2 : vector<16xf32>
        %max3A_892 = arith.constant 0.000000e+00 : f32
        %max3A_893 = vector.broadcast %max3A_892 : f32 to vector<16xf32>
        %max3A_894 = arith.maximumf %sub3A_891, %max3A_893 : vector<16xf32>
        %add3A_895 = arith.constant 16 : i32
        %add3A_896 = arith.addi %mul3A_887, %add3A_895 : i32
        %get3A_897 = arith.index_cast %add3A_896 : i32 to index
        %get3A_898 = tpu.vector_load %arg6[%get3A_897] {strides = array<i32>} : memref<33280xf32, #tpu.memory_space<vmem>>, vector<16xf32>,
        %get3A_899 = vector.shape_cast %get3A_898 : vector<16xf32> to vector<16xf32>
        %sub3A_900 = arith.subf %get3A_899, %scan3A_198#2 : vector<16xf32>
        %max3A_901 = arith.constant 0.000000e+00 : f32
        %max3A_902 = vector.broadcast %max3A_901 : f32 to vector<16xf32>
        %max3A_903 = arith.maximumf %sub3A_900, %max3A_902 : vector<16xf32>
        %mul3A_904 = arith.mulf %max3A_894, %max3A_894 : vector<16xf32>
        %mul3A_905 = arith.constant 32 : i32
        %mul3A_906 = arith.muli %squeeze3A_885, %mul3A_905 : i32
        %swap3A_907 = arith.index_cast %mul3A_906 : i32 to index
        %swap3A_908 = tpu.vector_load %arg5[%swap3A_907] {strides = array<i32>} : memref<32800xf32, #tpu.memory_space<vmem>>, vector<16xf32>,
        %swap3A_909 = vector.shape_cast %swap3A_908 : vector<16xf32> to vector<16xf32>
        %swap3A_910 = vector.shape_cast %mul3A_904 : vector<16xf32> to vector<16xf32>
        tpu.vector_store %arg5[%swap3A_907], %swap3A_910 {strides = array<i32>} : memref<32800xf32, #tpu.memory_space<vmem>>, vector<16xf32>,
        %mul3A_911 = arith.mulf %max3A_903, %max3A_903 : vector<16xf32>
        %mul3A_912 = arith.constant 32 : i32
        %mul3A_913 = arith.muli %squeeze3A_885, %mul3A_912 : i32
        %add3A_914 = arith.constant 16 : i32
        %add3A_915 = arith.addi %mul3A_913, %add3A_914 : i32
        %swap3A_916 = arith.index_cast %add3A_915 : i32 to index
        %swap3A_917 = tpu.vector_load %arg5[%swap3A_916] {strides = array<i32>} : memref<32800xf32, #tpu.memory_space<vmem>>, vector<16xf32>,
        %swap3A_918 = vector.shape_cast %swap3A_917 : vector<16xf32> to vector<16xf32>
        %swap3A_919 = vector.shape_cast %mul3A_911 : vector<16xf32> to vector<16xf32>
        tpu.vector_store %arg5[%swap3A_916], %swap3A_919 {strides = array<i32>} : memref<32800xf32, #tpu.memory_space<vmem>>, vector<16xf32>,
      }
      %while3A_236 = arith.constant 1 : i32
      scf.for %while3A_275 = %while3A_234 to %while3A_230 step %while3A_236  : i32 {
        %mul3A_276 = arith.constant 16 : i32
        %mul3A_277 = arith.muli %while3A_275, %mul3A_276 : i32
        %get3A = arith.index_cast %mul3A_277 : i32 to index
        %get3A_278 = tpu.vector_load %arg7[%get3A] {strides = array<i32>} : memref<1040xi32, #tpu.memory_space<vmem>>, vector<16xi32>,
        %get3A_279 = vector.shape_cast %get3A_278 : vector<16xi32> to vector<16xi32>
        %mul3A_280 = arith.constant 16 : i32
        %mul3A_281 = arith.muli %while3A_275, %mul3A_280 : i32
        %add3A_282 = arith.constant 0 : i32
        %add3A_283 = arith.addi %mul3A_281, %add3A_282 : i32
        %slice3A_284 = vector.extract_strided_slice %get3A_279 {offsets = [0], sizes = [1], strides = [1]} : vector<16xi32> to vector<1xi32>
        %squeeze3A_285 = vector.extract %slice3A_284[0] : i32 from vector<1xi32>
        %mul3A_286 = arith.constant 32 : i32
        %mul3A_287 = arith.muli %add3A_283, %mul3A_286 : i32
        %get3A_288 = arith.index_cast %mul3A_287 : i32 to index
        %get3A_289 = tpu.vector_load %arg6[%get3A_288] {strides = array<i32>} : memref<33280xf32, #tpu.memory_space<vmem>>, vector<16xf32>,
        %get3A_290 = vector.shape_cast %get3A_289 : vector<16xf32> to vector<16xf32>
        %sub3A_291 = arith.subf %get3A_290, %scan3A_198#2 : vector<16xf32>
        %max3A_292 = arith.constant 0.000000e+00 : f32
        %max3A_293 = vector.broadcast %max3A_292 : f32 to vector<16xf32>
        %max3A_294 = arith.maximumf %sub3A_291, %max3A_293 : vector<16xf32>
        %add3A_295 = arith.constant 16 : i32
        %add3A_296 = arith.addi %mul3A_287, %add3A_295 : i32
        %get3A_297 = arith.index_cast %add3A_296 : i32 to index
        %get3A_298 = tpu.vector_load %arg6[%get3A_297] {strides = array<i32>} : memref<33280xf32, #tpu.memory_space<vmem>>, vector<16xf32>,
        %get3A_299 = vector.shape_cast %get3A_298 : vector<16xf32> to vector<16xf32>
        %sub3A_300 = arith.subf %get3A_299, %scan3A_198#2 : vector<16xf32>
        %max3A_301 = arith.constant 0.000000e+00 : f32
        %max3A_302 = vector.broadcast %max3A_301 : f32 to vector<16xf32>
        %max3A_303 = arith.maximumf %sub3A_300, %max3A_302 : vector<16xf32>
        %mul3A_304 = arith.mulf %max3A_294, %max3A_294 : vector<16xf32>
        %mul3A_305 = arith.constant 32 : i32
        %mul3A_306 = arith.muli %squeeze3A_285, %mul3A_305 : i32
        %swap3A_307 = arith.index_cast %mul3A_306 : i32 to index
        %swap3A_308 = tpu.vector_load %arg5[%swap3A_307] {strides = array<i32>} : memref<32800xf32, #tpu.memory_space<vmem>>, vector<16xf32>,
        %swap3A_309 = vector.shape_cast %swap3A_308 : vector<16xf32> to vector<16xf32>
        %swap3A_310 = vector.shape_cast %mul3A_304 : vector<16xf32> to vector<16xf32>
        tpu.vector_store %arg5[%swap3A_307], %swap3A_310 {strides = array<i32>} : memref<32800xf32, #tpu.memory_space<vmem>>, vector<16xf32>,
        %mul3A_311 = arith.mulf %max3A_303, %max3A_303 : vector<16xf32>
        %mul3A_312 = arith.constant 32 : i32
        %mul3A_313 = arith.muli %squeeze3A_285, %mul3A_312 : i32
        %add3A_314 = arith.constant 16 : i32
        %add3A_315 = arith.addi %mul3A_313, %add3A_314 : i32
        %swap3A_316 = arith.index_cast %add3A_315 : i32 to index
        %swap3A_317 = tpu.vector_load %arg5[%swap3A_316] {strides = array<i32>} : memref<32800xf32, #tpu.memory_space<vmem>>, vector<16xf32>,
        %swap3A_318 = vector.shape_cast %swap3A_317 : vector<16xf32> to vector<16xf32>
        %swap3A_319 = vector.shape_cast %mul3A_311 : vector<16xf32> to vector<16xf32>
        tpu.vector_store %arg5[%swap3A_316], %swap3A_319 {strides = array<i32>} : memref<32800xf32, #tpu.memory_space<vmem>>, vector<16xf32>,
        %mul3A_320 = arith.constant 16 : i32
        %mul3A_321 = arith.muli %while3A_275, %mul3A_320 : i32
        %add3A_322 = arith.constant 1 : i32
        %add3A_323 = arith.addi %mul3A_321, %add3A_322 : i32
        %slice3A_324 = vector.extract_strided_slice %get3A_279 {offsets = [1], sizes = [1], strides = [1]} : vector<16xi32> to vector<1xi32>
        %squeeze3A_325 = vector.extract %slice3A_324[0] : i32 from vector<1xi32>
        %mul3A_326 = arith.constant 32 : i32
        %mul3A_327 = arith.muli %add3A_323, %mul3A_326 : i32
        %get3A_328 = arith.index_cast %mul3A_327 : i32 to index
        %get3A_329 = tpu.vector_load %arg6[%get3A_328] {strides = array<i32>} : memref<33280xf32, #tpu.memory_space<vmem>>, vector<16xf32>,
        %get3A_330 = vector.shape_cast %get3A_329 : vector<16xf32> to vector<16xf32>
        %sub3A_331 = arith.subf %get3A_330, %scan3A_198#2 : vector<16xf32>
        %max3A_332 = arith.constant 0.000000e+00 : f32
        %max3A_333 = vector.broadcast %max3A_332 : f32 to vector<16xf32>
        %max3A_334 = arith.maximumf %sub3A_331, %max3A_333 : vector<16xf32>
        %add3A_335 = arith.constant 16 : i32
        %add3A_336 = arith.addi %mul3A_327, %add3A_335 : i32
        %get3A_337 = arith.index_cast %add3A_336 : i32 to index
        %get3A_338 = tpu.vector_load %arg6[%get3A_337] {strides = array<i32>} : memref<33280xf32, #tpu.memory_space<vmem>>, vector<16xf32>,
        %get3A_339 = vector.shape_cast %get3A_338 : vector<16xf32> to vector<16xf32>
        %sub3A_340 = arith.subf %get3A_339, %scan3A_198#2 : vector<16xf32>
        %max3A_341 = arith.constant 0.000000e+00 : f32
        %max3A_342 = vector.broadcast %max3A_341 : f32 to vector<16xf32>
        %max3A_343 = arith.maximumf %sub3A_340, %max3A_342 : vector<16xf32>
        %mul3A_344 = arith.mulf %max3A_334, %max3A_334 : vector<16xf32>
        %mul3A_345 = arith.constant 32 : i32
        %mul3A_346 = arith.muli %squeeze3A_325, %mul3A_345 : i32
        %swap3A_347 = arith.index_cast %mul3A_346 : i32 to index
        %swap3A_348 = tpu.vector_load %arg5[%swap3A_347] {strides = array<i32>} : memref<32800xf32, #tpu.memory_space<vmem>>, vector<16xf32>,
        %swap3A_349 = vector.shape_cast %swap3A_348 : vector<16xf32> to vector<16xf32>
        %swap3A_350 = vector.shape_cast %mul3A_344 : vector<16xf32> to vector<16xf32>
        tpu.vector_store %arg5[%swap3A_347], %swap3A_350 {strides = array<i32>} : memref<32800xf32, #tpu.memory_space<vmem>>, vector<16xf32>,
        %mul3A_351 = arith.mulf %max3A_343, %max3A_343 : vector<16xf32>
        %mul3A_352 = arith.constant 32 : i32
        %mul3A_353 = arith.muli %squeeze3A_325, %mul3A_352 : i32
        %add3A_354 = arith.constant 16 : i32
        %add3A_355 = arith.addi %mul3A_353, %add3A_354 : i32
        %swap3A_356 = arith.index_cast %add3A_355 : i32 to index
        %swap3A_357 = tpu.vector_load %arg5[%swap3A_356] {strides = array<i32>} : memref<32800xf32, #tpu.memory_space<vmem>>, vector<16xf32>,
        %swap3A_358 = vector.shape_cast %swap3A_357 : vector<16xf32> to vector<16xf32>
        %swap3A_359 = vector.shape_cast %mul3A_351 : vector<16xf32> to vector<16xf32>
        tpu.vector_store %arg5[%swap3A_356], %swap3A_359 {strides = array<i32>} : memref<32800xf32, #tpu.memory_space<vmem>>, vector<16xf32>,
        %mul3A_360 = arith.constant 16 : i32
        %mul3A_361 = arith.muli %while3A_275, %mul3A_360 : i32
        %add3A_362 = arith.constant 2 : i32
        %add3A_363 = arith.addi %mul3A_361, %add3A_362 : i32
        %slice3A_364 = vector.extract_strided_slice %get3A_279 {offsets = [2], sizes = [1], strides = [1]} : vector<16xi32> to vector<1xi32>
        %squeeze3A_365 = vector.extract %slice3A_364[0] : i32 from vector<1xi32>
        %mul3A_366 = arith.constant 32 : i32
        %mul3A_367 = arith.muli %add3A_363, %mul3A_366 : i32
        %get3A_368 = arith.index_cast %mul3A_367 : i32 to index
        %get3A_369 = tpu.vector_load %arg6[%get3A_368] {strides = array<i32>} : memref<33280xf32, #tpu.memory_space<vmem>>, vector<16xf32>,
        %get3A_370 = vector.shape_cast %get3A_369 : vector<16xf32> to vector<16xf32>
        %sub3A_371 = arith.subf %get3A_370, %scan3A_198#2 : vector<16xf32>
        %max3A_372 = arith.constant 0.000000e+00 : f32
        %max3A_373 = vector.broadcast %max3A_372 : f32 to vector<16xf32>
        %max3A_374 = arith.maximumf %sub3A_371, %max3A_373 : vector<16xf32>
        %add3A_375 = arith.constant 16 : i32
        %add3A_376 = arith.addi %mul3A_367, %add3A_375 : i32
        %get3A_377 = arith.index_cast %add3A_376 : i32 to index
        %get3A_378 = tpu.vector_load %arg6[%get3A_377] {strides = array<i32>} : memref<33280xf32, #tpu.memory_space<vmem>>, vector<16xf32>,
        %get3A_379 = vector.shape_cast %get3A_378 : vector<16xf32> to vector<16xf32>
        %sub3A_380 = arith.subf %get3A_379, %scan3A_198#2 : vector<16xf32>
        %max3A_381 = arith.constant 0.000000e+00 : f32
        %max3A_382 = vector.broadcast %max3A_381 : f32 to vector<16xf32>
        %max3A_383 = arith.maximumf %sub3A_380, %max3A_382 : vector<16xf32>
        %mul3A_384 = arith.mulf %max3A_374, %max3A_374 : vector<16xf32>
        %mul3A_385 = arith.constant 32 : i32
        %mul3A_386 = arith.muli %squeeze3A_365, %mul3A_385 : i32
        %swap3A_387 = arith.index_cast %mul3A_386 : i32 to index
        %swap3A_388 = tpu.vector_load %arg5[%swap3A_387] {strides = array<i32>} : memref<32800xf32, #tpu.memory_space<vmem>>, vector<16xf32>,
        %swap3A_389 = vector.shape_cast %swap3A_388 : vector<16xf32> to vector<16xf32>
        %swap3A_390 = vector.shape_cast %mul3A_384 : vector<16xf32> to vector<16xf32>
        tpu.vector_store %arg5[%swap3A_387], %swap3A_390 {strides = array<i32>} : memref<32800xf32, #tpu.memory_space<vmem>>, vector<16xf32>,
        %mul3A_391 = arith.mulf %max3A_383, %max3A_383 : vector<16xf32>
        %mul3A_392 = arith.constant 32 : i32
        %mul3A_393 = arith.muli %squeeze3A_365, %mul3A_392 : i32
        %add3A_394 = arith.constant 16 : i32
        %add3A_395 = arith.addi %mul3A_393, %add3A_394 : i32
        %swap3A_396 = arith.index_cast %add3A_395 : i32 to index
        %swap3A_397 = tpu.vector_load %arg5[%swap3A_396] {strides = array<i32>} : memref<32800xf32, #tpu.memory_space<vmem>>, vector<16xf32>,
        %swap3A_398 = vector.shape_cast %swap3A_397 : vector<16xf32> to vector<16xf32>
        %swap3A_399 = vector.shape_cast %mul3A_391 : vector<16xf32> to vector<16xf32>
        tpu.vector_store %arg5[%swap3A_396], %swap3A_399 {strides = array<i32>} : memref<32800xf32, #tpu.memory_space<vmem>>, vector<16xf32>,
        %mul3A_400 = arith.constant 16 : i32
        %mul3A_401 = arith.muli %while3A_275, %mul3A_400 : i32
        %add3A_402 = arith.constant 3 : i32
        %add3A_403 = arith.addi %mul3A_401, %add3A_402 : i32
        %slice3A_404 = vector.extract_strided_slice %get3A_279 {offsets = [3], sizes = [1], strides = [1]} : vector<16xi32> to vector<1xi32>
        %squeeze3A_405 = vector.extract %slice3A_404[0] : i32 from vector<1xi32>
        %mul3A_406 = arith.constant 32 : i32
        %mul3A_407 = arith.muli %add3A_403, %mul3A_406 : i32
        %get3A_408 = arith.index_cast %mul3A_407 : i32 to index
        %get3A_409 = tpu.vector_load %arg6[%get3A_408] {strides = array<i32>} : memref<33280xf32, #tpu.memory_space<vmem>>, vector<16xf32>,
        %get3A_410 = vector.shape_cast %get3A_409 : vector<16xf32> to vector<16xf32>
        %sub3A_411 = arith.subf %get3A_410, %scan3A_198#2 : vector<16xf32>
        %max3A_412 = arith.constant 0.000000e+00 : f32
        %max3A_413 = vector.broadcast %max3A_412 : f32 to vector<16xf32>
        %max3A_414 = arith.maximumf %sub3A_411, %max3A_413 : vector<16xf32>
        %add3A_415 = arith.constant 16 : i32
        %add3A_416 = arith.addi %mul3A_407, %add3A_415 : i32
        %get3A_417 = arith.index_cast %add3A_416 : i32 to index
        %get3A_418 = tpu.vector_load %arg6[%get3A_417] {strides = array<i32>} : memref<33280xf32, #tpu.memory_space<vmem>>, vector<16xf32>,
        %get3A_419 = vector.shape_cast %get3A_418 : vector<16xf32> to vector<16xf32>
        %sub3A_420 = arith.subf %get3A_419, %scan3A_198#2 : vector<16xf32>
        %max3A_421 = arith.constant 0.000000e+00 : f32
        %max3A_422 = vector.broadcast %max3A_421 : f32 to vector<16xf32>
        %max3A_423 = arith.maximumf %sub3A_420, %max3A_422 : vector<16xf32>
        %mul3A_424 = arith.mulf %max3A_414, %max3A_414 : vector<16xf32>
        %mul3A_425 = arith.constant 32 : i32
        %mul3A_426 = arith.muli %squeeze3A_405, %mul3A_425 : i32
        %swap3A_427 = arith.index_cast %mul3A_426 : i32 to index
        %swap3A_428 = tpu.vector_load %arg5[%swap3A_427] {strides = array<i32>} : memref<32800xf32, #tpu.memory_space<vmem>>, vector<16xf32>,
        %swap3A_429 = vector.shape_cast %swap3A_428 : vector<16xf32> to vector<16xf32>
        %swap3A_430 = vector.shape_cast %mul3A_424 : vector<16xf32> to vector<16xf32>
        tpu.vector_store %arg5[%swap3A_427], %swap3A_430 {strides = array<i32>} : memref<32800xf32, #tpu.memory_space<vmem>>, vector<16xf32>,
        %mul3A_431 = arith.mulf %max3A_423, %max3A_423 : vector<16xf32>
        %mul3A_432 = arith.constant 32 : i32
        %mul3A_433 = arith.muli %squeeze3A_405, %mul3A_432 : i32
        %add3A_434 = arith.constant 16 : i32
        %add3A_435 = arith.addi %mul3A_433, %add3A_434 : i32
        %swap3A_436 = arith.index_cast %add3A_435 : i32 to index
        %swap3A_437 = tpu.vector_load %arg5[%swap3A_436] {strides = array<i32>} : memref<32800xf32, #tpu.memory_space<vmem>>, vector<16xf32>,
        %swap3A_438 = vector.shape_cast %swap3A_437 : vector<16xf32> to vector<16xf32>
        %swap3A_439 = vector.shape_cast %mul3A_431 : vector<16xf32> to vector<16xf32>
        tpu.vector_store %arg5[%swap3A_436], %swap3A_439 {strides = array<i32>} : memref<32800xf32, #tpu.memory_space<vmem>>, vector<16xf32>,
        %mul3A_440 = arith.constant 16 : i32
        %mul3A_441 = arith.muli %while3A_275, %mul3A_440 : i32
        %add3A_442 = arith.constant 4 : i32
        %add3A_443 = arith.addi %mul3A_441, %add3A_442 : i32
        %slice3A_444 = vector.extract_strided_slice %get3A_279 {offsets = [4], sizes = [1], strides = [1]} : vector<16xi32> to vector<1xi32>
        %squeeze3A_445 = vector.extract %slice3A_444[0] : i32 from vector<1xi32>
        %mul3A_446 = arith.constant 32 : i32
        %mul3A_447 = arith.muli %add3A_443, %mul3A_446 : i32
        %get3A_448 = arith.index_cast %mul3A_447 : i32 to index
        %get3A_449 = tpu.vector_load %arg6[%get3A_448] {strides = array<i32>} : memref<33280xf32, #tpu.memory_space<vmem>>, vector<16xf32>,
        %get3A_450 = vector.shape_cast %get3A_449 : vector<16xf32> to vector<16xf32>
        %sub3A_451 = arith.subf %get3A_450, %scan3A_198#2 : vector<16xf32>
        %max3A_452 = arith.constant 0.000000e+00 : f32
        %max3A_453 = vector.broadcast %max3A_452 : f32 to vector<16xf32>
        %max3A_454 = arith.maximumf %sub3A_451, %max3A_453 : vector<16xf32>
        %add3A_455 = arith.constant 16 : i32
        %add3A_456 = arith.addi %mul3A_447, %add3A_455 : i32
        %get3A_457 = arith.index_cast %add3A_456 : i32 to index
        %get3A_458 = tpu.vector_load %arg6[%get3A_457] {strides = array<i32>} : memref<33280xf32, #tpu.memory_space<vmem>>, vector<16xf32>,
        %get3A_459 = vector.shape_cast %get3A_458 : vector<16xf32> to vector<16xf32>
        %sub3A_460 = arith.subf %get3A_459, %scan3A_198#2 : vector<16xf32>
        %max3A_461 = arith.constant 0.000000e+00 : f32
        %max3A_462 = vector.broadcast %max3A_461 : f32 to vector<16xf32>
        %max3A_463 = arith.maximumf %sub3A_460, %max3A_462 : vector<16xf32>
        %mul3A_464 = arith.mulf %max3A_454, %max3A_454 : vector<16xf32>
        %mul3A_465 = arith.constant 32 : i32
        %mul3A_466 = arith.muli %squeeze3A_445, %mul3A_465 : i32
        %swap3A_467 = arith.index_cast %mul3A_466 : i32 to index
        %swap3A_468 = tpu.vector_load %arg5[%swap3A_467] {strides = array<i32>} : memref<32800xf32, #tpu.memory_space<vmem>>, vector<16xf32>,
        %swap3A_469 = vector.shape_cast %swap3A_468 : vector<16xf32> to vector<16xf32>
        %swap3A_470 = vector.shape_cast %mul3A_464 : vector<16xf32> to vector<16xf32>
        tpu.vector_store %arg5[%swap3A_467], %swap3A_470 {strides = array<i32>} : memref<32800xf32, #tpu.memory_space<vmem>>, vector<16xf32>,
        %mul3A_471 = arith.mulf %max3A_463, %max3A_463 : vector<16xf32>
        %mul3A_472 = arith.constant 32 : i32
        %mul3A_473 = arith.muli %squeeze3A_445, %mul3A_472 : i32
        %add3A_474 = arith.constant 16 : i32
        %add3A_475 = arith.addi %mul3A_473, %add3A_474 : i32
        %swap3A_476 = arith.index_cast %add3A_475 : i32 to index
        %swap3A_477 = tpu.vector_load %arg5[%swap3A_476] {strides = array<i32>} : memref<32800xf32, #tpu.memory_space<vmem>>, vector<16xf32>,
        %swap3A_478 = vector.shape_cast %swap3A_477 : vector<16xf32> to vector<16xf32>
        %swap3A_479 = vector.shape_cast %mul3A_471 : vector<16xf32> to vector<16xf32>
        tpu.vector_store %arg5[%swap3A_476], %swap3A_479 {strides = array<i32>} : memref<32800xf32, #tpu.memory_space<vmem>>, vector<16xf32>,
        %mul3A_480 = arith.constant 16 : i32
        %mul3A_481 = arith.muli %while3A_275, %mul3A_480 : i32
        %add3A_482 = arith.constant 5 : i32
        %add3A_483 = arith.addi %mul3A_481, %add3A_482 : i32
        %slice3A_484 = vector.extract_strided_slice %get3A_279 {offsets = [5], sizes = [1], strides = [1]} : vector<16xi32> to vector<1xi32>
        %squeeze3A_485 = vector.extract %slice3A_484[0] : i32 from vector<1xi32>
        %mul3A_486 = arith.constant 32 : i32
        %mul3A_487 = arith.muli %add3A_483, %mul3A_486 : i32
        %get3A_488 = arith.index_cast %mul3A_487 : i32 to index
        %get3A_489 = tpu.vector_load %arg6[%get3A_488] {strides = array<i32>} : memref<33280xf32, #tpu.memory_space<vmem>>, vector<16xf32>,
        %get3A_490 = vector.shape_cast %get3A_489 : vector<16xf32> to vector<16xf32>
        %sub3A_491 = arith.subf %get3A_490, %scan3A_198#2 : vector<16xf32>
        %max3A_492 = arith.constant 0.000000e+00 : f32
        %max3A_493 = vector.broadcast %max3A_492 : f32 to vector<16xf32>
        %max3A_494 = arith.maximumf %sub3A_491, %max3A_493 : vector<16xf32>
        %add3A_495 = arith.constant 16 : i32
        %add3A_496 = arith.addi %mul3A_487, %add3A_495 : i32
        %get3A_497 = arith.index_cast %add3A_496 : i32 to index
        %get3A_498 = tpu.vector_load %arg6[%get3A_497] {strides = array<i32>} : memref<33280xf32, #tpu.memory_space<vmem>>, vector<16xf32>,
        %get3A_499 = vector.shape_cast %get3A_498 : vector<16xf32> to vector<16xf32>
        %sub3A_500 = arith.subf %get3A_499, %scan3A_198#2 : vector<16xf32>
        %max3A_501 = arith.constant 0.000000e+00 : f32
        %max3A_502 = vector.broadcast %max3A_501 : f32 to vector<16xf32>
        %max3A_503 = arith.maximumf %sub3A_500, %max3A_502 : vector<16xf32>
        %mul3A_504 = arith.mulf %max3A_494, %max3A_494 : vector<16xf32>
        %mul3A_505 = arith.constant 32 : i32
        %mul3A_506 = arith.muli %squeeze3A_485, %mul3A_505 : i32
        %swap3A_507 = arith.index_cast %mul3A_506 : i32 to index
        %swap3A_508 = tpu.vector_load %arg5[%swap3A_507] {strides = array<i32>} : memref<32800xf32, #tpu.memory_space<vmem>>, vector<16xf32>,
        %swap3A_509 = vector.shape_cast %swap3A_508 : vector<16xf32> to vector<16xf32>
        %swap3A_510 = vector.shape_cast %mul3A_504 : vector<16xf32> to vector<16xf32>
        tpu.vector_store %arg5[%swap3A_507], %swap3A_510 {strides = array<i32>} : memref<32800xf32, #tpu.memory_space<vmem>>, vector<16xf32>,
        %mul3A_511 = arith.mulf %max3A_503, %max3A_503 : vector<16xf32>
        %mul3A_512 = arith.constant 32 : i32
        %mul3A_513 = arith.muli %squeeze3A_485, %mul3A_512 : i32
        %add3A_514 = arith.constant 16 : i32
        %add3A_515 = arith.addi %mul3A_513, %add3A_514 : i32
        %swap3A_516 = arith.index_cast %add3A_515 : i32 to index
        %swap3A_517 = tpu.vector_load %arg5[%swap3A_516] {strides = array<i32>} : memref<32800xf32, #tpu.memory_space<vmem>>, vector<16xf32>,
        %swap3A_518 = vector.shape_cast %swap3A_517 : vector<16xf32> to vector<16xf32>
        %swap3A_519 = vector.shape_cast %mul3A_511 : vector<16xf32> to vector<16xf32>
        tpu.vector_store %arg5[%swap3A_516], %swap3A_519 {strides = array<i32>} : memref<32800xf32, #tpu.memory_space<vmem>>, vector<16xf32>,
        %mul3A_520 = arith.constant 16 : i32
        %mul3A_521 = arith.muli %while3A_275, %mul3A_520 : i32
        %add3A_522 = arith.constant 6 : i32
        %add3A_523 = arith.addi %mul3A_521, %add3A_522 : i32
        %slice3A_524 = vector.extract_strided_slice %get3A_279 {offsets = [6], sizes = [1], strides = [1]} : vector<16xi32> to vector<1xi32>
        %squeeze3A_525 = vector.extract %slice3A_524[0] : i32 from vector<1xi32>
        %mul3A_526 = arith.constant 32 : i32
        %mul3A_527 = arith.muli %add3A_523, %mul3A_526 : i32
        %get3A_528 = arith.index_cast %mul3A_527 : i32 to index
        %get3A_529 = tpu.vector_load %arg6[%get3A_528] {strides = array<i32>} : memref<33280xf32, #tpu.memory_space<vmem>>, vector<16xf32>,
        %get3A_530 = vector.shape_cast %get3A_529 : vector<16xf32> to vector<16xf32>
        %sub3A_531 = arith.subf %get3A_530, %scan3A_198#2 : vector<16xf32>
        %max3A_532 = arith.constant 0.000000e+00 : f32
        %max3A_533 = vector.broadcast %max3A_532 : f32 to vector<16xf32>
        %max3A_534 = arith.maximumf %sub3A_531, %max3A_533 : vector<16xf32>
        %add3A_535 = arith.constant 16 : i32
        %add3A_536 = arith.addi %mul3A_527, %add3A_535 : i32
        %get3A_537 = arith.index_cast %add3A_536 : i32 to index
        %get3A_538 = tpu.vector_load %arg6[%get3A_537] {strides = array<i32>} : memref<33280xf32, #tpu.memory_space<vmem>>, vector<16xf32>,
        %get3A_539 = vector.shape_cast %get3A_538 : vector<16xf32> to vector<16xf32>
        %sub3A_540 = arith.subf %get3A_539, %scan3A_198#2 : vector<16xf32>
        %max3A_541 = arith.constant 0.000000e+00 : f32
        %max3A_542 = vector.broadcast %max3A_541 : f32 to vector<16xf32>
        %max3A_543 = arith.maximumf %sub3A_540, %max3A_542 : vector<16xf32>
        %mul3A_544 = arith.mulf %max3A_534, %max3A_534 : vector<16xf32>
        %mul3A_545 = arith.constant 32 : i32
        %mul3A_546 = arith.muli %squeeze3A_525, %mul3A_545 : i32
        %swap3A_547 = arith.index_cast %mul3A_546 : i32 to index
        %swap3A_548 = tpu.vector_load %arg5[%swap3A_547] {strides = array<i32>} : memref<32800xf32, #tpu.memory_space<vmem>>, vector<16xf32>,
        %swap3A_549 = vector.shape_cast %swap3A_548 : vector<16xf32> to vector<16xf32>
        %swap3A_550 = vector.shape_cast %mul3A_544 : vector<16xf32> to vector<16xf32>
        tpu.vector_store %arg5[%swap3A_547], %swap3A_550 {strides = array<i32>} : memref<32800xf32, #tpu.memory_space<vmem>>, vector<16xf32>,
        %mul3A_551 = arith.mulf %max3A_543, %max3A_543 : vector<16xf32>
        %mul3A_552 = arith.constant 32 : i32
        %mul3A_553 = arith.muli %squeeze3A_525, %mul3A_552 : i32
        %add3A_554 = arith.constant 16 : i32
        %add3A_555 = arith.addi %mul3A_553, %add3A_554 : i32
        %swap3A_556 = arith.index_cast %add3A_555 : i32 to index
        %swap3A_557 = tpu.vector_load %arg5[%swap3A_556] {strides = array<i32>} : memref<32800xf32, #tpu.memory_space<vmem>>, vector<16xf32>,
        %swap3A_558 = vector.shape_cast %swap3A_557 : vector<16xf32> to vector<16xf32>
        %swap3A_559 = vector.shape_cast %mul3A_551 : vector<16xf32> to vector<16xf32>
        tpu.vector_store %arg5[%swap3A_556], %swap3A_559 {strides = array<i32>} : memref<32800xf32, #tpu.memory_space<vmem>>, vector<16xf32>,
        %mul3A_560 = arith.constant 16 : i32
        %mul3A_561 = arith.muli %while3A_275, %mul3A_560 : i32
        %add3A_562 = arith.constant 7 : i32
        %add3A_563 = arith.addi %mul3A_561, %add3A_562 : i32
        %slice3A_564 = vector.extract_strided_slice %get3A_279 {offsets = [7], sizes = [1], strides = [1]} : vector<16xi32> to vector<1xi32>
        %squeeze3A_565 = vector.extract %slice3A_564[0] : i32 from vector<1xi32>
        %mul3A_566 = arith.constant 32 : i32
        %mul3A_567 = arith.muli %add3A_563, %mul3A_566 : i32
        %get3A_568 = arith.index_cast %mul3A_567 : i32 to index
        %get3A_569 = tpu.vector_load %arg6[%get3A_568] {strides = array<i32>} : memref<33280xf32, #tpu.memory_space<vmem>>, vector<16xf32>,
        %get3A_570 = vector.shape_cast %get3A_569 : vector<16xf32> to vector<16xf32>
        %sub3A_571 = arith.subf %get3A_570, %scan3A_198#2 : vector<16xf32>
        %max3A_572 = arith.constant 0.000000e+00 : f32
        %max3A_573 = vector.broadcast %max3A_572 : f32 to vector<16xf32>
        %max3A_574 = arith.maximumf %sub3A_571, %max3A_573 : vector<16xf32>
        %add3A_575 = arith.constant 16 : i32
        %add3A_576 = arith.addi %mul3A_567, %add3A_575 : i32
        %get3A_577 = arith.index_cast %add3A_576 : i32 to index
        %get3A_578 = tpu.vector_load %arg6[%get3A_577] {strides = array<i32>} : memref<33280xf32, #tpu.memory_space<vmem>>, vector<16xf32>,
        %get3A_579 = vector.shape_cast %get3A_578 : vector<16xf32> to vector<16xf32>
        %sub3A_580 = arith.subf %get3A_579, %scan3A_198#2 : vector<16xf32>
        %max3A_581 = arith.constant 0.000000e+00 : f32
        %max3A_582 = vector.broadcast %max3A_581 : f32 to vector<16xf32>
        %max3A_583 = arith.maximumf %sub3A_580, %max3A_582 : vector<16xf32>
        %mul3A_584 = arith.mulf %max3A_574, %max3A_574 : vector<16xf32>
        %mul3A_585 = arith.constant 32 : i32
        %mul3A_586 = arith.muli %squeeze3A_565, %mul3A_585 : i32
        %swap3A_587 = arith.index_cast %mul3A_586 : i32 to index
        %swap3A_588 = tpu.vector_load %arg5[%swap3A_587] {strides = array<i32>} : memref<32800xf32, #tpu.memory_space<vmem>>, vector<16xf32>,
        %swap3A_589 = vector.shape_cast %swap3A_588 : vector<16xf32> to vector<16xf32>
        %swap3A_590 = vector.shape_cast %mul3A_584 : vector<16xf32> to vector<16xf32>
        tpu.vector_store %arg5[%swap3A_587], %swap3A_590 {strides = array<i32>} : memref<32800xf32, #tpu.memory_space<vmem>>, vector<16xf32>,
        %mul3A_591 = arith.mulf %max3A_583, %max3A_583 : vector<16xf32>
        %mul3A_592 = arith.constant 32 : i32
        %mul3A_593 = arith.muli %squeeze3A_565, %mul3A_592 : i32
        %add3A_594 = arith.constant 16 : i32
        %add3A_595 = arith.addi %mul3A_593, %add3A_594 : i32
        %swap3A_596 = arith.index_cast %add3A_595 : i32 to index
        %swap3A_597 = tpu.vector_load %arg5[%swap3A_596] {strides = array<i32>} : memref<32800xf32, #tpu.memory_space<vmem>>, vector<16xf32>,
        %swap3A_598 = vector.shape_cast %swap3A_597 : vector<16xf32> to vector<16xf32>
        %swap3A_599 = vector.shape_cast %mul3A_591 : vector<16xf32> to vector<16xf32>
        tpu.vector_store %arg5[%swap3A_596], %swap3A_599 {strides = array<i32>} : memref<32800xf32, #tpu.memory_space<vmem>>, vector<16xf32>,
        %mul3A_600 = arith.constant 16 : i32
        %mul3A_601 = arith.muli %while3A_275, %mul3A_600 : i32
        %add3A_602 = arith.constant 8 : i32
        %add3A_603 = arith.addi %mul3A_601, %add3A_602 : i32
        %slice3A_604 = vector.extract_strided_slice %get3A_279 {offsets = [8], sizes = [1], strides = [1]} : vector<16xi32> to vector<1xi32>
        %squeeze3A_605 = vector.extract %slice3A_604[0] : i32 from vector<1xi32>
        %mul3A_606 = arith.constant 32 : i32
        %mul3A_607 = arith.muli %add3A_603, %mul3A_606 : i32
        %get3A_608 = arith.index_cast %mul3A_607 : i32 to index
        %get3A_609 = tpu.vector_load %arg6[%get3A_608] {strides = array<i32>} : memref<33280xf32, #tpu.memory_space<vmem>>, vector<16xf32>,
        %get3A_610 = vector.shape_cast %get3A_609 : vector<16xf32> to vector<16xf32>
        %sub3A_611 = arith.subf %get3A_610, %scan3A_198#2 : vector<16xf32>
        %max3A_612 = arith.constant 0.000000e+00 : f32
        %max3A_613 = vector.broadcast %max3A_612 : f32 to vector<16xf32>
        %max3A_614 = arith.maximumf %sub3A_611, %max3A_613 : vector<16xf32>
        %add3A_615 = arith.constant 16 : i32
        %add3A_616 = arith.addi %mul3A_607, %add3A_615 : i32
        %get3A_617 = arith.index_cast %add3A_616 : i32 to index
        %get3A_618 = tpu.vector_load %arg6[%get3A_617] {strides = array<i32>} : memref<33280xf32, #tpu.memory_space<vmem>>, vector<16xf32>,
        %get3A_619 = vector.shape_cast %get3A_618 : vector<16xf32> to vector<16xf32>
        %sub3A_620 = arith.subf %get3A_619, %scan3A_198#2 : vector<16xf32>
        %max3A_621 = arith.constant 0.000000e+00 : f32
        %max3A_622 = vector.broadcast %max3A_621 : f32 to vector<16xf32>
        %max3A_623 = arith.maximumf %sub3A_620, %max3A_622 : vector<16xf32>
        %mul3A_624 = arith.mulf %max3A_614, %max3A_614 : vector<16xf32>
        %mul3A_625 = arith.constant 32 : i32
        %mul3A_626 = arith.muli %squeeze3A_605, %mul3A_625 : i32
        %swap3A_627 = arith.index_cast %mul3A_626 : i32 to index
        %swap3A_628 = tpu.vector_load %arg5[%swap3A_627] {strides = array<i32>} : memref<32800xf32, #tpu.memory_space<vmem>>, vector<16xf32>,
        %swap3A_629 = vector.shape_cast %swap3A_628 : vector<16xf32> to vector<16xf32>
        %swap3A_630 = vector.shape_cast %mul3A_624 : vector<16xf32> to vector<16xf32>
        tpu.vector_store %arg5[%swap3A_627], %swap3A_630 {strides = array<i32>} : memref<32800xf32, #tpu.memory_space<vmem>>, vector<16xf32>,
        %mul3A_631 = arith.mulf %max3A_623, %max3A_623 : vector<16xf32>
        %mul3A_632 = arith.constant 32 : i32
        %mul3A_633 = arith.muli %squeeze3A_605, %mul3A_632 : i32
        %add3A_634 = arith.constant 16 : i32
        %add3A_635 = arith.addi %mul3A_633, %add3A_634 : i32
        %swap3A_636 = arith.index_cast %add3A_635 : i32 to index
        %swap3A_637 = tpu.vector_load %arg5[%swap3A_636] {strides = array<i32>} : memref<32800xf32, #tpu.memory_space<vmem>>, vector<16xf32>,
        %swap3A_638 = vector.shape_cast %swap3A_637 : vector<16xf32> to vector<16xf32>
        %swap3A_639 = vector.shape_cast %mul3A_631 : vector<16xf32> to vector<16xf32>
        tpu.vector_store %arg5[%swap3A_636], %swap3A_639 {strides = array<i32>} : memref<32800xf32, #tpu.memory_space<vmem>>, vector<16xf32>,
        %mul3A_640 = arith.constant 16 : i32
        %mul3A_641 = arith.muli %while3A_275, %mul3A_640 : i32
        %add3A_642 = arith.constant 9 : i32
        %add3A_643 = arith.addi %mul3A_641, %add3A_642 : i32
        %slice3A_644 = vector.extract_strided_slice %get3A_279 {offsets = [9], sizes = [1], strides = [1]} : vector<16xi32> to vector<1xi32>
        %squeeze3A_645 = vector.extract %slice3A_644[0] : i32 from vector<1xi32>
        %mul3A_646 = arith.constant 32 : i32
        %mul3A_647 = arith.muli %add3A_643, %mul3A_646 : i32
        %get3A_648 = arith.index_cast %mul3A_647 : i32 to index
        %get3A_649 = tpu.vector_load %arg6[%get3A_648] {strides = array<i32>} : memref<33280xf32, #tpu.memory_space<vmem>>, vector<16xf32>,
        %get3A_650 = vector.shape_cast %get3A_649 : vector<16xf32> to vector<16xf32>
        %sub3A_651 = arith.subf %get3A_650, %scan3A_198#2 : vector<16xf32>
        %max3A_652 = arith.constant 0.000000e+00 : f32
        %max3A_653 = vector.broadcast %max3A_652 : f32 to vector<16xf32>
        %max3A_654 = arith.maximumf %sub3A_651, %max3A_653 : vector<16xf32>
        %add3A_655 = arith.constant 16 : i32
        %add3A_656 = arith.addi %mul3A_647, %add3A_655 : i32
        %get3A_657 = arith.index_cast %add3A_656 : i32 to index
        %get3A_658 = tpu.vector_load %arg6[%get3A_657] {strides = array<i32>} : memref<33280xf32, #tpu.memory_space<vmem>>, vector<16xf32>,
        %get3A_659 = vector.shape_cast %get3A_658 : vector<16xf32> to vector<16xf32>
        %sub3A_660 = arith.subf %get3A_659, %scan3A_198#2 : vector<16xf32>
        %max3A_661 = arith.constant 0.000000e+00 : f32
        %max3A_662 = vector.broadcast %max3A_661 : f32 to vector<16xf32>
        %max3A_663 = arith.maximumf %sub3A_660, %max3A_662 : vector<16xf32>
        %mul3A_664 = arith.mulf %max3A_654, %max3A_654 : vector<16xf32>
        %mul3A_665 = arith.constant 32 : i32
        %mul3A_666 = arith.muli %squeeze3A_645, %mul3A_665 : i32
        %swap3A_667 = arith.index_cast %mul3A_666 : i32 to index
        %swap3A_668 = tpu.vector_load %arg5[%swap3A_667] {strides = array<i32>} : memref<32800xf32, #tpu.memory_space<vmem>>, vector<16xf32>,
        %swap3A_669 = vector.shape_cast %swap3A_668 : vector<16xf32> to vector<16xf32>
        %swap3A_670 = vector.shape_cast %mul3A_664 : vector<16xf32> to vector<16xf32>
        tpu.vector_store %arg5[%swap3A_667], %swap3A_670 {strides = array<i32>} : memref<32800xf32, #tpu.memory_space<vmem>>, vector<16xf32>,
        %mul3A_671 = arith.mulf %max3A_663, %max3A_663 : vector<16xf32>
        %mul3A_672 = arith.constant 32 : i32
        %mul3A_673 = arith.muli %squeeze3A_645, %mul3A_672 : i32
        %add3A_674 = arith.constant 16 : i32
        %add3A_675 = arith.addi %mul3A_673, %add3A_674 : i32
        %swap3A_676 = arith.index_cast %add3A_675 : i32 to index
        %swap3A_677 = tpu.vector_load %arg5[%swap3A_676] {strides = array<i32>} : memref<32800xf32, #tpu.memory_space<vmem>>, vector<16xf32>,
        %swap3A_678 = vector.shape_cast %swap3A_677 : vector<16xf32> to vector<16xf32>
        %swap3A_679 = vector.shape_cast %mul3A_671 : vector<16xf32> to vector<16xf32>
        tpu.vector_store %arg5[%swap3A_676], %swap3A_679 {strides = array<i32>} : memref<32800xf32, #tpu.memory_space<vmem>>, vector<16xf32>,
        %mul3A_680 = arith.constant 16 : i32
        %mul3A_681 = arith.muli %while3A_275, %mul3A_680 : i32
        %add3A_682 = arith.constant 10 : i32
        %add3A_683 = arith.addi %mul3A_681, %add3A_682 : i32
        %slice3A_684 = vector.extract_strided_slice %get3A_279 {offsets = [10], sizes = [1], strides = [1]} : vector<16xi32> to vector<1xi32>
        %squeeze3A_685 = vector.extract %slice3A_684[0] : i32 from vector<1xi32>
        %mul3A_686 = arith.constant 32 : i32
        %mul3A_687 = arith.muli %add3A_683, %mul3A_686 : i32
        %get3A_688 = arith.index_cast %mul3A_687 : i32 to index
        %get3A_689 = tpu.vector_load %arg6[%get3A_688] {strides = array<i32>} : memref<33280xf32, #tpu.memory_space<vmem>>, vector<16xf32>,
        %get3A_690 = vector.shape_cast %get3A_689 : vector<16xf32> to vector<16xf32>
        %sub3A_691 = arith.subf %get3A_690, %scan3A_198#2 : vector<16xf32>
        %max3A_692 = arith.constant 0.000000e+00 : f32
        %max3A_693 = vector.broadcast %max3A_692 : f32 to vector<16xf32>
        %max3A_694 = arith.maximumf %sub3A_691, %max3A_693 : vector<16xf32>
        %add3A_695 = arith.constant 16 : i32
        %add3A_696 = arith.addi %mul3A_687, %add3A_695 : i32
        %get3A_697 = arith.index_cast %add3A_696 : i32 to index
        %get3A_698 = tpu.vector_load %arg6[%get3A_697] {strides = array<i32>} : memref<33280xf32, #tpu.memory_space<vmem>>, vector<16xf32>,
        %get3A_699 = vector.shape_cast %get3A_698 : vector<16xf32> to vector<16xf32>
        %sub3A_700 = arith.subf %get3A_699, %scan3A_198#2 : vector<16xf32>
        %max3A_701 = arith.constant 0.000000e+00 : f32
        %max3A_702 = vector.broadcast %max3A_701 : f32 to vector<16xf32>
        %max3A_703 = arith.maximumf %sub3A_700, %max3A_702 : vector<16xf32>
        %mul3A_704 = arith.mulf %max3A_694, %max3A_694 : vector<16xf32>
        %mul3A_705 = arith.constant 32 : i32
        %mul3A_706 = arith.muli %squeeze3A_685, %mul3A_705 : i32
        %swap3A_707 = arith.index_cast %mul3A_706 : i32 to index
        %swap3A_708 = tpu.vector_load %arg5[%swap3A_707] {strides = array<i32>} : memref<32800xf32, #tpu.memory_space<vmem>>, vector<16xf32>,
        %swap3A_709 = vector.shape_cast %swap3A_708 : vector<16xf32> to vector<16xf32>
        %swap3A_710 = vector.shape_cast %mul3A_704 : vector<16xf32> to vector<16xf32>
        tpu.vector_store %arg5[%swap3A_707], %swap3A_710 {strides = array<i32>} : memref<32800xf32, #tpu.memory_space<vmem>>, vector<16xf32>,
        %mul3A_711 = arith.mulf %max3A_703, %max3A_703 : vector<16xf32>
        %mul3A_712 = arith.constant 32 : i32
        %mul3A_713 = arith.muli %squeeze3A_685, %mul3A_712 : i32
        %add3A_714 = arith.constant 16 : i32
        %add3A_715 = arith.addi %mul3A_713, %add3A_714 : i32
        %swap3A_716 = arith.index_cast %add3A_715 : i32 to index
        %swap3A_717 = tpu.vector_load %arg5[%swap3A_716] {strides = array<i32>} : memref<32800xf32, #tpu.memory_space<vmem>>, vector<16xf32>,
        %swap3A_718 = vector.shape_cast %swap3A_717 : vector<16xf32> to vector<16xf32>
        %swap3A_719 = vector.shape_cast %mul3A_711 : vector<16xf32> to vector<16xf32>
        tpu.vector_store %arg5[%swap3A_716], %swap3A_719 {strides = array<i32>} : memref<32800xf32, #tpu.memory_space<vmem>>, vector<16xf32>,
        %mul3A_720 = arith.constant 16 : i32
        %mul3A_721 = arith.muli %while3A_275, %mul3A_720 : i32
        %add3A_722 = arith.constant 11 : i32
        %add3A_723 = arith.addi %mul3A_721, %add3A_722 : i32
        %slice3A_724 = vector.extract_strided_slice %get3A_279 {offsets = [11], sizes = [1], strides = [1]} : vector<16xi32> to vector<1xi32>
        %squeeze3A_725 = vector.extract %slice3A_724[0] : i32 from vector<1xi32>
        %mul3A_726 = arith.constant 32 : i32
        %mul3A_727 = arith.muli %add3A_723, %mul3A_726 : i32
        %get3A_728 = arith.index_cast %mul3A_727 : i32 to index
        %get3A_729 = tpu.vector_load %arg6[%get3A_728] {strides = array<i32>} : memref<33280xf32, #tpu.memory_space<vmem>>, vector<16xf32>,
        %get3A_730 = vector.shape_cast %get3A_729 : vector<16xf32> to vector<16xf32>
        %sub3A_731 = arith.subf %get3A_730, %scan3A_198#2 : vector<16xf32>
        %max3A_732 = arith.constant 0.000000e+00 : f32
        %max3A_733 = vector.broadcast %max3A_732 : f32 to vector<16xf32>
        %max3A_734 = arith.maximumf %sub3A_731, %max3A_733 : vector<16xf32>
        %add3A_735 = arith.constant 16 : i32
        %add3A_736 = arith.addi %mul3A_727, %add3A_735 : i32
        %get3A_737 = arith.index_cast %add3A_736 : i32 to index
        %get3A_738 = tpu.vector_load %arg6[%get3A_737] {strides = array<i32>} : memref<33280xf32, #tpu.memory_space<vmem>>, vector<16xf32>,
        %get3A_739 = vector.shape_cast %get3A_738 : vector<16xf32> to vector<16xf32>
        %sub3A_740 = arith.subf %get3A_739, %scan3A_198#2 : vector<16xf32>
        %max3A_741 = arith.constant 0.000000e+00 : f32
        %max3A_742 = vector.broadcast %max3A_741 : f32 to vector<16xf32>
        %max3A_743 = arith.maximumf %sub3A_740, %max3A_742 : vector<16xf32>
        %mul3A_744 = arith.mulf %max3A_734, %max3A_734 : vector<16xf32>
        %mul3A_745 = arith.constant 32 : i32
        %mul3A_746 = arith.muli %squeeze3A_725, %mul3A_745 : i32
        %swap3A_747 = arith.index_cast %mul3A_746 : i32 to index
        %swap3A_748 = tpu.vector_load %arg5[%swap3A_747] {strides = array<i32>} : memref<32800xf32, #tpu.memory_space<vmem>>, vector<16xf32>,
        %swap3A_749 = vector.shape_cast %swap3A_748 : vector<16xf32> to vector<16xf32>
        %swap3A_750 = vector.shape_cast %mul3A_744 : vector<16xf32> to vector<16xf32>
        tpu.vector_store %arg5[%swap3A_747], %swap3A_750 {strides = array<i32>} : memref<32800xf32, #tpu.memory_space<vmem>>, vector<16xf32>,
        %mul3A_751 = arith.mulf %max3A_743, %max3A_743 : vector<16xf32>
        %mul3A_752 = arith.constant 32 : i32
        %mul3A_753 = arith.muli %squeeze3A_725, %mul3A_752 : i32
        %add3A_754 = arith.constant 16 : i32
        %add3A_755 = arith.addi %mul3A_753, %add3A_754 : i32
        %swap3A_756 = arith.index_cast %add3A_755 : i32 to index
        %swap3A_757 = tpu.vector_load %arg5[%swap3A_756] {strides = array<i32>} : memref<32800xf32, #tpu.memory_space<vmem>>, vector<16xf32>,
        %swap3A_758 = vector.shape_cast %swap3A_757 : vector<16xf32> to vector<16xf32>
        %swap3A_759 = vector.shape_cast %mul3A_751 : vector<16xf32> to vector<16xf32>
        tpu.vector_store %arg5[%swap3A_756], %swap3A_759 {strides = array<i32>} : memref<32800xf32, #tpu.memory_space<vmem>>, vector<16xf32>,
        %mul3A_760 = arith.constant 16 : i32
        %mul3A_761 = arith.muli %while3A_275, %mul3A_760 : i32
        %add3A_762 = arith.constant 12 : i32
        %add3A_763 = arith.addi %mul3A_761, %add3A_762 : i32
        %slice3A_764 = vector.extract_strided_slice %get3A_279 {offsets = [12], sizes = [1], strides = [1]} : vector<16xi32> to vector<1xi32>
        %squeeze3A_765 = vector.extract %slice3A_764[0] : i32 from vector<1xi32>
        %mul3A_766 = arith.constant 32 : i32
        %mul3A_767 = arith.muli %add3A_763, %mul3A_766 : i32
        %get3A_768 = arith.index_cast %mul3A_767 : i32 to index
        %get3A_769 = tpu.vector_load %arg6[%get3A_768] {strides = array<i32>} : memref<33280xf32, #tpu.memory_space<vmem>>, vector<16xf32>,
        %get3A_770 = vector.shape_cast %get3A_769 : vector<16xf32> to vector<16xf32>
        %sub3A_771 = arith.subf %get3A_770, %scan3A_198#2 : vector<16xf32>
        %max3A_772 = arith.constant 0.000000e+00 : f32
        %max3A_773 = vector.broadcast %max3A_772 : f32 to vector<16xf32>
        %max3A_774 = arith.maximumf %sub3A_771, %max3A_773 : vector<16xf32>
        %add3A_775 = arith.constant 16 : i32
        %add3A_776 = arith.addi %mul3A_767, %add3A_775 : i32
        %get3A_777 = arith.index_cast %add3A_776 : i32 to index
        %get3A_778 = tpu.vector_load %arg6[%get3A_777] {strides = array<i32>} : memref<33280xf32, #tpu.memory_space<vmem>>, vector<16xf32>,
        %get3A_779 = vector.shape_cast %get3A_778 : vector<16xf32> to vector<16xf32>
        %sub3A_780 = arith.subf %get3A_779, %scan3A_198#2 : vector<16xf32>
        %max3A_781 = arith.constant 0.000000e+00 : f32
        %max3A_782 = vector.broadcast %max3A_781 : f32 to vector<16xf32>
        %max3A_783 = arith.maximumf %sub3A_780, %max3A_782 : vector<16xf32>
        %mul3A_784 = arith.mulf %max3A_774, %max3A_774 : vector<16xf32>
        %mul3A_785 = arith.constant 32 : i32
        %mul3A_786 = arith.muli %squeeze3A_765, %mul3A_785 : i32
        %swap3A_787 = arith.index_cast %mul3A_786 : i32 to index
        %swap3A_788 = tpu.vector_load %arg5[%swap3A_787] {strides = array<i32>} : memref<32800xf32, #tpu.memory_space<vmem>>, vector<16xf32>,
        %swap3A_789 = vector.shape_cast %swap3A_788 : vector<16xf32> to vector<16xf32>
        %swap3A_790 = vector.shape_cast %mul3A_784 : vector<16xf32> to vector<16xf32>
        tpu.vector_store %arg5[%swap3A_787], %swap3A_790 {strides = array<i32>} : memref<32800xf32, #tpu.memory_space<vmem>>, vector<16xf32>,
        %mul3A_791 = arith.mulf %max3A_783, %max3A_783 : vector<16xf32>
        %mul3A_792 = arith.constant 32 : i32
        %mul3A_793 = arith.muli %squeeze3A_765, %mul3A_792 : i32
        %add3A_794 = arith.constant 16 : i32
        %add3A_795 = arith.addi %mul3A_793, %add3A_794 : i32
        %swap3A_796 = arith.index_cast %add3A_795 : i32 to index
        %swap3A_797 = tpu.vector_load %arg5[%swap3A_796] {strides = array<i32>} : memref<32800xf32, #tpu.memory_space<vmem>>, vector<16xf32>,
        %swap3A_798 = vector.shape_cast %swap3A_797 : vector<16xf32> to vector<16xf32>
        %swap3A_799 = vector.shape_cast %mul3A_791 : vector<16xf32> to vector<16xf32>
        tpu.vector_store %arg5[%swap3A_796], %swap3A_799 {strides = array<i32>} : memref<32800xf32, #tpu.memory_space<vmem>>, vector<16xf32>,
        %mul3A_800 = arith.constant 16 : i32
        %mul3A_801 = arith.muli %while3A_275, %mul3A_800 : i32
        %add3A_802 = arith.constant 13 : i32
        %add3A_803 = arith.addi %mul3A_801, %add3A_802 : i32
        %slice3A_804 = vector.extract_strided_slice %get3A_279 {offsets = [13], sizes = [1], strides = [1]} : vector<16xi32> to vector<1xi32>
        %squeeze3A_805 = vector.extract %slice3A_804[0] : i32 from vector<1xi32>
        %mul3A_806 = arith.constant 32 : i32
        %mul3A_807 = arith.muli %add3A_803, %mul3A_806 : i32
        %get3A_808 = arith.index_cast %mul3A_807 : i32 to index
        %get3A_809 = tpu.vector_load %arg6[%get3A_808] {strides = array<i32>} : memref<33280xf32, #tpu.memory_space<vmem>>, vector<16xf32>,
        %get3A_810 = vector.shape_cast %get3A_809 : vector<16xf32> to vector<16xf32>
        %sub3A_811 = arith.subf %get3A_810, %scan3A_198#2 : vector<16xf32>
        %max3A_812 = arith.constant 0.000000e+00 : f32
        %max3A_813 = vector.broadcast %max3A_812 : f32 to vector<16xf32>
        %max3A_814 = arith.maximumf %sub3A_811, %max3A_813 : vector<16xf32>
        %add3A_815 = arith.constant 16 : i32
        %add3A_816 = arith.addi %mul3A_807, %add3A_815 : i32
        %get3A_817 = arith.index_cast %add3A_816 : i32 to index
        %get3A_818 = tpu.vector_load %arg6[%get3A_817] {strides = array<i32>} : memref<33280xf32, #tpu.memory_space<vmem>>, vector<16xf32>,
        %get3A_819 = vector.shape_cast %get3A_818 : vector<16xf32> to vector<16xf32>
        %sub3A_820 = arith.subf %get3A_819, %scan3A_198#2 : vector<16xf32>
        %max3A_821 = arith.constant 0.000000e+00 : f32
        %max3A_822 = vector.broadcast %max3A_821 : f32 to vector<16xf32>
        %max3A_823 = arith.maximumf %sub3A_820, %max3A_822 : vector<16xf32>
        %mul3A_824 = arith.mulf %max3A_814, %max3A_814 : vector<16xf32>
        %mul3A_825 = arith.constant 32 : i32
        %mul3A_826 = arith.muli %squeeze3A_805, %mul3A_825 : i32
        %swap3A_827 = arith.index_cast %mul3A_826 : i32 to index
        %swap3A_828 = tpu.vector_load %arg5[%swap3A_827] {strides = array<i32>} : memref<32800xf32, #tpu.memory_space<vmem>>, vector<16xf32>,
        %swap3A_829 = vector.shape_cast %swap3A_828 : vector<16xf32> to vector<16xf32>
        %swap3A_830 = vector.shape_cast %mul3A_824 : vector<16xf32> to vector<16xf32>
        tpu.vector_store %arg5[%swap3A_827], %swap3A_830 {strides = array<i32>} : memref<32800xf32, #tpu.memory_space<vmem>>, vector<16xf32>,
        %mul3A_831 = arith.mulf %max3A_823, %max3A_823 : vector<16xf32>
        %mul3A_832 = arith.constant 32 : i32
        %mul3A_833 = arith.muli %squeeze3A_805, %mul3A_832 : i32
        %add3A_834 = arith.constant 16 : i32
        %add3A_835 = arith.addi %mul3A_833, %add3A_834 : i32
        %swap3A_836 = arith.index_cast %add3A_835 : i32 to index
        %swap3A_837 = tpu.vector_load %arg5[%swap3A_836] {strides = array<i32>} : memref<32800xf32, #tpu.memory_space<vmem>>, vector<16xf32>,
        %swap3A_838 = vector.shape_cast %swap3A_837 : vector<16xf32> to vector<16xf32>
        %swap3A_839 = vector.shape_cast %mul3A_831 : vector<16xf32> to vector<16xf32>
        tpu.vector_store %arg5[%swap3A_836], %swap3A_839 {strides = array<i32>} : memref<32800xf32, #tpu.memory_space<vmem>>, vector<16xf32>,
        %mul3A_840 = arith.constant 16 : i32
        %mul3A_841 = arith.muli %while3A_275, %mul3A_840 : i32
        %add3A_842 = arith.constant 14 : i32
        %add3A_843 = arith.addi %mul3A_841, %add3A_842 : i32
        %slice3A_844 = vector.extract_strided_slice %get3A_279 {offsets = [14], sizes = [1], strides = [1]} : vector<16xi32> to vector<1xi32>
        %squeeze3A_845 = vector.extract %slice3A_844[0] : i32 from vector<1xi32>
        %mul3A_846 = arith.constant 32 : i32
        %mul3A_847 = arith.muli %add3A_843, %mul3A_846 : i32
        %get3A_848 = arith.index_cast %mul3A_847 : i32 to index
        %get3A_849 = tpu.vector_load %arg6[%get3A_848] {strides = array<i32>} : memref<33280xf32, #tpu.memory_space<vmem>>, vector<16xf32>,
        %get3A_850 = vector.shape_cast %get3A_849 : vector<16xf32> to vector<16xf32>
        %sub3A_851 = arith.subf %get3A_850, %scan3A_198#2 : vector<16xf32>
        %max3A_852 = arith.constant 0.000000e+00 : f32
        %max3A_853 = vector.broadcast %max3A_852 : f32 to vector<16xf32>
        %max3A_854 = arith.maximumf %sub3A_851, %max3A_853 : vector<16xf32>
        %add3A_855 = arith.constant 16 : i32
        %add3A_856 = arith.addi %mul3A_847, %add3A_855 : i32
        %get3A_857 = arith.index_cast %add3A_856 : i32 to index
        %get3A_858 = tpu.vector_load %arg6[%get3A_857] {strides = array<i32>} : memref<33280xf32, #tpu.memory_space<vmem>>, vector<16xf32>,
        %get3A_859 = vector.shape_cast %get3A_858 : vector<16xf32> to vector<16xf32>
        %sub3A_860 = arith.subf %get3A_859, %scan3A_198#2 : vector<16xf32>
        %max3A_861 = arith.constant 0.000000e+00 : f32
        %max3A_862 = vector.broadcast %max3A_861 : f32 to vector<16xf32>
        %max3A_863 = arith.maximumf %sub3A_860, %max3A_862 : vector<16xf32>
        %mul3A_864 = arith.mulf %max3A_854, %max3A_854 : vector<16xf32>
        %mul3A_865 = arith.constant 32 : i32
        %mul3A_866 = arith.muli %squeeze3A_845, %mul3A_865 : i32
        %swap3A_867 = arith.index_cast %mul3A_866 : i32 to index
        %swap3A_868 = tpu.vector_load %arg5[%swap3A_867] {strides = array<i32>} : memref<32800xf32, #tpu.memory_space<vmem>>, vector<16xf32>,
        %swap3A_869 = vector.shape_cast %swap3A_868 : vector<16xf32> to vector<16xf32>
        %swap3A_870 = vector.shape_cast %mul3A_864 : vector<16xf32> to vector<16xf32>
        tpu.vector_store %arg5[%swap3A_867], %swap3A_870 {strides = array<i32>} : memref<32800xf32, #tpu.memory_space<vmem>>, vector<16xf32>,
        %mul3A_871 = arith.mulf %max3A_863, %max3A_863 : vector<16xf32>
        %mul3A_872 = arith.constant 32 : i32
        %mul3A_873 = arith.muli %squeeze3A_845, %mul3A_872 : i32
        %add3A_874 = arith.constant 16 : i32
        %add3A_875 = arith.addi %mul3A_873, %add3A_874 : i32
        %swap3A_876 = arith.index_cast %add3A_875 : i32 to index
        %swap3A_877 = tpu.vector_load %arg5[%swap3A_876] {strides = array<i32>} : memref<32800xf32, #tpu.memory_space<vmem>>, vector<16xf32>,
        %swap3A_878 = vector.shape_cast %swap3A_877 : vector<16xf32> to vector<16xf32>
        %swap3A_879 = vector.shape_cast %mul3A_871 : vector<16xf32> to vector<16xf32>
        tpu.vector_store %arg5[%swap3A_876], %swap3A_879 {strides = array<i32>} : memref<32800xf32, #tpu.memory_space<vmem>>, vector<16xf32>,
        %mul3A_880 = arith.constant 16 : i32
        %mul3A_881 = arith.muli %while3A_275, %mul3A_880 : i32
        %add3A_882 = arith.constant 15 : i32
        %add3A_883 = arith.addi %mul3A_881, %add3A_882 : i32
        %slice3A_884 = vector.extract_strided_slice %get3A_279 {offsets = [15], sizes = [1], strides = [1]} : vector<16xi32> to vector<1xi32>
        %squeeze3A_885 = vector.extract %slice3A_884[0] : i32 from vector<1xi32>
        %mul3A_886 = arith.constant 32 : i32
        %mul3A_887 = arith.muli %add3A_883, %mul3A_886 : i32
        %get3A_888 = arith.index_cast %mul3A_887 : i32 to index
        %get3A_889 = tpu.vector_load %arg6[%get3A_888] {strides = array<i32>} : memref<33280xf32, #tpu.memory_space<vmem>>, vector<16xf32>,
        %get3A_890 = vector.shape_cast %get3A_889 : vector<16xf32> to vector<16xf32>
        %sub3A_891 = arith.subf %get3A_890, %scan3A_198#2 : vector<16xf32>
        %max3A_892 = arith.constant 0.000000e+00 : f32
        %max3A_893 = vector.broadcast %max3A_892 : f32 to vector<16xf32>
        %max3A_894 = arith.maximumf %sub3A_891, %max3A_893 : vector<16xf32>
        %add3A_895 = arith.constant 16 : i32
        %add3A_896 = arith.addi %mul3A_887, %add3A_895 : i32
        %get3A_897 = arith.index_cast %add3A_896 : i32 to index
        %get3A_898 = tpu.vector_load %arg6[%get3A_897] {strides = array<i32>} : memref<33280xf32, #tpu.memory_space<vmem>>, vector<16xf32>,
        %get3A_899 = vector.shape_cast %get3A_898 : vector<16xf32> to vector<16xf32>
        %sub3A_900 = arith.subf %get3A_899, %scan3A_198#2 : vector<16xf32>
        %max3A_901 = arith.constant 0.000000e+00 : f32
        %max3A_902 = vector.broadcast %max3A_901 : f32 to vector<16xf32>
        %max3A_903 = arith.maximumf %sub3A_900, %max3A_902 : vector<16xf32>
        %mul3A_904 = arith.mulf %max3A_894, %max3A_894 : vector<16xf32>
        %mul3A_905 = arith.constant 32 : i32
        %mul3A_906 = arith.muli %squeeze3A_885, %mul3A_905 : i32
        %swap3A_907 = arith.index_cast %mul3A_906 : i32 to index
        %swap3A_908 = tpu.vector_load %arg5[%swap3A_907] {strides = array<i32>} : memref<32800xf32, #tpu.memory_space<vmem>>, vector<16xf32>,
        %swap3A_909 = vector.shape_cast %swap3A_908 : vector<16xf32> to vector<16xf32>
        %swap3A_910 = vector.shape_cast %mul3A_904 : vector<16xf32> to vector<16xf32>
        tpu.vector_store %arg5[%swap3A_907], %swap3A_910 {strides = array<i32>} : memref<32800xf32, #tpu.memory_space<vmem>>, vector<16xf32>,
        %mul3A_911 = arith.mulf %max3A_903, %max3A_903 : vector<16xf32>
        %mul3A_912 = arith.constant 32 : i32
        %mul3A_913 = arith.muli %squeeze3A_885, %mul3A_912 : i32
        %add3A_914 = arith.constant 16 : i32
        %add3A_915 = arith.addi %mul3A_913, %add3A_914 : i32
        %swap3A_916 = arith.index_cast %add3A_915 : i32 to index
        %swap3A_917 = tpu.vector_load %arg5[%swap3A_916] {strides = array<i32>} : memref<32800xf32, #tpu.memory_space<vmem>>, vector<16xf32>,
        %swap3A_918 = vector.shape_cast %swap3A_917 : vector<16xf32> to vector<16xf32>
        %swap3A_919 = vector.shape_cast %mul3A_911 : vector<16xf32> to vector<16xf32>
        tpu.vector_store %arg5[%swap3A_916], %swap3A_919 {strides = array<i32>} : memref<32800xf32, #tpu.memory_space<vmem>>, vector<16xf32>,
      }
      "tpu.region"() ({
        %run_scoped3A = tpu.sem_alloc : memref<!tpu.dma_semaphore, #tpu.memory_space<semaphore_mem>>
        %dma_start3A = arith.constant 0 : i32
        %dma_start3A_275 = tpu.memref_slice %arg5[%dma_start3A] : memref<32800xf32, #tpu.memory_space<vmem>> -> memref<32768xf32, #tpu.memory_space<vmem>>
        %dma_start3A_276 = arith.constant 0 : i32
        %dma_start3A_277 = tpu.memref_slice %arg3[%add3A_15, %dma_start3A_276] : memref<128x32768xf32, #tpu.memory_space<hbm>> -> memref<1x32768xf32, #tpu.memory_space<hbm>>
        %dma_start3A_278 = tpu.memref_squeeze %dma_start3A_277 : memref<1x32768xf32, #tpu.memory_space<hbm>> -> memref<32768xf32, #tpu.memory_space<hbm>>
        %dma_start3A_279 = arith.constant 0 : i32
        %dma_start3A_280 = tpu.memref_slice %arg3[%add3A_15, %dma_start3A_279] : memref<128x32768xf32, #tpu.memory_space<hbm>> -> memref<1x32768xf32, #tpu.memory_space<hbm>>
        %dma_start3A_281 = tpu.memref_squeeze %dma_start3A_280 : memref<1x32768xf32, #tpu.memory_space<hbm>> -> memref<32768xf32, #tpu.memory_space<hbm>>
        %dma_start3A_282 = arith.constant 0 : i32
        %dma_start3A_283 = tpu.memref_slice %arg5[%dma_start3A_282] : memref<32800xf32, #tpu.memory_space<vmem>> -> memref<32768xf32, #tpu.memory_space<vmem>>
        tpu.enqueue_dma source(%dma_start3A_283 : memref<32768xf32, #tpu.memory_space<vmem>>) target(%dma_start3A_281 : memref<32768xf32, #tpu.memory_space<hbm>>) target_semaphore(%run_scoped3A : memref<!tpu.dma_semaphore, #tpu.memory_space<semaphore_mem>>)
        %dma_wait3A = arith.constant 0 : i32
        %dma_wait3A_284 = tpu.memref_slice %arg5[%dma_wait3A] : memref<32800xf32, #tpu.memory_space<vmem>> -> memref<32768xf32, #tpu.memory_space<vmem>>
        %dma_wait3A_285 = arith.constant 0 : i32
        %dma_wait3A_286 = tpu.memref_slice %arg3[%add3A_15, %dma_wait3A_285] : memref<128x32768xf32, #tpu.memory_space<hbm>> -> memref<1x32768xf32, #tpu.memory_space<hbm>>
        %dma_wait3A_287 = tpu.memref_squeeze %dma_wait3A_286 : memref<1x32768xf32, #tpu.memory_space<hbm>> -> memref<32768xf32, #tpu.memory_space<hbm>>
        %dma_wait3A_288 = arith.constant 0 : i32
        %dma_wait3A_289 = tpu.memref_slice %arg3[%add3A_15, %dma_wait3A_288] : memref<128x32768xf32, #tpu.memory_space<hbm>> -> memref<1x32768xf32, #tpu.memory_space<hbm>>
        %dma_wait3A_290 = tpu.memref_squeeze %dma_wait3A_289 : memref<1x32768xf32, #tpu.memory_space<hbm>> -> memref<32768xf32, #tpu.memory_space<hbm>>
        %dma_wait3A_291 = arith.constant 0 : i32
        %dma_wait3A_292 = tpu.memref_slice %arg5[%dma_wait3A_291] : memref<32800xf32, #tpu.memory_space<vmem>> -> memref<32768xf32, #tpu.memory_space<vmem>>
        tpu.wait_dma2 semaphore(%run_scoped3A : memref<!tpu.dma_semaphore, #tpu.memory_space<semaphore_mem>>) src(%dma_wait3A_292 : memref<32768xf32, #tpu.memory_space<vmem>>) dst(%dma_wait3A_290 : memref<32768xf32, #tpu.memory_space<hbm>>)
        tpu.yield
      }) : () -> ()
      %add3A_237 = arith.constant 16 : i32
      %add3A_238 = arith.addi %scan3A_84, %add3A_237 : i32
      %sub3A_239 = arith.constant 1 : i32
      %sub3A_240 = arith.subi %add3A_238, %sub3A_239 : i32
      %jit3A_241 = arith.constant 16 : i32
      %div3A_242 = arith.divsi %sub3A_240, %jit3A_241 : i32
      %sign3A_243 = arith.constant 0 : i32
      %sign3A_244 = arith.cmpi sgt, %sub3A_240, %sign3A_243 : i32
      %sign3A_245 = arith.extui %sign3A_244 : i1 to i32
      %sign3A_246 = arith.constant 0 : i32
      %sign3A_247 = arith.cmpi slt, %sub3A_240, %sign3A_246 : i32
      %sign3A_248 = arith.extui %sign3A_247 : i1 to i32
      %sign3A_249 = arith.subi %sign3A_245, %sign3A_248 : i32
      %sign3A_250 = arith.constant 0 : i32
      %sign3A_251 = arith.cmpi sgt, %jit3A_241, %sign3A_250 : i32
      %sign3A_252 = arith.extui %sign3A_251 : i1 to i32
      %sign3A_253 = arith.constant 0 : i32
      %sign3A_254 = arith.cmpi slt, %jit3A_241, %sign3A_253 : i32
      %sign3A_255 = arith.extui %sign3A_254 : i1 to i32
      %sign3A_256 = arith.subi %sign3A_252, %sign3A_255 : i32
      %ne3A_257 = arith.cmpi ne, %sign3A_249, %sign3A_256 : i32
      %rem3A_258 = arith.remsi %sub3A_240, %jit3A_241 : i32
      %ne3A_259 = arith.constant 0 : i32
      %ne3A_260 = arith.cmpi ne, %rem3A_258, %ne3A_259 : i32
      %and3A_261 = arith.andi %ne3A_257, %ne3A_260 : i1
      %sub3A_262 = arith.constant 1 : i32
      %sub3A_263 = arith.subi %div3A_242, %sub3A_262 : i32
      %select_n3A_264 = arith.select %and3A_261, %sub3A_263, %div3A_242 : i32
      %while3A_265 = arith.constant 0 : i32
      %while3A_266 = arith.constant 0 : i32
      %while3A_267 = arith.subi %select_n3A_264, %while3A_266 : i32
      %while3A_268 = arith.addi %while3A_266, %while3A_267 : i32
      %while3A_269 = arith.constant 1 : i32
      %while3A_270 = arith.divsi %while3A_267, %while3A_269 : i32
      %while3A_271 = arith.muli %while3A_270, %while3A_269 : i32
      %while3A_272 = arith.addi %while3A_266, %while3A_271 : i32
      %while3A_273 = arith.constant 1 : i32
      scf.for %while3A_275 = %while3A_266 to %while3A_272 step %while3A_273  : i32 {
        %mul3A_276 = arith.constant 16 : i32
        %mul3A_277 = arith.muli %while3A_275, %mul3A_276 : i32
        %get3A = arith.index_cast %mul3A_277 : i32 to index
        %get3A_278 = tpu.vector_load %arg7[%get3A] {strides = array<i32>} : memref<1040xi32, #tpu.memory_space<vmem>>, vector<16xi32>,
        %get3A_279 = vector.shape_cast %get3A_278 : vector<16xi32> to vector<16xi32>
        %slice3A_280 = vector.extract_strided_slice %get3A_279 {offsets = [0], sizes = [1], strides = [1]} : vector<16xi32> to vector<1xi32>
        %squeeze3A_281 = vector.extract %slice3A_280[0] : i32 from vector<1xi32>
        %broadcast_in_dim3A_282 = arith.constant 0.000000e+00 : f32
        %broadcast_in_dim3A_283 = vector.broadcast %broadcast_in_dim3A_282 : f32 to vector<16xf32>
        %mul3A_284 = arith.constant 32 : i32
        %mul3A_285 = arith.muli %squeeze3A_281, %mul3A_284 : i32
        %swap3A_286 = arith.index_cast %mul3A_285 : i32 to index
        %swap3A_287 = tpu.vector_load %arg5[%swap3A_286] {strides = array<i32>} : memref<32800xf32, #tpu.memory_space<vmem>>, vector<16xf32>,
        %swap3A_288 = vector.shape_cast %swap3A_287 : vector<16xf32> to vector<16xf32>
        %swap3A_289 = vector.shape_cast %broadcast_in_dim3A_283 : vector<16xf32> to vector<16xf32>
        tpu.vector_store %arg5[%swap3A_286], %swap3A_289 {strides = array<i32>} : memref<32800xf32, #tpu.memory_space<vmem>>, vector<16xf32>,
        %broadcast_in_dim3A_290 = arith.constant 0.000000e+00 : f32
        %broadcast_in_dim3A_291 = vector.broadcast %broadcast_in_dim3A_290 : f32 to vector<16xf32>
        %mul3A_292 = arith.constant 32 : i32
        %mul3A_293 = arith.muli %squeeze3A_281, %mul3A_292 : i32
        %add3A_294 = arith.constant 16 : i32
        %add3A_295 = arith.addi %mul3A_293, %add3A_294 : i32
        %swap3A_296 = arith.index_cast %add3A_295 : i32 to index
        %swap3A_297 = tpu.vector_load %arg5[%swap3A_296] {strides = array<i32>} : memref<32800xf32, #tpu.memory_space<vmem>>, vector<16xf32>,
        %swap3A_298 = vector.shape_cast %swap3A_297 : vector<16xf32> to vector<16xf32>
        %swap3A_299 = vector.shape_cast %broadcast_in_dim3A_291 : vector<16xf32> to vector<16xf32>
        tpu.vector_store %arg5[%swap3A_296], %swap3A_299 {strides = array<i32>} : memref<32800xf32, #tpu.memory_space<vmem>>, vector<16xf32>,
        %slice3A_300 = vector.extract_strided_slice %get3A_279 {offsets = [1], sizes = [1], strides = [1]} : vector<16xi32> to vector<1xi32>
        %squeeze3A_301 = vector.extract %slice3A_300[0] : i32 from vector<1xi32>
        %broadcast_in_dim3A_302 = arith.constant 0.000000e+00 : f32
        %broadcast_in_dim3A_303 = vector.broadcast %broadcast_in_dim3A_302 : f32 to vector<16xf32>
        %mul3A_304 = arith.constant 32 : i32
        %mul3A_305 = arith.muli %squeeze3A_301, %mul3A_304 : i32
        %swap3A_306 = arith.index_cast %mul3A_305 : i32 to index
        %swap3A_307 = tpu.vector_load %arg5[%swap3A_306] {strides = array<i32>} : memref<32800xf32, #tpu.memory_space<vmem>>, vector<16xf32>,
        %swap3A_308 = vector.shape_cast %swap3A_307 : vector<16xf32> to vector<16xf32>
        %swap3A_309 = vector.shape_cast %broadcast_in_dim3A_303 : vector<16xf32> to vector<16xf32>
        tpu.vector_store %arg5[%swap3A_306], %swap3A_309 {strides = array<i32>} : memref<32800xf32, #tpu.memory_space<vmem>>, vector<16xf32>,
        %broadcast_in_dim3A_310 = arith.constant 0.000000e+00 : f32
        %broadcast_in_dim3A_311 = vector.broadcast %broadcast_in_dim3A_310 : f32 to vector<16xf32>
        %mul3A_312 = arith.constant 32 : i32
        %mul3A_313 = arith.muli %squeeze3A_301, %mul3A_312 : i32
        %add3A_314 = arith.constant 16 : i32
        %add3A_315 = arith.addi %mul3A_313, %add3A_314 : i32
        %swap3A_316 = arith.index_cast %add3A_315 : i32 to index
        %swap3A_317 = tpu.vector_load %arg5[%swap3A_316] {strides = array<i32>} : memref<32800xf32, #tpu.memory_space<vmem>>, vector<16xf32>,
        %swap3A_318 = vector.shape_cast %swap3A_317 : vector<16xf32> to vector<16xf32>
        %swap3A_319 = vector.shape_cast %broadcast_in_dim3A_311 : vector<16xf32> to vector<16xf32>
        tpu.vector_store %arg5[%swap3A_316], %swap3A_319 {strides = array<i32>} : memref<32800xf32, #tpu.memory_space<vmem>>, vector<16xf32>,
        %slice3A_320 = vector.extract_strided_slice %get3A_279 {offsets = [2], sizes = [1], strides = [1]} : vector<16xi32> to vector<1xi32>
        %squeeze3A_321 = vector.extract %slice3A_320[0] : i32 from vector<1xi32>
        %broadcast_in_dim3A_322 = arith.constant 0.000000e+00 : f32
        %broadcast_in_dim3A_323 = vector.broadcast %broadcast_in_dim3A_322 : f32 to vector<16xf32>
        %mul3A_324 = arith.constant 32 : i32
        %mul3A_325 = arith.muli %squeeze3A_321, %mul3A_324 : i32
        %swap3A_326 = arith.index_cast %mul3A_325 : i32 to index
        %swap3A_327 = tpu.vector_load %arg5[%swap3A_326] {strides = array<i32>} : memref<32800xf32, #tpu.memory_space<vmem>>, vector<16xf32>,
        %swap3A_328 = vector.shape_cast %swap3A_327 : vector<16xf32> to vector<16xf32>
        %swap3A_329 = vector.shape_cast %broadcast_in_dim3A_323 : vector<16xf32> to vector<16xf32>
        tpu.vector_store %arg5[%swap3A_326], %swap3A_329 {strides = array<i32>} : memref<32800xf32, #tpu.memory_space<vmem>>, vector<16xf32>,
        %broadcast_in_dim3A_330 = arith.constant 0.000000e+00 : f32
        %broadcast_in_dim3A_331 = vector.broadcast %broadcast_in_dim3A_330 : f32 to vector<16xf32>
        %mul3A_332 = arith.constant 32 : i32
        %mul3A_333 = arith.muli %squeeze3A_321, %mul3A_332 : i32
        %add3A_334 = arith.constant 16 : i32
        %add3A_335 = arith.addi %mul3A_333, %add3A_334 : i32
        %swap3A_336 = arith.index_cast %add3A_335 : i32 to index
        %swap3A_337 = tpu.vector_load %arg5[%swap3A_336] {strides = array<i32>} : memref<32800xf32, #tpu.memory_space<vmem>>, vector<16xf32>,
        %swap3A_338 = vector.shape_cast %swap3A_337 : vector<16xf32> to vector<16xf32>
        %swap3A_339 = vector.shape_cast %broadcast_in_dim3A_331 : vector<16xf32> to vector<16xf32>
        tpu.vector_store %arg5[%swap3A_336], %swap3A_339 {strides = array<i32>} : memref<32800xf32, #tpu.memory_space<vmem>>, vector<16xf32>,
        %slice3A_340 = vector.extract_strided_slice %get3A_279 {offsets = [3], sizes = [1], strides = [1]} : vector<16xi32> to vector<1xi32>
        %squeeze3A_341 = vector.extract %slice3A_340[0] : i32 from vector<1xi32>
        %broadcast_in_dim3A_342 = arith.constant 0.000000e+00 : f32
        %broadcast_in_dim3A_343 = vector.broadcast %broadcast_in_dim3A_342 : f32 to vector<16xf32>
        %mul3A_344 = arith.constant 32 : i32
        %mul3A_345 = arith.muli %squeeze3A_341, %mul3A_344 : i32
        %swap3A_346 = arith.index_cast %mul3A_345 : i32 to index
        %swap3A_347 = tpu.vector_load %arg5[%swap3A_346] {strides = array<i32>} : memref<32800xf32, #tpu.memory_space<vmem>>, vector<16xf32>,
        %swap3A_348 = vector.shape_cast %swap3A_347 : vector<16xf32> to vector<16xf32>
        %swap3A_349 = vector.shape_cast %broadcast_in_dim3A_343 : vector<16xf32> to vector<16xf32>
        tpu.vector_store %arg5[%swap3A_346], %swap3A_349 {strides = array<i32>} : memref<32800xf32, #tpu.memory_space<vmem>>, vector<16xf32>,
        %broadcast_in_dim3A_350 = arith.constant 0.000000e+00 : f32
        %broadcast_in_dim3A_351 = vector.broadcast %broadcast_in_dim3A_350 : f32 to vector<16xf32>
        %mul3A_352 = arith.constant 32 : i32
        %mul3A_353 = arith.muli %squeeze3A_341, %mul3A_352 : i32
        %add3A_354 = arith.constant 16 : i32
        %add3A_355 = arith.addi %mul3A_353, %add3A_354 : i32
        %swap3A_356 = arith.index_cast %add3A_355 : i32 to index
        %swap3A_357 = tpu.vector_load %arg5[%swap3A_356] {strides = array<i32>} : memref<32800xf32, #tpu.memory_space<vmem>>, vector<16xf32>,
        %swap3A_358 = vector.shape_cast %swap3A_357 : vector<16xf32> to vector<16xf32>
        %swap3A_359 = vector.shape_cast %broadcast_in_dim3A_351 : vector<16xf32> to vector<16xf32>
        tpu.vector_store %arg5[%swap3A_356], %swap3A_359 {strides = array<i32>} : memref<32800xf32, #tpu.memory_space<vmem>>, vector<16xf32>,
        %slice3A_360 = vector.extract_strided_slice %get3A_279 {offsets = [4], sizes = [1], strides = [1]} : vector<16xi32> to vector<1xi32>
        %squeeze3A_361 = vector.extract %slice3A_360[0] : i32 from vector<1xi32>
        %broadcast_in_dim3A_362 = arith.constant 0.000000e+00 : f32
        %broadcast_in_dim3A_363 = vector.broadcast %broadcast_in_dim3A_362 : f32 to vector<16xf32>
        %mul3A_364 = arith.constant 32 : i32
        %mul3A_365 = arith.muli %squeeze3A_361, %mul3A_364 : i32
        %swap3A_366 = arith.index_cast %mul3A_365 : i32 to index
        %swap3A_367 = tpu.vector_load %arg5[%swap3A_366] {strides = array<i32>} : memref<32800xf32, #tpu.memory_space<vmem>>, vector<16xf32>,
        %swap3A_368 = vector.shape_cast %swap3A_367 : vector<16xf32> to vector<16xf32>
        %swap3A_369 = vector.shape_cast %broadcast_in_dim3A_363 : vector<16xf32> to vector<16xf32>
        tpu.vector_store %arg5[%swap3A_366], %swap3A_369 {strides = array<i32>} : memref<32800xf32, #tpu.memory_space<vmem>>, vector<16xf32>,
        %broadcast_in_dim3A_370 = arith.constant 0.000000e+00 : f32
        %broadcast_in_dim3A_371 = vector.broadcast %broadcast_in_dim3A_370 : f32 to vector<16xf32>
        %mul3A_372 = arith.constant 32 : i32
        %mul3A_373 = arith.muli %squeeze3A_361, %mul3A_372 : i32
        %add3A_374 = arith.constant 16 : i32
        %add3A_375 = arith.addi %mul3A_373, %add3A_374 : i32
        %swap3A_376 = arith.index_cast %add3A_375 : i32 to index
        %swap3A_377 = tpu.vector_load %arg5[%swap3A_376] {strides = array<i32>} : memref<32800xf32, #tpu.memory_space<vmem>>, vector<16xf32>,
        %swap3A_378 = vector.shape_cast %swap3A_377 : vector<16xf32> to vector<16xf32>
        %swap3A_379 = vector.shape_cast %broadcast_in_dim3A_371 : vector<16xf32> to vector<16xf32>
        tpu.vector_store %arg5[%swap3A_376], %swap3A_379 {strides = array<i32>} : memref<32800xf32, #tpu.memory_space<vmem>>, vector<16xf32>,
        %slice3A_380 = vector.extract_strided_slice %get3A_279 {offsets = [5], sizes = [1], strides = [1]} : vector<16xi32> to vector<1xi32>
        %squeeze3A_381 = vector.extract %slice3A_380[0] : i32 from vector<1xi32>
        %broadcast_in_dim3A_382 = arith.constant 0.000000e+00 : f32
        %broadcast_in_dim3A_383 = vector.broadcast %broadcast_in_dim3A_382 : f32 to vector<16xf32>
        %mul3A_384 = arith.constant 32 : i32
        %mul3A_385 = arith.muli %squeeze3A_381, %mul3A_384 : i32
        %swap3A_386 = arith.index_cast %mul3A_385 : i32 to index
        %swap3A_387 = tpu.vector_load %arg5[%swap3A_386] {strides = array<i32>} : memref<32800xf32, #tpu.memory_space<vmem>>, vector<16xf32>,
        %swap3A_388 = vector.shape_cast %swap3A_387 : vector<16xf32> to vector<16xf32>
        %swap3A_389 = vector.shape_cast %broadcast_in_dim3A_383 : vector<16xf32> to vector<16xf32>
        tpu.vector_store %arg5[%swap3A_386], %swap3A_389 {strides = array<i32>} : memref<32800xf32, #tpu.memory_space<vmem>>, vector<16xf32>,
        %broadcast_in_dim3A_390 = arith.constant 0.000000e+00 : f32
        %broadcast_in_dim3A_391 = vector.broadcast %broadcast_in_dim3A_390 : f32 to vector<16xf32>
        %mul3A_392 = arith.constant 32 : i32
        %mul3A_393 = arith.muli %squeeze3A_381, %mul3A_392 : i32
        %add3A_394 = arith.constant 16 : i32
        %add3A_395 = arith.addi %mul3A_393, %add3A_394 : i32
        %swap3A_396 = arith.index_cast %add3A_395 : i32 to index
        %swap3A_397 = tpu.vector_load %arg5[%swap3A_396] {strides = array<i32>} : memref<32800xf32, #tpu.memory_space<vmem>>, vector<16xf32>,
        %swap3A_398 = vector.shape_cast %swap3A_397 : vector<16xf32> to vector<16xf32>
        %swap3A_399 = vector.shape_cast %broadcast_in_dim3A_391 : vector<16xf32> to vector<16xf32>
        tpu.vector_store %arg5[%swap3A_396], %swap3A_399 {strides = array<i32>} : memref<32800xf32, #tpu.memory_space<vmem>>, vector<16xf32>,
        %slice3A_400 = vector.extract_strided_slice %get3A_279 {offsets = [6], sizes = [1], strides = [1]} : vector<16xi32> to vector<1xi32>
        %squeeze3A_401 = vector.extract %slice3A_400[0] : i32 from vector<1xi32>
        %broadcast_in_dim3A_402 = arith.constant 0.000000e+00 : f32
        %broadcast_in_dim3A_403 = vector.broadcast %broadcast_in_dim3A_402 : f32 to vector<16xf32>
        %mul3A_404 = arith.constant 32 : i32
        %mul3A_405 = arith.muli %squeeze3A_401, %mul3A_404 : i32
        %swap3A_406 = arith.index_cast %mul3A_405 : i32 to index
        %swap3A_407 = tpu.vector_load %arg5[%swap3A_406] {strides = array<i32>} : memref<32800xf32, #tpu.memory_space<vmem>>, vector<16xf32>,
        %swap3A_408 = vector.shape_cast %swap3A_407 : vector<16xf32> to vector<16xf32>
        %swap3A_409 = vector.shape_cast %broadcast_in_dim3A_403 : vector<16xf32> to vector<16xf32>
        tpu.vector_store %arg5[%swap3A_406], %swap3A_409 {strides = array<i32>} : memref<32800xf32, #tpu.memory_space<vmem>>, vector<16xf32>,
        %broadcast_in_dim3A_410 = arith.constant 0.000000e+00 : f32
        %broadcast_in_dim3A_411 = vector.broadcast %broadcast_in_dim3A_410 : f32 to vector<16xf32>
        %mul3A_412 = arith.constant 32 : i32
        %mul3A_413 = arith.muli %squeeze3A_401, %mul3A_412 : i32
        %add3A_414 = arith.constant 16 : i32
        %add3A_415 = arith.addi %mul3A_413, %add3A_414 : i32
        %swap3A_416 = arith.index_cast %add3A_415 : i32 to index
        %swap3A_417 = tpu.vector_load %arg5[%swap3A_416] {strides = array<i32>} : memref<32800xf32, #tpu.memory_space<vmem>>, vector<16xf32>,
        %swap3A_418 = vector.shape_cast %swap3A_417 : vector<16xf32> to vector<16xf32>
        %swap3A_419 = vector.shape_cast %broadcast_in_dim3A_411 : vector<16xf32> to vector<16xf32>
        tpu.vector_store %arg5[%swap3A_416], %swap3A_419 {strides = array<i32>} : memref<32800xf32, #tpu.memory_space<vmem>>, vector<16xf32>,
        %slice3A_420 = vector.extract_strided_slice %get3A_279 {offsets = [7], sizes = [1], strides = [1]} : vector<16xi32> to vector<1xi32>
        %squeeze3A_421 = vector.extract %slice3A_420[0] : i32 from vector<1xi32>
        %broadcast_in_dim3A_422 = arith.constant 0.000000e+00 : f32
        %broadcast_in_dim3A_423 = vector.broadcast %broadcast_in_dim3A_422 : f32 to vector<16xf32>
        %mul3A_424 = arith.constant 32 : i32
        %mul3A_425 = arith.muli %squeeze3A_421, %mul3A_424 : i32
        %swap3A_426 = arith.index_cast %mul3A_425 : i32 to index
        %swap3A_427 = tpu.vector_load %arg5[%swap3A_426] {strides = array<i32>} : memref<32800xf32, #tpu.memory_space<vmem>>, vector<16xf32>,
        %swap3A_428 = vector.shape_cast %swap3A_427 : vector<16xf32> to vector<16xf32>
        %swap3A_429 = vector.shape_cast %broadcast_in_dim3A_423 : vector<16xf32> to vector<16xf32>
        tpu.vector_store %arg5[%swap3A_426], %swap3A_429 {strides = array<i32>} : memref<32800xf32, #tpu.memory_space<vmem>>, vector<16xf32>,
        %broadcast_in_dim3A_430 = arith.constant 0.000000e+00 : f32
        %broadcast_in_dim3A_431 = vector.broadcast %broadcast_in_dim3A_430 : f32 to vector<16xf32>
        %mul3A_432 = arith.constant 32 : i32
        %mul3A_433 = arith.muli %squeeze3A_421, %mul3A_432 : i32
        %add3A_434 = arith.constant 16 : i32
        %add3A_435 = arith.addi %mul3A_433, %add3A_434 : i32
        %swap3A_436 = arith.index_cast %add3A_435 : i32 to index
        %swap3A_437 = tpu.vector_load %arg5[%swap3A_436] {strides = array<i32>} : memref<32800xf32, #tpu.memory_space<vmem>>, vector<16xf32>,
        %swap3A_438 = vector.shape_cast %swap3A_437 : vector<16xf32> to vector<16xf32>
        %swap3A_439 = vector.shape_cast %broadcast_in_dim3A_431 : vector<16xf32> to vector<16xf32>
        tpu.vector_store %arg5[%swap3A_436], %swap3A_439 {strides = array<i32>} : memref<32800xf32, #tpu.memory_space<vmem>>, vector<16xf32>,
        %slice3A_440 = vector.extract_strided_slice %get3A_279 {offsets = [8], sizes = [1], strides = [1]} : vector<16xi32> to vector<1xi32>
        %squeeze3A_441 = vector.extract %slice3A_440[0] : i32 from vector<1xi32>
        %broadcast_in_dim3A_442 = arith.constant 0.000000e+00 : f32
        %broadcast_in_dim3A_443 = vector.broadcast %broadcast_in_dim3A_442 : f32 to vector<16xf32>
        %mul3A_444 = arith.constant 32 : i32
        %mul3A_445 = arith.muli %squeeze3A_441, %mul3A_444 : i32
        %swap3A_446 = arith.index_cast %mul3A_445 : i32 to index
        %swap3A_447 = tpu.vector_load %arg5[%swap3A_446] {strides = array<i32>} : memref<32800xf32, #tpu.memory_space<vmem>>, vector<16xf32>,
        %swap3A_448 = vector.shape_cast %swap3A_447 : vector<16xf32> to vector<16xf32>
        %swap3A_449 = vector.shape_cast %broadcast_in_dim3A_443 : vector<16xf32> to vector<16xf32>
        tpu.vector_store %arg5[%swap3A_446], %swap3A_449 {strides = array<i32>} : memref<32800xf32, #tpu.memory_space<vmem>>, vector<16xf32>,
        %broadcast_in_dim3A_450 = arith.constant 0.000000e+00 : f32
        %broadcast_in_dim3A_451 = vector.broadcast %broadcast_in_dim3A_450 : f32 to vector<16xf32>
        %mul3A_452 = arith.constant 32 : i32
        %mul3A_453 = arith.muli %squeeze3A_441, %mul3A_452 : i32
        %add3A_454 = arith.constant 16 : i32
        %add3A_455 = arith.addi %mul3A_453, %add3A_454 : i32
        %swap3A_456 = arith.index_cast %add3A_455 : i32 to index
        %swap3A_457 = tpu.vector_load %arg5[%swap3A_456] {strides = array<i32>} : memref<32800xf32, #tpu.memory_space<vmem>>, vector<16xf32>,
        %swap3A_458 = vector.shape_cast %swap3A_457 : vector<16xf32> to vector<16xf32>
        %swap3A_459 = vector.shape_cast %broadcast_in_dim3A_451 : vector<16xf32> to vector<16xf32>
        tpu.vector_store %arg5[%swap3A_456], %swap3A_459 {strides = array<i32>} : memref<32800xf32, #tpu.memory_space<vmem>>, vector<16xf32>,
        %slice3A_460 = vector.extract_strided_slice %get3A_279 {offsets = [9], sizes = [1], strides = [1]} : vector<16xi32> to vector<1xi32>
        %squeeze3A_461 = vector.extract %slice3A_460[0] : i32 from vector<1xi32>
        %broadcast_in_dim3A_462 = arith.constant 0.000000e+00 : f32
        %broadcast_in_dim3A_463 = vector.broadcast %broadcast_in_dim3A_462 : f32 to vector<16xf32>
        %mul3A_464 = arith.constant 32 : i32
        %mul3A_465 = arith.muli %squeeze3A_461, %mul3A_464 : i32
        %swap3A_466 = arith.index_cast %mul3A_465 : i32 to index
        %swap3A_467 = tpu.vector_load %arg5[%swap3A_466] {strides = array<i32>} : memref<32800xf32, #tpu.memory_space<vmem>>, vector<16xf32>,
        %swap3A_468 = vector.shape_cast %swap3A_467 : vector<16xf32> to vector<16xf32>
        %swap3A_469 = vector.shape_cast %broadcast_in_dim3A_463 : vector<16xf32> to vector<16xf32>
        tpu.vector_store %arg5[%swap3A_466], %swap3A_469 {strides = array<i32>} : memref<32800xf32, #tpu.memory_space<vmem>>, vector<16xf32>,
        %broadcast_in_dim3A_470 = arith.constant 0.000000e+00 : f32
        %broadcast_in_dim3A_471 = vector.broadcast %broadcast_in_dim3A_470 : f32 to vector<16xf32>
        %mul3A_472 = arith.constant 32 : i32
        %mul3A_473 = arith.muli %squeeze3A_461, %mul3A_472 : i32
        %add3A_474 = arith.constant 16 : i32
        %add3A_475 = arith.addi %mul3A_473, %add3A_474 : i32
        %swap3A_476 = arith.index_cast %add3A_475 : i32 to index
        %swap3A_477 = tpu.vector_load %arg5[%swap3A_476] {strides = array<i32>} : memref<32800xf32, #tpu.memory_space<vmem>>, vector<16xf32>,
        %swap3A_478 = vector.shape_cast %swap3A_477 : vector<16xf32> to vector<16xf32>
        %swap3A_479 = vector.shape_cast %broadcast_in_dim3A_471 : vector<16xf32> to vector<16xf32>
        tpu.vector_store %arg5[%swap3A_476], %swap3A_479 {strides = array<i32>} : memref<32800xf32, #tpu.memory_space<vmem>>, vector<16xf32>,
        %slice3A_480 = vector.extract_strided_slice %get3A_279 {offsets = [10], sizes = [1], strides = [1]} : vector<16xi32> to vector<1xi32>
        %squeeze3A_481 = vector.extract %slice3A_480[0] : i32 from vector<1xi32>
        %broadcast_in_dim3A_482 = arith.constant 0.000000e+00 : f32
        %broadcast_in_dim3A_483 = vector.broadcast %broadcast_in_dim3A_482 : f32 to vector<16xf32>
        %mul3A_484 = arith.constant 32 : i32
        %mul3A_485 = arith.muli %squeeze3A_481, %mul3A_484 : i32
        %swap3A_486 = arith.index_cast %mul3A_485 : i32 to index
        %swap3A_487 = tpu.vector_load %arg5[%swap3A_486] {strides = array<i32>} : memref<32800xf32, #tpu.memory_space<vmem>>, vector<16xf32>,
        %swap3A_488 = vector.shape_cast %swap3A_487 : vector<16xf32> to vector<16xf32>
        %swap3A_489 = vector.shape_cast %broadcast_in_dim3A_483 : vector<16xf32> to vector<16xf32>
        tpu.vector_store %arg5[%swap3A_486], %swap3A_489 {strides = array<i32>} : memref<32800xf32, #tpu.memory_space<vmem>>, vector<16xf32>,
        %broadcast_in_dim3A_490 = arith.constant 0.000000e+00 : f32
        %broadcast_in_dim3A_491 = vector.broadcast %broadcast_in_dim3A_490 : f32 to vector<16xf32>
        %mul3A_492 = arith.constant 32 : i32
        %mul3A_493 = arith.muli %squeeze3A_481, %mul3A_492 : i32
        %add3A_494 = arith.constant 16 : i32
        %add3A_495 = arith.addi %mul3A_493, %add3A_494 : i32
        %swap3A_496 = arith.index_cast %add3A_495 : i32 to index
        %swap3A_497 = tpu.vector_load %arg5[%swap3A_496] {strides = array<i32>} : memref<32800xf32, #tpu.memory_space<vmem>>, vector<16xf32>,
        %swap3A_498 = vector.shape_cast %swap3A_497 : vector<16xf32> to vector<16xf32>
        %swap3A_499 = vector.shape_cast %broadcast_in_dim3A_491 : vector<16xf32> to vector<16xf32>
        tpu.vector_store %arg5[%swap3A_496], %swap3A_499 {strides = array<i32>} : memref<32800xf32, #tpu.memory_space<vmem>>, vector<16xf32>,
        %slice3A_500 = vector.extract_strided_slice %get3A_279 {offsets = [11], sizes = [1], strides = [1]} : vector<16xi32> to vector<1xi32>
        %squeeze3A_501 = vector.extract %slice3A_500[0] : i32 from vector<1xi32>
        %broadcast_in_dim3A_502 = arith.constant 0.000000e+00 : f32
        %broadcast_in_dim3A_503 = vector.broadcast %broadcast_in_dim3A_502 : f32 to vector<16xf32>
        %mul3A_504 = arith.constant 32 : i32
        %mul3A_505 = arith.muli %squeeze3A_501, %mul3A_504 : i32
        %swap3A_506 = arith.index_cast %mul3A_505 : i32 to index
        %swap3A_507 = tpu.vector_load %arg5[%swap3A_506] {strides = array<i32>} : memref<32800xf32, #tpu.memory_space<vmem>>, vector<16xf32>,
        %swap3A_508 = vector.shape_cast %swap3A_507 : vector<16xf32> to vector<16xf32>
        %swap3A_509 = vector.shape_cast %broadcast_in_dim3A_503 : vector<16xf32> to vector<16xf32>
        tpu.vector_store %arg5[%swap3A_506], %swap3A_509 {strides = array<i32>} : memref<32800xf32, #tpu.memory_space<vmem>>, vector<16xf32>,
        %broadcast_in_dim3A_510 = arith.constant 0.000000e+00 : f32
        %broadcast_in_dim3A_511 = vector.broadcast %broadcast_in_dim3A_510 : f32 to vector<16xf32>
        %mul3A_512 = arith.constant 32 : i32
        %mul3A_513 = arith.muli %squeeze3A_501, %mul3A_512 : i32
        %add3A_514 = arith.constant 16 : i32
        %add3A_515 = arith.addi %mul3A_513, %add3A_514 : i32
        %swap3A_516 = arith.index_cast %add3A_515 : i32 to index
        %swap3A_517 = tpu.vector_load %arg5[%swap3A_516] {strides = array<i32>} : memref<32800xf32, #tpu.memory_space<vmem>>, vector<16xf32>,
        %swap3A_518 = vector.shape_cast %swap3A_517 : vector<16xf32> to vector<16xf32>
        %swap3A_519 = vector.shape_cast %broadcast_in_dim3A_511 : vector<16xf32> to vector<16xf32>
        tpu.vector_store %arg5[%swap3A_516], %swap3A_519 {strides = array<i32>} : memref<32800xf32, #tpu.memory_space<vmem>>, vector<16xf32>,
        %slice3A_520 = vector.extract_strided_slice %get3A_279 {offsets = [12], sizes = [1], strides = [1]} : vector<16xi32> to vector<1xi32>
        %squeeze3A_521 = vector.extract %slice3A_520[0] : i32 from vector<1xi32>
        %broadcast_in_dim3A_522 = arith.constant 0.000000e+00 : f32
        %broadcast_in_dim3A_523 = vector.broadcast %broadcast_in_dim3A_522 : f32 to vector<16xf32>
        %mul3A_524 = arith.constant 32 : i32
        %mul3A_525 = arith.muli %squeeze3A_521, %mul3A_524 : i32
        %swap3A_526 = arith.index_cast %mul3A_525 : i32 to index
        %swap3A_527 = tpu.vector_load %arg5[%swap3A_526] {strides = array<i32>} : memref<32800xf32, #tpu.memory_space<vmem>>, vector<16xf32>,
        %swap3A_528 = vector.shape_cast %swap3A_527 : vector<16xf32> to vector<16xf32>
        %swap3A_529 = vector.shape_cast %broadcast_in_dim3A_523 : vector<16xf32> to vector<16xf32>
        tpu.vector_store %arg5[%swap3A_526], %swap3A_529 {strides = array<i32>} : memref<32800xf32, #tpu.memory_space<vmem>>, vector<16xf32>,
        %broadcast_in_dim3A_530 = arith.constant 0.000000e+00 : f32
        %broadcast_in_dim3A_531 = vector.broadcast %broadcast_in_dim3A_530 : f32 to vector<16xf32>
        %mul3A_532 = arith.constant 32 : i32
        %mul3A_533 = arith.muli %squeeze3A_521, %mul3A_532 : i32
        %add3A_534 = arith.constant 16 : i32
        %add3A_535 = arith.addi %mul3A_533, %add3A_534 : i32
        %swap3A_536 = arith.index_cast %add3A_535 : i32 to index
        %swap3A_537 = tpu.vector_load %arg5[%swap3A_536] {strides = array<i32>} : memref<32800xf32, #tpu.memory_space<vmem>>, vector<16xf32>,
        %swap3A_538 = vector.shape_cast %swap3A_537 : vector<16xf32> to vector<16xf32>
        %swap3A_539 = vector.shape_cast %broadcast_in_dim3A_531 : vector<16xf32> to vector<16xf32>
        tpu.vector_store %arg5[%swap3A_536], %swap3A_539 {strides = array<i32>} : memref<32800xf32, #tpu.memory_space<vmem>>, vector<16xf32>,
        %slice3A_540 = vector.extract_strided_slice %get3A_279 {offsets = [13], sizes = [1], strides = [1]} : vector<16xi32> to vector<1xi32>
        %squeeze3A_541 = vector.extract %slice3A_540[0] : i32 from vector<1xi32>
        %broadcast_in_dim3A_542 = arith.constant 0.000000e+00 : f32
        %broadcast_in_dim3A_543 = vector.broadcast %broadcast_in_dim3A_542 : f32 to vector<16xf32>
        %mul3A_544 = arith.constant 32 : i32
        %mul3A_545 = arith.muli %squeeze3A_541, %mul3A_544 : i32
        %swap3A_546 = arith.index_cast %mul3A_545 : i32 to index
        %swap3A_547 = tpu.vector_load %arg5[%swap3A_546] {strides = array<i32>} : memref<32800xf32, #tpu.memory_space<vmem>>, vector<16xf32>,
        %swap3A_548 = vector.shape_cast %swap3A_547 : vector<16xf32> to vector<16xf32>
        %swap3A_549 = vector.shape_cast %broadcast_in_dim3A_543 : vector<16xf32> to vector<16xf32>
        tpu.vector_store %arg5[%swap3A_546], %swap3A_549 {strides = array<i32>} : memref<32800xf32, #tpu.memory_space<vmem>>, vector<16xf32>,
        %broadcast_in_dim3A_550 = arith.constant 0.000000e+00 : f32
        %broadcast_in_dim3A_551 = vector.broadcast %broadcast_in_dim3A_550 : f32 to vector<16xf32>
        %mul3A_552 = arith.constant 32 : i32
        %mul3A_553 = arith.muli %squeeze3A_541, %mul3A_552 : i32
        %add3A_554 = arith.constant 16 : i32
        %add3A_555 = arith.addi %mul3A_553, %add3A_554 : i32
        %swap3A_556 = arith.index_cast %add3A_555 : i32 to index
        %swap3A_557 = tpu.vector_load %arg5[%swap3A_556] {strides = array<i32>} : memref<32800xf32, #tpu.memory_space<vmem>>, vector<16xf32>,
        %swap3A_558 = vector.shape_cast %swap3A_557 : vector<16xf32> to vector<16xf32>
        %swap3A_559 = vector.shape_cast %broadcast_in_dim3A_551 : vector<16xf32> to vector<16xf32>
        tpu.vector_store %arg5[%swap3A_556], %swap3A_559 {strides = array<i32>} : memref<32800xf32, #tpu.memory_space<vmem>>, vector<16xf32>,
        %slice3A_560 = vector.extract_strided_slice %get3A_279 {offsets = [14], sizes = [1], strides = [1]} : vector<16xi32> to vector<1xi32>
        %squeeze3A_561 = vector.extract %slice3A_560[0] : i32 from vector<1xi32>
        %broadcast_in_dim3A_562 = arith.constant 0.000000e+00 : f32
        %broadcast_in_dim3A_563 = vector.broadcast %broadcast_in_dim3A_562 : f32 to vector<16xf32>
        %mul3A_564 = arith.constant 32 : i32
        %mul3A_565 = arith.muli %squeeze3A_561, %mul3A_564 : i32
        %swap3A_566 = arith.index_cast %mul3A_565 : i32 to index
        %swap3A_567 = tpu.vector_load %arg5[%swap3A_566] {strides = array<i32>} : memref<32800xf32, #tpu.memory_space<vmem>>, vector<16xf32>,
        %swap3A_568 = vector.shape_cast %swap3A_567 : vector<16xf32> to vector<16xf32>
        %swap3A_569 = vector.shape_cast %broadcast_in_dim3A_563 : vector<16xf32> to vector<16xf32>
        tpu.vector_store %arg5[%swap3A_566], %swap3A_569 {strides = array<i32>} : memref<32800xf32, #tpu.memory_space<vmem>>, vector<16xf32>,
        %broadcast_in_dim3A_570 = arith.constant 0.000000e+00 : f32
        %broadcast_in_dim3A_571 = vector.broadcast %broadcast_in_dim3A_570 : f32 to vector<16xf32>
        %mul3A_572 = arith.constant 32 : i32
        %mul3A_573 = arith.muli %squeeze3A_561, %mul3A_572 : i32
        %add3A_574 = arith.constant 16 : i32
        %add3A_575 = arith.addi %mul3A_573, %add3A_574 : i32
        %swap3A_576 = arith.index_cast %add3A_575 : i32 to index
        %swap3A_577 = tpu.vector_load %arg5[%swap3A_576] {strides = array<i32>} : memref<32800xf32, #tpu.memory_space<vmem>>, vector<16xf32>,
        %swap3A_578 = vector.shape_cast %swap3A_577 : vector<16xf32> to vector<16xf32>
        %swap3A_579 = vector.shape_cast %broadcast_in_dim3A_571 : vector<16xf32> to vector<16xf32>
        tpu.vector_store %arg5[%swap3A_576], %swap3A_579 {strides = array<i32>} : memref<32800xf32, #tpu.memory_space<vmem>>, vector<16xf32>,
        %slice3A_580 = vector.extract_strided_slice %get3A_279 {offsets = [15], sizes = [1], strides = [1]} : vector<16xi32> to vector<1xi32>
        %squeeze3A_581 = vector.extract %slice3A_580[0] : i32 from vector<1xi32>
        %broadcast_in_dim3A_582 = arith.constant 0.000000e+00 : f32
        %broadcast_in_dim3A_583 = vector.broadcast %broadcast_in_dim3A_582 : f32 to vector<16xf32>
        %mul3A_584 = arith.constant 32 : i32
        %mul3A_585 = arith.muli %squeeze3A_581, %mul3A_584 : i32
        %swap3A_586 = arith.index_cast %mul3A_585 : i32 to index
        %swap3A_587 = tpu.vector_load %arg5[%swap3A_586] {strides = array<i32>} : memref<32800xf32, #tpu.memory_space<vmem>>, vector<16xf32>,
        %swap3A_588 = vector.shape_cast %swap3A_587 : vector<16xf32> to vector<16xf32>
        %swap3A_589 = vector.shape_cast %broadcast_in_dim3A_583 : vector<16xf32> to vector<16xf32>
        tpu.vector_store %arg5[%swap3A_586], %swap3A_589 {strides = array<i32>} : memref<32800xf32, #tpu.memory_space<vmem>>, vector<16xf32>,
        %broadcast_in_dim3A_590 = arith.constant 0.000000e+00 : f32
        %broadcast_in_dim3A_591 = vector.broadcast %broadcast_in_dim3A_590 : f32 to vector<16xf32>
        %mul3A_592 = arith.constant 32 : i32
        %mul3A_593 = arith.muli %squeeze3A_581, %mul3A_592 : i32
        %add3A_594 = arith.constant 16 : i32
        %add3A_595 = arith.addi %mul3A_593, %add3A_594 : i32
        %swap3A_596 = arith.index_cast %add3A_595 : i32 to index
        %swap3A_597 = tpu.vector_load %arg5[%swap3A_596] {strides = array<i32>} : memref<32800xf32, #tpu.memory_space<vmem>>, vector<16xf32>,
        %swap3A_598 = vector.shape_cast %swap3A_597 : vector<16xf32> to vector<16xf32>
        %swap3A_599 = vector.shape_cast %broadcast_in_dim3A_591 : vector<16xf32> to vector<16xf32>
        tpu.vector_store %arg5[%swap3A_596], %swap3A_599 {strides = array<i32>} : memref<32800xf32, #tpu.memory_space<vmem>>, vector<16xf32>,
      }
      %while3A_274 = arith.constant 1 : i32
      scf.for %while3A_275 = %while3A_272 to %while3A_268 step %while3A_274  : i32 {
        %mul3A_276 = arith.constant 16 : i32
        %mul3A_277 = arith.muli %while3A_275, %mul3A_276 : i32
        %get3A = arith.index_cast %mul3A_277 : i32 to index
        %get3A_278 = tpu.vector_load %arg7[%get3A] {strides = array<i32>} : memref<1040xi32, #tpu.memory_space<vmem>>, vector<16xi32>,
        %get3A_279 = vector.shape_cast %get3A_278 : vector<16xi32> to vector<16xi32>
        %slice3A_280 = vector.extract_strided_slice %get3A_279 {offsets = [0], sizes = [1], strides = [1]} : vector<16xi32> to vector<1xi32>
        %squeeze3A_281 = vector.extract %slice3A_280[0] : i32 from vector<1xi32>
        %broadcast_in_dim3A_282 = arith.constant 0.000000e+00 : f32
        %broadcast_in_dim3A_283 = vector.broadcast %broadcast_in_dim3A_282 : f32 to vector<16xf32>
        %mul3A_284 = arith.constant 32 : i32
        %mul3A_285 = arith.muli %squeeze3A_281, %mul3A_284 : i32
        %swap3A_286 = arith.index_cast %mul3A_285 : i32 to index
        %swap3A_287 = tpu.vector_load %arg5[%swap3A_286] {strides = array<i32>} : memref<32800xf32, #tpu.memory_space<vmem>>, vector<16xf32>,
        %swap3A_288 = vector.shape_cast %swap3A_287 : vector<16xf32> to vector<16xf32>
        %swap3A_289 = vector.shape_cast %broadcast_in_dim3A_283 : vector<16xf32> to vector<16xf32>
        tpu.vector_store %arg5[%swap3A_286], %swap3A_289 {strides = array<i32>} : memref<32800xf32, #tpu.memory_space<vmem>>, vector<16xf32>,
        %broadcast_in_dim3A_290 = arith.constant 0.000000e+00 : f32
        %broadcast_in_dim3A_291 = vector.broadcast %broadcast_in_dim3A_290 : f32 to vector<16xf32>
        %mul3A_292 = arith.constant 32 : i32
        %mul3A_293 = arith.muli %squeeze3A_281, %mul3A_292 : i32
        %add3A_294 = arith.constant 16 : i32
        %add3A_295 = arith.addi %mul3A_293, %add3A_294 : i32
        %swap3A_296 = arith.index_cast %add3A_295 : i32 to index
        %swap3A_297 = tpu.vector_load %arg5[%swap3A_296] {strides = array<i32>} : memref<32800xf32, #tpu.memory_space<vmem>>, vector<16xf32>,
        %swap3A_298 = vector.shape_cast %swap3A_297 : vector<16xf32> to vector<16xf32>
        %swap3A_299 = vector.shape_cast %broadcast_in_dim3A_291 : vector<16xf32> to vector<16xf32>
        tpu.vector_store %arg5[%swap3A_296], %swap3A_299 {strides = array<i32>} : memref<32800xf32, #tpu.memory_space<vmem>>, vector<16xf32>,
        %slice3A_300 = vector.extract_strided_slice %get3A_279 {offsets = [1], sizes = [1], strides = [1]} : vector<16xi32> to vector<1xi32>
        %squeeze3A_301 = vector.extract %slice3A_300[0] : i32 from vector<1xi32>
        %broadcast_in_dim3A_302 = arith.constant 0.000000e+00 : f32
        %broadcast_in_dim3A_303 = vector.broadcast %broadcast_in_dim3A_302 : f32 to vector<16xf32>
        %mul3A_304 = arith.constant 32 : i32
        %mul3A_305 = arith.muli %squeeze3A_301, %mul3A_304 : i32
        %swap3A_306 = arith.index_cast %mul3A_305 : i32 to index
        %swap3A_307 = tpu.vector_load %arg5[%swap3A_306] {strides = array<i32>} : memref<32800xf32, #tpu.memory_space<vmem>>, vector<16xf32>,
        %swap3A_308 = vector.shape_cast %swap3A_307 : vector<16xf32> to vector<16xf32>
        %swap3A_309 = vector.shape_cast %broadcast_in_dim3A_303 : vector<16xf32> to vector<16xf32>
        tpu.vector_store %arg5[%swap3A_306], %swap3A_309 {strides = array<i32>} : memref<32800xf32, #tpu.memory_space<vmem>>, vector<16xf32>,
        %broadcast_in_dim3A_310 = arith.constant 0.000000e+00 : f32
        %broadcast_in_dim3A_311 = vector.broadcast %broadcast_in_dim3A_310 : f32 to vector<16xf32>
        %mul3A_312 = arith.constant 32 : i32
        %mul3A_313 = arith.muli %squeeze3A_301, %mul3A_312 : i32
        %add3A_314 = arith.constant 16 : i32
        %add3A_315 = arith.addi %mul3A_313, %add3A_314 : i32
        %swap3A_316 = arith.index_cast %add3A_315 : i32 to index
        %swap3A_317 = tpu.vector_load %arg5[%swap3A_316] {strides = array<i32>} : memref<32800xf32, #tpu.memory_space<vmem>>, vector<16xf32>,
        %swap3A_318 = vector.shape_cast %swap3A_317 : vector<16xf32> to vector<16xf32>
        %swap3A_319 = vector.shape_cast %broadcast_in_dim3A_311 : vector<16xf32> to vector<16xf32>
        tpu.vector_store %arg5[%swap3A_316], %swap3A_319 {strides = array<i32>} : memref<32800xf32, #tpu.memory_space<vmem>>, vector<16xf32>,
        %slice3A_320 = vector.extract_strided_slice %get3A_279 {offsets = [2], sizes = [1], strides = [1]} : vector<16xi32> to vector<1xi32>
        %squeeze3A_321 = vector.extract %slice3A_320[0] : i32 from vector<1xi32>
        %broadcast_in_dim3A_322 = arith.constant 0.000000e+00 : f32
        %broadcast_in_dim3A_323 = vector.broadcast %broadcast_in_dim3A_322 : f32 to vector<16xf32>
        %mul3A_324 = arith.constant 32 : i32
        %mul3A_325 = arith.muli %squeeze3A_321, %mul3A_324 : i32
        %swap3A_326 = arith.index_cast %mul3A_325 : i32 to index
        %swap3A_327 = tpu.vector_load %arg5[%swap3A_326] {strides = array<i32>} : memref<32800xf32, #tpu.memory_space<vmem>>, vector<16xf32>,
        %swap3A_328 = vector.shape_cast %swap3A_327 : vector<16xf32> to vector<16xf32>
        %swap3A_329 = vector.shape_cast %broadcast_in_dim3A_323 : vector<16xf32> to vector<16xf32>
        tpu.vector_store %arg5[%swap3A_326], %swap3A_329 {strides = array<i32>} : memref<32800xf32, #tpu.memory_space<vmem>>, vector<16xf32>,
        %broadcast_in_dim3A_330 = arith.constant 0.000000e+00 : f32
        %broadcast_in_dim3A_331 = vector.broadcast %broadcast_in_dim3A_330 : f32 to vector<16xf32>
        %mul3A_332 = arith.constant 32 : i32
        %mul3A_333 = arith.muli %squeeze3A_321, %mul3A_332 : i32
        %add3A_334 = arith.constant 16 : i32
        %add3A_335 = arith.addi %mul3A_333, %add3A_334 : i32
        %swap3A_336 = arith.index_cast %add3A_335 : i32 to index
        %swap3A_337 = tpu.vector_load %arg5[%swap3A_336] {strides = array<i32>} : memref<32800xf32, #tpu.memory_space<vmem>>, vector<16xf32>,
        %swap3A_338 = vector.shape_cast %swap3A_337 : vector<16xf32> to vector<16xf32>
        %swap3A_339 = vector.shape_cast %broadcast_in_dim3A_331 : vector<16xf32> to vector<16xf32>
        tpu.vector_store %arg5[%swap3A_336], %swap3A_339 {strides = array<i32>} : memref<32800xf32, #tpu.memory_space<vmem>>, vector<16xf32>,
        %slice3A_340 = vector.extract_strided_slice %get3A_279 {offsets = [3], sizes = [1], strides = [1]} : vector<16xi32> to vector<1xi32>
        %squeeze3A_341 = vector.extract %slice3A_340[0] : i32 from vector<1xi32>
        %broadcast_in_dim3A_342 = arith.constant 0.000000e+00 : f32
        %broadcast_in_dim3A_343 = vector.broadcast %broadcast_in_dim3A_342 : f32 to vector<16xf32>
        %mul3A_344 = arith.constant 32 : i32
        %mul3A_345 = arith.muli %squeeze3A_341, %mul3A_344 : i32
        %swap3A_346 = arith.index_cast %mul3A_345 : i32 to index
        %swap3A_347 = tpu.vector_load %arg5[%swap3A_346] {strides = array<i32>} : memref<32800xf32, #tpu.memory_space<vmem>>, vector<16xf32>,
        %swap3A_348 = vector.shape_cast %swap3A_347 : vector<16xf32> to vector<16xf32>
        %swap3A_349 = vector.shape_cast %broadcast_in_dim3A_343 : vector<16xf32> to vector<16xf32>
        tpu.vector_store %arg5[%swap3A_346], %swap3A_349 {strides = array<i32>} : memref<32800xf32, #tpu.memory_space<vmem>>, vector<16xf32>,
        %broadcast_in_dim3A_350 = arith.constant 0.000000e+00 : f32
        %broadcast_in_dim3A_351 = vector.broadcast %broadcast_in_dim3A_350 : f32 to vector<16xf32>
        %mul3A_352 = arith.constant 32 : i32
        %mul3A_353 = arith.muli %squeeze3A_341, %mul3A_352 : i32
        %add3A_354 = arith.constant 16 : i32
        %add3A_355 = arith.addi %mul3A_353, %add3A_354 : i32
        %swap3A_356 = arith.index_cast %add3A_355 : i32 to index
        %swap3A_357 = tpu.vector_load %arg5[%swap3A_356] {strides = array<i32>} : memref<32800xf32, #tpu.memory_space<vmem>>, vector<16xf32>,
        %swap3A_358 = vector.shape_cast %swap3A_357 : vector<16xf32> to vector<16xf32>
        %swap3A_359 = vector.shape_cast %broadcast_in_dim3A_351 : vector<16xf32> to vector<16xf32>
        tpu.vector_store %arg5[%swap3A_356], %swap3A_359 {strides = array<i32>} : memref<32800xf32, #tpu.memory_space<vmem>>, vector<16xf32>,
        %slice3A_360 = vector.extract_strided_slice %get3A_279 {offsets = [4], sizes = [1], strides = [1]} : vector<16xi32> to vector<1xi32>
        %squeeze3A_361 = vector.extract %slice3A_360[0] : i32 from vector<1xi32>
        %broadcast_in_dim3A_362 = arith.constant 0.000000e+00 : f32
        %broadcast_in_dim3A_363 = vector.broadcast %broadcast_in_dim3A_362 : f32 to vector<16xf32>
        %mul3A_364 = arith.constant 32 : i32
        %mul3A_365 = arith.muli %squeeze3A_361, %mul3A_364 : i32
        %swap3A_366 = arith.index_cast %mul3A_365 : i32 to index
        %swap3A_367 = tpu.vector_load %arg5[%swap3A_366] {strides = array<i32>} : memref<32800xf32, #tpu.memory_space<vmem>>, vector<16xf32>,
        %swap3A_368 = vector.shape_cast %swap3A_367 : vector<16xf32> to vector<16xf32>
        %swap3A_369 = vector.shape_cast %broadcast_in_dim3A_363 : vector<16xf32> to vector<16xf32>
        tpu.vector_store %arg5[%swap3A_366], %swap3A_369 {strides = array<i32>} : memref<32800xf32, #tpu.memory_space<vmem>>, vector<16xf32>,
        %broadcast_in_dim3A_370 = arith.constant 0.000000e+00 : f32
        %broadcast_in_dim3A_371 = vector.broadcast %broadcast_in_dim3A_370 : f32 to vector<16xf32>
        %mul3A_372 = arith.constant 32 : i32
        %mul3A_373 = arith.muli %squeeze3A_361, %mul3A_372 : i32
        %add3A_374 = arith.constant 16 : i32
        %add3A_375 = arith.addi %mul3A_373, %add3A_374 : i32
        %swap3A_376 = arith.index_cast %add3A_375 : i32 to index
        %swap3A_377 = tpu.vector_load %arg5[%swap3A_376] {strides = array<i32>} : memref<32800xf32, #tpu.memory_space<vmem>>, vector<16xf32>,
        %swap3A_378 = vector.shape_cast %swap3A_377 : vector<16xf32> to vector<16xf32>
        %swap3A_379 = vector.shape_cast %broadcast_in_dim3A_371 : vector<16xf32> to vector<16xf32>
        tpu.vector_store %arg5[%swap3A_376], %swap3A_379 {strides = array<i32>} : memref<32800xf32, #tpu.memory_space<vmem>>, vector<16xf32>,
        %slice3A_380 = vector.extract_strided_slice %get3A_279 {offsets = [5], sizes = [1], strides = [1]} : vector<16xi32> to vector<1xi32>
        %squeeze3A_381 = vector.extract %slice3A_380[0] : i32 from vector<1xi32>
        %broadcast_in_dim3A_382 = arith.constant 0.000000e+00 : f32
        %broadcast_in_dim3A_383 = vector.broadcast %broadcast_in_dim3A_382 : f32 to vector<16xf32>
        %mul3A_384 = arith.constant 32 : i32
        %mul3A_385 = arith.muli %squeeze3A_381, %mul3A_384 : i32
        %swap3A_386 = arith.index_cast %mul3A_385 : i32 to index
        %swap3A_387 = tpu.vector_load %arg5[%swap3A_386] {strides = array<i32>} : memref<32800xf32, #tpu.memory_space<vmem>>, vector<16xf32>,
        %swap3A_388 = vector.shape_cast %swap3A_387 : vector<16xf32> to vector<16xf32>
        %swap3A_389 = vector.shape_cast %broadcast_in_dim3A_383 : vector<16xf32> to vector<16xf32>
        tpu.vector_store %arg5[%swap3A_386], %swap3A_389 {strides = array<i32>} : memref<32800xf32, #tpu.memory_space<vmem>>, vector<16xf32>,
        %broadcast_in_dim3A_390 = arith.constant 0.000000e+00 : f32
        %broadcast_in_dim3A_391 = vector.broadcast %broadcast_in_dim3A_390 : f32 to vector<16xf32>
        %mul3A_392 = arith.constant 32 : i32
        %mul3A_393 = arith.muli %squeeze3A_381, %mul3A_392 : i32
        %add3A_394 = arith.constant 16 : i32
        %add3A_395 = arith.addi %mul3A_393, %add3A_394 : i32
        %swap3A_396 = arith.index_cast %add3A_395 : i32 to index
        %swap3A_397 = tpu.vector_load %arg5[%swap3A_396] {strides = array<i32>} : memref<32800xf32, #tpu.memory_space<vmem>>, vector<16xf32>,
        %swap3A_398 = vector.shape_cast %swap3A_397 : vector<16xf32> to vector<16xf32>
        %swap3A_399 = vector.shape_cast %broadcast_in_dim3A_391 : vector<16xf32> to vector<16xf32>
        tpu.vector_store %arg5[%swap3A_396], %swap3A_399 {strides = array<i32>} : memref<32800xf32, #tpu.memory_space<vmem>>, vector<16xf32>,
        %slice3A_400 = vector.extract_strided_slice %get3A_279 {offsets = [6], sizes = [1], strides = [1]} : vector<16xi32> to vector<1xi32>
        %squeeze3A_401 = vector.extract %slice3A_400[0] : i32 from vector<1xi32>
        %broadcast_in_dim3A_402 = arith.constant 0.000000e+00 : f32
        %broadcast_in_dim3A_403 = vector.broadcast %broadcast_in_dim3A_402 : f32 to vector<16xf32>
        %mul3A_404 = arith.constant 32 : i32
        %mul3A_405 = arith.muli %squeeze3A_401, %mul3A_404 : i32
        %swap3A_406 = arith.index_cast %mul3A_405 : i32 to index
        %swap3A_407 = tpu.vector_load %arg5[%swap3A_406] {strides = array<i32>} : memref<32800xf32, #tpu.memory_space<vmem>>, vector<16xf32>,
        %swap3A_408 = vector.shape_cast %swap3A_407 : vector<16xf32> to vector<16xf32>
        %swap3A_409 = vector.shape_cast %broadcast_in_dim3A_403 : vector<16xf32> to vector<16xf32>
        tpu.vector_store %arg5[%swap3A_406], %swap3A_409 {strides = array<i32>} : memref<32800xf32, #tpu.memory_space<vmem>>, vector<16xf32>,
        %broadcast_in_dim3A_410 = arith.constant 0.000000e+00 : f32
        %broadcast_in_dim3A_411 = vector.broadcast %broadcast_in_dim3A_410 : f32 to vector<16xf32>
        %mul3A_412 = arith.constant 32 : i32
        %mul3A_413 = arith.muli %squeeze3A_401, %mul3A_412 : i32
        %add3A_414 = arith.constant 16 : i32
        %add3A_415 = arith.addi %mul3A_413, %add3A_414 : i32
        %swap3A_416 = arith.index_cast %add3A_415 : i32 to index
        %swap3A_417 = tpu.vector_load %arg5[%swap3A_416] {strides = array<i32>} : memref<32800xf32, #tpu.memory_space<vmem>>, vector<16xf32>,
        %swap3A_418 = vector.shape_cast %swap3A_417 : vector<16xf32> to vector<16xf32>
        %swap3A_419 = vector.shape_cast %broadcast_in_dim3A_411 : vector<16xf32> to vector<16xf32>
        tpu.vector_store %arg5[%swap3A_416], %swap3A_419 {strides = array<i32>} : memref<32800xf32, #tpu.memory_space<vmem>>, vector<16xf32>,
        %slice3A_420 = vector.extract_strided_slice %get3A_279 {offsets = [7], sizes = [1], strides = [1]} : vector<16xi32> to vector<1xi32>
        %squeeze3A_421 = vector.extract %slice3A_420[0] : i32 from vector<1xi32>
        %broadcast_in_dim3A_422 = arith.constant 0.000000e+00 : f32
        %broadcast_in_dim3A_423 = vector.broadcast %broadcast_in_dim3A_422 : f32 to vector<16xf32>
        %mul3A_424 = arith.constant 32 : i32
        %mul3A_425 = arith.muli %squeeze3A_421, %mul3A_424 : i32
        %swap3A_426 = arith.index_cast %mul3A_425 : i32 to index
        %swap3A_427 = tpu.vector_load %arg5[%swap3A_426] {strides = array<i32>} : memref<32800xf32, #tpu.memory_space<vmem>>, vector<16xf32>,
        %swap3A_428 = vector.shape_cast %swap3A_427 : vector<16xf32> to vector<16xf32>
        %swap3A_429 = vector.shape_cast %broadcast_in_dim3A_423 : vector<16xf32> to vector<16xf32>
        tpu.vector_store %arg5[%swap3A_426], %swap3A_429 {strides = array<i32>} : memref<32800xf32, #tpu.memory_space<vmem>>, vector<16xf32>,
        %broadcast_in_dim3A_430 = arith.constant 0.000000e+00 : f32
        %broadcast_in_dim3A_431 = vector.broadcast %broadcast_in_dim3A_430 : f32 to vector<16xf32>
        %mul3A_432 = arith.constant 32 : i32
        %mul3A_433 = arith.muli %squeeze3A_421, %mul3A_432 : i32
        %add3A_434 = arith.constant 16 : i32
        %add3A_435 = arith.addi %mul3A_433, %add3A_434 : i32
        %swap3A_436 = arith.index_cast %add3A_435 : i32 to index
        %swap3A_437 = tpu.vector_load %arg5[%swap3A_436] {strides = array<i32>} : memref<32800xf32, #tpu.memory_space<vmem>>, vector<16xf32>,
        %swap3A_438 = vector.shape_cast %swap3A_437 : vector<16xf32> to vector<16xf32>
        %swap3A_439 = vector.shape_cast %broadcast_in_dim3A_431 : vector<16xf32> to vector<16xf32>
        tpu.vector_store %arg5[%swap3A_436], %swap3A_439 {strides = array<i32>} : memref<32800xf32, #tpu.memory_space<vmem>>, vector<16xf32>,
        %slice3A_440 = vector.extract_strided_slice %get3A_279 {offsets = [8], sizes = [1], strides = [1]} : vector<16xi32> to vector<1xi32>
        %squeeze3A_441 = vector.extract %slice3A_440[0] : i32 from vector<1xi32>
        %broadcast_in_dim3A_442 = arith.constant 0.000000e+00 : f32
        %broadcast_in_dim3A_443 = vector.broadcast %broadcast_in_dim3A_442 : f32 to vector<16xf32>
        %mul3A_444 = arith.constant 32 : i32
        %mul3A_445 = arith.muli %squeeze3A_441, %mul3A_444 : i32
        %swap3A_446 = arith.index_cast %mul3A_445 : i32 to index
        %swap3A_447 = tpu.vector_load %arg5[%swap3A_446] {strides = array<i32>} : memref<32800xf32, #tpu.memory_space<vmem>>, vector<16xf32>,
        %swap3A_448 = vector.shape_cast %swap3A_447 : vector<16xf32> to vector<16xf32>
        %swap3A_449 = vector.shape_cast %broadcast_in_dim3A_443 : vector<16xf32> to vector<16xf32>
        tpu.vector_store %arg5[%swap3A_446], %swap3A_449 {strides = array<i32>} : memref<32800xf32, #tpu.memory_space<vmem>>, vector<16xf32>,
        %broadcast_in_dim3A_450 = arith.constant 0.000000e+00 : f32
        %broadcast_in_dim3A_451 = vector.broadcast %broadcast_in_dim3A_450 : f32 to vector<16xf32>
        %mul3A_452 = arith.constant 32 : i32
        %mul3A_453 = arith.muli %squeeze3A_441, %mul3A_452 : i32
        %add3A_454 = arith.constant 16 : i32
        %add3A_455 = arith.addi %mul3A_453, %add3A_454 : i32
        %swap3A_456 = arith.index_cast %add3A_455 : i32 to index
        %swap3A_457 = tpu.vector_load %arg5[%swap3A_456] {strides = array<i32>} : memref<32800xf32, #tpu.memory_space<vmem>>, vector<16xf32>,
        %swap3A_458 = vector.shape_cast %swap3A_457 : vector<16xf32> to vector<16xf32>
        %swap3A_459 = vector.shape_cast %broadcast_in_dim3A_451 : vector<16xf32> to vector<16xf32>
        tpu.vector_store %arg5[%swap3A_456], %swap3A_459 {strides = array<i32>} : memref<32800xf32, #tpu.memory_space<vmem>>, vector<16xf32>,
        %slice3A_460 = vector.extract_strided_slice %get3A_279 {offsets = [9], sizes = [1], strides = [1]} : vector<16xi32> to vector<1xi32>
        %squeeze3A_461 = vector.extract %slice3A_460[0] : i32 from vector<1xi32>
        %broadcast_in_dim3A_462 = arith.constant 0.000000e+00 : f32
        %broadcast_in_dim3A_463 = vector.broadcast %broadcast_in_dim3A_462 : f32 to vector<16xf32>
        %mul3A_464 = arith.constant 32 : i32
        %mul3A_465 = arith.muli %squeeze3A_461, %mul3A_464 : i32
        %swap3A_466 = arith.index_cast %mul3A_465 : i32 to index
        %swap3A_467 = tpu.vector_load %arg5[%swap3A_466] {strides = array<i32>} : memref<32800xf32, #tpu.memory_space<vmem>>, vector<16xf32>,
        %swap3A_468 = vector.shape_cast %swap3A_467 : vector<16xf32> to vector<16xf32>
        %swap3A_469 = vector.shape_cast %broadcast_in_dim3A_463 : vector<16xf32> to vector<16xf32>
        tpu.vector_store %arg5[%swap3A_466], %swap3A_469 {strides = array<i32>} : memref<32800xf32, #tpu.memory_space<vmem>>, vector<16xf32>,
        %broadcast_in_dim3A_470 = arith.constant 0.000000e+00 : f32
        %broadcast_in_dim3A_471 = vector.broadcast %broadcast_in_dim3A_470 : f32 to vector<16xf32>
        %mul3A_472 = arith.constant 32 : i32
        %mul3A_473 = arith.muli %squeeze3A_461, %mul3A_472 : i32
        %add3A_474 = arith.constant 16 : i32
        %add3A_475 = arith.addi %mul3A_473, %add3A_474 : i32
        %swap3A_476 = arith.index_cast %add3A_475 : i32 to index
        %swap3A_477 = tpu.vector_load %arg5[%swap3A_476] {strides = array<i32>} : memref<32800xf32, #tpu.memory_space<vmem>>, vector<16xf32>,
        %swap3A_478 = vector.shape_cast %swap3A_477 : vector<16xf32> to vector<16xf32>
        %swap3A_479 = vector.shape_cast %broadcast_in_dim3A_471 : vector<16xf32> to vector<16xf32>
        tpu.vector_store %arg5[%swap3A_476], %swap3A_479 {strides = array<i32>} : memref<32800xf32, #tpu.memory_space<vmem>>, vector<16xf32>,
        %slice3A_480 = vector.extract_strided_slice %get3A_279 {offsets = [10], sizes = [1], strides = [1]} : vector<16xi32> to vector<1xi32>
        %squeeze3A_481 = vector.extract %slice3A_480[0] : i32 from vector<1xi32>
        %broadcast_in_dim3A_482 = arith.constant 0.000000e+00 : f32
        %broadcast_in_dim3A_483 = vector.broadcast %broadcast_in_dim3A_482 : f32 to vector<16xf32>
        %mul3A_484 = arith.constant 32 : i32
        %mul3A_485 = arith.muli %squeeze3A_481, %mul3A_484 : i32
        %swap3A_486 = arith.index_cast %mul3A_485 : i32 to index
        %swap3A_487 = tpu.vector_load %arg5[%swap3A_486] {strides = array<i32>} : memref<32800xf32, #tpu.memory_space<vmem>>, vector<16xf32>,
        %swap3A_488 = vector.shape_cast %swap3A_487 : vector<16xf32> to vector<16xf32>
        %swap3A_489 = vector.shape_cast %broadcast_in_dim3A_483 : vector<16xf32> to vector<16xf32>
        tpu.vector_store %arg5[%swap3A_486], %swap3A_489 {strides = array<i32>} : memref<32800xf32, #tpu.memory_space<vmem>>, vector<16xf32>,
        %broadcast_in_dim3A_490 = arith.constant 0.000000e+00 : f32
        %broadcast_in_dim3A_491 = vector.broadcast %broadcast_in_dim3A_490 : f32 to vector<16xf32>
        %mul3A_492 = arith.constant 32 : i32
        %mul3A_493 = arith.muli %squeeze3A_481, %mul3A_492 : i32
        %add3A_494 = arith.constant 16 : i32
        %add3A_495 = arith.addi %mul3A_493, %add3A_494 : i32
        %swap3A_496 = arith.index_cast %add3A_495 : i32 to index
        %swap3A_497 = tpu.vector_load %arg5[%swap3A_496] {strides = array<i32>} : memref<32800xf32, #tpu.memory_space<vmem>>, vector<16xf32>,
        %swap3A_498 = vector.shape_cast %swap3A_497 : vector<16xf32> to vector<16xf32>
        %swap3A_499 = vector.shape_cast %broadcast_in_dim3A_491 : vector<16xf32> to vector<16xf32>
        tpu.vector_store %arg5[%swap3A_496], %swap3A_499 {strides = array<i32>} : memref<32800xf32, #tpu.memory_space<vmem>>, vector<16xf32>,
        %slice3A_500 = vector.extract_strided_slice %get3A_279 {offsets = [11], sizes = [1], strides = [1]} : vector<16xi32> to vector<1xi32>
        %squeeze3A_501 = vector.extract %slice3A_500[0] : i32 from vector<1xi32>
        %broadcast_in_dim3A_502 = arith.constant 0.000000e+00 : f32
        %broadcast_in_dim3A_503 = vector.broadcast %broadcast_in_dim3A_502 : f32 to vector<16xf32>
        %mul3A_504 = arith.constant 32 : i32
        %mul3A_505 = arith.muli %squeeze3A_501, %mul3A_504 : i32
        %swap3A_506 = arith.index_cast %mul3A_505 : i32 to index
        %swap3A_507 = tpu.vector_load %arg5[%swap3A_506] {strides = array<i32>} : memref<32800xf32, #tpu.memory_space<vmem>>, vector<16xf32>,
        %swap3A_508 = vector.shape_cast %swap3A_507 : vector<16xf32> to vector<16xf32>
        %swap3A_509 = vector.shape_cast %broadcast_in_dim3A_503 : vector<16xf32> to vector<16xf32>
        tpu.vector_store %arg5[%swap3A_506], %swap3A_509 {strides = array<i32>} : memref<32800xf32, #tpu.memory_space<vmem>>, vector<16xf32>,
        %broadcast_in_dim3A_510 = arith.constant 0.000000e+00 : f32
        %broadcast_in_dim3A_511 = vector.broadcast %broadcast_in_dim3A_510 : f32 to vector<16xf32>
        %mul3A_512 = arith.constant 32 : i32
        %mul3A_513 = arith.muli %squeeze3A_501, %mul3A_512 : i32
        %add3A_514 = arith.constant 16 : i32
        %add3A_515 = arith.addi %mul3A_513, %add3A_514 : i32
        %swap3A_516 = arith.index_cast %add3A_515 : i32 to index
        %swap3A_517 = tpu.vector_load %arg5[%swap3A_516] {strides = array<i32>} : memref<32800xf32, #tpu.memory_space<vmem>>, vector<16xf32>,
        %swap3A_518 = vector.shape_cast %swap3A_517 : vector<16xf32> to vector<16xf32>
        %swap3A_519 = vector.shape_cast %broadcast_in_dim3A_511 : vector<16xf32> to vector<16xf32>
        tpu.vector_store %arg5[%swap3A_516], %swap3A_519 {strides = array<i32>} : memref<32800xf32, #tpu.memory_space<vmem>>, vector<16xf32>,
        %slice3A_520 = vector.extract_strided_slice %get3A_279 {offsets = [12], sizes = [1], strides = [1]} : vector<16xi32> to vector<1xi32>
        %squeeze3A_521 = vector.extract %slice3A_520[0] : i32 from vector<1xi32>
        %broadcast_in_dim3A_522 = arith.constant 0.000000e+00 : f32
        %broadcast_in_dim3A_523 = vector.broadcast %broadcast_in_dim3A_522 : f32 to vector<16xf32>
        %mul3A_524 = arith.constant 32 : i32
        %mul3A_525 = arith.muli %squeeze3A_521, %mul3A_524 : i32
        %swap3A_526 = arith.index_cast %mul3A_525 : i32 to index
        %swap3A_527 = tpu.vector_load %arg5[%swap3A_526] {strides = array<i32>} : memref<32800xf32, #tpu.memory_space<vmem>>, vector<16xf32>,
        %swap3A_528 = vector.shape_cast %swap3A_527 : vector<16xf32> to vector<16xf32>
        %swap3A_529 = vector.shape_cast %broadcast_in_dim3A_523 : vector<16xf32> to vector<16xf32>
        tpu.vector_store %arg5[%swap3A_526], %swap3A_529 {strides = array<i32>} : memref<32800xf32, #tpu.memory_space<vmem>>, vector<16xf32>,
        %broadcast_in_dim3A_530 = arith.constant 0.000000e+00 : f32
        %broadcast_in_dim3A_531 = vector.broadcast %broadcast_in_dim3A_530 : f32 to vector<16xf32>
        %mul3A_532 = arith.constant 32 : i32
        %mul3A_533 = arith.muli %squeeze3A_521, %mul3A_532 : i32
        %add3A_534 = arith.constant 16 : i32
        %add3A_535 = arith.addi %mul3A_533, %add3A_534 : i32
        %swap3A_536 = arith.index_cast %add3A_535 : i32 to index
        %swap3A_537 = tpu.vector_load %arg5[%swap3A_536] {strides = array<i32>} : memref<32800xf32, #tpu.memory_space<vmem>>, vector<16xf32>,
        %swap3A_538 = vector.shape_cast %swap3A_537 : vector<16xf32> to vector<16xf32>
        %swap3A_539 = vector.shape_cast %broadcast_in_dim3A_531 : vector<16xf32> to vector<16xf32>
        tpu.vector_store %arg5[%swap3A_536], %swap3A_539 {strides = array<i32>} : memref<32800xf32, #tpu.memory_space<vmem>>, vector<16xf32>,
        %slice3A_540 = vector.extract_strided_slice %get3A_279 {offsets = [13], sizes = [1], strides = [1]} : vector<16xi32> to vector<1xi32>
        %squeeze3A_541 = vector.extract %slice3A_540[0] : i32 from vector<1xi32>
        %broadcast_in_dim3A_542 = arith.constant 0.000000e+00 : f32
        %broadcast_in_dim3A_543 = vector.broadcast %broadcast_in_dim3A_542 : f32 to vector<16xf32>
        %mul3A_544 = arith.constant 32 : i32
        %mul3A_545 = arith.muli %squeeze3A_541, %mul3A_544 : i32
        %swap3A_546 = arith.index_cast %mul3A_545 : i32 to index
        %swap3A_547 = tpu.vector_load %arg5[%swap3A_546] {strides = array<i32>} : memref<32800xf32, #tpu.memory_space<vmem>>, vector<16xf32>,
        %swap3A_548 = vector.shape_cast %swap3A_547 : vector<16xf32> to vector<16xf32>
        %swap3A_549 = vector.shape_cast %broadcast_in_dim3A_543 : vector<16xf32> to vector<16xf32>
        tpu.vector_store %arg5[%swap3A_546], %swap3A_549 {strides = array<i32>} : memref<32800xf32, #tpu.memory_space<vmem>>, vector<16xf32>,
        %broadcast_in_dim3A_550 = arith.constant 0.000000e+00 : f32
        %broadcast_in_dim3A_551 = vector.broadcast %broadcast_in_dim3A_550 : f32 to vector<16xf32>
        %mul3A_552 = arith.constant 32 : i32
        %mul3A_553 = arith.muli %squeeze3A_541, %mul3A_552 : i32
        %add3A_554 = arith.constant 16 : i32
        %add3A_555 = arith.addi %mul3A_553, %add3A_554 : i32
        %swap3A_556 = arith.index_cast %add3A_555 : i32 to index
        %swap3A_557 = tpu.vector_load %arg5[%swap3A_556] {strides = array<i32>} : memref<32800xf32, #tpu.memory_space<vmem>>, vector<16xf32>,
        %swap3A_558 = vector.shape_cast %swap3A_557 : vector<16xf32> to vector<16xf32>
        %swap3A_559 = vector.shape_cast %broadcast_in_dim3A_551 : vector<16xf32> to vector<16xf32>
        tpu.vector_store %arg5[%swap3A_556], %swap3A_559 {strides = array<i32>} : memref<32800xf32, #tpu.memory_space<vmem>>, vector<16xf32>,
        %slice3A_560 = vector.extract_strided_slice %get3A_279 {offsets = [14], sizes = [1], strides = [1]} : vector<16xi32> to vector<1xi32>
        %squeeze3A_561 = vector.extract %slice3A_560[0] : i32 from vector<1xi32>
        %broadcast_in_dim3A_562 = arith.constant 0.000000e+00 : f32
        %broadcast_in_dim3A_563 = vector.broadcast %broadcast_in_dim3A_562 : f32 to vector<16xf32>
        %mul3A_564 = arith.constant 32 : i32
        %mul3A_565 = arith.muli %squeeze3A_561, %mul3A_564 : i32
        %swap3A_566 = arith.index_cast %mul3A_565 : i32 to index
        %swap3A_567 = tpu.vector_load %arg5[%swap3A_566] {strides = array<i32>} : memref<32800xf32, #tpu.memory_space<vmem>>, vector<16xf32>,
        %swap3A_568 = vector.shape_cast %swap3A_567 : vector<16xf32> to vector<16xf32>
        %swap3A_569 = vector.shape_cast %broadcast_in_dim3A_563 : vector<16xf32> to vector<16xf32>
        tpu.vector_store %arg5[%swap3A_566], %swap3A_569 {strides = array<i32>} : memref<32800xf32, #tpu.memory_space<vmem>>, vector<16xf32>,
        %broadcast_in_dim3A_570 = arith.constant 0.000000e+00 : f32
        %broadcast_in_dim3A_571 = vector.broadcast %broadcast_in_dim3A_570 : f32 to vector<16xf32>
        %mul3A_572 = arith.constant 32 : i32
        %mul3A_573 = arith.muli %squeeze3A_561, %mul3A_572 : i32
        %add3A_574 = arith.constant 16 : i32
        %add3A_575 = arith.addi %mul3A_573, %add3A_574 : i32
        %swap3A_576 = arith.index_cast %add3A_575 : i32 to index
        %swap3A_577 = tpu.vector_load %arg5[%swap3A_576] {strides = array<i32>} : memref<32800xf32, #tpu.memory_space<vmem>>, vector<16xf32>,
        %swap3A_578 = vector.shape_cast %swap3A_577 : vector<16xf32> to vector<16xf32>
        %swap3A_579 = vector.shape_cast %broadcast_in_dim3A_571 : vector<16xf32> to vector<16xf32>
        tpu.vector_store %arg5[%swap3A_576], %swap3A_579 {strides = array<i32>} : memref<32800xf32, #tpu.memory_space<vmem>>, vector<16xf32>,
        %slice3A_580 = vector.extract_strided_slice %get3A_279 {offsets = [15], sizes = [1], strides = [1]} : vector<16xi32> to vector<1xi32>
        %squeeze3A_581 = vector.extract %slice3A_580[0] : i32 from vector<1xi32>
        %broadcast_in_dim3A_582 = arith.constant 0.000000e+00 : f32
        %broadcast_in_dim3A_583 = vector.broadcast %broadcast_in_dim3A_582 : f32 to vector<16xf32>
        %mul3A_584 = arith.constant 32 : i32
        %mul3A_585 = arith.muli %squeeze3A_581, %mul3A_584 : i32
        %swap3A_586 = arith.index_cast %mul3A_585 : i32 to index
        %swap3A_587 = tpu.vector_load %arg5[%swap3A_586] {strides = array<i32>} : memref<32800xf32, #tpu.memory_space<vmem>>, vector<16xf32>,
        %swap3A_588 = vector.shape_cast %swap3A_587 : vector<16xf32> to vector<16xf32>
        %swap3A_589 = vector.shape_cast %broadcast_in_dim3A_583 : vector<16xf32> to vector<16xf32>
        tpu.vector_store %arg5[%swap3A_586], %swap3A_589 {strides = array<i32>} : memref<32800xf32, #tpu.memory_space<vmem>>, vector<16xf32>,
        %broadcast_in_dim3A_590 = arith.constant 0.000000e+00 : f32
        %broadcast_in_dim3A_591 = vector.broadcast %broadcast_in_dim3A_590 : f32 to vector<16xf32>
        %mul3A_592 = arith.constant 32 : i32
        %mul3A_593 = arith.muli %squeeze3A_581, %mul3A_592 : i32
        %add3A_594 = arith.constant 16 : i32
        %add3A_595 = arith.addi %mul3A_593, %add3A_594 : i32
        %swap3A_596 = arith.index_cast %add3A_595 : i32 to index
        %swap3A_597 = tpu.vector_load %arg5[%swap3A_596] {strides = array<i32>} : memref<32800xf32, #tpu.memory_space<vmem>>, vector<16xf32>,
        %swap3A_598 = vector.shape_cast %swap3A_597 : vector<16xf32> to vector<16xf32>
        %swap3A_599 = vector.shape_cast %broadcast_in_dim3A_591 : vector<16xf32> to vector<16xf32>
        tpu.vector_store %arg5[%swap3A_596], %swap3A_599 {strides = array<i32>} : memref<32800xf32, #tpu.memory_space<vmem>>, vector<16xf32>,
      }
    }
    %scan3A_11 = arith.constant 4 : i32
    return
  }
}

</mosaic_0001>

<sc_bundles>
// kernel: kernel.3.cloned.1.call-start
scs
__scs_entry_jumppad:
0x0: {  	(pc) =	sbr.rel $0x88, $3  }
0x1: {  	(tag) =	ssettag $0x0;
	lr =	simm.s32 $0x1  }
0x2: {  	[smem:$0x3FA0] =	sst lr;
	_ =	strace $0xD0000000  }
0x3: {  	_ = 	snop  }
0x4: {  	_ = 	snop  }
0x5: {  	_ = 	snop  }
0x6: {  	_ = 	snop  }
0x7: {  	_ = 	snop  }
__scs_overlays_trampoline_lowered:
0x8: {  	[smem:$0x3FAF] =	sst s0  }
0x9: {  	[smem:$0x3FB0] =	sst s1  }
0xa: {  	[smem:$0x3FB1] =	sst s2  }
0xb: {  	[smem:$0x3FB2] =	sst s3  }
0xc: {  	[smem:$0x3FB3] =	sst s4  }
0xd: {  	[smem:$0x3FB4] =	sst s5  }
0xe: {  	[smem:$0x3FB5] =	sst s6  }
0xf: {  	[smem:$0x3FB6] =	sst s7  }
0x10: {  	[smem:$0x3FB7] =	sst s8  }
0x11: {  	[smem:$0x3FB8] =	sst s9;
	s0 =	simm.s32 @!p0 $0x0  }
0x12: {  	s1 =	sld [smem:$0x3F9E];
	s0 =	simm.s32 @p0 $0x1  }
0x13: {  	[smem:$0x3FB9] =	sst s0;
	s0 =	simm.s32 @!p1 $0x0  }
0x14: {  	s2 =	sld [smem:$0x3F9D];
	s0 =	simm.s32 @p1 $0x1  }
0x15: {  	[smem:$0x3FBA] =	sst s0;
	s0 =	simm.s32 @!p2 $0x0  }
0x16: {  	s3 =	sld [smem:$0x3FDB];
	s0 =	simm.s32 @p2 $0x1  }
0x17: {  	s4 =	simm.s32 $0x1BF5;
	[smem:$0x3FBC] =	sst s0  }
0x18: {  	s0 =	sld [smem:$0x3F9F];
	_ =	swait.ge [sflag:s4], $0x0  }
0x19: {  	s7 =	sld [smem:$0x3FA0]  }
0x1a: {  	s8 =	sadd.s32 $0xFFFFE003, lr  }
0x1b: {  	s9 =	sadd.s32 $0xFFFFFEF7, lr;
	s5 =	simm.s32 $0xFFFFFFFF;
	p2 =	slt.u32 s8, $0xFFFFF086  }
0x1c: {  	p1 =	slt.u32 s9, $0xF7A;
	s5 =	simm.s32 @!p2 $0x0  }
0x1d: {  	s5 =	simm.s32 @p1 $0x1;
	p0 =	seq.s32 s7, s2  }
0x1e: {  	s7 =	smul.u32 @!p0 $0xF7A, s2;
	p2 =	seq.s32 @!p0 s5, $0x0  }
0x1f: {  	s9 =	smul.u32 $0xF7A, s1;
	s8 =	simm.s32 @!p0 $0x1BF5;
	p2 =	por !p2, p0  }
0x20: {  	[sflag:s8] =	ssyncset.s32 @!p0 $0xFFFFF086;
	s6 =	sadd.s32 @!p0 s3, s7;
	s7 =	simm.s32 @!p0 $0x108  }
0x21: {  	s3 =	sadd.s32 s3, s9;
	s6 =	sadd.s32 @!p0 $0x88, s6;
	s7 =	simm.s32 @p2 $0x1082  }
0x22: {  	[simem:s7], [sflag:s8] =	dma.local @!p0 [hbm:s6], $0xF7A  }
0x23: {  	s9 =	sor.u32 $0xD0000000, s2;
	s6 =	simm.s32 $0x108;
	_ =	swait.ge @!p0 [sflag:s8], $0x0  }
0x24: {  	s3 =	sadd.s32 $0x88, s3;
	s6 =	simm.s32 @!p1 $0x1082;
	[sflag:s4] =	ssyncset.s32 $0xFFFFF086  }
0x25: {  	[simem:s6], [sflag:s4] =	dma.local [hbm:s3], $0xF7A  }
0x26: {  	[smem:$0x3FA0] =	sst s1;
	(tag) =	ssettag s2;
	_ =	strace s9  }
0x27: {  	s1 =	sld [smem:$0x3FB0]  }
0x28: {  	s2 =	sld [smem:$0x3FB1]  }
0x29: {  	s4 =	sld [smem:$0x3FB3]  }
0x2a: {  	p0 =	seq.s32 s5, $0x0;
	s5 =	sld [smem:$0x3FB4]  }
0x2b: {  	s6 =	sld [smem:$0x3FB5]  }
0x2c: {  	s7 =	sld [smem:$0x3FB6]  }
0x2d: {  	s3 =	simm.s32 $0x108;
	s8 =	sld [smem:$0x3FB7]  }
0x2e: {  	s3 =	simm.s32 @!p0 $0x1082;
	s9 =	sld [smem:$0x3FB8]  }
0x2f: {  	lr =	sadd.s32 s0, s3;
	s0 =	sld [smem:$0x3FAF]  }
0x30: {  	s3 =	sld [smem:$0x3FB2]  }
0x31: {  	[smem:$0x3FBB] =	sst s10  }
0x32: {  	s10 =	sld [smem:$0x3FB9];
	_ =	sdelay $0x3  }
0x33: {  	p0 =	seq.s32 s10, $0x1;
	s10 =	sld [smem:$0x3FBB];
	_ =	sdelay $0x3  }
0x34: {  	[smem:$0x3FBB] =	sst s10  }
0x35: {  	s10 =	sld [smem:$0x3FBA];
	_ =	sdelay $0x3  }
0x36: {  	p1 =	seq.s32 s10, $0x1;
	s10 =	sld [smem:$0x3FBB];
	_ =	sdelay $0x3  }
0x37: {  	[smem:$0x3FBB] =	sst s10  }
0x38: {  	s10 =	sld [smem:$0x3FBC]  }
0x39: {  	_ = 	snop;
	(pc) =	sbr.ind lr, $3  }
0x3a: {  	_ = 	snop  }
0x3b: {  	_ = 	snop  }
0x3c: {  	p2 =	seq.s32 s10, $0x1;
	s10 =	sld [smem:$0x3FBB]  }
0x3d: {  	_ =	shalt  }
0x3e: {  	_ =	shalt  }
0x3f: {  	_ =	shalt  }
0x40: {  	_ =	shalt  }
0x41: {  	_ =	shalt  }
0x42: {  	_ =	shalt  }
0x43: {  	_ =	shalt  }
0x44: {  	_ =	shalt  }
0x45: {  	_ =	shalt  }
0x46: {  	_ =	shalt  }
0x47: {  	_ =	shalt  }
0x48: {  	_ =	shalt  }
0x49: {  	_ =	shalt  }
0x4a: {  	_ =	shalt  }
0x4b: {  	_ =	shalt  }
0x4c: {  	_ =	shalt  }
0x4d: {  	_ =	shalt  }
0x4e: {  	_ =	shalt  }
0x4f: {  	_ =	shalt  }
0x50: {  	_ =	shalt  }
0x51: {  	_ =	shalt  }
0x52: {  	_ =	shalt  }
0x53: {  	_ =	shalt  }
0x54: {  	_ =	shalt  }
0x55: {  	_ =	shalt  }
0x56: {  	_ =	shalt  }
0x57: {  	_ =	shalt  }
0x58: {  	_ =	shalt  }
0x59: {  	_ =	shalt  }
0x5a: {  	_ =	shalt  }
0x5b: {  	_ =	shalt  }
0x5c: {  	_ =	shalt  }
0x5d: {  	_ =	shalt  }
0x5e: {  	_ =	shalt  }
0x5f: {  	_ =	shalt  }
0x60: {  	_ =	shalt  }
0x61: {  	_ =	shalt  }
0x62: {  	_ =	shalt  }
0x63: {  	_ =	shalt  }
0x64: {  	_ =	shalt  }
0x65: {  	_ =	shalt  }
0x66: {  	_ =	shalt  }
0x67: {  	_ =	shalt  }
0x68: {  	_ =	shalt  }
0x69: {  	_ =	shalt  }
0x6a: {  	_ =	shalt  }
0x6b: {  	_ =	shalt  }
0x6c: {  	_ =	shalt  }
0x6d: {  	_ =	shalt  }
0x6e: {  	_ =	shalt  }
0x6f: {  	_ =	shalt  }
0x70: {  	_ =	shalt  }
0x71: {  	_ =	shalt  }
0x72: {  	_ =	shalt  }
0x73: {  	_ =	shalt  }
0x74: {  	_ =	shalt  }
0x75: {  	_ =	shalt  }
0x76: {  	_ =	shalt  }
0x77: {  	_ =	shalt  }
0x78: {  	_ =	shalt  }
0x79: {  	_ =	shalt  }
0x7a: {  	_ =	shalt  }
0x7b: {  	_ =	shalt  }
0x7c: {  	_ =	shalt  }
0x7d: {  	_ =	shalt  }
0x7e: {  	_ =	shalt  }
0x7f: {  	_ =	shalt  }
0x80: {  	_ =	shalt  }
0x81: {  	_ =	shalt  }
0x82: {  	_ =	shalt  }
0x83: {  	_ =	shalt  }
0x84: {  	_ =	shalt  }
0x85: {  	_ =	shalt  }
0x86: {  	_ =	shalt  }
0x87: {  	_ =	shalt  }
.Lfunc_end0:
.L_simem_size_0:
called_computation_lowered:
.L_overlay_start_0:
0x88: {  	s2 =	sld [smem:$0x3FD9]  }
0x89: {  	s3 =	sld [smem:$0x3FFE];
	_ =	sdelay $0x1  }
0x8a: {  	s1 =	srdreg.scid  }
0x8b: {  	s0 =	sand.u32 $0x1, s1  }
0x8c: {  	s18 =	sshll.u32 s0, $0xA;
	s2 =	sadd.s32 s3, s2  }
0x8d: {  	s2 =	sadd.s32 s2, s18  }
0x8e: {  	[smem:$0x3FC7] =	sst s2  }
0x8f: {  	_ = 	snop  }
0x90: {  	s2 =	sld [smem:$0x3FC9]  }
0x91: {  	s19 =	sld [smem:$0x3FD0];
	(tm) =	ssettm $0x1  }
0x92: {  	s4 =	sld [smem:$0x3FFB];
	_ =	sdelay $0x3  }
0x93: {  	_ =	strace s4  }
0x94: {  	s4 =	sld [smem:$0x3FFC];
	_ =	sdelay $0x3  }
0x95: {  	_ =	strace s4  }
0x96: {  	s4 =	sld [smem:$0x3FFD];
	_ =	sdelay $0x3  }
0x97: {  	_ =	strace s4  }
0x98: {  	_ =	strace $0x8FFFFFFF  }
0x99: {  	s20 =	sld [smem:$0x3FDB];
	_ =	sdelay $0x1  }
0x9a: {  	s5 =	simm.s32 $_scs_section_size  }
0x9b: {  	s6 =	simm.s32 $_size__tile_overlayer_lowered;
	s7 =	simm.s32 $_tile_overlayer_lowered  }
0x9c: {  	s23 =	simm.s32 $0x1BFF;
	s22 =	sshll.u32 s7, $0x1;
	s4 =	sadd.s32 s5, s20  }
0x9d: {  	s8 =	simm.s32 $0x0;
	s21 =	sshll.u32 s6, $0x1;
	s6 =	sadd.s32 s22, s4  }
0x9e: {  	[timem:s8], [sflag:s23] =	dma.local [hbm:s6], s21  }
0x9f: {  	_ =	swait.ge [sflag:s23], s21  }
0xa0: {  	s5 =	ssub.s32 $0x0, s21;
	[sflag:s23] =	ssyncset.done $0x0  }
0xa1: {  	[sflag:s23] =	ssyncadd.s32 s5;
	_ =	sdelay $0x1  }
0xa2: {  	s24 =	simm.s32 $0x1B8B  }
0xa3: {  	_ =	swait.ge [sflag:s24], $0x1  }
0xa4: {  	[sflag:s24] =	ssyncset.done $0x0  }
0xa5: {  	s25 =	simm.s32 $0x1B8E;
	[sflag:s24] =	ssyncadd.s32 $0xFFFFFFFF  }
0xa6: {  	s26 =	simm.s32 $execute0_lowered;
	[smem:$0x3FD2] =	sst s25  }
0xa7: {  	s5 =	sshll.u32 s26, $0x1;
	_ =	strace $0x80000046;
	[dreg:$0x1] =	wrdreg $0xFFFFFFFF  }
0xa8: {  	s28 =	simm.s32 $_size_execute0_lowered;
	s4 =	sadd.s32 s4, s5;
	[dreg:$0x0] =	wrdreg $0x0  }
0xa9: {  	s5 =	sshll.u32 s28, $0x1;
	[dreg:$0x2] =	wrdreg s4  }
0xaa: {  	[dreg:$0x3] =	wrdreg s5  }
0xab: {  	[dreg:$0x4] =	wrdreg $0xC0  }
0xac: {  	_ =	task [dreg:s8], $0x5FFFF  }
0xad: {  	[dreg:$0x1] =	wrdreg $0xFFFFFFFF  }
0xae: {  	[dreg:$0x0] =	wrdreg $0x60  }
0xaf: {  	[dreg:$0x2] =	wrdreg s2  }
0xb0: {  	[dreg:$0x3] =	wrdreg s19  }
0xb1: {  	[dreg:$0x4] =	wrdreg $0x9  }
0xb2: {  	_ =	task.clear_ibuf [dreg:s8], $0x5FFFF;
	_ =	strace $0x90000046  }
0xb3: {  	s29 =	simm.s32 $0x9;
	_ =	strace $0x80000048  }
0xb4: {  	_ =	swait.ge [sflag:s29], $0x1  }
0xb5: {  	[sflag:s29] =	ssyncadd.s32 $0xFFFFFFFF  }
0xb6: {  	_ =	strace $0x90000048  }
0xb7: {  	_ =	sfence  }
0xb8: {  	s30 =	sld [smem:$0x0];
	_ =	sdelay $0x2  }
0xb9: {  	s31 =	sshll.u32 s1, $0xD;
	s1 =	sshrl.u32 s1, $0x2  }
0xba: {  	s3 =	sand.u32 $0x4000, s31;
	s1 =	sadd.s32 s1, s30  }
0xbb: {  	s0 =	sor.u32 s3, s0;
	s1 =	sshll.u32 s1, $0x11  }
0xbc: {  	s0 =	sor.u32 s1, s0  }
0xbd: {  	s0 =	sadd.s32 $0x8F2B, s0  }
0xbe: {  	[sflag:s0] =	ssyncadd.remote.s32 $0x1  }
0xbf: {  	_ =	sfence.sel $0xFFFF  }
0xc0: {  	[dreg:$0x0] =	wrdreg $0xFFFFFFFF;
	(pc) =	sbr.abs _section_cstart, $3  }
0xc1: {  	[dreg:$0x1] =	wrdreg $0xFFFFFFFF  }
0xc2: {  	_ =	task.clear_ibuf [dreg:s8], $0x2FFFF;
	_ =	strace $0x9FFFFFFF  }
0xc3: {  	(tm) =	ssettm $0x7FFFFFFF  }
tec
execute0_lowered:
.L_overlay_start_1:
0x0: {  	(tag) =	ssettag $0x1  }
0x1: {  	v0 =	vimm.s32 $0xFEDCBA98;
	v1 =	vimm.s32 $0x76543210;
	v2 =	vimm.s32 $0xBA98FEDC  }
0x2: {  	v3 =	vimm.s32 $0x32107654;
	v4 =	vimm.s32 $0xDCFE98BA;
	v5 =	vimm.s32 $0x54761032  }
0x3: {  	v6 =	vimm.s32 $0xEFCDAB89;
	v7 =	vimm.s32 $0x67452301;
	v8 =	vimm.s32 $0x80402010  }
0x4: {  	vm0 =	vmmov $0x1;
	v0 =	vunpack.c.l.s4.s8 v0;
	v1 =	vunpack.c.l.s4.s8 v1  }
0x5: {  	v2 =	vunpack.c.l.s4.s8 v2;
	v3 =	vunpack.c.l.s4.s8 v3;
	v4 =	vunpack.c.l.s4.s8 v4  }
0x6: {  	v5 =	vunpack.c.l.s4.s8 v5;
	v6 =	vunpack.c.l.s4.s8 v6;
	v7 =	vunpack.c.l.s4.s8 v7  }
0x7: {  	v0 =	vunpack.c.0.s8.s32 v0;
	v1 =	vunpack.c.0.s8.s32 v1;
	v2 =	vunpack.c.0.s8.s32 v2  }
0x8: {  	v3 =	vunpack.c.0.s8.s32 v3;
	v4 =	vunpack.c.0.s8.s32 v4;
	v5 =	vunpack.c.0.s8.s32 v5  }
0x9: {  	v6 =	vunpack.c.0.s8.s32 v6;
	v7 =	vunpack.c.0.s8.s32 v7;
	v0 =	vand.u32 $0xF, v0  }
0xa: {  	vm1 =	vcmask $0xF00;
	v0 =	vcombine.low v0, v1;
	v1 =	vcombine.low v3, v2  }
0xb: {  	v3 =	vcombine.low v5, v4;
	v4 =	vcombine.low v7, v6;
	v7 =	vimm.s32 $0x8040201  }
0xc: {  	vm2 =	vcmask $0x1F10;
	v8 =	vunpack.c.0.s8.s32 v8;
	v9 =	vunpack.c.0.s8.s32 v7  }
0xd: {  	vm3 =	vcmask $0x2320;
	vm4 =	vcmask $0x2724;
	vm5 =	vcmask $0x2B28  }
0xe: {  	vm6 =	vcmask $0x2F2C;
	v8 =	vand.u32 $0xFF, v8;
	v9 =	vnsel vm1, $0x8000, v9  }
0xf: {  	s0 =	rddreg [dreg:$0x0];
	vm7 =	vcmask $0x3330;
	vm8 =	vcmask $0x3734;
	v8 =	vsel vm2, v8, v9  }
0x10: {  	s2 =	rddreg [dreg:$0x1];
	s4 =	srdreg.scid;
	v10 =	vimm.f32 $-1.000000000e+09;
	v2 =	vimm.f32 $0.0e+00;
	v8 =	vsel vm3, $0x100, v8  }
0x11: {  	s3 =	simm.s32 $0x0;
	s1 =	stileid.u32;
	s9 =	simm.s32 $0x1;
	v5 =	vand.u32 $0xF, v1;
	v6 =	vand.u32 $0xF, v3;
	v8 =	vsel vm4, $0x200, v8  }
.Ltmp0:
0x12: {  	s10 =	simm.f32 $5.000000000e-01;
	s5 =	sand.u32 $0x1, s4;
	v7 =	vand.u32 $0xF, v4;
	vm1 =	vcmask $0x320;
	v8 =	vsel vm5, $0x400, v8;
	(pc) =	sbr.rel .LBB2_1-.Ltmp0, $4  }
0x13: {  	s11 =	simm.s32 $0x8000;
	[smem:$0x7FF] =	sst s3;
	s6 =	ssub.s32 $0x2, s5;
	vm2 =	vcmask $0x720;
	v9 =	vimm.s32 $0x400;
	v8 =	vsel vm6, $0x800, v8  }
0x14: {  	s8 =	sshll.u32 s1, $0xF;
	s5 =	sshll.u32 s5, $0x6;
	s7 =	sshrl.u32 s6, $0x1;
	vm3 =	vcmask $0xB20;
	vm4 =	vcmask $0xF20;
	v8 =	vsel vm7, $0x1000, v8  }
0x15: {  	_ =	strace $0x80000047;
	s5 =	sor.u32 s8, s5;
	s6 =	ssub.s32 s6, s7;
	vm5 =	vcmask $0x1320;
	v8 =	vsel vm8, $0x2000, v8;
	vm8 =	vcmask $0x3B38  }
0x16: {  	s8 =	simm.s32 $0x400;
	s7 =	simm.s32 $0x80;
	s6 =	smax.u32 s6, $0x1;
	vm6 =	vcmask $0x1720;
	vm7 =	vcmask $0x1B20;
	v8 =	vsel vm8, $0x4000, v8  }
.LBB2_27:
0x17: {  	s3 =	sadd.s32 $0x1, s3  }
0x18: {  	p0 =	sne.s32 s3, s6  }
.Ltmp1:
0x19: {  	_ = 	snop;
	(pc) =	sbr.rel @!p0 .LBB2_28-.Ltmp1, $1  }
0x1a: {  	_ =	sdelay $0x3  }
.LBB2_1:
0x1b: {  	s13 =	simm.s32 $0x0;
	s12 =	simm.s32 $0x200  }
.LBB2_2:
0x1c: {  	p0 =	sne.s32 s12, $0x1FE00;
	[tilespmem:s13+$0x8070] =	vst v2  }
0x1d: {  	[tilespmem:s13+$0x8000] =	vst v2  }
0x1e: {  	[tilespmem:s13+$0x8010] =	vst v2  }
.Ltmp2:
0x1f: {  	[tilespmem:s13+$0x8020] =	vst v2;
	(pc) =	sbr.rel @p0 .LBB2_2-.Ltmp2, $4  }
0x20: {  	[tilespmem:s13+$0x8030] =	vst v2  }
0x21: {  	[tilespmem:s13+$0x8040] =	vst v2  }
0x22: {  	[tilespmem:s13+$0x8050] =	vst v2  }
0x23: {  	[tilespmem:s13+$0x8060] =	vst v2;
	s13 =	sshra.s32 s12, $0x2;
	s12 =	sadd.s32 $0x200, s12  }
0x24: {  	[tilespmem:s13+$0x8070] =	vst v2  }
0x25: {  	[tilespmem:s13+$0x8000] =	vst v2  }
0x26: {  	[tilespmem:s13+$0x8010] =	vst v2  }
.Ltmp3:
0x27: {  	[tilespmem:s13+$0x8020] =	vst v2;
	(pc) =	sbr.rel .LBB2_4-.Ltmp3, $4  }
0x28: {  	[tilespmem:s13+$0x8030] =	vst v2  }
0x29: {  	[tilespmem:s13+$0x8040] =	vst v2  }
0x2a: {  	[tilespmem:s13+$0x8050] =	vst v2  }
0x2b: {  	s12 =	simm.s32 $0x0;
	[tilespmem:s13+$0x8060] =	vst v2;
	s13 =	simm.s32 $0x0  }
.LBB2_25:
0x2c: {  	s1 =	sadd.s32 s2, s14  }
0x2d: {  	[hbm4b:s1+s7] =	stream.strided.scatter [tilespmem:s11], [sflag:$0x1], $0x8000, s8, s7, $0x38;
	[tilespmem:$0x18700] =	vst v63  }
0x2e: {  	_ =	swait.ge [sflag:s9], $0x8000  }
0x2f: {  	[sflag:s9] =	ssyncset.done $0x0  }
0x30: {  	[sflag:s9] =	ssyncadd.s32 $0xFFFF8000  }
.LBB2_26:
0x31: {  	s13 =	sadd.s32 $0x1, s13  }
0x32: {  	p0 =	sne.s32 s13, $0x4  }
.Ltmp4:
0x33: {  	_ = 	snop;
	(pc) =	sbr.rel @!p0 .LBB2_27-.Ltmp4, $1  }
0x34: {  	_ =	sdelay $0x3  }
.LBB2_4:
0x35: {  	s14 =	sshll.u32 s13, $0x4  }
0x36: {  	s14 =	sadd.s32 s5, s14  }
0x37: {  	s15 =	sadd.s32 s0, s14  }
0x38: {  	[tilespmem:s12], [sflag:$0x1] =	stream.strided.gather [hbm4b:s15+s7], $0x8000, s8, s7, $0x38;
	[tilespmem:$0x18700] =	vst v63  }
0x39: {  	_ =	swait.ge [sflag:s9], $0x8000  }
0x3a: {  	[sflag:s9] =	ssyncset.done $0x0  }
0x3b: {  	s16 =	simm.s32 $0x0;
	[sflag:s9] =	ssyncadd.s32 $0xFFFF8000  }
0x3c: {  	v11 =	vld [tilespmem:s16+$0x0]  }
0x3d: {  	v15 =	vld [tilespmem:s16+$0x10]  }
0x3e: {  	v17 =	vld [tilespmem:s16+$0x20]  }
0x3f: {  	v14 =	vld [tilespmem:s16+$0x30]  }
0x40: {  	v12 =	vld [tilespmem:s16+$0x40]  }
0x41: {  	v13 =	vld [tilespmem:s16+$0x50];
	v18 =	vmul.f32 $5.000000000e-01, v11  }
0x42: {  	v19 =	vimm.f32 $-Inf;
	v11 =	vld [tilespmem:s16+$0x60];
	v16 =	vmul.f32 $5.000000000e-01, v15  }
0x43: {  	s17 =	simm.s32 $0x400;
	s15 =	simm.s32 $0x80;
	v17 =	vmul.f32 $5.000000000e-01, v17;
	v15 =	vld [tilespmem:s16+$0x70];
	[tilespmem:s16+$0x0] =	vst v18;
	v18 =	vmax.f32 v19, v18  }
.LBB2_5:
0x44: {  	p0 =	sne.s32 s17, $0x1FE00;
	v19 =	vld [tilespmem:s15+$0x0];
	[tilespmem:s16+$0x10] =	vst v16;
	v16 =	vmax.f32 v18, v16;
	v14 =	vmul.f32 $5.000000000e-01, v14  }
0x45: {  	v18 =	vld [tilespmem:s15+$0x10];
	[tilespmem:s16+$0x20] =	vst v17;
	v16 =	vmax.f32 v16, v17;
	v12 =	vmul.f32 $5.000000000e-01, v12  }
0x46: {  	v17 =	vld [tilespmem:s15+$0x20];
	[tilespmem:s16+$0x30] =	vst v14;
	v16 =	vmax.f32 v16, v14;
	v13 =	vmul.f32 $5.000000000e-01, v13  }
.Ltmp5:
0x47: {  	v14 =	vld [tilespmem:s15+$0x30];
	[tilespmem:s16+$0x40] =	vst v12;
	v16 =	vmax.f32 v16, v12;
	v11 =	vmul.f32 $5.000000000e-01, v11;
	(pc) =	sbr.rel @p0 .LBB2_5-.Ltmp5, $4  }
0x48: {  	v12 =	vld [tilespmem:s15+$0x40];
	[tilespmem:s16+$0x50] =	vst v13;
	v16 =	vmax.f32 v16, v13;
	v15 =	vmul.f32 $5.000000000e-01, v15  }
0x49: {  	v19 =	vmul.f32 $5.000000000e-01, v19;
	v13 =	vld [tilespmem:s15+$0x50];
	[tilespmem:s16+$0x60] =	vst v11;
	v20 =	vmax.f32 v16, v11  }
0x4a: {  	v16 =	vmul.f32 $5.000000000e-01, v18;
	v11 =	vld [tilespmem:s15+$0x60];
	[tilespmem:s16+$0x70] =	vst v15;
	v15 =	vmax.f32 v20, v15;
	s16 =	smov.u32 s15  }
0x4b: {  	s15 =	sshra.s32 s17, $0x2;
	s17 =	sadd.s32 $0x200, s17;
	[tilespmem:s16+$0x0] =	vst v19;
	v18 =	vmax.f32 v15, v19;
	v17 =	vmul.f32 $5.000000000e-01, v17;
	v15 =	vld [tilespmem:s16+$0x70]  }
0x4c: {  	v19 =	vld [tilespmem:s15+$0x0];
	[tilespmem:s16+$0x10] =	vst v16;
	v14 =	vmul.f32 $5.000000000e-01, v14;
	v16 =	vmax.f32 v18, v16  }
0x4d: {  	v20 =	vld [tilespmem:s15+$0x10];
	[tilespmem:s16+$0x20] =	vst v17;
	v12 =	vmul.f32 $5.000000000e-01, v12;
	v16 =	vmax.f32 v16, v17  }
0x4e: {  	v21 =	vld [tilespmem:s15+$0x20];
	[tilespmem:s16+$0x30] =	vst v14;
	v13 =	vmul.f32 $5.000000000e-01, v13;
	v14 =	vmax.f32 v16, v14  }
0x4f: {  	v22 =	vld [tilespmem:s15+$0x30];
	[tilespmem:s16+$0x40] =	vst v12;
	v11 =	vmul.f32 $5.000000000e-01, v11;
	v12 =	vmax.f32 v14, v12  }
0x50: {  	v18 =	vld [tilespmem:s15+$0x40];
	[tilespmem:s16+$0x50] =	vst v13;
	v14 =	vmul.f32 $5.000000000e-01, v15;
	v12 =	vmax.f32 v12, v13  }
0x51: {  	v16 =	vld [tilespmem:s15+$0x50];
	[tilespmem:s16+$0x60] =	vst v11;
	v13 =	vmul.f32 $5.000000000e-01, v19;
	v11 =	vmax.f32 v12, v11  }
0x52: {  	v15 =	vld [tilespmem:s15+$0x60];
	[tilespmem:s16+$0x70] =	vst v14;
	v12 =	vmul.f32 $5.000000000e-01, v20;
	v11 =	vmax.f32 v11, v14  }
0x53: {  	[tilespmem:s15+$0x0] =	vst v13;
	v11 =	vmax.f32 v11, v13;
	v13 =	vmul.f32 $5.000000000e-01, v21;
	v14 =	vld [tilespmem:s15+$0x70]  }
0x54: {  	v11 =	vmax.f32 v11, v12;
	v17 =	vmul.f32 $5.000000000e-01, v22  }
0x55: {  	v11 =	vmax.f32 v11, v13;
	v18 =	vmul.f32 $5.000000000e-01, v18  }
0x56: {  	v11 =	vmax.f32 v11, v17;
	v16 =	vmul.f32 $5.000000000e-01, v16  }
0x57: {  	v11 =	vmax.f32 v11, v18;
	v15 =	vmul.f32 $5.000000000e-01, v15  }
0x58: {  	v11 =	vmax.f32 v11, v16;
	v14 =	vmul.f32 $5.000000000e-01, v14  }
0x59: {  	v11 =	vmax.f32 v11, v15  }
0x5a: {  	v11 =	vmax.f32 v11, v14  }
0x5b: {  	v19 =	vperm.xlane v11, v0;
	_ =	sdelay $0x1  }
0x5c: {  	v11 =	vmax.f32 v11, v19  }
0x5d: {  	v19 =	vperm.xlane v11, v1;
	_ =	sdelay $0x1  }
0x5e: {  	v11 =	vmax.f32 v11, v19  }
0x5f: {  	v19 =	vperm.xlane v11, v3;
	_ =	sdelay $0x1  }
0x60: {  	v11 =	vmax.f32 v11, v19  }
0x61: {  	v19 =	vperm.xlane v11, v4  }
0x62: {  	[tilespmem:s15+$0x10] =	vst v12  }
0x63: {  	[tilespmem:s15+$0x20] =	vst v13;
	v11 =	vmax.f32 v11, v19  }
0x64: {  	[tilespmem:s15+$0x30] =	vst v17;
	(v2sf) =	vpush v11, $0x0  }
0x65: {  	[tilespmem:s15+$0x40] =	vst v18  }
0x66: {  	[tilespmem:s15+$0x50] =	vst v16  }
0x67: {  	[tilespmem:s15+$0x60] =	vst v15  }
0x68: {  	s16 =	simm.s32 $0x70;
	[tilespmem:s15+$0x70] =	vst v14  }
0x69: {  	v23 =	vld [tilespmem:s16+$0xFFFFFFA0]  }
0x6a: {  	v24 =	vld [tilespmem:s16+$0xFFFFFF90]  }
0x6b: {  	v20 =	vld [tilespmem:s16+$0xFFFFFFC0]  }
0x6c: {  	v21 =	vld [tilespmem:s16+$0xFFFFFFB0]  }
0x6d: {  	v17 =	vld [tilespmem:s16+$0xFFFFFFE0]  }
0x6e: {  	v19 =	vld [tilespmem:s16+$0xFFFFFFD0]  }
0x6f: {  	v12 =	vld [tilespmem:s16+$0x20];
	v13 =	vmax.f32 v24, v23  }
0x70: {  	s17 =	simm.s32 $0xA0;
	v14 =	vld [tilespmem:s16+$0x10];
	v15 =	vperm.xlane v13, v0  }
0x71: {  	s18 =	sor.u32 $0x30, s17;
	v25 =	vmax.f32 v21, v20  }
0x72: {  	v28 =	vperm.xlane v25, v0;
	v22 =	vmax.f32 v13, v15;
	v13 =	vld [tilespmem:s18+$0x0]  }
0x73: {  	v15 =	vld [tilespmem:s16+$0x30];
	v26 =	vperm.xlane v22, v5;
	v31 =	vmax.f32 v19, v17;
	s31 =	spop (v2sf)  }
0x74: {  	s21 =	simm.s32 $0xE0;
	s22 =	simm.s32 $0xF;
	v25 =	vmax.f32 v25, v28;
	v32 =	vperm.xlane v31, v0;
	s15 =	sadd.f32 $-1.000000000e+00, s31  }
0x75: {  	s23 =	simm.s32 $0x0;
	s20 =	simm.s32 $0x70;
	s19 =	simm.s32 $0xE0;
	v18 =	vld [tilespmem:s16+$0x0];
	v30 =	vperm.xlane v25, v5;
	v27 =	vmax.f32 v22, v26;
	v26 =	vmax.f32 v14, v12  }
0x76: {  	s17 =	simm.s32 $0x0;
	s18 =	simm.s32 $0xC0;
	v22 =	vld [tilespmem:s16+$0xFFFFFFF0];
	v29 =	vperm.xlane v27, v6;
	v28 =	vmax.f32 v31, v32;
	v16 =	vmov s15;
	s15 =	simm.s32 $0x7  }
.LBB2_7:
0x77: {  	p0 =	sne.s32 s22, $0x3FF;
	v31 =	vperm.xlane v28, v5;
	s21 =	sadd.s32 $0x100, s21;
	s16 =	sadd.s32 $0x100, s16  }
0x78: {  	v32 =	vperm.xlane v26, v0;
	s24 =	smov.u32 s22;
	s22 =	sadd.s32 $0x8, s22;
	s25 =	sadd.s32 $0xFFFFFFE0, s21;
	v30 =	vmax.f32 v25, v30;
	v33 =	vmax.f32 v15, v13;
	v25 =	vld [tilespmem:s20+$0x70]  }
0x79: {  	v29 =	vmax.f32 v27, v29;
	v27 =	vperm.xlane v30, v6;
	v28 =	vmax.f32 v28, v31  }
0x7a: {  	s26 =	sor.u32 $0x50, s18;
	v31 =	vperm.xlane v29, v7;
	v32 =	vmax.f32 v26, v32;
	s18 =	smov.u32 s25;
	v34 =	vperm.xlane v28, v6  }
0x7b: {  	v35 =	vperm.xlane v33, v0;
	v30 =	vmax.f32 v30, v27;
	v27 =	vperm.xlane v32, v5;
	v26 =	vld [tilespmem:s26+$0x0]  }
0x7c: {  	v37 =	vmax.f32 v22, v18;
	s25 =	sor.u32 $0x70, s19;
	s19 =	smov.u32 s21;
	v36 =	vperm.xlane v30, v7;
	v34 =	vmax.f32 v28, v34;
	v28 =	vld [tilespmem:s20+$0x50];
	s20 =	smov.u32 s16  }
0x7d: {  	v39 =	vperm.xlane v37, v0;
	v38 =	vperm.xlane v34, v7;
	v32 =	vmax.f32 v32, v27;
	v27 =	vld [tilespmem:s25+$0x0]  }
0x7e: {  	v29 =	vmax.f32 v29, v31;
	v30 =	vmax.f32 v30, v36;
	v31 =	vperm.xlane v32, v6  }
0x7f: {  	v33 =	vmax.f32 v33, v35;
	v36 =	vmax.f32 v37, v39;
	v34 =	vmax.f32 v34, v38  }
0x80: {  	v35 =	vperm.xlane v36, v5;
	v31 =	vmax.f32 v32, v31;
	v32 =	vperm.xlane v33, v5  }
0x81: {  	v29 =	vnsel vm0, $0xFF800000, v29;
	v37 =	vperm.xlane v31, v7;
	v38 =	vmax.f32 v28, v26  }
0x82: {  	v35 =	vmax.f32 v36, v35;
	v32 =	vmax.f32 v33, v32;
	v33 =	vmax.f32 v25, v27  }
0x83: {  	v36 =	vperm.xlane v38, v0;
	v31 =	vmax.f32 v31, v37;
	v37 =	vperm.xlane v33, v0  }
0x84: {  	v29 =	vsel vm1, v29, v30;
	v30 =	vperm.xlane v35, v6;
	v39 =	vperm.xlane v32, v6  }
0x85: {  	v29 =	vsel vm2, v29, v34;
	v34 =	vmax.f32 v38, v36;
	v33 =	vmax.f32 v33, v37  }
0x86: {  	v30 =	vmax.f32 v35, v30;
	v35 =	vperm.xlane v34, v5;
	v36 =	vperm.xlane v33, v5  }
0x87: {  	v37 =	vperm.xlane v30, v7;
	v32 =	vmax.f32 v32, v39  }
0x88: {  	v38 =	vperm.xlane v32, v7;
	v34 =	vmax.f32 v34, v35;
	v33 =	vmax.f32 v33, v36  }
0x89: {  	v30 =	vmax.f32 v30, v37;
	v35 =	vperm.xlane v34, v6;
	v36 =	vperm.xlane v33, v6  }
0x8a: {  	v29 =	vsel vm3, v29, v30;
	v30 =	vmax.f32 v32, v38  }
0x8b: {  	v29 =	vsel vm4, v29, v31;
	v31 =	vmax.f32 v34, v35;
	v32 =	vmax.f32 v33, v36  }
0x8c: {  	v33 =	vperm.xlane v31, v7;
	v34 =	vperm.xlane v32, v7;
	_ =	sdelay $0x1  }
0x8d: {  	v29 =	vsel vm5, v29, v30;
	v30 =	vmax.f32 v31, v33;
	v31 =	vmax.f32 v32, v34  }
0x8e: {  	v29 =	vsel vm6, v29, v30  }
0x8f: {  	v29 =	vsel vm7, v29, v31  }
0x90: {  	vm8 =	vgt.f32 v29, v16  }
0x91: {  	v29 =	vnsel vm8, $0x0, v8  }
0x92: {  	v30 =	vperm.xlane v29, v0;
	_ =	sdelay $0x1  }
0x93: {  	v29 =	vadd.s32 v30, v29  }
0x94: {  	v30 =	vperm.xlane v29, v5;
	_ =	sdelay $0x1  }
0x95: {  	v29 =	vadd.s32 v30, v29  }
0x96: {  	v30 =	vperm.xlane v29, v6;
	_ =	sdelay $0x1  }
0x97: {  	v29 =	vadd.s32 v30, v29  }
0x98: {  	v30 =	vperm.xlane v29, v7;
	_ =	sdelay $0x1  }
0x99: {  	v29 =	vadd.s32 v30, v29  }
0x9a: {  	(v2sf) =	vpush v29, $0x0;
	_ =	sdelay $0xd  }
0x9b: {  	s25 =	sadd.s32 $0xFFFFFFF9, s15  }
0x9c: {  	s23 =	sshra.s32 s23, $0x2;
	s26 =	sadd.s32 $0xFFFFFFFA, s15;
	v29 =	vmov s25;
	s25 =	spop (v2sf)  }
0x9d: {  	[tilespmem:s17+$0x18280] =	vst v29;
	s28 =	sand.u32 $0x1, s25;
	s29 =	sshrl.u32 s25, $0x1;
	s30 =	sshrl.u32 s25, $0x2  }
0x9e: {  	[tilespmem:s23+$0x10080] =	vst v24;
	s17 =	sadd.s32 s17, s28;
	s28 =	sand.u32 $0x1, s29;
	s29 =	sshrl.u32 s25, $0x3  }
0x9f: {  	[tilespmem:s23+$0x10090] =	vst v23;
	v23 =	vmov s26;
	s23 =	sshll.u32 s17, $0x7;
	s26 =	sadd.s32 s28, s17;
	s28 =	sshrl.u32 s25, $0x4  }
0xa0: {  	s31 =	sshrl.u32 s25, $0x5;
	[tilespmem:s17+$0x18280] =	vst v23;
	s17 =	sshra.s32 s23, $0x2;
	s23 =	sshll.u32 s26, $0x7  }
0xa1: {  	s1 =	sadd.s32 $0xFFFFFFFB, s15;
	s4 =	sshrl.u32 s25, $0x6;
	s25 =	sshrl.u32 s25, $0x7;
	[tilespmem:s17+$0x10080] =	vst v21  }
0xa2: {  	[tilespmem:s17+$0x10090] =	vst v20;
	v20 =	vmov s1  }
0xa3: {  	s1 =	sshra.s32 s23, $0x2;
	s17 =	sand.u32 $0x1, s30;
	[tilespmem:s26+$0x18280] =	vst v20  }
0xa4: {  	s23 =	sadd.s32 $0xFFFFFFFC, s15;
	s17 =	sadd.s32 s17, s26;
	[tilespmem:s1+$0x10080] =	vst v19  }
0xa5: {  	[tilespmem:s1+$0x10090] =	vst v17;
	v17 =	vmov s23;
	s1 =	sshll.u32 s17, $0x7  }
0xa6: {  	s23 =	sand.u32 $0x1, s29;
	[tilespmem:s17+$0x18280] =	vst v17;
	s1 =	sshra.s32 s1, $0x2  }
0xa7: {  	s26 =	sadd.s32 $0xFFFFFFFD, s15;
	s17 =	sadd.s32 s23, s17;
	[tilespmem:s1+$0x10090] =	vst v18  }
0xa8: {  	v17 =	vmov s26;
	[tilespmem:s1+$0x10080] =	vst v22;
	s1 =	sshll.u32 s17, $0x7  }
0xa9: {  	s23 =	sand.u32 $0x1, s28;
	[tilespmem:s17+$0x18280] =	vst v17;
	s1 =	sshra.s32 s1, $0x2  }
0xaa: {  	s26 =	sadd.s32 $0xFFFFFFFE, s15;
	s17 =	sadd.s32 s23, s17;
	[tilespmem:s1+$0x10080] =	vst v14  }
0xab: {  	[tilespmem:s1+$0x10090] =	vst v12;
	v12 =	vmov s26;
	s1 =	sshll.u32 s17, $0x7  }
0xac: {  	s23 =	sand.u32 $0x1, s31;
	[tilespmem:s17+$0x18280] =	vst v12;
	s1 =	sshra.s32 s1, $0x2  }
0xad: {  	s26 =	sadd.s32 $0xFFFFFFFF, s15;
	s17 =	sadd.s32 s23, s17;
	[tilespmem:s1+$0x10080] =	vst v15  }
0xae: {  	v12 =	vmov s26;
	[tilespmem:s1+$0x10090] =	vst v13;
	s1 =	sshll.u32 s17, $0x7  }
0xaf: {  	s4 =	sand.u32 $0x1, s4;
	[tilespmem:s17+$0x18280] =	vst v12;
	s1 =	sshra.s32 s1, $0x2  }
0xb0: {  	s4 =	sadd.s32 s4, s17;
	s17 =	sand.u32 $0x1, s25;
	[tilespmem:s1+$0x10080] =	vst v28  }
0xb1: {  	v12 =	vmov s15;
	s15 =	smov.u32 s24;
	s17 =	sadd.s32 s17, s4;
	[tilespmem:s1+$0x10090] =	vst v26;
	s1 =	sshll.u32 s4, $0x7  }
0xb2: {  	s23 =	sshll.u32 s17, $0x7;
	[tilespmem:s4+$0x18280] =	vst v12;
	s1 =	sshra.s32 s1, $0x2  }
0xb3: {  	[tilespmem:s1+$0x10080] =	vst v25  }
0xb4: {  	[tilespmem:s1+$0x10090] =	vst v27  }
0xb5: {  	v23 =	vld [tilespmem:s16+$0xFFFFFFA0]  }
0xb6: {  	v24 =	vld [tilespmem:s16+$0xFFFFFF90]  }
0xb7: {  	v17 =	vld [tilespmem:s16+$0xFFFFFFE0]  }
0xb8: {  	v20 =	vld [tilespmem:s16+$0xFFFFFFC0]  }
0xb9: {  	v21 =	vld [tilespmem:s16+$0xFFFFFFB0]  }
0xba: {  	v19 =	vld [tilespmem:s16+$0xFFFFFFD0]  }
0xbb: {  	v13 =	vmax.f32 v24, v23;
	v12 =	vld [tilespmem:s16+$0x20]  }
0xbc: {  	s1 =	sadd.s32 $0xFFFFFFC0, s21;
	v15 =	vperm.xlane v13, v0;
	v14 =	vld [tilespmem:s16+$0x10]  }
0xbd: {  	s1 =	sor.u32 $0x30, s1;
	v18 =	vld [tilespmem:s16+$0x0]  }
.Ltmp6:
0xbe: {  	v25 =	vmax.f32 v13, v15;
	v26 =	vmax.f32 v21, v20;
	v13 =	vld [tilespmem:s1+$0x0];
	(pc) =	sbr.rel @p0 .LBB2_7-.Ltmp6, $4  }
0xbf: {  	v27 =	vperm.xlane v25, v5;
	v28 =	vperm.xlane v26, v0;
	v31 =	vmax.f32 v19, v17;
	v15 =	vld [tilespmem:s16+$0x30]  }
0xc0: {  	v32 =	vperm.xlane v31, v0;
	v22 =	vld [tilespmem:s16+$0xFFFFFFF0]  }
0xc1: {  	v27 =	vmax.f32 v25, v27;
	v25 =	vmax.f32 v26, v28;
	v26 =	vmax.f32 v14, v12  }
0xc2: {  	v29 =	vperm.xlane v27, v6;
	v30 =	vperm.xlane v25, v5;
	v28 =	vmax.f32 v31, v32  }
0xc3: {  	v31 =	vperm.xlane v28, v5  }
0xc4: {  	v32 =	vperm.xlane v26, v0;
	s22 =	sor.u32 $0x70, s19;
	v30 =	vmax.f32 v25, v30;
	v33 =	vmax.f32 v15, v13;
	v25 =	vld [tilespmem:s20+$0x70]  }
0xc5: {  	s1 =	sor.u32 $0x50, s18;
	v29 =	vmax.f32 v27, v29;
	v27 =	vld [tilespmem:s22+$0x0];
	v62 =	vperm.xlane v30, v6;
	v31 =	vmax.f32 v28, v31  }
0xc6: {  	v34 =	vperm.xlane v29, v7;
	v32 =	vmax.f32 v26, v32;
	v26 =	vld [tilespmem:s1+$0x0];
	v37 =	vperm.xlane v33, v0  }
0xc7: {  	v28 =	vld [tilespmem:s20+$0x50];
	v63 =	vmax.f32 v22, v18;
	v35 =	vperm.xlane v31, v6;
	v36 =	vperm.xlane v32, v5  }
0xc8: {  	v40 =	vperm.xlane v63, v0;
	v30 =	vmax.f32 v30, v62;
	v29 =	vmax.f32 v29, v34  }
0xc9: {  	v33 =	vmax.f32 v33, v37;
	v38 =	vperm.xlane v30, v7;
	v31 =	vmax.f32 v31, v35  }
0xca: {  	v32 =	vmax.f32 v32, v36;
	v35 =	vmax.f32 v63, v40;
	v37 =	vperm.xlane v33, v5  }
0xcb: {  	v29 =	vnsel vm0, $0xFF800000, v29;
	v39 =	vperm.xlane v31, v7;
	v41 =	vperm.xlane v32, v6  }
0xcc: {  	v36 =	vperm.xlane v35, v5;
	v43 =	vmax.f32 v25, v27;
	v42 =	vmax.f32 v28, v26  }
0xcd: {  	v30 =	vmax.f32 v30, v38;
	v45 =	vperm.xlane v43, v0;
	v44 =	vperm.xlane v42, v0  }
0xce: {  	v33 =	vmax.f32 v33, v37;
	v31 =	vmax.f32 v31, v39;
	v32 =	vmax.f32 v32, v41  }
0xcf: {  	v35 =	vmax.f32 v35, v36;
	v50 =	vperm.xlane v33, v6;
	v34 =	vmax.f32 v42, v44  }
0xd0: {  	v47 =	vperm.xlane v35, v6;
	v36 =	vmax.f32 v43, v45;
	v48 =	vperm.xlane v34, v5  }
0xd1: {  	v29 =	vsel vm1, v29, v30;
	v46 =	vperm.xlane v32, v7;
	v49 =	vperm.xlane v36, v5  }
0xd2: {  	v29 =	vsel vm2, v29, v31;
	v35 =	vmax.f32 v35, v47;
	v34 =	vmax.f32 v34, v48  }
0xd3: {  	v51 =	vperm.xlane v35, v7;
	v30 =	vmax.f32 v36, v49;
	v52 =	vperm.xlane v34, v6  }
0xd4: {  	v53 =	vmax.f32 v33, v50;
	v32 =	vmax.f32 v32, v46;
	v54 =	vperm.xlane v30, v6  }
0xd5: {  	v37 =	vperm.xlane v53, v7;
	v35 =	vmax.f32 v35, v51;
	v34 =	vmax.f32 v34, v52  }
0xd6: {  	v29 =	vsel vm3, v29, v35;
	v30 =	vmax.f32 v30, v54;
	v55 =	vperm.xlane v34, v7  }
0xd7: {  	v31 =	vmax.f32 v53, v37;
	v29 =	vsel vm4, v29, v32;
	v56 =	vperm.xlane v30, v7  }
0xd8: {  	v29 =	vsel vm5, v29, v31;
	v57 =	vmax.f32 v34, v55  }
0xd9: {  	v30 =	vmax.f32 v30, v56;
	v29 =	vsel vm6, v29, v57  }
0xda: {  	v29 =	vsel vm7, v29, v30  }
0xdb: {  	vm8 =	vgt.f32 v29, v16  }
0xdc: {  	v16 =	vnsel vm8, $0x0, v8  }
0xdd: {  	v58 =	vperm.xlane v16, v0;
	_ =	sdelay $0x1  }
0xde: {  	v16 =	vadd.s32 v58, v16  }
0xdf: {  	v29 =	vperm.xlane v16, v5;
	_ =	sdelay $0x1  }
0xe0: {  	v16 =	vadd.s32 v29, v16  }
0xe1: {  	v29 =	vperm.xlane v16, v6;
	_ =	sdelay $0x1  }
0xe2: {  	v16 =	vadd.s32 v29, v16  }
0xe3: {  	v29 =	vperm.xlane v16, v7;
	_ =	sdelay $0x1  }
0xe4: {  	v16 =	vadd.s32 v29, v16  }
0xe5: {  	(v2sf) =	vpush v16, $0x0;
	_ =	sdelay $0xd  }
0xe6: {  	s24 =	sadd.s32 $0xFFFFFFF9, s15  }
0xe7: {  	v59 =	vmov s24;
	s16 =	spop (v2sf)  }
0xe8: {  	s25 =	sshra.s32 s23, $0x2;
	[tilespmem:s17+$0x18280] =	vst v59;
	s4 =	sand.u32 $0x1, s16  }
0xe9: {  	s26 =	sadd.s32 $0xFFFFFFFA, s15;
	[tilespmem:s25+$0x10080] =	vst v24;
	s4 =	sadd.s32 s17, s4  }
0xea: {  	v60 =	vmov s26;
	[tilespmem:s25+$0x10090] =	vst v23;
	s28 =	sshrl.u32 s16, $0x1;
	s29 =	sshll.u32 s4, $0x7  }
0xeb: {  	s17 =	sand.u32 $0x1, s28;
	[tilespmem:s4+$0x18280] =	vst v60;
	s1 =	sshra.s32 s29, $0x2  }
0xec: {  	s30 =	sadd.s32 $0xFFFFFFFB, s15;
	s4 =	sadd.s32 s17, s4;
	[tilespmem:s1+$0x10080] =	vst v21  }
0xed: {  	v61 =	vmov s30;
	s31 =	sshrl.u32 s16, $0x2;
	s20 =	sshll.u32 s4, $0x7;
	[tilespmem:s1+$0x10090] =	vst v20  }
0xee: {  	s22 =	sand.u32 $0x1, s31;
	s21 =	sshra.s32 s20, $0x2;
	[tilespmem:s4+$0x18280] =	vst v61  }
0xef: {  	s23 =	sadd.s32 $0xFFFFFFFC, s15;
	s4 =	sadd.s32 s22, s4;
	[tilespmem:s21+$0x10080] =	vst v19  }
0xf0: {  	v62 =	vmov s23;
	s24 =	sshrl.u32 s16, $0x3;
	[tilespmem:s21+$0x10090] =	vst v17;
	s25 =	sshll.u32 s4, $0x7  }
0xf1: {  	s17 =	sand.u32 $0x1, s24;
	[tilespmem:s4+$0x18280] =	vst v62;
	s1 =	sshra.s32 s25, $0x2  }
0xf2: {  	s26 =	sadd.s32 $0xFFFFFFFD, s15;
	s4 =	sadd.s32 s17, s4;
	[tilespmem:s1+$0x10090] =	vst v18  }
0xf3: {  	v63 =	vmov s26;
	s28 =	sshrl.u32 s16, $0x4;
	[tilespmem:s1+$0x10080] =	vst v22;
	s29 =	sshll.u32 s4, $0x7  }
0xf4: {  	s17 =	sand.u32 $0x1, s28;
	[tilespmem:s4+$0x18280] =	vst v63;
	s1 =	sshra.s32 s29, $0x2  }
0xf5: {  	s30 =	sadd.s32 $0xFFFFFFFE, s15;
	s4 =	sadd.s32 s17, s4;
	[tilespmem:s1+$0x10080] =	vst v14  }
0xf6: {  	s31 =	sshrl.u32 s16, $0x5;
	[tilespmem:s1+$0x10090] =	vst v12;
	v12 =	vmov s30;
	s19 =	sshll.u32 s4, $0x7  }
0xf7: {  	s17 =	sand.u32 $0x1, s31;
	[tilespmem:s4+$0x18280] =	vst v12;
	s1 =	sshra.s32 s19, $0x2  }
0xf8: {  	s20 =	sadd.s32 $0xFFFFFFFF, s15;
	s4 =	sadd.s32 s17, s4;
	[tilespmem:s1+$0x10080] =	vst v15  }
0xf9: {  	s21 =	sshrl.u32 s16, $0x6;
	v12 =	vmov s20;
	[tilespmem:s1+$0x10090] =	vst v13;
	s22 =	sshll.u32 s4, $0x7  }
0xfa: {  	s17 =	sand.u32 $0x1, s21;
	[tilespmem:s4+$0x18280] =	vst v12;
	s1 =	sshra.s32 s22, $0x2  }
0xfb: {  	s4 =	sadd.s32 s17, s4;
	[tilespmem:s1+$0x10080] =	vst v28  }
0xfc: {  	s16 =	sshrl.u32 s16, $0x7;
	v12 =	vmov s15;
	[tilespmem:s1+$0x10090] =	vst v26;
	s23 =	sshll.u32 s4, $0x7  }
0xfd: {  	s24 =	sand.u32 $0x1, s16;
	[tilespmem:s4+$0x18280] =	vst v12;
	s1 =	sshra.s32 s23, $0x2  }
0xfe: {  	s15 =	sadd.s32 s24, s4;
	[tilespmem:s1+$0x10080] =	vst v25  }
0xff: {  	s25 =	sshll.u32 s15, $0x7;
	[tilespmem:s1+$0x10090] =	vst v27  }
0x100: {  	s1 =	sshra.s32 s25, $0x2;
	[tilespmem:s15+$0x18280] =	vst v9  }
0x101: {  	[tilespmem:s1+$0x10080] =	vst v10  }
0x102: {  	s4 =	sadd.s32 $0x3, s15;
	[tilespmem:s1+$0x10090] =	vst v10  }
0x103: {  	s26 =	sshll.u32 s4, $0x7;
	s28 =	sand.u32 $0x3, s4;
	s29 =	sshra.s32 s4, $0x1F;
	[tilespmem:s1+$0x100A0] =	vst v10  }
.Ltmp7:
0x104: {  	p0 =	slt.s32 s4, $0x1;
	p1 =	sne.s32 s28, $0x0;
	[tilespmem:s1+$0x100B0] =	vst v10;
	(pc) =	sbr.rel .LBB2_9-.Ltmp7, $4  }
0x105: {  	s16 =	sshra.s32 s26, $0x2;
	s30 =	sshrl.u32 s29, $0x1E;
	[tilespmem:s1+$0x100C0] =	vst v10;
	p0 =	por !p0, !p1  }
0x106: {  	v12 =	vbroadcast v11, $0x0;
	[tilespmem:s1+$0x100D0] =	vst v10;
	s31 =	sadd.s32 s30, s4;
	s4 =	simm.s32 $0x1;
	p0 =	por !p0, !p0  }
0x107: {  	[tilespmem:s16+$0x10080] =	vst v10;
	s1 =	sshra.s32 s31, $0x2;
	s4 =	simm.s32 @!p0 $0x0  }
0x108: {  	v14 =	vimm.f32 $1.000000000e+00;
	s17 =	simm.s32 $0x0;
	v13 =	vadd.f32 $-1.000000000e+00, v12;
	v11 =	vadd.f32 $-5.000000000e-01, v12;
	[tilespmem:s16+$0x10090] =	vst v10;
	s16 =	ssub.s32 s1, s4  }
.LBB2_10:
0x109: {  	v16 =	vpsel p0, $0x0, v15;
	v15 =	vpsel p0, $0x0, v15  }
.LBB2_18:
0x10a: {  	v17 =	vperm.xlane v16, v0;
	_ =	sdelay $0x1  }
0x10b: {  	v16 =	vadd.f32 v17, v16;
	_ =	sdelay $0x1  }
0x10c: {  	v17 =	vperm.xlane v16, v5;
	_ =	sdelay $0x1  }
0x10d: {  	v16 =	vadd.f32 v17, v16;
	_ =	sdelay $0x1  }
0x10e: {  	v17 =	vperm.xlane v16, v6;
	_ =	sdelay $0x1  }
0x10f: {  	v18 =	vperm.xlane v15, v0;
	v16 =	vadd.f32 v17, v16;
	_ =	sdelay $0x1  }
0x110: {  	v15 =	vadd.f32 v18, v15;
	v17 =	vperm.xlane v16, v7;
	_ =	sdelay $0x1  }
0x111: {  	v18 =	vperm.xlane v15, v5;
	v16 =	vadd.f32 v17, v16;
	_ =	sdelay $0x1  }
0x112: {  	v15 =	vadd.f32 v18, v15;
	v16 =	vadd.f32 v16, v16;
	_ =	sdelay $0x1  }
0x113: {  	v59 =	vperm.xlane v15, v6;
	(erf) = vrcp.f32 v16;
	_ =	sdelay $0x1  }
0x114: {  	v15 =	vadd.f32 v59, v15;
	_ =	sdelay $0x1  }
0x115: {  	v60 =	vperm.xlane v15, v7;
	_ =	sdelay $0x1  }
0x116: {  	v15 =	vadd.f32 v60, v15;
	_ =	sdelay $0x1  }
0x117: {  	v16 =	vadd.f32 $-1.000000000e+00, v15  }
0x118: {  	v61 =	vpop (erf)  }
0x119: {  	vm8 =	vgt.f32 v15, $1.000000000e+00;
	v15 =	vmul.f32 v61, v16  }
0x11a: {  	v62 =	vsel vm8, v11, v13;
	v63 =	vsel vm8, v12, v11  }
0x11b: {  	v19 =	vadd.f32 v63, v62;
	v15 =	vadd.f32 v15, v11;
	_ =	sdelay $0x1  }
0x11c: {  	v19 =	vmul.f32 $5.000000000e-01, v19;
	vm8 =	vgt.f32 v15, v62;
	vm9 =	vlt.f32 v15, v63  }
0x11d: {  	p0 =	sgt.f32 s18, $5.000000000e-01;
	v16 =	vand.u32 $0x7FFFFFFF, v16;
	vm8 =	vmand vm8, vm9  }
0x11e: {  	s1 =	simm.f32 $1.000000000e+00;
	s17 =	sadd.s32 $0x1, s17;
	v15 =	vsel vm8, v15, v19;
	vm8 =	vlt.f32 v16, $2.999999920e-05  }
0x11f: {  	s1 =	simm.s32 @!p0 $0x0;
	p0 =	sne.s32 s17, $0x1E;
	v17 =	vsub.f32 v62, v13;
	v18 =	vsub.f32 v63, v12;
	v15 =	vsel vm8, v11, v15  }
.Ltmp8:
0x120: {  	v16 =	vsub.f32 v16, v14;
	v15 =	vsub.f32 v15, v11;
	(pc) =	sbr.rel @!p0 .LBB2_19-.Ltmp8, $4  }
0x121: {  	v17 =	vmul.f32 s1, v17;
	v18 =	vmul.f32 s1, v18  }
0x122: {  	v16 =	vmul.f32 s1, v16;
	v15 =	vmul.f32 s1, v15  }
0x123: {  	v13 =	vadd.f32 v17, v13;
	v12 =	vadd.f32 v18, v12  }
0x124: {  	v14 =	vadd.f32 v16, v14;
	v11 =	vadd.f32 v15, v11  }
.LBB2_9:
0x125: {  	_ = 	snop  }
0x126: {  	v15 =	vsub.f32 v12, v13;
	_ =	sdelay $0x1  }
0x127: {  	(v2sf) =	vpush v15, $0x0  }
0x128: {  	(v2sf) =	vpush v14, $0x0;
	_ =	sdelay $0xd  }
0x129: {  	s1 =	spop (v2sf)  }
0x12a: {  	s4 =	spop (v2sf)  }
0x12b: {  	p0 =	sgt.f32 s1, $6.000000210e-07;
	p1 =	sgt.f32 s4, $2.999999920e-05  }
0x12c: {  	s1 =	simm.f32 $1.000000000e+00;
	s4 =	simm.f32 $1.000000000e+00  }
0x12d: {  	s1 =	simm.s32 @!p0 $0x0;
	s4 =	simm.s32 @!p1 $0x0  }
0x12e: {  	s18 =	smin.f32 s1, s4  }
0x12f: {  	p0 =	sle.f32 s18, s10;
	_ =	sdelay $0x1  }
0x130: {  	p1 =	slt.s32 @!p0 s16, $0x1  }
0x131: {  	p1 =	por p0, p1  }
.Ltmp9:
0x132: {  	_ = 	snop;
	(pc) =	sbr.rel @p1 .LBB2_10-.Ltmp9, $2  }
0x133: {  	_ =	sdelay $0x2  }
0x134: {  	s19 =	simm.s32 $0x100C0;
	v15 =	vimm.f32 $0.0e+00  }
0x135: {  	v16 =	vld [tilespmem:s19+$0xFFFFFFC0]  }
0x136: {  	v17 =	vld [tilespmem:s19+$0x10]  }
0x137: {  	v18 =	vld [tilespmem:s19+$0x0]  }
0x138: {  	v19 =	vld [tilespmem:s19+$0xFFFFFFD0]  }
0x139: {  	v20 =	vld [tilespmem:s19+$0x20]  }
0x13a: {  	v25 =	vld [tilespmem:s19+$0x30]  }
0x13b: {  	v26 =	vld [tilespmem:s19+$0xFFFFFFE0];
	_ =	sdelay $0x1  }
0x13c: {  	v23 =	vld [tilespmem:s19+$0xFFFFFFF0];
	v16 =	vsub.f32 v16, v11;
	v17 =	vsub.f32 v17, v11  }
0x13d: {  	p1 =	sgt.s32 s16, $0x1;
	v18 =	vsub.f32 v18, v11;
	v24 =	vsub.f32 v19, v11  }
.Ltmp10:
0x13e: {  	v19 =	vsub.f32 v20, v11;
	v20 =	vsub.f32 v25, v11;
	(pc) =	sbr.rel @!p1 .LBB2_12-.Ltmp10, $4  }
0x13f: {  	v30 =	vsub.f32 v26, v11;
	v16 =	vmax.f32 v16, $0.0e+00;
	v21 =	vmax.f32 v17, $0.0e+00  }
0x140: {  	v27 =	vmax.f32 v18, $0.0e+00;
	v28 =	vmax.f32 v24, $0.0e+00;
	v18 =	vadd.f32 v16, v15  }
0x141: {  	v24 =	vsub.f32 v23, v11;
	v22 =	vmul.f32 v16, v16;
	v16 =	vmul.f32 v21, v21  }
0x142: {  	s19 =	simm.s32 $0x10140;
	p0 =	por $0x0, $0x0;
	v17 =	vmul.f32 v28, v28;
	v25 =	vadd.f32 v27, v15;
	v28 =	vadd.f32 v28, v18  }
0x143: {  	v23 =	vld [tilespmem:s19+$0xFFFFFFC0]  }
0x144: {  	v18 =	vmul.f32 v27, v27;
	v27 =	vld [tilespmem:s19+$0x20]  }
0x145: {  	v26 =	vmax.f32 v30, $0.0e+00;
	v22 =	vadd.f32 v22, v15;
	v29 =	vld [tilespmem:s19+$0x10]  }
0x146: {  	v24 =	vmax.f32 v24, $0.0e+00;
	v31 =	vld [tilespmem:s19+$0xFFFFFFD0];
	v21 =	vadd.f32 v21, v25;
	v25 =	vadd.f32 v26, v28  }
0x147: {  	v19 =	vmax.f32 v19, $0.0e+00;
	v28 =	vld [tilespmem:s19+$0x0];
	v18 =	vadd.f32 v18, v22;
	v22 =	vmul.f32 v24, v24  }
0x148: {  	v20 =	vmax.f32 v20, $0.0e+00;
	v21 =	vadd.f32 v19, v21;
	v24 =	vadd.f32 v24, v25  }
0x149: {  	v36 =	vld [tilespmem:s19+$0xFFFFFFE0];
	v30 =	vmul.f32 v26, v26;
	v33 =	vadd.f32 v22, v15;
	v23 =	vsub.f32 v23, v11  }
0x14a: {  	v32 =	vld [tilespmem:s19+$0xFFFFFFF0];
	v34 =	vmul.f32 v20, v20;
	v35 =	vadd.f32 v20, v21;
	v21 =	vsub.f32 v29, v11  }
0x14b: {  	v26 =	vmul.f32 v19, v19;
	v25 =	vld [tilespmem:s19+$0x30];
	v31 =	vsub.f32 v31, v11;
	v19 =	vsub.f32 v27, v11  }
0x14c: {  	p1 =	sgt.s32 s16, $0x2;
	v29 =	vadd.f32 v17, v15;
	v28 =	vsub.f32 v28, v11  }
.Ltmp11:
0x14d: {  	v20 =	vmax.f32 v23, $0.0e+00;
	v23 =	vadd.f32 v34, v33;
	v21 =	vmax.f32 v21, $0.0e+00;
	(pc) =	sbr.rel @!p1 .LBB2_14-.Ltmp11, $4  }
0x14e: {  	v63 =	vmax.f32 v31, $0.0e+00;
	v31 =	vadd.f32 v30, v15;
	v30 =	vsub.f32 v36, v11  }
0x14f: {  	v22 =	vmul.f32 v20, v20;
	v27 =	vmax.f32 v28, $0.0e+00;
	v28 =	vadd.f32 v20, v24  }
0x150: {  	v24 =	vsub.f32 v32, v11;
	v20 =	vsub.f32 v25, v11;
	v17 =	vmul.f32 v63, v63  }
0x151: {  	s20 =	simm.s32 $0x101C0;
	p0 =	por $0x1, $0x1;
	s19 =	simm.s32 $0x2;
	v32 =	vmul.f32 v21, v21;
	v25 =	vadd.f32 v27, v35;
	v28 =	vadd.f32 v63, v28  }
.LBB2_15:
0x152: {  	v33 =	vld [tilespmem:s20+$0xFFFFFFC0];
	s19 =	sadd.s32 $0x1, s19;
	v27 =	vmul.f32 v27, v27;
	v29 =	vadd.f32 v16, v29;
	v31 =	vadd.f32 v26, v31  }
0x153: {  	v18 =	vadd.f32 v22, v18;
	v34 =	vld [tilespmem:s20+$0x20];
	p1 =	sgt.s32 s16, s19;
	v26 =	vmax.f32 v30, $0.0e+00;
	v16 =	vmov v32  }
0x154: {  	v21 =	vadd.f32 v21, v25;
	v22 =	vld [tilespmem:s20+$0x10];
	v30 =	vmul.f32 v26, v26;
	v26 =	vadd.f32 v26, v28  }
0x155: {  	v24 =	vmax.f32 v24, $0.0e+00;
	v19 =	vmax.f32 v19, $0.0e+00;
	v18 =	vadd.f32 v27, v18;
	v25 =	vld [tilespmem:s20+$0x0]  }
0x156: {  	v28 =	vmul.f32 v24, v24;
	v21 =	vadd.f32 v19, v21;
	v27 =	vld [tilespmem:s20+$0xFFFFFFD0];
	v24 =	vadd.f32 v24, v26  }
0x157: {  	v20 =	vmax.f32 v20, $0.0e+00;
	v26 =	vsub.f32 v33, v11;
	v32 =	vld [tilespmem:s20+$0x30]  }
0x158: {  	v23 =	vadd.f32 v28, v23;
	v28 =	vmul.f32 v20, v20;
	v35 =	vadd.f32 v20, v21;
	v33 =	vld [tilespmem:s20+$0xFFFFFFF0]  }
0x159: {  	v20 =	vmax.f32 v26, $0.0e+00;
	v21 =	vsub.f32 v22, v11;
	v26 =	vmul.f32 v19, v19  }
0x15a: {  	v23 =	vadd.f32 v28, v23;
	v36 =	vld [tilespmem:s20+$0xFFFFFFE0];
	v25 =	vsub.f32 v25, v11;
	v22 =	vmul.f32 v20, v20  }
.Ltmp12:
0x15b: {  	v19 =	vsub.f32 v34, v11;
	v28 =	vsub.f32 v27, v11;
	v21 =	vmax.f32 v21, $0.0e+00;
	(pc) =	sbr.rel @p1 .LBB2_15-.Ltmp12, $4  }
0x15c: {  	v29 =	vadd.f32 v17, v29;
	v34 =	vadd.f32 v20, v24;
	v27 =	vmax.f32 v25, $0.0e+00  }
0x15d: {  	v20 =	vsub.f32 v32, v11;
	v28 =	vmax.f32 v28, $0.0e+00;
	v24 =	vsub.f32 v33, v11  }
0x15e: {  	v31 =	vadd.f32 v30, v31;
	v25 =	vadd.f32 v27, v35;
	v17 =	vmul.f32 v28, v28  }
0x15f: {  	s20 =	sadd.s32 $0x80, s20;
	v32 =	vmul.f32 v21, v21;
	v28 =	vadd.f32 v28, v34;
	v30 =	vsub.f32 v36, v11  }
0x160: {  	_ = 	snop  }
0x161: {  	v33 =	vmov v16;
	v16 =	vmov v32  }
.LBB2_17:
0x162: {  	v27 =	vmul.f32 v27, v27;
	v29 =	vadd.f32 @p0 v33, v29  }
0x163: {  	v26 =	vadd.f32 @p0 v26, v31;
	v30 =	vmax.f32 v30, $0.0e+00;
	v24 =	vmax.f32 v24, $0.0e+00  }
0x164: {  	v18 =	vadd.f32 v22, v18;
	v21 =	vadd.f32 v21, v25;
	v19 =	vmax.f32 v19, $0.0e+00  }
0x165: {  	v20 =	vmax.f32 v20, $0.0e+00;
	v58 =	vmul.f32 v30, v30;
	v59 =	vmul.f32 v24, v24  }
0x166: {  	v28 =	vadd.f32 v30, v28;
	v60 =	vmul.f32 v20, v20;
	v18 =	vadd.f32 v27, v18  }
0x167: {  	v61 =	vpsel p0, v29, v15;
	v15 =	vpsel p0, v26, v15;
	v23 =	vadd.f32 v59, v23  }
0x168: {  	v62 =	vmul.f32 v19, v19;
	v17 =	vadd.f32 v17, v61;
	v15 =	vadd.f32 v58, v15  }
0x169: {  	v19 =	vadd.f32 v19, v21;
	v63 =	vadd.f32 v60, v23  }
0x16a: {  	v16 =	vadd.f32 v16, v17;
	v15 =	vadd.f32 v62, v15  }
.Ltmp13:
0x16b: {  	v19 =	vadd.f32 v20, v19;
	v17 =	vadd.f32 v24, v28;
	(pc) =	sbr.rel .LBB2_18-.Ltmp13, $2  }
0x16c: {  	v16 =	vadd.f32 v16, v18;
	v15 =	vadd.f32 v63, v15;
	_ =	sdelay $0x1  }
0x16d: {  	v15 =	vadd.f32 v15, v16;
	v16 =	vadd.f32 v19, v17;
	_ =	sdelay $0x1  }
.LBB2_12:
.Ltmp14:
0x16e: {  	(pc) =	sbr.rel .LBB2_17-.Ltmp14, $2  }
0x16f: {  	_ =	sdelay $0x2  }
0x170: {  	v18 =	vimm.f32 $0.0e+00;
	v23 =	vimm.f32 $0.0e+00  }
.LBB2_14:
.Ltmp15:
0x171: {  	(pc) =	sbr.rel .LBB2_17-.Ltmp15, $2  }
0x172: {  	_ =	sdelay $0x2  }
0x173: {  	v33 =	vmov v16;
	v16 =	vmov v32  }
.LBB2_19:
0x174: {  	s1 =	sadd.s32 $0xF, s15  }
0x175: {  	s4 =	sand.u32 $0xF, s1  }
0x176: {  	s15 =	sshra.s32 s1, $0x1F;
	p0 =	slt.s32 s1, $0x1;
	p1 =	sne.s32 s4, $0x0  }
0x177: {  	s31 =	sshrl.u32 s15, $0x1C;
	p0 =	por !p0, !p1  }
0x178: {  	s4 =	simm.s32 $0x1;
	s1 =	sadd.s32 s31, s1;
	p0 =	por !p0, !p0  }
0x179: {  	s1 =	sshra.s32 s1, $0x4;
	s4 =	simm.s32 @!p0 $0x0  }
0x17a: {  	s16 =	ssub.s32 s1, s4  }
0x17b: {  	p0 =	slt.s32 s16, $0x1  }
.Ltmp16:
0x17c: {  	_ = 	snop;
	(pc) =	sbr.rel @p0 .LBB2_25-.Ltmp16, $1  }
0x17d: {  	_ =	sdelay $0x3  }
0x17e: {  	s15 =	simm.s32 $0x18280  }
0x17f: {  	v12 =	vld [tilespmem:s15+$0x0];
	_ =	sdelay $0x4  }
0x180: {  	v12 =	vshll.u32 v12, $0x7  }
0x181: {  	v12 =	vshra.s32 v12, $0x2  }
0x182: {  	(v2sf) =	vpush v12, $0x0;
	_ =	sdelay $0x4  }
0x183: {  	s17 =	simm.s32 $0x10180  }
0x184: {  	v13 =	vld [tilespmem:s17+$0xFFFFFF00]  }
0x185: {  	v14 =	vld [tilespmem:s17+$0xFFFFFF10];
	_ =	sdelay $0x3  }
0x186: {  	v13 =	vsub.f32 v13, v11  }
0x187: {  	v14 =	vsub.f32 v14, v11;
	(v2sf) =	vpush v12, $0x1  }
0x188: {  	v13 =	vmax.f32 v13, $0.0e+00  }
0x189: {  	v14 =	vmax.f32 v14, $0.0e+00;
	v13 =	vmul.f32 v13, v13  }
0x18a: {  	v14 =	vmul.f32 v14, v14;
	s1 =	spop (v2sf)  }
0x18b: {  	[tilespmem:s1+$0x8000] =	vst v13  }
0x18c: {  	[tilespmem:s1+$0x8010] =	vst v14  }
0x18d: {  	v13 =	vld [tilespmem:s17+$0xFFFFFF20]  }
0x18e: {  	v14 =	vld [tilespmem:s17+$0xFFFFFF30];
	_ =	sdelay $0x3  }
0x18f: {  	v13 =	vsub.f32 v13, v11  }
0x190: {  	(v2sf) =	vpush v12, $0x2;
	v14 =	vsub.f32 v14, v11  }
0x191: {  	v13 =	vmax.f32 v13, $0.0e+00  }
0x192: {  	v14 =	vmax.f32 v14, $0.0e+00;
	v13 =	vmul.f32 v13, v13  }
0x193: {  	s18 =	spop (v2sf);
	v14 =	vmul.f32 v14, v14  }
0x194: {  	[tilespmem:s18+$0x8000] =	vst v13  }
0x195: {  	[tilespmem:s18+$0x8010] =	vst v14  }
0x196: {  	v13 =	vld [tilespmem:s17+$0xFFFFFF40]  }
0x197: {  	v14 =	vld [tilespmem:s17+$0xFFFFFF50];
	_ =	sdelay $0x3  }
0x198: {  	v13 =	vsub.f32 v13, v11  }
0x199: {  	(v2sf) =	vpush v12, $0x3;
	v14 =	vsub.f32 v14, v11  }
0x19a: {  	v13 =	vmax.f32 v13, $0.0e+00  }
0x19b: {  	v14 =	vmax.f32 v14, $0.0e+00;
	v13 =	vmul.f32 v13, v13  }
0x19c: {  	s19 =	spop (v2sf);
	v14 =	vmul.f32 v14, v14  }
0x19d: {  	[tilespmem:s19+$0x8000] =	vst v13  }
0x19e: {  	[tilespmem:s19+$0x8010] =	vst v14  }
0x19f: {  	v13 =	vld [tilespmem:s17+$0xFFFFFF60]  }
0x1a0: {  	v14 =	vld [tilespmem:s17+$0xFFFFFF70];
	_ =	sdelay $0x3  }
0x1a1: {  	v13 =	vsub.f32 v13, v11  }
0x1a2: {  	(v2sf) =	vpush v12, $0x4;
	v14 =	vsub.f32 v14, v11  }
0x1a3: {  	v13 =	vmax.f32 v13, $0.0e+00  }
0x1a4: {  	v14 =	vmax.f32 v14, $0.0e+00;
	v13 =	vmul.f32 v13, v13  }
0x1a5: {  	s20 =	spop (v2sf);
	v14 =	vmul.f32 v14, v14  }
0x1a6: {  	[tilespmem:s20+$0x8000] =	vst v13  }
0x1a7: {  	[tilespmem:s20+$0x8010] =	vst v14  }
0x1a8: {  	v13 =	vld [tilespmem:s17+$0xFFFFFF80]  }
0x1a9: {  	v14 =	vld [tilespmem:s17+$0xFFFFFF90];
	_ =	sdelay $0x3  }
0x1aa: {  	v13 =	vsub.f32 v13, v11  }
0x1ab: {  	(v2sf) =	vpush v12, $0x5;
	v14 =	vsub.f32 v14, v11  }
0x1ac: {  	v13 =	vmax.f32 v13, $0.0e+00  }
0x1ad: {  	v14 =	vmax.f32 v14, $0.0e+00;
	v13 =	vmul.f32 v13, v13  }
0x1ae: {  	s21 =	spop (v2sf);
	v14 =	vmul.f32 v14, v14  }
0x1af: {  	[tilespmem:s21+$0x8000] =	vst v13  }
0x1b0: {  	[tilespmem:s21+$0x8010] =	vst v14  }
0x1b1: {  	v13 =	vld [tilespmem:s17+$0xFFFFFFA0]  }
0x1b2: {  	v14 =	vld [tilespmem:s17+$0xFFFFFFB0];
	_ =	sdelay $0x3  }
0x1b3: {  	v13 =	vsub.f32 v13, v11  }
0x1b4: {  	(v2sf) =	vpush v12, $0x6;
	v14 =	vsub.f32 v14, v11  }
0x1b5: {  	v13 =	vmax.f32 v13, $0.0e+00  }
0x1b6: {  	v14 =	vmax.f32 v14, $0.0e+00;
	v13 =	vmul.f32 v13, v13  }
0x1b7: {  	s22 =	spop (v2sf);
	v14 =	vmul.f32 v14, v14  }
0x1b8: {  	[tilespmem:s22+$0x8000] =	vst v13  }
0x1b9: {  	[tilespmem:s22+$0x8010] =	vst v14  }
0x1ba: {  	v13 =	vld [tilespmem:s17+$0xFFFFFFC0]  }
0x1bb: {  	v14 =	vld [tilespmem:s17+$0xFFFFFFD0];
	_ =	sdelay $0x3  }
0x1bc: {  	v13 =	vsub.f32 v13, v11  }
0x1bd: {  	(v2sf) =	vpush v12, $0x7;
	v14 =	vsub.f32 v14, v11  }
0x1be: {  	v13 =	vmax.f32 v13, $0.0e+00  }
0x1bf: {  	v14 =	vmax.f32 v14, $0.0e+00;
	v13 =	vmul.f32 v13, v13  }
0x1c0: {  	s23 =	spop (v2sf);
	v14 =	vmul.f32 v14, v14  }
0x1c1: {  	[tilespmem:s23+$0x8000] =	vst v13  }
0x1c2: {  	[tilespmem:s23+$0x8010] =	vst v14  }
0x1c3: {  	v13 =	vld [tilespmem:s17+$0xFFFFFFE0]  }
0x1c4: {  	v14 =	vld [tilespmem:s17+$0xFFFFFFF0];
	_ =	sdelay $0x3  }
0x1c5: {  	v13 =	vsub.f32 v13, v11  }
0x1c6: {  	(v2sf) =	vpush v12, $0x8;
	v14 =	vsub.f32 v14, v11  }
0x1c7: {  	v13 =	vmax.f32 v13, $0.0e+00  }
0x1c8: {  	v14 =	vmax.f32 v14, $0.0e+00;
	v13 =	vmul.f32 v13, v13  }
0x1c9: {  	s24 =	spop (v2sf);
	v14 =	vmul.f32 v14, v14  }
0x1ca: {  	[tilespmem:s24+$0x8000] =	vst v13  }
0x1cb: {  	[tilespmem:s24+$0x8010] =	vst v14  }
0x1cc: {  	v13 =	vld [tilespmem:s17+$0x0]  }
0x1cd: {  	v14 =	vld [tilespmem:s17+$0x10];
	_ =	sdelay $0x3  }
0x1ce: {  	v13 =	vsub.f32 v13, v11  }
0x1cf: {  	(v2sf) =	vpush v12, $0x9;
	v14 =	vsub.f32 v14, v11  }
0x1d0: {  	v13 =	vmax.f32 v13, $0.0e+00  }
0x1d1: {  	v14 =	vmax.f32 v14, $0.0e+00;
	v13 =	vmul.f32 v13, v13  }
0x1d2: {  	s25 =	spop (v2sf);
	v14 =	vmul.f32 v14, v14  }
0x1d3: {  	[tilespmem:s25+$0x8000] =	vst v13  }
0x1d4: {  	[tilespmem:s25+$0x8010] =	vst v14  }
0x1d5: {  	v13 =	vld [tilespmem:s17+$0x20]  }
0x1d6: {  	v14 =	vld [tilespmem:s17+$0x30];
	_ =	sdelay $0x3  }
0x1d7: {  	v13 =	vsub.f32 v13, v11  }
0x1d8: {  	(v2sf) =	vpush v12, $0xA;
	v14 =	vsub.f32 v14, v11  }
0x1d9: {  	v13 =	vmax.f32 v13, $0.0e+00  }
0x1da: {  	v14 =	vmax.f32 v14, $0.0e+00;
	v13 =	vmul.f32 v13, v13  }
0x1db: {  	s26 =	spop (v2sf);
	v14 =	vmul.f32 v14, v14  }
0x1dc: {  	[tilespmem:s26+$0x8000] =	vst v13  }
0x1dd: {  	[tilespmem:s26+$0x8010] =	vst v14  }
0x1de: {  	v13 =	vld [tilespmem:s17+$0x40]  }
0x1df: {  	v14 =	vld [tilespmem:s17+$0x50];
	_ =	sdelay $0x3  }
0x1e0: {  	v13 =	vsub.f32 v13, v11  }
0x1e1: {  	(v2sf) =	vpush v12, $0xB;
	v14 =	vsub.f32 v14, v11  }
0x1e2: {  	v13 =	vmax.f32 v13, $0.0e+00  }
0x1e3: {  	v14 =	vmax.f32 v14, $0.0e+00;
	v13 =	vmul.f32 v13, v13  }
0x1e4: {  	s28 =	spop (v2sf);
	v14 =	vmul.f32 v14, v14  }
0x1e5: {  	[tilespmem:s28+$0x8000] =	vst v13  }
0x1e6: {  	[tilespmem:s28+$0x8010] =	vst v14  }
0x1e7: {  	v13 =	vld [tilespmem:s17+$0x60]  }
0x1e8: {  	v14 =	vld [tilespmem:s17+$0x70];
	_ =	sdelay $0x3  }
0x1e9: {  	v13 =	vsub.f32 v13, v11  }
0x1ea: {  	(v2sf) =	vpush v12, $0xC;
	v14 =	vsub.f32 v14, v11  }
0x1eb: {  	v13 =	vmax.f32 v13, $0.0e+00  }
0x1ec: {  	v14 =	vmax.f32 v14, $0.0e+00;
	v13 =	vmul.f32 v13, v13  }
0x1ed: {  	s29 =	spop (v2sf);
	v14 =	vmul.f32 v14, v14  }
0x1ee: {  	[tilespmem:s29+$0x8000] =	vst v13  }
0x1ef: {  	[tilespmem:s29+$0x8010] =	vst v14  }
0x1f0: {  	v13 =	vld [tilespmem:s17+$0x80]  }
0x1f1: {  	v14 =	vld [tilespmem:s17+$0x90];
	_ =	sdelay $0x3  }
0x1f2: {  	v13 =	vsub.f32 v13, v11  }
0x1f3: {  	(v2sf) =	vpush v12, $0xD;
	v14 =	vsub.f32 v14, v11  }
0x1f4: {  	v13 =	vmax.f32 v13, $0.0e+00  }
0x1f5: {  	v14 =	vmax.f32 v14, $0.0e+00;
	v13 =	vmul.f32 v13, v13  }
0x1f6: {  	s30 =	spop (v2sf);
	v14 =	vmul.f32 v14, v14  }
0x1f7: {  	[tilespmem:s30+$0x8000] =	vst v13  }
0x1f8: {  	[tilespmem:s30+$0x8010] =	vst v14  }
0x1f9: {  	v13 =	vld [tilespmem:s17+$0xA0]  }
0x1fa: {  	v14 =	vld [tilespmem:s17+$0xB0]  }
0x1fb: {  	(v2sf) =	vpush v12, $0xE  }
0x1fc: {  	(v2sf) =	vpush v12, $0xF;
	_ =	sdelay $0x1  }
0x1fd: {  	v12 =	vsub.f32 v13, v11  }
0x1fe: {  	v13 =	vsub.f32 v14, v11  }
0x1ff: {  	v12 =	vmax.f32 v12, $0.0e+00  }
0x200: {  	v13 =	vmax.f32 v13, $0.0e+00;
	v12 =	vmul.f32 v12, v12  }
0x201: {  	s31 =	spop (v2sf);
	v13 =	vmul.f32 v13, v13  }
0x202: {  	[tilespmem:s31+$0x8000] =	vst v12  }
0x203: {  	[tilespmem:s31+$0x8010] =	vst v13  }
0x204: {  	v12 =	vld [tilespmem:s17+$0xC0]  }
0x205: {  	p0 =	sne.s32 s16, $0x1;
	v14 =	vld [tilespmem:s17+$0xD0]  }
.Ltmp17:
0x206: {  	_ = 	snop;
	(pc) =	sbr.rel @!p0 .LBB2_22-.Ltmp17, $3  }
0x207: {  	_ =	sdelay $0x1  }
0x208: {  	s18 =	sadd.s32 $0xFFFFFFFF, s16;
	s22 =	spop (v2sf);
	v13 =	vsub.f32 v12, v11  }
0x209: {  	s19 =	simm.s32 $0x18280;
	s20 =	simm.s32 $0x10180;
	s21 =	spop (v2sf);
	v12 =	vsub.f32 v14, v11  }
.LBB2_21:
0x20a: {  	p0 =	sne.s32 s18, $0x1;
	v13 =	vmax.f32 v13, $0.0e+00;
	s19 =	sadd.s32 $0x10, s19;
	s20 =	sadd.s32 $0x200, s20  }
0x20b: {  	s18 =	sadd.s32 $0xFFFFFFFF, s18;
	v12 =	vmax.f32 v12, $0.0e+00;
	v13 =	vmul.f32 v13, v13  }
0x20c: {  	v12 =	vmul.f32 v12, v12  }
0x20d: {  	[tilespmem:s22+$0x8000] =	vst v13  }
0x20e: {  	[tilespmem:s22+$0x8010] =	vst v12  }
0x20f: {  	v12 =	vld [tilespmem:s17+$0xE0]  }
0x210: {  	v13 =	vld [tilespmem:s17+$0xF0];
	s17 =	smov.u32 s20;
	_ =	sdelay $0x3  }
0x211: {  	v12 =	vsub.f32 v12, v11  }
0x212: {  	v13 =	vsub.f32 v13, v11  }
0x213: {  	v12 =	vmax.f32 v12, $0.0e+00  }
0x214: {  	v13 =	vmax.f32 v13, $0.0e+00;
	v12 =	vmul.f32 v12, v12  }
0x215: {  	v13 =	vmul.f32 v13, v13  }
0x216: {  	[tilespmem:s21+$0x8000] =	vst v12  }
0x217: {  	[tilespmem:s21+$0x8010] =	vst v13  }
0x218: {  	v12 =	vld [tilespmem:s19+$0x0];
	_ =	sdelay $0x4  }
0x219: {  	v12 =	vshll.u32 v12, $0x7  }
0x21a: {  	v12 =	vshra.s32 v12, $0x2  }
0x21b: {  	(v2sf) =	vpush v12, $0x0;
	_ =	sdelay $0x4  }
0x21c: {  	v13 =	vld [tilespmem:s20+$0xFFFFFF10]  }
0x21d: {  	v14 =	vld [tilespmem:s20+$0xFFFFFF00];
	_ =	sdelay $0x3  }
0x21e: {  	v13 =	vsub.f32 v13, v11  }
0x21f: {  	v14 =	vsub.f32 v14, v11;
	(v2sf) =	vpush v12, $0x1  }
0x220: {  	v13 =	vmax.f32 v13, $0.0e+00  }
0x221: {  	v14 =	vmax.f32 v14, $0.0e+00  }
0x222: {  	v13 =	vmul.f32 v13, v13;
	v14 =	vmul.f32 v14, v14  }
0x223: {  	s1 =	spop (v2sf)  }
0x224: {  	[tilespmem:s1+$0x8000] =	vst v14  }
0x225: {  	[tilespmem:s1+$0x8010] =	vst v13  }
0x226: {  	v13 =	vld [tilespmem:s20+$0xFFFFFF20]  }
0x227: {  	v14 =	vld [tilespmem:s20+$0xFFFFFF30];
	_ =	sdelay $0x2  }
0x228: {  	(v2sf) =	vpush v12, $0x2  }
0x229: {  	v13 =	vsub.f32 v13, v11  }
0x22a: {  	v14 =	vsub.f32 v14, v11  }
0x22b: {  	v13 =	vmax.f32 v13, $0.0e+00  }
0x22c: {  	v14 =	vmax.f32 v14, $0.0e+00;
	v13 =	vmul.f32 v13, v13;
	s1 =	spop (v2sf)  }
0x22d: {  	v14 =	vmul.f32 v14, v14  }
0x22e: {  	[tilespmem:s1+$0x8000] =	vst v13  }
0x22f: {  	[tilespmem:s1+$0x8010] =	vst v14  }
0x230: {  	v13 =	vld [tilespmem:s20+$0xFFFFFF40]  }
0x231: {  	v14 =	vld [tilespmem:s20+$0xFFFFFF50];
	_ =	sdelay $0x1  }
0x232: {  	(v2sf) =	vpush v12, $0x3;
	_ =	sdelay $0x1  }
0x233: {  	v13 =	vsub.f32 v13, v11  }
0x234: {  	v14 =	vsub.f32 v14, v11  }
0x235: {  	v13 =	vmax.f32 v13, $0.0e+00;
	s1 =	spop (v2sf)  }
0x236: {  	v14 =	vmax.f32 v14, $0.0e+00;
	v13 =	vmul.f32 v13, v13  }
0x237: {  	v14 =	vmul.f32 v14, v14  }
0x238: {  	[tilespmem:s1+$0x8000] =	vst v13  }
0x239: {  	[tilespmem:s1+$0x8010] =	vst v14  }
0x23a: {  	v13 =	vld [tilespmem:s20+$0xFFFFFF60]  }
0x23b: {  	v14 =	vld [tilespmem:s20+$0xFFFFFF70]  }
0x23c: {  	(v2sf) =	vpush v12, $0x4;
	_ =	sdelay $0x2  }
0x23d: {  	v13 =	vsub.f32 v13, v11  }
0x23e: {  	v14 =	vsub.f32 v14, v11;
	s1 =	spop (v2sf)  }
0x23f: {  	v13 =	vmax.f32 v13, $0.0e+00  }
0x240: {  	v14 =	vmax.f32 v14, $0.0e+00;
	v13 =	vmul.f32 v13, v13  }
0x241: {  	v14 =	vmul.f32 v14, v14  }
0x242: {  	[tilespmem:s1+$0x8000] =	vst v13  }
0x243: {  	[tilespmem:s1+$0x8010] =	vst v14  }
0x244: {  	v13 =	vld [tilespmem:s20+$0xFFFFFF80]  }
0x245: {  	v14 =	vld [tilespmem:s20+$0xFFFFFF90];
	(v2sf) =	vpush v12, $0x5;
	_ =	sdelay $0x3  }
0x246: {  	v13 =	vsub.f32 v13, v11;
	s1 =	spop (v2sf)  }
0x247: {  	v14 =	vsub.f32 v14, v11  }
0x248: {  	v13 =	vmax.f32 v13, $0.0e+00  }
0x249: {  	v14 =	vmax.f32 v14, $0.0e+00;
	v13 =	vmul.f32 v13, v13  }
0x24a: {  	v14 =	vmul.f32 v14, v14  }
0x24b: {  	[tilespmem:s1+$0x8000] =	vst v13  }
0x24c: {  	[tilespmem:s1+$0x8010] =	vst v14  }
0x24d: {  	v13 =	vld [tilespmem:s20+$0xFFFFFFA0];
	(v2sf) =	vpush v12, $0x6  }
0x24e: {  	v14 =	vld [tilespmem:s20+$0xFFFFFFB0];
	_ =	sdelay $0x2  }
0x24f: {  	s1 =	spop (v2sf)  }
0x250: {  	v13 =	vsub.f32 v13, v11  }
0x251: {  	v14 =	vsub.f32 v14, v11  }
0x252: {  	v13 =	vmax.f32 v13, $0.0e+00  }
0x253: {  	v14 =	vmax.f32 v14, $0.0e+00;
	v13 =	vmul.f32 v13, v13  }
0x254: {  	v14 =	vmul.f32 v14, v14  }
0x255: {  	[tilespmem:s1+$0x8000] =	vst v13  }
0x256: {  	[tilespmem:s1+$0x8010] =	vst v14;
	(v2sf) =	vpush v12, $0x7  }
0x257: {  	v13 =	vld [tilespmem:s20+$0xFFFFFFC0]  }
0x258: {  	v14 =	vld [tilespmem:s20+$0xFFFFFFD0];
	_ =	sdelay $0x1  }
0x259: {  	s1 =	spop (v2sf);
	_ =	sdelay $0x1  }
0x25a: {  	v13 =	vsub.f32 v13, v11  }
0x25b: {  	v14 =	vsub.f32 v14, v11  }
0x25c: {  	v13 =	vmax.f32 v13, $0.0e+00  }
0x25d: {  	v14 =	vmax.f32 v14, $0.0e+00;
	v13 =	vmul.f32 v13, v13  }
0x25e: {  	v14 =	vmul.f32 v14, v14  }
0x25f: {  	[tilespmem:s1+$0x8000] =	vst v13;
	(v2sf) =	vpush v12, $0x8  }
0x260: {  	[tilespmem:s1+$0x8010] =	vst v14  }
0x261: {  	v13 =	vld [tilespmem:s20+$0xFFFFFFE0]  }
0x262: {  	v14 =	vld [tilespmem:s20+$0xFFFFFFF0]  }
0x263: {  	s1 =	spop (v2sf);
	_ =	sdelay $0x2  }
0x264: {  	v13 =	vsub.f32 v13, v11  }
0x265: {  	v14 =	vsub.f32 v14, v11  }
0x266: {  	v13 =	vmax.f32 v13, $0.0e+00  }
0x267: {  	v14 =	vmax.f32 v14, $0.0e+00;
	v13 =	vmul.f32 v13, v13  }
0x268: {  	v14 =	vmul.f32 v14, v14;
	(v2sf) =	vpush v12, $0x9  }
0x269: {  	[tilespmem:s1+$0x8000] =	vst v13  }
0x26a: {  	[tilespmem:s1+$0x8010] =	vst v14  }
0x26b: {  	v13 =	vld [tilespmem:s20+$0x0]  }
0x26c: {  	v14 =	vld [tilespmem:s20+$0x10];
	s1 =	spop (v2sf);
	_ =	sdelay $0x3  }
0x26d: {  	v13 =	vsub.f32 v13, v11  }
0x26e: {  	v14 =	vsub.f32 v14, v11  }
0x26f: {  	v13 =	vmax.f32 v13, $0.0e+00  }
0x270: {  	v14 =	vmax.f32 v14, $0.0e+00;
	v13 =	vmul.f32 v13, v13;
	(v2sf) =	vpush v12, $0xA  }
0x271: {  	v14 =	vmul.f32 v14, v14  }
0x272: {  	[tilespmem:s1+$0x8000] =	vst v13  }
0x273: {  	[tilespmem:s1+$0x8010] =	vst v14  }
0x274: {  	v13 =	vld [tilespmem:s20+$0x20];
	s1 =	spop (v2sf)  }
0x275: {  	v14 =	vld [tilespmem:s20+$0x30];
	_ =	sdelay $0x3  }
0x276: {  	v13 =	vsub.f32 v13, v11  }
0x277: {  	v14 =	vsub.f32 v14, v11  }
0x278: {  	v13 =	vmax.f32 v13, $0.0e+00;
	(v2sf) =	vpush v12, $0xB  }
0x279: {  	v14 =	vmax.f32 v14, $0.0e+00;
	v13 =	vmul.f32 v13, v13  }
0x27a: {  	v14 =	vmul.f32 v14, v14  }
0x27b: {  	[tilespmem:s1+$0x8000] =	vst v13  }
0x27c: {  	[tilespmem:s1+$0x8010] =	vst v14;
	s1 =	spop (v2sf)  }
0x27d: {  	v13 =	vld [tilespmem:s20+$0x40]  }
0x27e: {  	v14 =	vld [tilespmem:s20+$0x50];
	_ =	sdelay $0x3  }
0x27f: {  	v13 =	vsub.f32 v13, v11  }
0x280: {  	v14 =	vsub.f32 v14, v11;
	(v2sf) =	vpush v12, $0xC  }
0x281: {  	v13 =	vmax.f32 v13, $0.0e+00  }
0x282: {  	v14 =	vmax.f32 v14, $0.0e+00;
	v13 =	vmul.f32 v13, v13  }
0x283: {  	v14 =	vmul.f32 v14, v14  }
0x284: {  	[tilespmem:s1+$0x8000] =	vst v13;
	s4 =	spop (v2sf)  }
0x285: {  	[tilespmem:s1+$0x8010] =	vst v14  }
0x286: {  	v13 =	vld [tilespmem:s20+$0x60]  }
0x287: {  	v14 =	vld [tilespmem:s20+$0x70];
	_ =	sdelay $0x3  }
0x288: {  	v13 =	vsub.f32 v13, v11;
	(v2sf) =	vpush v12, $0xD  }
0x289: {  	v14 =	vsub.f32 v14, v11  }
0x28a: {  	v13 =	vmax.f32 v13, $0.0e+00  }
0x28b: {  	v14 =	vmax.f32 v14, $0.0e+00;
	v13 =	vmul.f32 v13, v13  }
0x28c: {  	v14 =	vmul.f32 v14, v14;
	s1 =	spop (v2sf)  }
0x28d: {  	[tilespmem:s4+$0x8000] =	vst v13  }
0x28e: {  	[tilespmem:s4+$0x8010] =	vst v14  }
0x28f: {  	v13 =	vld [tilespmem:s20+$0x80]  }
0x290: {  	v14 =	vld [tilespmem:s20+$0x90];
	_ =	sdelay $0x2  }
0x291: {  	(v2sf) =	vpush v12, $0xE  }
0x292: {  	v13 =	vsub.f32 v13, v11  }
0x293: {  	v14 =	vsub.f32 v14, v11  }
0x294: {  	v13 =	vmax.f32 v13, $0.0e+00  }
0x295: {  	v14 =	vmax.f32 v14, $0.0e+00;
	v13 =	vmul.f32 v13, v13;
	s4 =	spop (v2sf)  }
0x296: {  	v14 =	vmul.f32 v14, v14  }
0x297: {  	[tilespmem:s1+$0x8000] =	vst v13  }
0x298: {  	[tilespmem:s1+$0x8010] =	vst v14  }
0x299: {  	v13 =	vld [tilespmem:s20+$0xA0]  }
0x29a: {  	v14 =	vld [tilespmem:s20+$0xB0];
	_ =	sdelay $0x1  }
0x29b: {  	(v2sf) =	vpush v12, $0xF;
	_ =	sdelay $0x1  }
0x29c: {  	v12 =	vsub.f32 v13, v11  }
0x29d: {  	v13 =	vsub.f32 v14, v11  }
0x29e: {  	v12 =	vmax.f32 v12, $0.0e+00;
	s22 =	spop (v2sf)  }
0x29f: {  	v13 =	vmax.f32 v13, $0.0e+00;
	v12 =	vmul.f32 v12, v12  }
0x2a0: {  	v13 =	vmul.f32 v13, v13  }
0x2a1: {  	[tilespmem:s4+$0x8000] =	vst v12  }
0x2a2: {  	[tilespmem:s4+$0x8010] =	vst v13  }
0x2a3: {  	v12 =	vld [tilespmem:s20+$0xC0]  }
0x2a4: {  	v14 =	vld [tilespmem:s20+$0xD0]  }
.Ltmp18:
0x2a5: {  	(pc) =	sbr.rel @p0 .LBB2_21-.Ltmp18, $3  }
0x2a6: {  	_ =	sdelay $0x1  }
0x2a7: {  	v13 =	vsub.f32 v12, v11  }
0x2a8: {  	v12 =	vsub.f32 v14, v11;
	s21 =	spop (v2sf)  }
.LBB2_22:
0x2a9: {  	v13 =	vmax.f32 v13, $0.0e+00  }
0x2aa: {  	v12 =	vmax.f32 v12, $0.0e+00;
	v13 =	vmul.f32 v13, v13  }
0x2ab: {  	v12 =	vmul.f32 v12, v12  }
0x2ac: {  	[tilespmem:s22+$0x8000] =	vst v13  }
0x2ad: {  	[tilespmem:s22+$0x8010] =	vst v12  }
0x2ae: {  	v12 =	vld [tilespmem:s17+$0xE0]  }
0x2af: {  	v13 =	vld [tilespmem:s17+$0xF0];
	_ =	sdelay $0x3  }
0x2b0: {  	v12 =	vsub.f32 v12, v11  }
0x2b1: {  	v11 =	vsub.f32 v13, v11  }
0x2b2: {  	v12 =	vmax.f32 v12, $0.0e+00  }
0x2b3: {  	v11 =	vmax.f32 v11, $0.0e+00;
	v12 =	vmul.f32 v12, v12  }
0x2b4: {  	v11 =	vmul.f32 v11, v11  }
0x2b5: {  	[tilespmem:s21+$0x8000] =	vst v12  }
0x2b6: {  	s1 =	sadd.s32 s2, s14;
	[tilespmem:s21+$0x8010] =	vst v11  }
0x2b7: {  	[hbm4b:s1+s7] =	stream.strided.scatter [tilespmem:s11], [sflag:$0x1], $0x8000, s8, s7, $0x38;
	[tilespmem:$0x18700] =	vst v63  }
0x2b8: {  	_ =	swait.ge [sflag:s9], $0x8000  }
0x2b9: {  	[sflag:s9] =	ssyncset.done $0x0  }
0x2ba: {  	[sflag:s9] =	ssyncadd.s32 $0xFFFF8000  }
0x2bb: {  	v11 =	vld [tilespmem:s15+$0x0];
	_ =	sdelay $0x4  }
0x2bc: {  	v11 =	vshll.u32 v11, $0x7  }
0x2bd: {  	v11 =	vshra.s32 v11, $0x2  }
0x2be: {  	(v2sf) =	vpush v11, $0x0;
	_ =	sdelay $0x1  }
0x2bf: {  	(v2sf) =	vpush v11, $0x1;
	_ =	sdelay $0x1  }
0x2c0: {  	(v2sf) =	vpush v11, $0x2;
	_ =	sdelay $0x1  }
0x2c1: {  	(v2sf) =	vpush v11, $0x3;
	_ =	sdelay $0x1  }
0x2c2: {  	(v2sf) =	vpush v11, $0x4;
	_ =	sdelay $0x1  }
0x2c3: {  	(v2sf) =	vpush v11, $0x5;
	_ =	sdelay $0x1  }
0x2c4: {  	(v2sf) =	vpush v11, $0x6;
	_ =	sdelay $0x1  }
0x2c5: {  	(v2sf) =	vpush v11, $0x7  }
0x2c6: {  	s24 =	spop (v2sf)  }
0x2c7: {  	(v2sf) =	vpush v11, $0x8;
	[tilespmem:s24+$0x8000] =	vst v2  }
0x2c8: {  	[tilespmem:s24+$0x8010] =	vst v2;
	s25 =	spop (v2sf)  }
0x2c9: {  	(v2sf) =	vpush v11, $0x9;
	[tilespmem:s25+$0x8000] =	vst v2  }
0x2ca: {  	[tilespmem:s25+$0x8010] =	vst v2;
	s26 =	spop (v2sf)  }
0x2cb: {  	(v2sf) =	vpush v11, $0xA;
	[tilespmem:s26+$0x8000] =	vst v2  }
0x2cc: {  	[tilespmem:s26+$0x8010] =	vst v2;
	s28 =	spop (v2sf)  }
0x2cd: {  	(v2sf) =	vpush v11, $0xB;
	[tilespmem:s28+$0x8000] =	vst v2  }
0x2ce: {  	[tilespmem:s28+$0x8010] =	vst v2;
	s29 =	spop (v2sf)  }
0x2cf: {  	(v2sf) =	vpush v11, $0xC;
	[tilespmem:s29+$0x8000] =	vst v2  }
0x2d0: {  	p0 =	seq.s32 s16, $0x1;
	[tilespmem:s29+$0x8010] =	vst v2;
	s30 =	spop (v2sf)  }
.Ltmp19:
0x2d1: {  	(v2sf) =	vpush v11, $0xD;
	[tilespmem:s30+$0x8000] =	vst v2;
	(pc) =	sbr.rel @p0 .LBB2_24-.Ltmp19, $4  }
0x2d2: {  	[tilespmem:s30+$0x8010] =	vst v2;
	s31 =	spop (v2sf)  }
0x2d3: {  	(v2sf) =	vpush v11, $0xE;
	[tilespmem:s31+$0x8000] =	vst v2  }
0x2d4: {  	[tilespmem:s31+$0x8010] =	vst v2;
	s17 =	spop (v2sf)  }
0x2d5: {  	s14 =	sadd.s32 $0xFFFFFFFF, s16;
	(v2sf) =	vpush v11, $0xF;
	[tilespmem:s17+$0x8000] =	vst v2  }
.LBB2_23:
0x2d6: {  	p0 =	seq.s32 s14, $0x1;
	[tilespmem:s17+$0x8010] =	vst v2;
	s15 =	sadd.s32 $0x10, s15;
	s1 =	spop (v2sf)  }
0x2d7: {  	s14 =	sadd.s32 $0xFFFFFFFF, s14;
	[tilespmem:s1+$0x8000] =	vst v2  }
0x2d8: {  	[tilespmem:s1+$0x8010] =	vst v2;
	s1 =	spop (v2sf)  }
0x2d9: {  	[tilespmem:s1+$0x8000] =	vst v2  }
0x2da: {  	[tilespmem:s1+$0x8010] =	vst v2;
	s1 =	spop (v2sf)  }
0x2db: {  	[tilespmem:s1+$0x8000] =	vst v2  }
0x2dc: {  	[tilespmem:s1+$0x8010] =	vst v2;
	s1 =	spop (v2sf)  }
0x2dd: {  	[tilespmem:s1+$0x8000] =	vst v2  }
0x2de: {  	[tilespmem:s1+$0x8010] =	vst v2;
	s1 =	spop (v2sf)  }
0x2df: {  	[tilespmem:s1+$0x8000] =	vst v2  }
0x2e0: {  	[tilespmem:s1+$0x8010] =	vst v2;
	s1 =	spop (v2sf)  }
0x2e1: {  	[tilespmem:s1+$0x8000] =	vst v2  }
0x2e2: {  	[tilespmem:s1+$0x8010] =	vst v2;
	s1 =	spop (v2sf)  }
0x2e3: {  	[tilespmem:s1+$0x8000] =	vst v2  }
0x2e4: {  	[tilespmem:s1+$0x8010] =	vst v2;
	s1 =	spop (v2sf)  }
0x2e5: {  	[tilespmem:s1+$0x8000] =	vst v2  }
0x2e6: {  	[tilespmem:s1+$0x8010] =	vst v2  }
0x2e7: {  	v11 =	vld [tilespmem:s15+$0x0];
	_ =	sdelay $0x4  }
0x2e8: {  	v11 =	vshll.u32 v11, $0x7  }
0x2e9: {  	v11 =	vshra.s32 v11, $0x2  }
0x2ea: {  	(v2sf) =	vpush v11, $0x0;
	_ =	sdelay $0x1  }
0x2eb: {  	(v2sf) =	vpush v11, $0x1;
	_ =	sdelay $0x1  }
0x2ec: {  	(v2sf) =	vpush v11, $0x2;
	_ =	sdelay $0x1  }
0x2ed: {  	(v2sf) =	vpush v11, $0x3;
	_ =	sdelay $0x1  }
0x2ee: {  	(v2sf) =	vpush v11, $0x4;
	_ =	sdelay $0x1  }
0x2ef: {  	(v2sf) =	vpush v11, $0x5;
	_ =	sdelay $0x1  }
0x2f0: {  	(v2sf) =	vpush v11, $0x6;
	_ =	sdelay $0x1  }
0x2f1: {  	(v2sf) =	vpush v11, $0x7  }
0x2f2: {  	s1 =	spop (v2sf)  }
0x2f3: {  	[tilespmem:s1+$0x8000] =	vst v2;
	(v2sf) =	vpush v11, $0x8  }
0x2f4: {  	[tilespmem:s1+$0x8010] =	vst v2;
	s1 =	spop (v2sf)  }
0x2f5: {  	[tilespmem:s1+$0x8000] =	vst v2;
	(v2sf) =	vpush v11, $0x9  }
0x2f6: {  	[tilespmem:s1+$0x8010] =	vst v2;
	s1 =	spop (v2sf)  }
0x2f7: {  	[tilespmem:s1+$0x8000] =	vst v2;
	(v2sf) =	vpush v11, $0xA  }
0x2f8: {  	[tilespmem:s1+$0x8010] =	vst v2;
	s1 =	spop (v2sf)  }
0x2f9: {  	[tilespmem:s1+$0x8000] =	vst v2;
	(v2sf) =	vpush v11, $0xB  }
0x2fa: {  	[tilespmem:s1+$0x8010] =	vst v2;
	s1 =	spop (v2sf)  }
0x2fb: {  	[tilespmem:s1+$0x8000] =	vst v2;
	(v2sf) =	vpush v11, $0xC  }
0x2fc: {  	[tilespmem:s1+$0x8010] =	vst v2;
	s1 =	spop (v2sf)  }
.Ltmp20:
0x2fd: {  	[tilespmem:s1+$0x8000] =	vst v2;
	(v2sf) =	vpush v11, $0xD;
	(pc) =	sbr.rel @!p0 .LBB2_23-.Ltmp20, $4  }
0x2fe: {  	[tilespmem:s1+$0x8010] =	vst v2;
	s1 =	spop (v2sf)  }
0x2ff: {  	[tilespmem:s1+$0x8000] =	vst v2;
	(v2sf) =	vpush v11, $0xE  }
0x300: {  	[tilespmem:s1+$0x8010] =	vst v2;
	s17 =	spop (v2sf)  }
0x301: {  	[tilespmem:s17+$0x8000] =	vst v2;
	(v2sf) =	vpush v11, $0xF  }
.LBB2_24:
0x302: {  	[tilespmem:s17+$0x8010] =	vst v2;
	s1 =	spop (v2sf)  }
0x303: {  	[tilespmem:s1+$0x8000] =	vst v2  }
0x304: {  	[tilespmem:s1+$0x8010] =	vst v2;
	s24 =	spop (v2sf)  }
0x305: {  	[tilespmem:s24+$0x8000] =	vst v2  }
0x306: {  	[tilespmem:s24+$0x8010] =	vst v2;
	s25 =	spop (v2sf)  }
0x307: {  	[tilespmem:s25+$0x8000] =	vst v2  }
0x308: {  	[tilespmem:s25+$0x8010] =	vst v2;
	s26 =	spop (v2sf)  }
0x309: {  	[tilespmem:s26+$0x8000] =	vst v2  }
0x30a: {  	[tilespmem:s26+$0x8010] =	vst v2;
	s28 =	spop (v2sf)  }
0x30b: {  	[tilespmem:s28+$0x8000] =	vst v2  }
0x30c: {  	[tilespmem:s28+$0x8010] =	vst v2;
	s29 =	spop (v2sf)  }
0x30d: {  	[tilespmem:s29+$0x8000] =	vst v2  }
.Ltmp21:
0x30e: {  	[tilespmem:s29+$0x8010] =	vst v2;
	s30 =	spop (v2sf);
	(pc) =	sbr.rel .LBB2_26-.Ltmp21, $4  }
0x30f: {  	[tilespmem:s30+$0x8000] =	vst v2  }
0x310: {  	[tilespmem:s30+$0x8010] =	vst v2;
	s31 =	spop (v2sf)  }
0x311: {  	[tilespmem:s31+$0x8000] =	vst v2  }
0x312: {  	[tilespmem:s31+$0x8010] =	vst v2  }
.LBB2_28:
0x313: {  	_ =	sfence.sel $0x180000  }
0x314: {  	[bflag:$0x0] =	sbarrier.arrive $0xFFFF  }
0x315: {  	_ =	strace $0x90000047  }
0x316: {  	s0 =	stileid.u32;
	[bflag:$0x2] =	sbarrier.arrive $0xFFFF  }
0x317: {  	p0 =	sne.s32 s0, $0x0;
	s0 =	rddreg [dreg:$0x2]  }
0x318: {  	s0 =	sadd.s32 @!p0 $0x100000, s0  }
0x319: {  	[sflag:s0] =	ssyncadd.tile.s32 @!p0 $0x1;
	_ =	shalt  }
.Lfunc_end2:
_tile_overlayer_lowered:
.L_overlay_start_2:
0x31a: {  	(tag) =	ssettag $0x2  }
0x31b: {  	s0 =	rddreg [dreg:$0x0];
	s2 =	stileid.u32  }
0x31c: {  	s1 =	rddreg [dreg:$0x1];
	p0 =	sne.s32 s2, $0x0  }
0x31d: {  	s3 =	rddreg [dreg:$0x2];
	[bflag:$0x3] =	sbarrier.arrive $0xFFFF;
	s2 =	simm.s32 @!p0 $0x1C01  }
0x31e: {  	[timem:s3], [sflag:s2] =	dma.local @!p0 [hbm:s0], s1  }
0x31f: {  	s0 =	simm.s32 @!p0 $0x1  }
0x320: {  	_ =	swait.ge @!p0 [sflag:s0], s1  }
0x321: {  	s1 =	ssub.s32 @!p0 $0x0, s1;
	[sflag:s0] =	ssyncset.done @!p0 $0x0  }
0x322: {  	[sflag:s0] =	ssyncadd.s32 @!p0 s1  }
0x323: {  	[bflag:$0x3] =	sbarrier.arrive $0xFFFF  }
0x324: {  	_ =	shalt  }

</sc_bundles>
